<compile_context>
chip_gen: v7x
topology: tpu7x:2x2x1
jax: 0.10.2.dev20260603
libtpu: 0.0.44.dev20260713+nightly
codegen_flags: <defaults>
</compile_context>

<pallas_src>
import jax
import jax.numpy as jnp
from jax import lax
from jax.experimental import pallas as pl
from jax.experimental.pallas import tpu as pltpu
from jax.experimental.pallas import tpu_sc as plsc

B, M, D = 1024, 200, 128
MP = 208
NCHUNK = MP // 16
ND = D // 16
NW = 32

B_SC = 672
B_TC = B - B_SC
RPW = B_SC // NW
NEG = -1e30

BB = 16


def _sc_body(comb_hbm, s0_hbm, s1_hbm, s2_hbm,
             out_p_hbm, out_l_hbm,
             comb_v, slot_v,
             lbuf_v, wbuf_v, stage_v,
             sem0, sem1, sem2, sem_out):
    cid = lax.axis_index("c")
    sid = lax.axis_index("s")
    wid = sid * 2 + cid
    base = B_TC + wid * RPW
    lane = lax.iota(jnp.int32, 16)
    zero16 = jnp.zeros((16,), jnp.float32)

    abase = (base // 8) * 8
    off = base - abase
    pltpu.sync_copy(comb_hbm.at[pl.ds(abase, 32)], comb_v)

    for k in range(3):
        for mrow in range(M, MP):
            for jd in range(ND):
                slot_v[k, mrow, pl.ds(jd * 16, 16)] = zero16

    s_hbms = (s0_hbm, s1_hbm, s2_hbm)
    sems = (sem0, sem1, sem2)

    def start_fill(k, row):
        pltpu.make_async_copy(
            s_hbms[k].at[row], slot_v.at[k, pl.ds(0, M)], sems[k]).start()

    def wait_fill(k):
        pltpu.make_async_copy(
            s_hbms[k].at[0], slot_v.at[k, pl.ds(0, M)], sems[k]).wait()

    for k in range(3):
        start_fill(k, base)

    def row_body(r, _):
        row = base + r
        orow = base - B_TC + r
        par = lax.rem(r, 2)
        rr = r + off
        u0 = tuple(comb_v[rr, pl.ds(MP + jd * 16, 16)] for jd in range(ND))
        wait_fill(0)
        wait_fill(1)
        wait_fill(2)

        def hop_body(h, u):
            def dots_chunk(c, _):
                lvec = zero16
                for j in range(16):
                    mrow = c * 16 + j
                    p0 = slot_v[h, mrow, pl.ds(0, 16)] * u[0]
                    p1 = slot_v[h, mrow, pl.ds(16, 16)] * u[1]
                    p2 = slot_v[h, mrow, pl.ds(32, 16)] * u[2]
                    p3 = slot_v[h, mrow, pl.ds(48, 16)] * u[3]
                    p4 = slot_v[h, mrow, pl.ds(64, 16)] * u[4]
                    p5 = slot_v[h, mrow, pl.ds(80, 16)] * u[5]
                    p6 = slot_v[h, mrow, pl.ds(96, 16)] * u[6]
                    p7 = slot_v[h, mrow, pl.ds(112, 16)] * u[7]
                    acc = ((p0 + p1) + (p2 + p3)) + ((p4 + p5) + (p6 + p7))
                    dsum = jnp.sum(acc)
                    lvec = jnp.where(lane == j, dsum, lvec)
                gpc = comb_v[rr, pl.ds(c * 16, 16)]
                lv = lvec * gpc
                valid = (c * 16 + lane) < M
                lbuf_v[pl.ds(c * 16, 16)] = jnp.where(valid, lv, NEG)
                return 0
            lax.fori_loop(0, NCHUNK, dots_chunk, 0)

            @pl.when(jnp.logical_and(h == 0, r + 1 < RPW))
            def _():
                start_fill(0, row + 1)

            @pl.when(jnp.logical_and(h == 1, r + 1 < RPW))
            def _():
                start_fill(1, row + 1)

            @pl.when(jnp.logical_and(h == 2, r + 1 < RPW))
            def _():
                start_fill(2, row + 1)

            def maxc(c, mx):
                return jnp.maximum(mx, lbuf_v[pl.ds(c * 16, 16)])
            mxv = lax.fori_loop(0, NCHUNK, maxc,
                                jnp.full((16,), NEG, jnp.float32))
            mx = jnp.max(mxv)

            def expc(c, s):
                e = jnp.exp(lbuf_v[pl.ds(c * 16, 16)] - mx)
                wbuf_v[pl.ds(c * 16, 16)] = e
                return s + e
            sv = lax.fori_loop(0, NCHUNK, expc, zero16)
            total = jnp.sum(sv)
            inv = jnp.ones((16,), jnp.float32) / jnp.broadcast_to(total, (16,))

            def pool():
                def pool_chunk(c, o):
                    wv = (wbuf_v[pl.ds(c * 16, 16)]
                          * comb_v[rr, pl.ds(c * 16, 16)])
                    for j in range(16):
                        mrow = c * 16 + j
                        ws = wv[j]
                        o = tuple(
                            o[jd] + ws * slot_v[h + 1, mrow,
                                                pl.ds(jd * 16, 16)]
                            for jd in range(ND))
                    return o
                o = lax.fori_loop(0, NCHUNK, pool_chunk,
                                  tuple(zero16 for _ in range(ND)))
                return tuple(u[jd] + o[jd] * inv for jd in range(ND))

            def last():
                def outc(c, _):
                    stage_v[par, 0, pl.ds(c * 16, 16)] = (
                        wbuf_v[pl.ds(c * 16, 16)] * inv)
                    stage_v[par, 1, pl.ds(c * 16, 16)] = (
                        lbuf_v[pl.ds(c * 16, 16)])
                    return 0
                lax.fori_loop(0, NCHUNK, outc, 0)
                return u

            return lax.cond(h < 2, pool, last)

        @pl.when(r >= 2)
        def _():
            pltpu.make_async_copy(
                stage_v.at[par, 0], out_p_hbm.at[orow], sem_out).wait()
            pltpu.make_async_copy(
                stage_v.at[par, 1], out_l_hbm.at[orow], sem_out).wait()

        lax.fori_loop(0, 3, hop_body, u0)

        pltpu.make_async_copy(
            stage_v.at[par, 0], out_p_hbm.at[orow], sem_out).start()
        pltpu.make_async_copy(
            stage_v.at[par, 1], out_l_hbm.at[orow], sem_out).start()
        return 0

    lax.fori_loop(0, RPW, row_body, 0)

    for _ in range(4):
        pltpu.make_async_copy(
            stage_v.at[0, 0], out_p_hbm.at[base - B_TC], sem_out).wait()


def _tc_body(q_ref, gp_ref, s0_ref, s1_ref, s2_ref, out_p_ref, out_l_ref):
    stories = (s0_ref, s1_ref, s2_ref)
    u = q_ref[...]
    gp = gp_ref[...]
    logits = None
    p = None
    for hop in range(3):
        sA = stories[hop][...]
        logits = jnp.sum(sA * u[:, None, :], axis=2) * gp
        mx = jnp.max(logits, axis=1, keepdims=True)
        e = jnp.exp(logits - mx)
        p = e / jnp.sum(e, axis=1, keepdims=True)
        if hop < 2:
            sC = stories[hop + 1][...]
            w = (p * gp)[:, :, None]
            u = u + jnp.sum(sC * w, axis=1)
    out_p_ref[...] = p
    out_l_ref[...] = logits


@jax.jit
def _run(query_vector, comb, global_pointer,
         m_story_0, m_story_1, m_story_2):
    mesh = plsc.VectorSubcoreMesh(core_axis_name="c", subcore_axis_name="s")
    sc = pl.kernel(
        _sc_body,
        out_type=(
            jax.ShapeDtypeStruct((B_SC, MP), jnp.float32),
            jax.ShapeDtypeStruct((B_SC, MP), jnp.float32),
        ),
        mesh=mesh,
        compiler_params=pltpu.CompilerParams(needs_layout_passes=False),
        scratch_types=[
            pltpu.VMEM((32, MP + D), jnp.float32),
            pltpu.VMEM((3, MP, D), jnp.float32),
            pltpu.VMEM((MP,), jnp.float32),
            pltpu.VMEM((MP,), jnp.float32),
            pltpu.VMEM((2, 2, MP), jnp.float32),
            pltpu.SemaphoreType.DMA,
            pltpu.SemaphoreType.DMA,
            pltpu.SemaphoreType.DMA,
            pltpu.SemaphoreType.DMA,
        ],
    )
    sc_p, sc_l = sc(comb, m_story_0, m_story_1, m_story_2)

    story_spec = pl.BlockSpec((BB, M, D), lambda i: (i, 0, 0))
    vec_spec = pl.BlockSpec((BB, D), lambda i: (i, 0))
    m_spec = pl.BlockSpec((BB, M), lambda i: (i, 0))
    out_spec = pl.BlockSpec((BB, M), lambda i: (i, 0))
    tc_p, tc_l = pl.pallas_call(
        _tc_body,
        grid=(B_TC // BB,),
        in_specs=[vec_spec, m_spec, story_spec, story_spec, story_spec],
        out_specs=[out_spec, out_spec],
        out_shape=[
            jax.ShapeDtypeStruct((B_TC, M), jnp.float32),
            jax.ShapeDtypeStruct((B_TC, M), jnp.float32),
        ],
    )(query_vector, global_pointer, m_story_0, m_story_1, m_story_2)

    out_p = jnp.concatenate([tc_p, sc_p[:, :M]], axis=0)
    out_l = jnp.concatenate([tc_l, sc_l[:, :M]], axis=0)
    return out_p, out_l


def kernel(query_vector, global_pointer, m_story_0, m_story_1, m_story_2, m_story_3):
    del m_story_3
    gp_pad = jnp.pad(global_pointer, ((0, 0), (0, MP - M)))
    comb = jnp.pad(jnp.concatenate([gp_pad, query_vector], axis=1),
                   ((0, 8), (0, 0)))
    return _run(query_vector, comb, global_pointer,
                m_story_0, m_story_1, m_story_2)

# --- scband reference (transcript-rebuilt; emitter-appended) ---
"""Pipeline reference for scband-external-knowledge-12395275616649 (READ-ONLY COPY).

The authoritative reference and input builder live on the scoring server;
editing this copy changes nothing except your own understanding.
"""

import jax, jax.numpy as jnp
import numpy as np

MAX_HOPS = 3
B, M, D = 1024, 200, 128

def setup_inputs(seed: int = 0) -> dict:
    key = jax.random.key(seed)
    ks = jax.random.split(key, 8)
    inp = {
        'query_vector': jax.random.normal(ks[0], (B, D), dtype=jnp.float32),
        'global_pointer': jax.random.uniform(ks[1], (B, M), dtype=jnp.float32),
    }
    # m_story is internal state produced by load_memory(); materialize as tensors
    for h in range(MAX_HOPS + 1):
        inp['m_story_%d' % h] = jax.random.normal(ks[2 + h], (B, M, D), dtype=jnp.float32) * 0.1
    return inp

def reference(query_vector, global_pointer, m_story_0, m_story_1, m_story_2, m_story_3):
    m_story = [m_story_0, m_story_1, m_story_2, m_story_3]
    u = query_vector
    prob_soft = None
    prob_logits = None
    for hop in range(MAX_HOPS):
        # m_A = m_story[hop] * global_pointer (ablationG is False)
        m_A = m_story[hop] * global_pointer[:, :, None]
        u_temp = u[:, None, :]
        prob_logits = jnp.sum(m_A * u_temp, axis=2)
        prob_soft = jax.nn.softmax(prob_logits, axis=1)
        m_C = m_story[hop + 1] * global_pointer[:, :, None]
        prob = prob_soft[:, :, None]
        o_k = jnp.sum(m_C * prob, axis=1)
        u = u + o_k
    return (prob_soft, prob_logits)

if __name__ == "__main__":
    import jax
    _d = setup_inputs()
    print(jax.jit(kernel)(*tuple(_d.values())))

</pallas_src>

<mosaic_0001>
#map = affine_map<(d0, d1) -> (0, 0)>
#map1 = affine_map<(d0, d1) -> (0, 0, 0)>
module attributes {stable_mosaic.version = 14 : i64} {
  func.func @_sc_body(%arg0: i32, %arg1: i32, %arg2: memref<1032x336xf32, #tpu.memory_space<hbm>>, %arg3: memref<1024x200x128xf32, #tpu.memory_space<hbm>>, %arg4: memref<1024x200x128xf32, #tpu.memory_space<hbm>>, %arg5: memref<1024x200x128xf32, #tpu.memory_space<hbm>>, %arg6: memref<672x208xf32, #tpu.memory_space<hbm>>, %arg7: memref<672x208xf32, #tpu.memory_space<hbm>>, %arg8: memref<32x336xf32, #tpu.memory_space<vmem>>, %arg9: memref<3x208x128xf32, #tpu.memory_space<vmem>>, %arg10: memref<208xf32, #tpu.memory_space<vmem>>, %arg11: memref<208xf32, #tpu.memory_space<vmem>>, %arg12: memref<2x2x208xf32, #tpu.memory_space<vmem>>, %arg13: memref<!tpu.dma_semaphore, #tpu.memory_space<semaphore_mem>>, %arg14: memref<!tpu.dma_semaphore, #tpu.memory_space<semaphore_mem>>, %arg15: memref<!tpu.dma_semaphore, #tpu.memory_space<semaphore_mem>>, %arg16: memref<!tpu.dma_semaphore, #tpu.memory_space<semaphore_mem>>) attributes {dimension_semantics = [#tpu.dimension_semantics<core_parallel>, #tpu.dimension_semantics<subcore_parallel>], iteration_bounds = array<i64: 2, 16>, scalar_prefetch = 0 : i64, scratch_operands = 9 : i64, tpu.core_type = #tpu.core_type<sc_vector_subcore>, window_params = [{transform_indices = #map}, {transform_indices = #map1}, {transform_indices = #map1}, {transform_indices = #map1}, {transform_indices = #map}, {transform_indices = #map}]} {
    %mul3A = arith.constant 2 : i32
    %mul3A_0 = arith.muli %arg1, %mul3A : i32
    %add3A = arith.addi %mul3A_0, %arg0 : i32
    %mul3A_1 = arith.constant 21 : i32
    %mul3A_2 = arith.muli %add3A, %mul3A_1 : i32
    %add3A_3 = arith.constant 352 : i32
    %add3A_4 = arith.addi %add3A_3, %mul3A_2 : i32
    %iota3A = tpu.iota {dimensions = array<i32: 0>} : vector<16xi32>
    %broadcast_in_dim3A = arith.constant 0.000000e+00 : f32
    %broadcast_in_dim3A_5 = vector.broadcast %broadcast_in_dim3A : f32 to vector<16xf32>
    %jit3A = arith.constant 8 : i32
    %div3A = arith.divsi %add3A_4, %jit3A : i32
    %sign3A = arith.constant 0 : i32
    %sign3A_6 = arith.cmpi sgt, %add3A_4, %sign3A : i32
    %sign3A_7 = arith.extui %sign3A_6 : i1 to i32
    %sign3A_8 = arith.constant 0 : i32
    %sign3A_9 = arith.cmpi slt, %add3A_4, %sign3A_8 : i32
    %sign3A_10 = arith.extui %sign3A_9 : i1 to i32
    %sign3A_11 = arith.subi %sign3A_7, %sign3A_10 : i32
    %sign3A_12 = arith.constant 0 : i32
    %sign3A_13 = arith.cmpi sgt, %jit3A, %sign3A_12 : i32
    %sign3A_14 = arith.extui %sign3A_13 : i1 to i32
    %sign3A_15 = arith.constant 0 : i32
    %sign3A_16 = arith.cmpi slt, %jit3A, %sign3A_15 : i32
    %sign3A_17 = arith.extui %sign3A_16 : i1 to i32
    %sign3A_18 = arith.subi %sign3A_14, %sign3A_17 : i32
    %ne3A = arith.cmpi ne, %sign3A_11, %sign3A_18 : i32
    %rem3A = arith.remsi %add3A_4, %jit3A : i32
    %ne3A_19 = arith.constant 0 : i32
    %ne3A_20 = arith.cmpi ne, %rem3A, %ne3A_19 : i32
    %and3A = arith.andi %ne3A, %ne3A_20 : i1
    %sub3A = arith.constant 1 : i32
    %sub3A_21 = arith.subi %div3A, %sub3A : i32
    %select_n3A = arith.select %and3A, %sub3A_21, %div3A : i32
    %mul3A_22 = arith.constant 8 : i32
    %mul3A_23 = arith.muli %select_n3A, %mul3A_22 : i32
    %sub3A_24 = arith.subi %add3A_4, %mul3A_23 : i32
    "tpu.region"() ({
      %run_scoped3A = tpu.sem_alloc : memref<!tpu.dma_semaphore, #tpu.memory_space<semaphore_mem>>
      %dma_start3A_1295 = arith.constant 0 : i32
      %dma_start3A_1296 = tpu.memref_slice %arg2[%mul3A_23, %dma_start3A_1295] : memref<1032x336xf32, #tpu.memory_space<hbm>> -> memref<32x336xf32, #tpu.memory_space<hbm>>
      %dma_start3A_1297 = arith.constant 0 : i32
      %dma_start3A_1298 = tpu.memref_slice %arg2[%mul3A_23, %dma_start3A_1297] : memref<1032x336xf32, #tpu.memory_space<hbm>> -> memref<32x336xf32, #tpu.memory_space<hbm>>
      tpu.enqueue_dma source(%dma_start3A_1298 : memref<32x336xf32, #tpu.memory_space<hbm>>) target(%arg8 : memref<32x336xf32, #tpu.memory_space<vmem>>) target_semaphore(%run_scoped3A : memref<!tpu.dma_semaphore, #tpu.memory_space<semaphore_mem>>)
      %dma_wait3A_1299 = arith.constant 0 : i32
      %dma_wait3A_1300 = tpu.memref_slice %arg2[%mul3A_23, %dma_wait3A_1299] : memref<1032x336xf32, #tpu.memory_space<hbm>> -> memref<32x336xf32, #tpu.memory_space<hbm>>
      %dma_wait3A_1301 = arith.constant 0 : i32
      %dma_wait3A_1302 = tpu.memref_slice %arg2[%mul3A_23, %dma_wait3A_1301] : memref<1032x336xf32, #tpu.memory_space<hbm>> -> memref<32x336xf32, #tpu.memory_space<hbm>>
      tpu.wait_dma2 semaphore(%run_scoped3A : memref<!tpu.dma_semaphore, #tpu.memory_space<semaphore_mem>>) src(%dma_wait3A_1302 : memref<32x336xf32, #tpu.memory_space<hbm>>) dst(%arg8 : memref<32x336xf32, #tpu.memory_space<vmem>>)
      tpu.yield
    }) : () -> ()
    %swap3A = arith.constant 0 : i32
    %swap3A_25 = arith.constant 200 : i32
    %swap3A_26 = arith.index_cast %swap3A : i32 to index
    %swap3A_27 = arith.index_cast %swap3A_25 : i32 to index
    %swap3A_28 = arith.constant 0 : index
    %swap3A_29 = tpu.vector_load %arg9[%swap3A_26, %swap3A_27, %swap3A_28] {strides = array<i32>} : memref<3x208x128xf32, #tpu.memory_space<vmem>>, vector<16xf32>,
    tpu.vector_store %arg9[%swap3A_26, %swap3A_27, %swap3A_28], %broadcast_in_dim3A_5 {strides = array<i32>} : memref<3x208x128xf32, #tpu.memory_space<vmem>>, vector<16xf32>,
    %swap3A_30 = arith.constant 0 : i32
    %swap3A_31 = arith.constant 200 : i32
    %swap3A_32 = arith.index_cast %swap3A_30 : i32 to index
    %swap3A_33 = arith.index_cast %swap3A_31 : i32 to index
    %swap3A_34 = arith.constant 16 : index
    %swap3A_35 = tpu.vector_load %arg9[%swap3A_32, %swap3A_33, %swap3A_34] {strides = array<i32>} : memref<3x208x128xf32, #tpu.memory_space<vmem>>, vector<16xf32>,
    tpu.vector_store %arg9[%swap3A_32, %swap3A_33, %swap3A_34], %broadcast_in_dim3A_5 {strides = array<i32>} : memref<3x208x128xf32, #tpu.memory_space<vmem>>, vector<16xf32>,
    %swap3A_36 = arith.constant 0 : i32
    %swap3A_37 = arith.constant 200 : i32
    %swap3A_38 = arith.index_cast %swap3A_36 : i32 to index
    %swap3A_39 = arith.index_cast %swap3A_37 : i32 to index
    %swap3A_40 = arith.constant 32 : index
    %swap3A_41 = tpu.vector_load %arg9[%swap3A_38, %swap3A_39, %swap3A_40] {strides = array<i32>} : memref<3x208x128xf32, #tpu.memory_space<vmem>>, vector<16xf32>,
    tpu.vector_store %arg9[%swap3A_38, %swap3A_39, %swap3A_40], %broadcast_in_dim3A_5 {strides = array<i32>} : memref<3x208x128xf32, #tpu.memory_space<vmem>>, vector<16xf32>,
    %swap3A_42 = arith.constant 0 : i32
    %swap3A_43 = arith.constant 200 : i32
    %swap3A_44 = arith.index_cast %swap3A_42 : i32 to index
    %swap3A_45 = arith.index_cast %swap3A_43 : i32 to index
    %swap3A_46 = arith.constant 48 : index
    %swap3A_47 = tpu.vector_load %arg9[%swap3A_44, %swap3A_45, %swap3A_46] {strides = array<i32>} : memref<3x208x128xf32, #tpu.memory_space<vmem>>, vector<16xf32>,
    tpu.vector_store %arg9[%swap3A_44, %swap3A_45, %swap3A_46], %broadcast_in_dim3A_5 {strides = array<i32>} : memref<3x208x128xf32, #tpu.memory_space<vmem>>, vector<16xf32>,
    %swap3A_48 = arith.constant 0 : i32
    %swap3A_49 = arith.constant 200 : i32
    %swap3A_50 = arith.index_cast %swap3A_48 : i32 to index
    %swap3A_51 = arith.index_cast %swap3A_49 : i32 to index
    %swap3A_52 = arith.constant 64 : index
    %swap3A_53 = tpu.vector_load %arg9[%swap3A_50, %swap3A_51, %swap3A_52] {strides = array<i32>} : memref<3x208x128xf32, #tpu.memory_space<vmem>>, vector<16xf32>,
    tpu.vector_store %arg9[%swap3A_50, %swap3A_51, %swap3A_52], %broadcast_in_dim3A_5 {strides = array<i32>} : memref<3x208x128xf32, #tpu.memory_space<vmem>>, vector<16xf32>,
    %swap3A_54 = arith.constant 0 : i32
    %swap3A_55 = arith.constant 200 : i32
    %swap3A_56 = arith.index_cast %swap3A_54 : i32 to index
    %swap3A_57 = arith.index_cast %swap3A_55 : i32 to index
    %swap3A_58 = arith.constant 80 : index
    %swap3A_59 = tpu.vector_load %arg9[%swap3A_56, %swap3A_57, %swap3A_58] {strides = array<i32>} : memref<3x208x128xf32, #tpu.memory_space<vmem>>, vector<16xf32>,
    tpu.vector_store %arg9[%swap3A_56, %swap3A_57, %swap3A_58], %broadcast_in_dim3A_5 {strides = array<i32>} : memref<3x208x128xf32, #tpu.memory_space<vmem>>, vector<16xf32>,
    %swap3A_60 = arith.constant 0 : i32
    %swap3A_61 = arith.constant 200 : i32
    %swap3A_62 = arith.index_cast %swap3A_60 : i32 to index
    %swap3A_63 = arith.index_cast %swap3A_61 : i32 to index
    %swap3A_64 = arith.constant 96 : index
    %swap3A_65 = tpu.vector_load %arg9[%swap3A_62, %swap3A_63, %swap3A_64] {strides = array<i32>} : memref<3x208x128xf32, #tpu.memory_space<vmem>>, vector<16xf32>,
    tpu.vector_store %arg9[%swap3A_62, %swap3A_63, %swap3A_64], %broadcast_in_dim3A_5 {strides = array<i32>} : memref<3x208x128xf32, #tpu.memory_space<vmem>>, vector<16xf32>,
    %swap3A_66 = arith.constant 0 : i32
    %swap3A_67 = arith.constant 200 : i32
    %swap3A_68 = arith.index_cast %swap3A_66 : i32 to index
    %swap3A_69 = arith.index_cast %swap3A_67 : i32 to index
    %swap3A_70 = arith.constant 112 : index
    %swap3A_71 = tpu.vector_load %arg9[%swap3A_68, %swap3A_69, %swap3A_70] {strides = array<i32>} : memref<3x208x128xf32, #tpu.memory_space<vmem>>, vector<16xf32>,
    tpu.vector_store %arg9[%swap3A_68, %swap3A_69, %swap3A_70], %broadcast_in_dim3A_5 {strides = array<i32>} : memref<3x208x128xf32, #tpu.memory_space<vmem>>, vector<16xf32>,
    %swap3A_72 = arith.constant 0 : i32
    %swap3A_73 = arith.constant 201 : i32
    %swap3A_74 = arith.index_cast %swap3A_72 : i32 to index
    %swap3A_75 = arith.index_cast %swap3A_73 : i32 to index
    %swap3A_76 = arith.constant 0 : index
    %swap3A_77 = tpu.vector_load %arg9[%swap3A_74, %swap3A_75, %swap3A_76] {strides = array<i32>} : memref<3x208x128xf32, #tpu.memory_space<vmem>>, vector<16xf32>,
    tpu.vector_store %arg9[%swap3A_74, %swap3A_75, %swap3A_76], %broadcast_in_dim3A_5 {strides = array<i32>} : memref<3x208x128xf32, #tpu.memory_space<vmem>>, vector<16xf32>,
    %swap3A_78 = arith.constant 0 : i32
    %swap3A_79 = arith.constant 201 : i32
    %swap3A_80 = arith.index_cast %swap3A_78 : i32 to index
    %swap3A_81 = arith.index_cast %swap3A_79 : i32 to index
    %swap3A_82 = arith.constant 16 : index
    %swap3A_83 = tpu.vector_load %arg9[%swap3A_80, %swap3A_81, %swap3A_82] {strides = array<i32>} : memref<3x208x128xf32, #tpu.memory_space<vmem>>, vector<16xf32>,
    tpu.vector_store %arg9[%swap3A_80, %swap3A_81, %swap3A_82], %broadcast_in_dim3A_5 {strides = array<i32>} : memref<3x208x128xf32, #tpu.memory_space<vmem>>, vector<16xf32>,
    %swap3A_84 = arith.constant 0 : i32
    %swap3A_85 = arith.constant 201 : i32
    %swap3A_86 = arith.index_cast %swap3A_84 : i32 to index
    %swap3A_87 = arith.index_cast %swap3A_85 : i32 to index
    %swap3A_88 = arith.constant 32 : index
    %swap3A_89 = tpu.vector_load %arg9[%swap3A_86, %swap3A_87, %swap3A_88] {strides = array<i32>} : memref<3x208x128xf32, #tpu.memory_space<vmem>>, vector<16xf32>,
    tpu.vector_store %arg9[%swap3A_86, %swap3A_87, %swap3A_88], %broadcast_in_dim3A_5 {strides = array<i32>} : memref<3x208x128xf32, #tpu.memory_space<vmem>>, vector<16xf32>,
    %swap3A_90 = arith.constant 0 : i32
    %swap3A_91 = arith.constant 201 : i32
    %swap3A_92 = arith.index_cast %swap3A_90 : i32 to index
    %swap3A_93 = arith.index_cast %swap3A_91 : i32 to index
    %swap3A_94 = arith.constant 48 : index
    %swap3A_95 = tpu.vector_load %arg9[%swap3A_92, %swap3A_93, %swap3A_94] {strides = array<i32>} : memref<3x208x128xf32, #tpu.memory_space<vmem>>, vector<16xf32>,
    tpu.vector_store %arg9[%swap3A_92, %swap3A_93, %swap3A_94], %broadcast_in_dim3A_5 {strides = array<i32>} : memref<3x208x128xf32, #tpu.memory_space<vmem>>, vector<16xf32>,
    %swap3A_96 = arith.constant 0 : i32
    %swap3A_97 = arith.constant 201 : i32
    %swap3A_98 = arith.index_cast %swap3A_96 : i32 to index
    %swap3A_99 = arith.index_cast %swap3A_97 : i32 to index
    %swap3A_100 = arith.constant 64 : index
    %swap3A_101 = tpu.vector_load %arg9[%swap3A_98, %swap3A_99, %swap3A_100] {strides = array<i32>} : memref<3x208x128xf32, #tpu.memory_space<vmem>>, vector<16xf32>,
    tpu.vector_store %arg9[%swap3A_98, %swap3A_99, %swap3A_100], %broadcast_in_dim3A_5 {strides = array<i32>} : memref<3x208x128xf32, #tpu.memory_space<vmem>>, vector<16xf32>,
    %swap3A_102 = arith.constant 0 : i32
    %swap3A_103 = arith.constant 201 : i32
    %swap3A_104 = arith.index_cast %swap3A_102 : i32 to index
    %swap3A_105 = arith.index_cast %swap3A_103 : i32 to index
    %swap3A_106 = arith.constant 80 : index
    %swap3A_107 = tpu.vector_load %arg9[%swap3A_104, %swap3A_105, %swap3A_106] {strides = array<i32>} : memref<3x208x128xf32, #tpu.memory_space<vmem>>, vector<16xf32>,
    tpu.vector_store %arg9[%swap3A_104, %swap3A_105, %swap3A_106], %broadcast_in_dim3A_5 {strides = array<i32>} : memref<3x208x128xf32, #tpu.memory_space<vmem>>, vector<16xf32>,
    %swap3A_108 = arith.constant 0 : i32
    %swap3A_109 = arith.constant 201 : i32
    %swap3A_110 = arith.index_cast %swap3A_108 : i32 to index
    %swap3A_111 = arith.index_cast %swap3A_109 : i32 to index
    %swap3A_112 = arith.constant 96 : index
    %swap3A_113 = tpu.vector_load %arg9[%swap3A_110, %swap3A_111, %swap3A_112] {strides = array<i32>} : memref<3x208x128xf32, #tpu.memory_space<vmem>>, vector<16xf32>,
    tpu.vector_store %arg9[%swap3A_110, %swap3A_111, %swap3A_112], %broadcast_in_dim3A_5 {strides = array<i32>} : memref<3x208x128xf32, #tpu.memory_space<vmem>>, vector<16xf32>,
    %swap3A_114 = arith.constant 0 : i32
    %swap3A_115 = arith.constant 201 : i32
    %swap3A_116 = arith.index_cast %swap3A_114 : i32 to index
    %swap3A_117 = arith.index_cast %swap3A_115 : i32 to index
    %swap3A_118 = arith.constant 112 : index
    %swap3A_119 = tpu.vector_load %arg9[%swap3A_116, %swap3A_117, %swap3A_118] {strides = array<i32>} : memref<3x208x128xf32, #tpu.memory_space<vmem>>, vector<16xf32>,
    tpu.vector_store %arg9[%swap3A_116, %swap3A_117, %swap3A_118], %broadcast_in_dim3A_5 {strides = array<i32>} : memref<3x208x128xf32, #tpu.memory_space<vmem>>, vector<16xf32>,
    %swap3A_120 = arith.constant 0 : i32
    %swap3A_121 = arith.constant 202 : i32
    %swap3A_122 = arith.index_cast %swap3A_120 : i32 to index
    %swap3A_123 = arith.index_cast %swap3A_121 : i32 to index
    %swap3A_124 = arith.constant 0 : index
    %swap3A_125 = tpu.vector_load %arg9[%swap3A_122, %swap3A_123, %swap3A_124] {strides = array<i32>} : memref<3x208x128xf32, #tpu.memory_space<vmem>>, vector<16xf32>,
    tpu.vector_store %arg9[%swap3A_122, %swap3A_123, %swap3A_124], %broadcast_in_dim3A_5 {strides = array<i32>} : memref<3x208x128xf32, #tpu.memory_space<vmem>>, vector<16xf32>,
    %swap3A_126 = arith.constant 0 : i32
    %swap3A_127 = arith.constant 202 : i32
    %swap3A_128 = arith.index_cast %swap3A_126 : i32 to index
    %swap3A_129 = arith.index_cast %swap3A_127 : i32 to index
    %swap3A_130 = arith.constant 16 : index
    %swap3A_131 = tpu.vector_load %arg9[%swap3A_128, %swap3A_129, %swap3A_130] {strides = array<i32>} : memref<3x208x128xf32, #tpu.memory_space<vmem>>, vector<16xf32>,
    tpu.vector_store %arg9[%swap3A_128, %swap3A_129, %swap3A_130], %broadcast_in_dim3A_5 {strides = array<i32>} : memref<3x208x128xf32, #tpu.memory_space<vmem>>, vector<16xf32>,
    %swap3A_132 = arith.constant 0 : i32
    %swap3A_133 = arith.constant 202 : i32
    %swap3A_134 = arith.index_cast %swap3A_132 : i32 to index
    %swap3A_135 = arith.index_cast %swap3A_133 : i32 to index
    %swap3A_136 = arith.constant 32 : index
    %swap3A_137 = tpu.vector_load %arg9[%swap3A_134, %swap3A_135, %swap3A_136] {strides = array<i32>} : memref<3x208x128xf32, #tpu.memory_space<vmem>>, vector<16xf32>,
    tpu.vector_store %arg9[%swap3A_134, %swap3A_135, %swap3A_136], %broadcast_in_dim3A_5 {strides = array<i32>} : memref<3x208x128xf32, #tpu.memory_space<vmem>>, vector<16xf32>,
    %swap3A_138 = arith.constant 0 : i32
    %swap3A_139 = arith.constant 202 : i32
    %swap3A_140 = arith.index_cast %swap3A_138 : i32 to index
    %swap3A_141 = arith.index_cast %swap3A_139 : i32 to index
    %swap3A_142 = arith.constant 48 : index
    %swap3A_143 = tpu.vector_load %arg9[%swap3A_140, %swap3A_141, %swap3A_142] {strides = array<i32>} : memref<3x208x128xf32, #tpu.memory_space<vmem>>, vector<16xf32>,
    tpu.vector_store %arg9[%swap3A_140, %swap3A_141, %swap3A_142], %broadcast_in_dim3A_5 {strides = array<i32>} : memref<3x208x128xf32, #tpu.memory_space<vmem>>, vector<16xf32>,
    %swap3A_144 = arith.constant 0 : i32
    %swap3A_145 = arith.constant 202 : i32
    %swap3A_146 = arith.index_cast %swap3A_144 : i32 to index
    %swap3A_147 = arith.index_cast %swap3A_145 : i32 to index
    %swap3A_148 = arith.constant 64 : index
    %swap3A_149 = tpu.vector_load %arg9[%swap3A_146, %swap3A_147, %swap3A_148] {strides = array<i32>} : memref<3x208x128xf32, #tpu.memory_space<vmem>>, vector<16xf32>,
    tpu.vector_store %arg9[%swap3A_146, %swap3A_147, %swap3A_148], %broadcast_in_dim3A_5 {strides = array<i32>} : memref<3x208x128xf32, #tpu.memory_space<vmem>>, vector<16xf32>,
    %swap3A_150 = arith.constant 0 : i32
    %swap3A_151 = arith.constant 202 : i32
    %swap3A_152 = arith.index_cast %swap3A_150 : i32 to index
    %swap3A_153 = arith.index_cast %swap3A_151 : i32 to index
    %swap3A_154 = arith.constant 80 : index
    %swap3A_155 = tpu.vector_load %arg9[%swap3A_152, %swap3A_153, %swap3A_154] {strides = array<i32>} : memref<3x208x128xf32, #tpu.memory_space<vmem>>, vector<16xf32>,
    tpu.vector_store %arg9[%swap3A_152, %swap3A_153, %swap3A_154], %broadcast_in_dim3A_5 {strides = array<i32>} : memref<3x208x128xf32, #tpu.memory_space<vmem>>, vector<16xf32>,
    %swap3A_156 = arith.constant 0 : i32
    %swap3A_157 = arith.constant 202 : i32
    %swap3A_158 = arith.index_cast %swap3A_156 : i32 to index
    %swap3A_159 = arith.index_cast %swap3A_157 : i32 to index
    %swap3A_160 = arith.constant 96 : index
    %swap3A_161 = tpu.vector_load %arg9[%swap3A_158, %swap3A_159, %swap3A_160] {strides = array<i32>} : memref<3x208x128xf32, #tpu.memory_space<vmem>>, vector<16xf32>,
    tpu.vector_store %arg9[%swap3A_158, %swap3A_159, %swap3A_160], %broadcast_in_dim3A_5 {strides = array<i32>} : memref<3x208x128xf32, #tpu.memory_space<vmem>>, vector<16xf32>,
    %swap3A_162 = arith.constant 0 : i32
    %swap3A_163 = arith.constant 202 : i32
    %swap3A_164 = arith.index_cast %swap3A_162 : i32 to index
    %swap3A_165 = arith.index_cast %swap3A_163 : i32 to index
    %swap3A_166 = arith.constant 112 : index
    %swap3A_167 = tpu.vector_load %arg9[%swap3A_164, %swap3A_165, %swap3A_166] {strides = array<i32>} : memref<3x208x128xf32, #tpu.memory_space<vmem>>, vector<16xf32>,
    tpu.vector_store %arg9[%swap3A_164, %swap3A_165, %swap3A_166], %broadcast_in_dim3A_5 {strides = array<i32>} : memref<3x208x128xf32, #tpu.memory_space<vmem>>, vector<16xf32>,
    %swap3A_168 = arith.constant 0 : i32
    %swap3A_169 = arith.constant 203 : i32
    %swap3A_170 = arith.index_cast %swap3A_168 : i32 to index
    %swap3A_171 = arith.index_cast %swap3A_169 : i32 to index
    %swap3A_172 = arith.constant 0 : index
    %swap3A_173 = tpu.vector_load %arg9[%swap3A_170, %swap3A_171, %swap3A_172] {strides = array<i32>} : memref<3x208x128xf32, #tpu.memory_space<vmem>>, vector<16xf32>,
    tpu.vector_store %arg9[%swap3A_170, %swap3A_171, %swap3A_172], %broadcast_in_dim3A_5 {strides = array<i32>} : memref<3x208x128xf32, #tpu.memory_space<vmem>>, vector<16xf32>,
    %swap3A_174 = arith.constant 0 : i32
    %swap3A_175 = arith.constant 203 : i32
    %swap3A_176 = arith.index_cast %swap3A_174 : i32 to index
    %swap3A_177 = arith.index_cast %swap3A_175 : i32 to index
    %swap3A_178 = arith.constant 16 : index
    %swap3A_179 = tpu.vector_load %arg9[%swap3A_176, %swap3A_177, %swap3A_178] {strides = array<i32>} : memref<3x208x128xf32, #tpu.memory_space<vmem>>, vector<16xf32>,
    tpu.vector_store %arg9[%swap3A_176, %swap3A_177, %swap3A_178], %broadcast_in_dim3A_5 {strides = array<i32>} : memref<3x208x128xf32, #tpu.memory_space<vmem>>, vector<16xf32>,
    %swap3A_180 = arith.constant 0 : i32
    %swap3A_181 = arith.constant 203 : i32
    %swap3A_182 = arith.index_cast %swap3A_180 : i32 to index
    %swap3A_183 = arith.index_cast %swap3A_181 : i32 to index
    %swap3A_184 = arith.constant 32 : index
    %swap3A_185 = tpu.vector_load %arg9[%swap3A_182, %swap3A_183, %swap3A_184] {strides = array<i32>} : memref<3x208x128xf32, #tpu.memory_space<vmem>>, vector<16xf32>,
    tpu.vector_store %arg9[%swap3A_182, %swap3A_183, %swap3A_184], %broadcast_in_dim3A_5 {strides = array<i32>} : memref<3x208x128xf32, #tpu.memory_space<vmem>>, vector<16xf32>,
    %swap3A_186 = arith.constant 0 : i32
    %swap3A_187 = arith.constant 203 : i32
    %swap3A_188 = arith.index_cast %swap3A_186 : i32 to index
    %swap3A_189 = arith.index_cast %swap3A_187 : i32 to index
    %swap3A_190 = arith.constant 48 : index
    %swap3A_191 = tpu.vector_load %arg9[%swap3A_188, %swap3A_189, %swap3A_190] {strides = array<i32>} : memref<3x208x128xf32, #tpu.memory_space<vmem>>, vector<16xf32>,
    tpu.vector_store %arg9[%swap3A_188, %swap3A_189, %swap3A_190], %broadcast_in_dim3A_5 {strides = array<i32>} : memref<3x208x128xf32, #tpu.memory_space<vmem>>, vector<16xf32>,
    %swap3A_192 = arith.constant 0 : i32
    %swap3A_193 = arith.constant 203 : i32
    %swap3A_194 = arith.index_cast %swap3A_192 : i32 to index
    %swap3A_195 = arith.index_cast %swap3A_193 : i32 to index
    %swap3A_196 = arith.constant 64 : index
    %swap3A_197 = tpu.vector_load %arg9[%swap3A_194, %swap3A_195, %swap3A_196] {strides = array<i32>} : memref<3x208x128xf32, #tpu.memory_space<vmem>>, vector<16xf32>,
    tpu.vector_store %arg9[%swap3A_194, %swap3A_195, %swap3A_196], %broadcast_in_dim3A_5 {strides = array<i32>} : memref<3x208x128xf32, #tpu.memory_space<vmem>>, vector<16xf32>,
    %swap3A_198 = arith.constant 0 : i32
    %swap3A_199 = arith.constant 203 : i32
    %swap3A_200 = arith.index_cast %swap3A_198 : i32 to index
    %swap3A_201 = arith.index_cast %swap3A_199 : i32 to index
    %swap3A_202 = arith.constant 80 : index
    %swap3A_203 = tpu.vector_load %arg9[%swap3A_200, %swap3A_201, %swap3A_202] {strides = array<i32>} : memref<3x208x128xf32, #tpu.memory_space<vmem>>, vector<16xf32>,
    tpu.vector_store %arg9[%swap3A_200, %swap3A_201, %swap3A_202], %broadcast_in_dim3A_5 {strides = array<i32>} : memref<3x208x128xf32, #tpu.memory_space<vmem>>, vector<16xf32>,
    %swap3A_204 = arith.constant 0 : i32
    %swap3A_205 = arith.constant 203 : i32
    %swap3A_206 = arith.index_cast %swap3A_204 : i32 to index
    %swap3A_207 = arith.index_cast %swap3A_205 : i32 to index
    %swap3A_208 = arith.constant 96 : index
    %swap3A_209 = tpu.vector_load %arg9[%swap3A_206, %swap3A_207, %swap3A_208] {strides = array<i32>} : memref<3x208x128xf32, #tpu.memory_space<vmem>>, vector<16xf32>,
    tpu.vector_store %arg9[%swap3A_206, %swap3A_207, %swap3A_208], %broadcast_in_dim3A_5 {strides = array<i32>} : memref<3x208x128xf32, #tpu.memory_space<vmem>>, vector<16xf32>,
    %swap3A_210 = arith.constant 0 : i32
    %swap3A_211 = arith.constant 203 : i32
    %swap3A_212 = arith.index_cast %swap3A_210 : i32 to index
    %swap3A_213 = arith.index_cast %swap3A_211 : i32 to index
    %swap3A_214 = arith.constant 112 : index
    %swap3A_215 = tpu.vector_load %arg9[%swap3A_212, %swap3A_213, %swap3A_214] {strides = array<i32>} : memref<3x208x128xf32, #tpu.memory_space<vmem>>, vector<16xf32>,
    tpu.vector_store %arg9[%swap3A_212, %swap3A_213, %swap3A_214], %broadcast_in_dim3A_5 {strides = array<i32>} : memref<3x208x128xf32, #tpu.memory_space<vmem>>, vector<16xf32>,
    %swap3A_216 = arith.constant 0 : i32
    %swap3A_217 = arith.constant 204 : i32
    %swap3A_218 = arith.index_cast %swap3A_216 : i32 to index
    %swap3A_219 = arith.index_cast %swap3A_217 : i32 to index
    %swap3A_220 = arith.constant 0 : index
    %swap3A_221 = tpu.vector_load %arg9[%swap3A_218, %swap3A_219, %swap3A_220] {strides = array<i32>} : memref<3x208x128xf32, #tpu.memory_space<vmem>>, vector<16xf32>,
    tpu.vector_store %arg9[%swap3A_218, %swap3A_219, %swap3A_220], %broadcast_in_dim3A_5 {strides = array<i32>} : memref<3x208x128xf32, #tpu.memory_space<vmem>>, vector<16xf32>,
    %swap3A_222 = arith.constant 0 : i32
    %swap3A_223 = arith.constant 204 : i32
    %swap3A_224 = arith.index_cast %swap3A_222 : i32 to index
    %swap3A_225 = arith.index_cast %swap3A_223 : i32 to index
    %swap3A_226 = arith.constant 16 : index
    %swap3A_227 = tpu.vector_load %arg9[%swap3A_224, %swap3A_225, %swap3A_226] {strides = array<i32>} : memref<3x208x128xf32, #tpu.memory_space<vmem>>, vector<16xf32>,
    tpu.vector_store %arg9[%swap3A_224, %swap3A_225, %swap3A_226], %broadcast_in_dim3A_5 {strides = array<i32>} : memref<3x208x128xf32, #tpu.memory_space<vmem>>, vector<16xf32>,
    %swap3A_228 = arith.constant 0 : i32
    %swap3A_229 = arith.constant 204 : i32
    %swap3A_230 = arith.index_cast %swap3A_228 : i32 to index
    %swap3A_231 = arith.index_cast %swap3A_229 : i32 to index
    %swap3A_232 = arith.constant 32 : index
    %swap3A_233 = tpu.vector_load %arg9[%swap3A_230, %swap3A_231, %swap3A_232] {strides = array<i32>} : memref<3x208x128xf32, #tpu.memory_space<vmem>>, vector<16xf32>,
    tpu.vector_store %arg9[%swap3A_230, %swap3A_231, %swap3A_232], %broadcast_in_dim3A_5 {strides = array<i32>} : memref<3x208x128xf32, #tpu.memory_space<vmem>>, vector<16xf32>,
    %swap3A_234 = arith.constant 0 : i32
    %swap3A_235 = arith.constant 204 : i32
    %swap3A_236 = arith.index_cast %swap3A_234 : i32 to index
    %swap3A_237 = arith.index_cast %swap3A_235 : i32 to index
    %swap3A_238 = arith.constant 48 : index
    %swap3A_239 = tpu.vector_load %arg9[%swap3A_236, %swap3A_237, %swap3A_238] {strides = array<i32>} : memref<3x208x128xf32, #tpu.memory_space<vmem>>, vector<16xf32>,
    tpu.vector_store %arg9[%swap3A_236, %swap3A_237, %swap3A_238], %broadcast_in_dim3A_5 {strides = array<i32>} : memref<3x208x128xf32, #tpu.memory_space<vmem>>, vector<16xf32>,
    %swap3A_240 = arith.constant 0 : i32
    %swap3A_241 = arith.constant 204 : i32
    %swap3A_242 = arith.index_cast %swap3A_240 : i32 to index
    %swap3A_243 = arith.index_cast %swap3A_241 : i32 to index
    %swap3A_244 = arith.constant 64 : index
    %swap3A_245 = tpu.vector_load %arg9[%swap3A_242, %swap3A_243, %swap3A_244] {strides = array<i32>} : memref<3x208x128xf32, #tpu.memory_space<vmem>>, vector<16xf32>,
    tpu.vector_store %arg9[%swap3A_242, %swap3A_243, %swap3A_244], %broadcast_in_dim3A_5 {strides = array<i32>} : memref<3x208x128xf32, #tpu.memory_space<vmem>>, vector<16xf32>,
    %swap3A_246 = arith.constant 0 : i32
    %swap3A_247 = arith.constant 204 : i32
    %swap3A_248 = arith.index_cast %swap3A_246 : i32 to index
    %swap3A_249 = arith.index_cast %swap3A_247 : i32 to index
    %swap3A_250 = arith.constant 80 : index
    %swap3A_251 = tpu.vector_load %arg9[%swap3A_248, %swap3A_249, %swap3A_250] {strides = array<i32>} : memref<3x208x128xf32, #tpu.memory_space<vmem>>, vector<16xf32>,
    tpu.vector_store %arg9[%swap3A_248, %swap3A_249, %swap3A_250], %broadcast_in_dim3A_5 {strides = array<i32>} : memref<3x208x128xf32, #tpu.memory_space<vmem>>, vector<16xf32>,
    %swap3A_252 = arith.constant 0 : i32
    %swap3A_253 = arith.constant 204 : i32
    %swap3A_254 = arith.index_cast %swap3A_252 : i32 to index
    %swap3A_255 = arith.index_cast %swap3A_253 : i32 to index
    %swap3A_256 = arith.constant 96 : index
    %swap3A_257 = tpu.vector_load %arg9[%swap3A_254, %swap3A_255, %swap3A_256] {strides = array<i32>} : memref<3x208x128xf32, #tpu.memory_space<vmem>>, vector<16xf32>,
    tpu.vector_store %arg9[%swap3A_254, %swap3A_255, %swap3A_256], %broadcast_in_dim3A_5 {strides = array<i32>} : memref<3x208x128xf32, #tpu.memory_space<vmem>>, vector<16xf32>,
    %swap3A_258 = arith.constant 0 : i32
    %swap3A_259 = arith.constant 204 : i32
    %swap3A_260 = arith.index_cast %swap3A_258 : i32 to index
    %swap3A_261 = arith.index_cast %swap3A_259 : i32 to index
    %swap3A_262 = arith.constant 112 : index
    %swap3A_263 = tpu.vector_load %arg9[%swap3A_260, %swap3A_261, %swap3A_262] {strides = array<i32>} : memref<3x208x128xf32, #tpu.memory_space<vmem>>, vector<16xf32>,
    tpu.vector_store %arg9[%swap3A_260, %swap3A_261, %swap3A_262], %broadcast_in_dim3A_5 {strides = array<i32>} : memref<3x208x128xf32, #tpu.memory_space<vmem>>, vector<16xf32>,
    %swap3A_264 = arith.constant 0 : i32
    %swap3A_265 = arith.constant 205 : i32
    %swap3A_266 = arith.index_cast %swap3A_264 : i32 to index
    %swap3A_267 = arith.index_cast %swap3A_265 : i32 to index
    %swap3A_268 = arith.constant 0 : index
    %swap3A_269 = tpu.vector_load %arg9[%swap3A_266, %swap3A_267, %swap3A_268] {strides = array<i32>} : memref<3x208x128xf32, #tpu.memory_space<vmem>>, vector<16xf32>,
    tpu.vector_store %arg9[%swap3A_266, %swap3A_267, %swap3A_268], %broadcast_in_dim3A_5 {strides = array<i32>} : memref<3x208x128xf32, #tpu.memory_space<vmem>>, vector<16xf32>,
    %swap3A_270 = arith.constant 0 : i32
    %swap3A_271 = arith.constant 205 : i32
    %swap3A_272 = arith.index_cast %swap3A_270 : i32 to index
    %swap3A_273 = arith.index_cast %swap3A_271 : i32 to index
    %swap3A_274 = arith.constant 16 : index
    %swap3A_275 = tpu.vector_load %arg9[%swap3A_272, %swap3A_273, %swap3A_274] {strides = array<i32>} : memref<3x208x128xf32, #tpu.memory_space<vmem>>, vector<16xf32>,
    tpu.vector_store %arg9[%swap3A_272, %swap3A_273, %swap3A_274], %broadcast_in_dim3A_5 {strides = array<i32>} : memref<3x208x128xf32, #tpu.memory_space<vmem>>, vector<16xf32>,
    %swap3A_276 = arith.constant 0 : i32
    %swap3A_277 = arith.constant 205 : i32
    %swap3A_278 = arith.index_cast %swap3A_276 : i32 to index
    %swap3A_279 = arith.index_cast %swap3A_277 : i32 to index
    %swap3A_280 = arith.constant 32 : index
    %swap3A_281 = tpu.vector_load %arg9[%swap3A_278, %swap3A_279, %swap3A_280] {strides = array<i32>} : memref<3x208x128xf32, #tpu.memory_space<vmem>>, vector<16xf32>,
    tpu.vector_store %arg9[%swap3A_278, %swap3A_279, %swap3A_280], %broadcast_in_dim3A_5 {strides = array<i32>} : memref<3x208x128xf32, #tpu.memory_space<vmem>>, vector<16xf32>,
    %swap3A_282 = arith.constant 0 : i32
    %swap3A_283 = arith.constant 205 : i32
    %swap3A_284 = arith.index_cast %swap3A_282 : i32 to index
    %swap3A_285 = arith.index_cast %swap3A_283 : i32 to index
    %swap3A_286 = arith.constant 48 : index
    %swap3A_287 = tpu.vector_load %arg9[%swap3A_284, %swap3A_285, %swap3A_286] {strides = array<i32>} : memref<3x208x128xf32, #tpu.memory_space<vmem>>, vector<16xf32>,
    tpu.vector_store %arg9[%swap3A_284, %swap3A_285, %swap3A_286], %broadcast_in_dim3A_5 {strides = array<i32>} : memref<3x208x128xf32, #tpu.memory_space<vmem>>, vector<16xf32>,
    %swap3A_288 = arith.constant 0 : i32
    %swap3A_289 = arith.constant 205 : i32
    %swap3A_290 = arith.index_cast %swap3A_288 : i32 to index
    %swap3A_291 = arith.index_cast %swap3A_289 : i32 to index
    %swap3A_292 = arith.constant 64 : index
    %swap3A_293 = tpu.vector_load %arg9[%swap3A_290, %swap3A_291, %swap3A_292] {strides = array<i32>} : memref<3x208x128xf32, #tpu.memory_space<vmem>>, vector<16xf32>,
    tpu.vector_store %arg9[%swap3A_290, %swap3A_291, %swap3A_292], %broadcast_in_dim3A_5 {strides = array<i32>} : memref<3x208x128xf32, #tpu.memory_space<vmem>>, vector<16xf32>,
    %swap3A_294 = arith.constant 0 : i32
    %swap3A_295 = arith.constant 205 : i32
    %swap3A_296 = arith.index_cast %swap3A_294 : i32 to index
    %swap3A_297 = arith.index_cast %swap3A_295 : i32 to index
    %swap3A_298 = arith.constant 80 : index
    %swap3A_299 = tpu.vector_load %arg9[%swap3A_296, %swap3A_297, %swap3A_298] {strides = array<i32>} : memref<3x208x128xf32, #tpu.memory_space<vmem>>, vector<16xf32>,
    tpu.vector_store %arg9[%swap3A_296, %swap3A_297, %swap3A_298], %broadcast_in_dim3A_5 {strides = array<i32>} : memref<3x208x128xf32, #tpu.memory_space<vmem>>, vector<16xf32>,
    %swap3A_300 = arith.constant 0 : i32
    %swap3A_301 = arith.constant 205 : i32
    %swap3A_302 = arith.index_cast %swap3A_300 : i32 to index
    %swap3A_303 = arith.index_cast %swap3A_301 : i32 to index
    %swap3A_304 = arith.constant 96 : index
    %swap3A_305 = tpu.vector_load %arg9[%swap3A_302, %swap3A_303, %swap3A_304] {strides = array<i32>} : memref<3x208x128xf32, #tpu.memory_space<vmem>>, vector<16xf32>,
    tpu.vector_store %arg9[%swap3A_302, %swap3A_303, %swap3A_304], %broadcast_in_dim3A_5 {strides = array<i32>} : memref<3x208x128xf32, #tpu.memory_space<vmem>>, vector<16xf32>,
    %swap3A_306 = arith.constant 0 : i32
    %swap3A_307 = arith.constant 205 : i32
    %swap3A_308 = arith.index_cast %swap3A_306 : i32 to index
    %swap3A_309 = arith.index_cast %swap3A_307 : i32 to index
    %swap3A_310 = arith.constant 112 : index
    %swap3A_311 = tpu.vector_load %arg9[%swap3A_308, %swap3A_309, %swap3A_310] {strides = array<i32>} : memref<3x208x128xf32, #tpu.memory_space<vmem>>, vector<16xf32>,
    tpu.vector_store %arg9[%swap3A_308, %swap3A_309, %swap3A_310], %broadcast_in_dim3A_5 {strides = array<i32>} : memref<3x208x128xf32, #tpu.memory_space<vmem>>, vector<16xf32>,
    %swap3A_312 = arith.constant 0 : i32
    %swap3A_313 = arith.constant 206 : i32
    %swap3A_314 = arith.index_cast %swap3A_312 : i32 to index
    %swap3A_315 = arith.index_cast %swap3A_313 : i32 to index
    %swap3A_316 = arith.constant 0 : index
    %swap3A_317 = tpu.vector_load %arg9[%swap3A_314, %swap3A_315, %swap3A_316] {strides = array<i32>} : memref<3x208x128xf32, #tpu.memory_space<vmem>>, vector<16xf32>,
    tpu.vector_store %arg9[%swap3A_314, %swap3A_315, %swap3A_316], %broadcast_in_dim3A_5 {strides = array<i32>} : memref<3x208x128xf32, #tpu.memory_space<vmem>>, vector<16xf32>,
    %swap3A_318 = arith.constant 0 : i32
    %swap3A_319 = arith.constant 206 : i32
    %swap3A_320 = arith.index_cast %swap3A_318 : i32 to index
    %swap3A_321 = arith.index_cast %swap3A_319 : i32 to index
    %swap3A_322 = arith.constant 16 : index
    %swap3A_323 = tpu.vector_load %arg9[%swap3A_320, %swap3A_321, %swap3A_322] {strides = array<i32>} : memref<3x208x128xf32, #tpu.memory_space<vmem>>, vector<16xf32>,
    tpu.vector_store %arg9[%swap3A_320, %swap3A_321, %swap3A_322], %broadcast_in_dim3A_5 {strides = array<i32>} : memref<3x208x128xf32, #tpu.memory_space<vmem>>, vector<16xf32>,
    %swap3A_324 = arith.constant 0 : i32
    %swap3A_325 = arith.constant 206 : i32
    %swap3A_326 = arith.index_cast %swap3A_324 : i32 to index
    %swap3A_327 = arith.index_cast %swap3A_325 : i32 to index
    %swap3A_328 = arith.constant 32 : index
    %swap3A_329 = tpu.vector_load %arg9[%swap3A_326, %swap3A_327, %swap3A_328] {strides = array<i32>} : memref<3x208x128xf32, #tpu.memory_space<vmem>>, vector<16xf32>,
    tpu.vector_store %arg9[%swap3A_326, %swap3A_327, %swap3A_328], %broadcast_in_dim3A_5 {strides = array<i32>} : memref<3x208x128xf32, #tpu.memory_space<vmem>>, vector<16xf32>,
    %swap3A_330 = arith.constant 0 : i32
    %swap3A_331 = arith.constant 206 : i32
    %swap3A_332 = arith.index_cast %swap3A_330 : i32 to index
    %swap3A_333 = arith.index_cast %swap3A_331 : i32 to index
    %swap3A_334 = arith.constant 48 : index
    %swap3A_335 = tpu.vector_load %arg9[%swap3A_332, %swap3A_333, %swap3A_334] {strides = array<i32>} : memref<3x208x128xf32, #tpu.memory_space<vmem>>, vector<16xf32>,
    tpu.vector_store %arg9[%swap3A_332, %swap3A_333, %swap3A_334], %broadcast_in_dim3A_5 {strides = array<i32>} : memref<3x208x128xf32, #tpu.memory_space<vmem>>, vector<16xf32>,
    %swap3A_336 = arith.constant 0 : i32
    %swap3A_337 = arith.constant 206 : i32
    %swap3A_338 = arith.index_cast %swap3A_336 : i32 to index
    %swap3A_339 = arith.index_cast %swap3A_337 : i32 to index
    %swap3A_340 = arith.constant 64 : index
    %swap3A_341 = tpu.vector_load %arg9[%swap3A_338, %swap3A_339, %swap3A_340] {strides = array<i32>} : memref<3x208x128xf32, #tpu.memory_space<vmem>>, vector<16xf32>,
    tpu.vector_store %arg9[%swap3A_338, %swap3A_339, %swap3A_340], %broadcast_in_dim3A_5 {strides = array<i32>} : memref<3x208x128xf32, #tpu.memory_space<vmem>>, vector<16xf32>,
    %swap3A_342 = arith.constant 0 : i32
    %swap3A_343 = arith.constant 206 : i32
    %swap3A_344 = arith.index_cast %swap3A_342 : i32 to index
    %swap3A_345 = arith.index_cast %swap3A_343 : i32 to index
    %swap3A_346 = arith.constant 80 : index
    %swap3A_347 = tpu.vector_load %arg9[%swap3A_344, %swap3A_345, %swap3A_346] {strides = array<i32>} : memref<3x208x128xf32, #tpu.memory_space<vmem>>, vector<16xf32>,
    tpu.vector_store %arg9[%swap3A_344, %swap3A_345, %swap3A_346], %broadcast_in_dim3A_5 {strides = array<i32>} : memref<3x208x128xf32, #tpu.memory_space<vmem>>, vector<16xf32>,
    %swap3A_348 = arith.constant 0 : i32
    %swap3A_349 = arith.constant 206 : i32
    %swap3A_350 = arith.index_cast %swap3A_348 : i32 to index
    %swap3A_351 = arith.index_cast %swap3A_349 : i32 to index
    %swap3A_352 = arith.constant 96 : index
    %swap3A_353 = tpu.vector_load %arg9[%swap3A_350, %swap3A_351, %swap3A_352] {strides = array<i32>} : memref<3x208x128xf32, #tpu.memory_space<vmem>>, vector<16xf32>,
    tpu.vector_store %arg9[%swap3A_350, %swap3A_351, %swap3A_352], %broadcast_in_dim3A_5 {strides = array<i32>} : memref<3x208x128xf32, #tpu.memory_space<vmem>>, vector<16xf32>,
    %swap3A_354 = arith.constant 0 : i32
    %swap3A_355 = arith.constant 206 : i32
    %swap3A_356 = arith.index_cast %swap3A_354 : i32 to index
    %swap3A_357 = arith.index_cast %swap3A_355 : i32 to index
    %swap3A_358 = arith.constant 112 : index
    %swap3A_359 = tpu.vector_load %arg9[%swap3A_356, %swap3A_357, %swap3A_358] {strides = array<i32>} : memref<3x208x128xf32, #tpu.memory_space<vmem>>, vector<16xf32>,
    tpu.vector_store %arg9[%swap3A_356, %swap3A_357, %swap3A_358], %broadcast_in_dim3A_5 {strides = array<i32>} : memref<3x208x128xf32, #tpu.memory_space<vmem>>, vector<16xf32>,
    %swap3A_360 = arith.constant 0 : i32
    %swap3A_361 = arith.constant 207 : i32
    %swap3A_362 = arith.index_cast %swap3A_360 : i32 to index
    %swap3A_363 = arith.index_cast %swap3A_361 : i32 to index
    %swap3A_364 = arith.constant 0 : index
    %swap3A_365 = tpu.vector_load %arg9[%swap3A_362, %swap3A_363, %swap3A_364] {strides = array<i32>} : memref<3x208x128xf32, #tpu.memory_space<vmem>>, vector<16xf32>,
    tpu.vector_store %arg9[%swap3A_362, %swap3A_363, %swap3A_364], %broadcast_in_dim3A_5 {strides = array<i32>} : memref<3x208x128xf32, #tpu.memory_space<vmem>>, vector<16xf32>,
    %swap3A_366 = arith.constant 0 : i32
    %swap3A_367 = arith.constant 207 : i32
    %swap3A_368 = arith.index_cast %swap3A_366 : i32 to index
    %swap3A_369 = arith.index_cast %swap3A_367 : i32 to index
    %swap3A_370 = arith.constant 16 : index
    %swap3A_371 = tpu.vector_load %arg9[%swap3A_368, %swap3A_369, %swap3A_370] {strides = array<i32>} : memref<3x208x128xf32, #tpu.memory_space<vmem>>, vector<16xf32>,
    tpu.vector_store %arg9[%swap3A_368, %swap3A_369, %swap3A_370], %broadcast_in_dim3A_5 {strides = array<i32>} : memref<3x208x128xf32, #tpu.memory_space<vmem>>, vector<16xf32>,
    %swap3A_372 = arith.constant 0 : i32
    %swap3A_373 = arith.constant 207 : i32
    %swap3A_374 = arith.index_cast %swap3A_372 : i32 to index
    %swap3A_375 = arith.index_cast %swap3A_373 : i32 to index
    %swap3A_376 = arith.constant 32 : index
    %swap3A_377 = tpu.vector_load %arg9[%swap3A_374, %swap3A_375, %swap3A_376] {strides = array<i32>} : memref<3x208x128xf32, #tpu.memory_space<vmem>>, vector<16xf32>,
    tpu.vector_store %arg9[%swap3A_374, %swap3A_375, %swap3A_376], %broadcast_in_dim3A_5 {strides = array<i32>} : memref<3x208x128xf32, #tpu.memory_space<vmem>>, vector<16xf32>,
    %swap3A_378 = arith.constant 0 : i32
    %swap3A_379 = arith.constant 207 : i32
    %swap3A_380 = arith.index_cast %swap3A_378 : i32 to index
    %swap3A_381 = arith.index_cast %swap3A_379 : i32 to index
    %swap3A_382 = arith.constant 48 : index
    %swap3A_383 = tpu.vector_load %arg9[%swap3A_380, %swap3A_381, %swap3A_382] {strides = array<i32>} : memref<3x208x128xf32, #tpu.memory_space<vmem>>, vector<16xf32>,
    tpu.vector_store %arg9[%swap3A_380, %swap3A_381, %swap3A_382], %broadcast_in_dim3A_5 {strides = array<i32>} : memref<3x208x128xf32, #tpu.memory_space<vmem>>, vector<16xf32>,
    %swap3A_384 = arith.constant 0 : i32
    %swap3A_385 = arith.constant 207 : i32
    %swap3A_386 = arith.index_cast %swap3A_384 : i32 to index
    %swap3A_387 = arith.index_cast %swap3A_385 : i32 to index
    %swap3A_388 = arith.constant 64 : index
    %swap3A_389 = tpu.vector_load %arg9[%swap3A_386, %swap3A_387, %swap3A_388] {strides = array<i32>} : memref<3x208x128xf32, #tpu.memory_space<vmem>>, vector<16xf32>,
    tpu.vector_store %arg9[%swap3A_386, %swap3A_387, %swap3A_388], %broadcast_in_dim3A_5 {strides = array<i32>} : memref<3x208x128xf32, #tpu.memory_space<vmem>>, vector<16xf32>,
    %swap3A_390 = arith.constant 0 : i32
    %swap3A_391 = arith.constant 207 : i32
    %swap3A_392 = arith.index_cast %swap3A_390 : i32 to index
    %swap3A_393 = arith.index_cast %swap3A_391 : i32 to index
    %swap3A_394 = arith.constant 80 : index
    %swap3A_395 = tpu.vector_load %arg9[%swap3A_392, %swap3A_393, %swap3A_394] {strides = array<i32>} : memref<3x208x128xf32, #tpu.memory_space<vmem>>, vector<16xf32>,
    tpu.vector_store %arg9[%swap3A_392, %swap3A_393, %swap3A_394], %broadcast_in_dim3A_5 {strides = array<i32>} : memref<3x208x128xf32, #tpu.memory_space<vmem>>, vector<16xf32>,
    %swap3A_396 = arith.constant 0 : i32
    %swap3A_397 = arith.constant 207 : i32
    %swap3A_398 = arith.index_cast %swap3A_396 : i32 to index
    %swap3A_399 = arith.index_cast %swap3A_397 : i32 to index
    %swap3A_400 = arith.constant 96 : index
    %swap3A_401 = tpu.vector_load %arg9[%swap3A_398, %swap3A_399, %swap3A_400] {strides = array<i32>} : memref<3x208x128xf32, #tpu.memory_space<vmem>>, vector<16xf32>,
    tpu.vector_store %arg9[%swap3A_398, %swap3A_399, %swap3A_400], %broadcast_in_dim3A_5 {strides = array<i32>} : memref<3x208x128xf32, #tpu.memory_space<vmem>>, vector<16xf32>,
    %swap3A_402 = arith.constant 0 : i32
    %swap3A_403 = arith.constant 207 : i32
    %swap3A_404 = arith.index_cast %swap3A_402 : i32 to index
    %swap3A_405 = arith.index_cast %swap3A_403 : i32 to index
    %swap3A_406 = arith.constant 112 : index
    %swap3A_407 = tpu.vector_load %arg9[%swap3A_404, %swap3A_405, %swap3A_406] {strides = array<i32>} : memref<3x208x128xf32, #tpu.memory_space<vmem>>, vector<16xf32>,
    tpu.vector_store %arg9[%swap3A_404, %swap3A_405, %swap3A_406], %broadcast_in_dim3A_5 {strides = array<i32>} : memref<3x208x128xf32, #tpu.memory_space<vmem>>, vector<16xf32>,
    %swap3A_408 = arith.constant 1 : i32
    %swap3A_409 = arith.constant 200 : i32
    %swap3A_410 = arith.index_cast %swap3A_408 : i32 to index
    %swap3A_411 = arith.index_cast %swap3A_409 : i32 to index
    %swap3A_412 = arith.constant 0 : index
    %swap3A_413 = tpu.vector_load %arg9[%swap3A_410, %swap3A_411, %swap3A_412] {strides = array<i32>} : memref<3x208x128xf32, #tpu.memory_space<vmem>>, vector<16xf32>,
    tpu.vector_store %arg9[%swap3A_410, %swap3A_411, %swap3A_412], %broadcast_in_dim3A_5 {strides = array<i32>} : memref<3x208x128xf32, #tpu.memory_space<vmem>>, vector<16xf32>,
    %swap3A_414 = arith.constant 1 : i32
    %swap3A_415 = arith.constant 200 : i32
    %swap3A_416 = arith.index_cast %swap3A_414 : i32 to index
    %swap3A_417 = arith.index_cast %swap3A_415 : i32 to index
    %swap3A_418 = arith.constant 16 : index
    %swap3A_419 = tpu.vector_load %arg9[%swap3A_416, %swap3A_417, %swap3A_418] {strides = array<i32>} : memref<3x208x128xf32, #tpu.memory_space<vmem>>, vector<16xf32>,
    tpu.vector_store %arg9[%swap3A_416, %swap3A_417, %swap3A_418], %broadcast_in_dim3A_5 {strides = array<i32>} : memref<3x208x128xf32, #tpu.memory_space<vmem>>, vector<16xf32>,
    %swap3A_420 = arith.constant 1 : i32
    %swap3A_421 = arith.constant 200 : i32
    %swap3A_422 = arith.index_cast %swap3A_420 : i32 to index
    %swap3A_423 = arith.index_cast %swap3A_421 : i32 to index
    %swap3A_424 = arith.constant 32 : index
    %swap3A_425 = tpu.vector_load %arg9[%swap3A_422, %swap3A_423, %swap3A_424] {strides = array<i32>} : memref<3x208x128xf32, #tpu.memory_space<vmem>>, vector<16xf32>,
    tpu.vector_store %arg9[%swap3A_422, %swap3A_423, %swap3A_424], %broadcast_in_dim3A_5 {strides = array<i32>} : memref<3x208x128xf32, #tpu.memory_space<vmem>>, vector<16xf32>,
    %swap3A_426 = arith.constant 1 : i32
    %swap3A_427 = arith.constant 200 : i32
    %swap3A_428 = arith.index_cast %swap3A_426 : i32 to index
    %swap3A_429 = arith.index_cast %swap3A_427 : i32 to index
    %swap3A_430 = arith.constant 48 : index
    %swap3A_431 = tpu.vector_load %arg9[%swap3A_428, %swap3A_429, %swap3A_430] {strides = array<i32>} : memref<3x208x128xf32, #tpu.memory_space<vmem>>, vector<16xf32>,
    tpu.vector_store %arg9[%swap3A_428, %swap3A_429, %swap3A_430], %broadcast_in_dim3A_5 {strides = array<i32>} : memref<3x208x128xf32, #tpu.memory_space<vmem>>, vector<16xf32>,
    %swap3A_432 = arith.constant 1 : i32
    %swap3A_433 = arith.constant 200 : i32
    %swap3A_434 = arith.index_cast %swap3A_432 : i32 to index
    %swap3A_435 = arith.index_cast %swap3A_433 : i32 to index
    %swap3A_436 = arith.constant 64 : index
    %swap3A_437 = tpu.vector_load %arg9[%swap3A_434, %swap3A_435, %swap3A_436] {strides = array<i32>} : memref<3x208x128xf32, #tpu.memory_space<vmem>>, vector<16xf32>,
    tpu.vector_store %arg9[%swap3A_434, %swap3A_435, %swap3A_436], %broadcast_in_dim3A_5 {strides = array<i32>} : memref<3x208x128xf32, #tpu.memory_space<vmem>>, vector<16xf32>,
    %swap3A_438 = arith.constant 1 : i32
    %swap3A_439 = arith.constant 200 : i32
    %swap3A_440 = arith.index_cast %swap3A_438 : i32 to index
    %swap3A_441 = arith.index_cast %swap3A_439 : i32 to index
    %swap3A_442 = arith.constant 80 : index
    %swap3A_443 = tpu.vector_load %arg9[%swap3A_440, %swap3A_441, %swap3A_442] {strides = array<i32>} : memref<3x208x128xf32, #tpu.memory_space<vmem>>, vector<16xf32>,
    tpu.vector_store %arg9[%swap3A_440, %swap3A_441, %swap3A_442], %broadcast_in_dim3A_5 {strides = array<i32>} : memref<3x208x128xf32, #tpu.memory_space<vmem>>, vector<16xf32>,
    %swap3A_444 = arith.constant 1 : i32
    %swap3A_445 = arith.constant 200 : i32
    %swap3A_446 = arith.index_cast %swap3A_444 : i32 to index
    %swap3A_447 = arith.index_cast %swap3A_445 : i32 to index
    %swap3A_448 = arith.constant 96 : index
    %swap3A_449 = tpu.vector_load %arg9[%swap3A_446, %swap3A_447, %swap3A_448] {strides = array<i32>} : memref<3x208x128xf32, #tpu.memory_space<vmem>>, vector<16xf32>,
    tpu.vector_store %arg9[%swap3A_446, %swap3A_447, %swap3A_448], %broadcast_in_dim3A_5 {strides = array<i32>} : memref<3x208x128xf32, #tpu.memory_space<vmem>>, vector<16xf32>,
    %swap3A_450 = arith.constant 1 : i32
    %swap3A_451 = arith.constant 200 : i32
    %swap3A_452 = arith.index_cast %swap3A_450 : i32 to index
    %swap3A_453 = arith.index_cast %swap3A_451 : i32 to index
    %swap3A_454 = arith.constant 112 : index
    %swap3A_455 = tpu.vector_load %arg9[%swap3A_452, %swap3A_453, %swap3A_454] {strides = array<i32>} : memref<3x208x128xf32, #tpu.memory_space<vmem>>, vector<16xf32>,
    tpu.vector_store %arg9[%swap3A_452, %swap3A_453, %swap3A_454], %broadcast_in_dim3A_5 {strides = array<i32>} : memref<3x208x128xf32, #tpu.memory_space<vmem>>, vector<16xf32>,
    %swap3A_456 = arith.constant 1 : i32
    %swap3A_457 = arith.constant 201 : i32
    %swap3A_458 = arith.index_cast %swap3A_456 : i32 to index
    %swap3A_459 = arith.index_cast %swap3A_457 : i32 to index
    %swap3A_460 = arith.constant 0 : index
    %swap3A_461 = tpu.vector_load %arg9[%swap3A_458, %swap3A_459, %swap3A_460] {strides = array<i32>} : memref<3x208x128xf32, #tpu.memory_space<vmem>>, vector<16xf32>,
    tpu.vector_store %arg9[%swap3A_458, %swap3A_459, %swap3A_460], %broadcast_in_dim3A_5 {strides = array<i32>} : memref<3x208x128xf32, #tpu.memory_space<vmem>>, vector<16xf32>,
    %swap3A_462 = arith.constant 1 : i32
    %swap3A_463 = arith.constant 201 : i32
    %swap3A_464 = arith.index_cast %swap3A_462 : i32 to index
    %swap3A_465 = arith.index_cast %swap3A_463 : i32 to index
    %swap3A_466 = arith.constant 16 : index
    %swap3A_467 = tpu.vector_load %arg9[%swap3A_464, %swap3A_465, %swap3A_466] {strides = array<i32>} : memref<3x208x128xf32, #tpu.memory_space<vmem>>, vector<16xf32>,
    tpu.vector_store %arg9[%swap3A_464, %swap3A_465, %swap3A_466], %broadcast_in_dim3A_5 {strides = array<i32>} : memref<3x208x128xf32, #tpu.memory_space<vmem>>, vector<16xf32>,
    %swap3A_468 = arith.constant 1 : i32
    %swap3A_469 = arith.constant 201 : i32
    %swap3A_470 = arith.index_cast %swap3A_468 : i32 to index
    %swap3A_471 = arith.index_cast %swap3A_469 : i32 to index
    %swap3A_472 = arith.constant 32 : index
    %swap3A_473 = tpu.vector_load %arg9[%swap3A_470, %swap3A_471, %swap3A_472] {strides = array<i32>} : memref<3x208x128xf32, #tpu.memory_space<vmem>>, vector<16xf32>,
    tpu.vector_store %arg9[%swap3A_470, %swap3A_471, %swap3A_472], %broadcast_in_dim3A_5 {strides = array<i32>} : memref<3x208x128xf32, #tpu.memory_space<vmem>>, vector<16xf32>,
    %swap3A_474 = arith.constant 1 : i32
    %swap3A_475 = arith.constant 201 : i32
    %swap3A_476 = arith.index_cast %swap3A_474 : i32 to index
    %swap3A_477 = arith.index_cast %swap3A_475 : i32 to index
    %swap3A_478 = arith.constant 48 : index
    %swap3A_479 = tpu.vector_load %arg9[%swap3A_476, %swap3A_477, %swap3A_478] {strides = array<i32>} : memref<3x208x128xf32, #tpu.memory_space<vmem>>, vector<16xf32>,
    tpu.vector_store %arg9[%swap3A_476, %swap3A_477, %swap3A_478], %broadcast_in_dim3A_5 {strides = array<i32>} : memref<3x208x128xf32, #tpu.memory_space<vmem>>, vector<16xf32>,
    %swap3A_480 = arith.constant 1 : i32
    %swap3A_481 = arith.constant 201 : i32
    %swap3A_482 = arith.index_cast %swap3A_480 : i32 to index
    %swap3A_483 = arith.index_cast %swap3A_481 : i32 to index
    %swap3A_484 = arith.constant 64 : index
    %swap3A_485 = tpu.vector_load %arg9[%swap3A_482, %swap3A_483, %swap3A_484] {strides = array<i32>} : memref<3x208x128xf32, #tpu.memory_space<vmem>>, vector<16xf32>,
    tpu.vector_store %arg9[%swap3A_482, %swap3A_483, %swap3A_484], %broadcast_in_dim3A_5 {strides = array<i32>} : memref<3x208x128xf32, #tpu.memory_space<vmem>>, vector<16xf32>,
    %swap3A_486 = arith.constant 1 : i32
    %swap3A_487 = arith.constant 201 : i32
    %swap3A_488 = arith.index_cast %swap3A_486 : i32 to index
    %swap3A_489 = arith.index_cast %swap3A_487 : i32 to index
    %swap3A_490 = arith.constant 80 : index
    %swap3A_491 = tpu.vector_load %arg9[%swap3A_488, %swap3A_489, %swap3A_490] {strides = array<i32>} : memref<3x208x128xf32, #tpu.memory_space<vmem>>, vector<16xf32>,
    tpu.vector_store %arg9[%swap3A_488, %swap3A_489, %swap3A_490], %broadcast_in_dim3A_5 {strides = array<i32>} : memref<3x208x128xf32, #tpu.memory_space<vmem>>, vector<16xf32>,
    %swap3A_492 = arith.constant 1 : i32
    %swap3A_493 = arith.constant 201 : i32
    %swap3A_494 = arith.index_cast %swap3A_492 : i32 to index
    %swap3A_495 = arith.index_cast %swap3A_493 : i32 to index
    %swap3A_496 = arith.constant 96 : index
    %swap3A_497 = tpu.vector_load %arg9[%swap3A_494, %swap3A_495, %swap3A_496] {strides = array<i32>} : memref<3x208x128xf32, #tpu.memory_space<vmem>>, vector<16xf32>,
    tpu.vector_store %arg9[%swap3A_494, %swap3A_495, %swap3A_496], %broadcast_in_dim3A_5 {strides = array<i32>} : memref<3x208x128xf32, #tpu.memory_space<vmem>>, vector<16xf32>,
    %swap3A_498 = arith.constant 1 : i32
    %swap3A_499 = arith.constant 201 : i32
    %swap3A_500 = arith.index_cast %swap3A_498 : i32 to index
    %swap3A_501 = arith.index_cast %swap3A_499 : i32 to index
    %swap3A_502 = arith.constant 112 : index
    %swap3A_503 = tpu.vector_load %arg9[%swap3A_500, %swap3A_501, %swap3A_502] {strides = array<i32>} : memref<3x208x128xf32, #tpu.memory_space<vmem>>, vector<16xf32>,
    tpu.vector_store %arg9[%swap3A_500, %swap3A_501, %swap3A_502], %broadcast_in_dim3A_5 {strides = array<i32>} : memref<3x208x128xf32, #tpu.memory_space<vmem>>, vector<16xf32>,
    %swap3A_504 = arith.constant 1 : i32
    %swap3A_505 = arith.constant 202 : i32
    %swap3A_506 = arith.index_cast %swap3A_504 : i32 to index
    %swap3A_507 = arith.index_cast %swap3A_505 : i32 to index
    %swap3A_508 = arith.constant 0 : index
    %swap3A_509 = tpu.vector_load %arg9[%swap3A_506, %swap3A_507, %swap3A_508] {strides = array<i32>} : memref<3x208x128xf32, #tpu.memory_space<vmem>>, vector<16xf32>,
    tpu.vector_store %arg9[%swap3A_506, %swap3A_507, %swap3A_508], %broadcast_in_dim3A_5 {strides = array<i32>} : memref<3x208x128xf32, #tpu.memory_space<vmem>>, vector<16xf32>,
    %swap3A_510 = arith.constant 1 : i32
    %swap3A_511 = arith.constant 202 : i32
    %swap3A_512 = arith.index_cast %swap3A_510 : i32 to index
    %swap3A_513 = arith.index_cast %swap3A_511 : i32 to index
    %swap3A_514 = arith.constant 16 : index
    %swap3A_515 = tpu.vector_load %arg9[%swap3A_512, %swap3A_513, %swap3A_514] {strides = array<i32>} : memref<3x208x128xf32, #tpu.memory_space<vmem>>, vector<16xf32>,
    tpu.vector_store %arg9[%swap3A_512, %swap3A_513, %swap3A_514], %broadcast_in_dim3A_5 {strides = array<i32>} : memref<3x208x128xf32, #tpu.memory_space<vmem>>, vector<16xf32>,
    %swap3A_516 = arith.constant 1 : i32
    %swap3A_517 = arith.constant 202 : i32
    %swap3A_518 = arith.index_cast %swap3A_516 : i32 to index
    %swap3A_519 = arith.index_cast %swap3A_517 : i32 to index
    %swap3A_520 = arith.constant 32 : index
    %swap3A_521 = tpu.vector_load %arg9[%swap3A_518, %swap3A_519, %swap3A_520] {strides = array<i32>} : memref<3x208x128xf32, #tpu.memory_space<vmem>>, vector<16xf32>,
    tpu.vector_store %arg9[%swap3A_518, %swap3A_519, %swap3A_520], %broadcast_in_dim3A_5 {strides = array<i32>} : memref<3x208x128xf32, #tpu.memory_space<vmem>>, vector<16xf32>,
    %swap3A_522 = arith.constant 1 : i32
    %swap3A_523 = arith.constant 202 : i32
    %swap3A_524 = arith.index_cast %swap3A_522 : i32 to index
    %swap3A_525 = arith.index_cast %swap3A_523 : i32 to index
    %swap3A_526 = arith.constant 48 : index
    %swap3A_527 = tpu.vector_load %arg9[%swap3A_524, %swap3A_525, %swap3A_526] {strides = array<i32>} : memref<3x208x128xf32, #tpu.memory_space<vmem>>, vector<16xf32>,
    tpu.vector_store %arg9[%swap3A_524, %swap3A_525, %swap3A_526], %broadcast_in_dim3A_5 {strides = array<i32>} : memref<3x208x128xf32, #tpu.memory_space<vmem>>, vector<16xf32>,
    %swap3A_528 = arith.constant 1 : i32
    %swap3A_529 = arith.constant 202 : i32
    %swap3A_530 = arith.index_cast %swap3A_528 : i32 to index
    %swap3A_531 = arith.index_cast %swap3A_529 : i32 to index
    %swap3A_532 = arith.constant 64 : index
    %swap3A_533 = tpu.vector_load %arg9[%swap3A_530, %swap3A_531, %swap3A_532] {strides = array<i32>} : memref<3x208x128xf32, #tpu.memory_space<vmem>>, vector<16xf32>,
    tpu.vector_store %arg9[%swap3A_530, %swap3A_531, %swap3A_532], %broadcast_in_dim3A_5 {strides = array<i32>} : memref<3x208x128xf32, #tpu.memory_space<vmem>>, vector<16xf32>,
    %swap3A_534 = arith.constant 1 : i32
    %swap3A_535 = arith.constant 202 : i32
    %swap3A_536 = arith.index_cast %swap3A_534 : i32 to index
    %swap3A_537 = arith.index_cast %swap3A_535 : i32 to index
    %swap3A_538 = arith.constant 80 : index
    %swap3A_539 = tpu.vector_load %arg9[%swap3A_536, %swap3A_537, %swap3A_538] {strides = array<i32>} : memref<3x208x128xf32, #tpu.memory_space<vmem>>, vector<16xf32>,
    tpu.vector_store %arg9[%swap3A_536, %swap3A_537, %swap3A_538], %broadcast_in_dim3A_5 {strides = array<i32>} : memref<3x208x128xf32, #tpu.memory_space<vmem>>, vector<16xf32>,
    %swap3A_540 = arith.constant 1 : i32
    %swap3A_541 = arith.constant 202 : i32
    %swap3A_542 = arith.index_cast %swap3A_540 : i32 to index
    %swap3A_543 = arith.index_cast %swap3A_541 : i32 to index
    %swap3A_544 = arith.constant 96 : index
    %swap3A_545 = tpu.vector_load %arg9[%swap3A_542, %swap3A_543, %swap3A_544] {strides = array<i32>} : memref<3x208x128xf32, #tpu.memory_space<vmem>>, vector<16xf32>,
    tpu.vector_store %arg9[%swap3A_542, %swap3A_543, %swap3A_544], %broadcast_in_dim3A_5 {strides = array<i32>} : memref<3x208x128xf32, #tpu.memory_space<vmem>>, vector<16xf32>,
    %swap3A_546 = arith.constant 1 : i32
    %swap3A_547 = arith.constant 202 : i32
    %swap3A_548 = arith.index_cast %swap3A_546 : i32 to index
    %swap3A_549 = arith.index_cast %swap3A_547 : i32 to index
    %swap3A_550 = arith.constant 112 : index
    %swap3A_551 = tpu.vector_load %arg9[%swap3A_548, %swap3A_549, %swap3A_550] {strides = array<i32>} : memref<3x208x128xf32, #tpu.memory_space<vmem>>, vector<16xf32>,
    tpu.vector_store %arg9[%swap3A_548, %swap3A_549, %swap3A_550], %broadcast_in_dim3A_5 {strides = array<i32>} : memref<3x208x128xf32, #tpu.memory_space<vmem>>, vector<16xf32>,
    %swap3A_552 = arith.constant 1 : i32
    %swap3A_553 = arith.constant 203 : i32
    %swap3A_554 = arith.index_cast %swap3A_552 : i32 to index
    %swap3A_555 = arith.index_cast %swap3A_553 : i32 to index
    %swap3A_556 = arith.constant 0 : index
    %swap3A_557 = tpu.vector_load %arg9[%swap3A_554, %swap3A_555, %swap3A_556] {strides = array<i32>} : memref<3x208x128xf32, #tpu.memory_space<vmem>>, vector<16xf32>,
    tpu.vector_store %arg9[%swap3A_554, %swap3A_555, %swap3A_556], %broadcast_in_dim3A_5 {strides = array<i32>} : memref<3x208x128xf32, #tpu.memory_space<vmem>>, vector<16xf32>,
    %swap3A_558 = arith.constant 1 : i32
    %swap3A_559 = arith.constant 203 : i32
    %swap3A_560 = arith.index_cast %swap3A_558 : i32 to index
    %swap3A_561 = arith.index_cast %swap3A_559 : i32 to index
    %swap3A_562 = arith.constant 16 : index
    %swap3A_563 = tpu.vector_load %arg9[%swap3A_560, %swap3A_561, %swap3A_562] {strides = array<i32>} : memref<3x208x128xf32, #tpu.memory_space<vmem>>, vector<16xf32>,
    tpu.vector_store %arg9[%swap3A_560, %swap3A_561, %swap3A_562], %broadcast_in_dim3A_5 {strides = array<i32>} : memref<3x208x128xf32, #tpu.memory_space<vmem>>, vector<16xf32>,
    %swap3A_564 = arith.constant 1 : i32
    %swap3A_565 = arith.constant 203 : i32
    %swap3A_566 = arith.index_cast %swap3A_564 : i32 to index
    %swap3A_567 = arith.index_cast %swap3A_565 : i32 to index
    %swap3A_568 = arith.constant 32 : index
    %swap3A_569 = tpu.vector_load %arg9[%swap3A_566, %swap3A_567, %swap3A_568] {strides = array<i32>} : memref<3x208x128xf32, #tpu.memory_space<vmem>>, vector<16xf32>,
    tpu.vector_store %arg9[%swap3A_566, %swap3A_567, %swap3A_568], %broadcast_in_dim3A_5 {strides = array<i32>} : memref<3x208x128xf32, #tpu.memory_space<vmem>>, vector<16xf32>,
    %swap3A_570 = arith.constant 1 : i32
    %swap3A_571 = arith.constant 203 : i32
    %swap3A_572 = arith.index_cast %swap3A_570 : i32 to index
    %swap3A_573 = arith.index_cast %swap3A_571 : i32 to index
    %swap3A_574 = arith.constant 48 : index
    %swap3A_575 = tpu.vector_load %arg9[%swap3A_572, %swap3A_573, %swap3A_574] {strides = array<i32>} : memref<3x208x128xf32, #tpu.memory_space<vmem>>, vector<16xf32>,
    tpu.vector_store %arg9[%swap3A_572, %swap3A_573, %swap3A_574], %broadcast_in_dim3A_5 {strides = array<i32>} : memref<3x208x128xf32, #tpu.memory_space<vmem>>, vector<16xf32>,
    %swap3A_576 = arith.constant 1 : i32
    %swap3A_577 = arith.constant 203 : i32
    %swap3A_578 = arith.index_cast %swap3A_576 : i32 to index
    %swap3A_579 = arith.index_cast %swap3A_577 : i32 to index
    %swap3A_580 = arith.constant 64 : index
    %swap3A_581 = tpu.vector_load %arg9[%swap3A_578, %swap3A_579, %swap3A_580] {strides = array<i32>} : memref<3x208x128xf32, #tpu.memory_space<vmem>>, vector<16xf32>,
    tpu.vector_store %arg9[%swap3A_578, %swap3A_579, %swap3A_580], %broadcast_in_dim3A_5 {strides = array<i32>} : memref<3x208x128xf32, #tpu.memory_space<vmem>>, vector<16xf32>,
    %swap3A_582 = arith.constant 1 : i32
    %swap3A_583 = arith.constant 203 : i32
    %swap3A_584 = arith.index_cast %swap3A_582 : i32 to index
    %swap3A_585 = arith.index_cast %swap3A_583 : i32 to index
    %swap3A_586 = arith.constant 80 : index
    %swap3A_587 = tpu.vector_load %arg9[%swap3A_584, %swap3A_585, %swap3A_586] {strides = array<i32>} : memref<3x208x128xf32, #tpu.memory_space<vmem>>, vector<16xf32>,
    tpu.vector_store %arg9[%swap3A_584, %swap3A_585, %swap3A_586], %broadcast_in_dim3A_5 {strides = array<i32>} : memref<3x208x128xf32, #tpu.memory_space<vmem>>, vector<16xf32>,
    %swap3A_588 = arith.constant 1 : i32
    %swap3A_589 = arith.constant 203 : i32
    %swap3A_590 = arith.index_cast %swap3A_588 : i32 to index
    %swap3A_591 = arith.index_cast %swap3A_589 : i32 to index
    %swap3A_592 = arith.constant 96 : index
    %swap3A_593 = tpu.vector_load %arg9[%swap3A_590, %swap3A_591, %swap3A_592] {strides = array<i32>} : memref<3x208x128xf32, #tpu.memory_space<vmem>>, vector<16xf32>,
    tpu.vector_store %arg9[%swap3A_590, %swap3A_591, %swap3A_592], %broadcast_in_dim3A_5 {strides = array<i32>} : memref<3x208x128xf32, #tpu.memory_space<vmem>>, vector<16xf32>,
    %swap3A_594 = arith.constant 1 : i32
    %swap3A_595 = arith.constant 203 : i32
    %swap3A_596 = arith.index_cast %swap3A_594 : i32 to index
    %swap3A_597 = arith.index_cast %swap3A_595 : i32 to index
    %swap3A_598 = arith.constant 112 : index
    %swap3A_599 = tpu.vector_load %arg9[%swap3A_596, %swap3A_597, %swap3A_598] {strides = array<i32>} : memref<3x208x128xf32, #tpu.memory_space<vmem>>, vector<16xf32>,
    tpu.vector_store %arg9[%swap3A_596, %swap3A_597, %swap3A_598], %broadcast_in_dim3A_5 {strides = array<i32>} : memref<3x208x128xf32, #tpu.memory_space<vmem>>, vector<16xf32>,
    %swap3A_600 = arith.constant 1 : i32
    %swap3A_601 = arith.constant 204 : i32
    %swap3A_602 = arith.index_cast %swap3A_600 : i32 to index
    %swap3A_603 = arith.index_cast %swap3A_601 : i32 to index
    %swap3A_604 = arith.constant 0 : index
    %swap3A_605 = tpu.vector_load %arg9[%swap3A_602, %swap3A_603, %swap3A_604] {strides = array<i32>} : memref<3x208x128xf32, #tpu.memory_space<vmem>>, vector<16xf32>,
    tpu.vector_store %arg9[%swap3A_602, %swap3A_603, %swap3A_604], %broadcast_in_dim3A_5 {strides = array<i32>} : memref<3x208x128xf32, #tpu.memory_space<vmem>>, vector<16xf32>,
    %swap3A_606 = arith.constant 1 : i32
    %swap3A_607 = arith.constant 204 : i32
    %swap3A_608 = arith.index_cast %swap3A_606 : i32 to index
    %swap3A_609 = arith.index_cast %swap3A_607 : i32 to index
    %swap3A_610 = arith.constant 16 : index
    %swap3A_611 = tpu.vector_load %arg9[%swap3A_608, %swap3A_609, %swap3A_610] {strides = array<i32>} : memref<3x208x128xf32, #tpu.memory_space<vmem>>, vector<16xf32>,
    tpu.vector_store %arg9[%swap3A_608, %swap3A_609, %swap3A_610], %broadcast_in_dim3A_5 {strides = array<i32>} : memref<3x208x128xf32, #tpu.memory_space<vmem>>, vector<16xf32>,
    %swap3A_612 = arith.constant 1 : i32
    %swap3A_613 = arith.constant 204 : i32
    %swap3A_614 = arith.index_cast %swap3A_612 : i32 to index
    %swap3A_615 = arith.index_cast %swap3A_613 : i32 to index
    %swap3A_616 = arith.constant 32 : index
    %swap3A_617 = tpu.vector_load %arg9[%swap3A_614, %swap3A_615, %swap3A_616] {strides = array<i32>} : memref<3x208x128xf32, #tpu.memory_space<vmem>>, vector<16xf32>,
    tpu.vector_store %arg9[%swap3A_614, %swap3A_615, %swap3A_616], %broadcast_in_dim3A_5 {strides = array<i32>} : memref<3x208x128xf32, #tpu.memory_space<vmem>>, vector<16xf32>,
    %swap3A_618 = arith.constant 1 : i32
    %swap3A_619 = arith.constant 204 : i32
    %swap3A_620 = arith.index_cast %swap3A_618 : i32 to index
    %swap3A_621 = arith.index_cast %swap3A_619 : i32 to index
    %swap3A_622 = arith.constant 48 : index
    %swap3A_623 = tpu.vector_load %arg9[%swap3A_620, %swap3A_621, %swap3A_622] {strides = array<i32>} : memref<3x208x128xf32, #tpu.memory_space<vmem>>, vector<16xf32>,
    tpu.vector_store %arg9[%swap3A_620, %swap3A_621, %swap3A_622], %broadcast_in_dim3A_5 {strides = array<i32>} : memref<3x208x128xf32, #tpu.memory_space<vmem>>, vector<16xf32>,
    %swap3A_624 = arith.constant 1 : i32
    %swap3A_625 = arith.constant 204 : i32
    %swap3A_626 = arith.index_cast %swap3A_624 : i32 to index
    %swap3A_627 = arith.index_cast %swap3A_625 : i32 to index
    %swap3A_628 = arith.constant 64 : index
    %swap3A_629 = tpu.vector_load %arg9[%swap3A_626, %swap3A_627, %swap3A_628] {strides = array<i32>} : memref<3x208x128xf32, #tpu.memory_space<vmem>>, vector<16xf32>,
    tpu.vector_store %arg9[%swap3A_626, %swap3A_627, %swap3A_628], %broadcast_in_dim3A_5 {strides = array<i32>} : memref<3x208x128xf32, #tpu.memory_space<vmem>>, vector<16xf32>,
    %swap3A_630 = arith.constant 1 : i32
    %swap3A_631 = arith.constant 204 : i32
    %swap3A_632 = arith.index_cast %swap3A_630 : i32 to index
    %swap3A_633 = arith.index_cast %swap3A_631 : i32 to index
    %swap3A_634 = arith.constant 80 : index
    %swap3A_635 = tpu.vector_load %arg9[%swap3A_632, %swap3A_633, %swap3A_634] {strides = array<i32>} : memref<3x208x128xf32, #tpu.memory_space<vmem>>, vector<16xf32>,
    tpu.vector_store %arg9[%swap3A_632, %swap3A_633, %swap3A_634], %broadcast_in_dim3A_5 {strides = array<i32>} : memref<3x208x128xf32, #tpu.memory_space<vmem>>, vector<16xf32>,
    %swap3A_636 = arith.constant 1 : i32
    %swap3A_637 = arith.constant 204 : i32
    %swap3A_638 = arith.index_cast %swap3A_636 : i32 to index
    %swap3A_639 = arith.index_cast %swap3A_637 : i32 to index
    %swap3A_640 = arith.constant 96 : index
    %swap3A_641 = tpu.vector_load %arg9[%swap3A_638, %swap3A_639, %swap3A_640] {strides = array<i32>} : memref<3x208x128xf32, #tpu.memory_space<vmem>>, vector<16xf32>,
    tpu.vector_store %arg9[%swap3A_638, %swap3A_639, %swap3A_640], %broadcast_in_dim3A_5 {strides = array<i32>} : memref<3x208x128xf32, #tpu.memory_space<vmem>>, vector<16xf32>,
    %swap3A_642 = arith.constant 1 : i32
    %swap3A_643 = arith.constant 204 : i32
    %swap3A_644 = arith.index_cast %swap3A_642 : i32 to index
    %swap3A_645 = arith.index_cast %swap3A_643 : i32 to index
    %swap3A_646 = arith.constant 112 : index
    %swap3A_647 = tpu.vector_load %arg9[%swap3A_644, %swap3A_645, %swap3A_646] {strides = array<i32>} : memref<3x208x128xf32, #tpu.memory_space<vmem>>, vector<16xf32>,
    tpu.vector_store %arg9[%swap3A_644, %swap3A_645, %swap3A_646], %broadcast_in_dim3A_5 {strides = array<i32>} : memref<3x208x128xf32, #tpu.memory_space<vmem>>, vector<16xf32>,
    %swap3A_648 = arith.constant 1 : i32
    %swap3A_649 = arith.constant 205 : i32
    %swap3A_650 = arith.index_cast %swap3A_648 : i32 to index
    %swap3A_651 = arith.index_cast %swap3A_649 : i32 to index
    %swap3A_652 = arith.constant 0 : index
    %swap3A_653 = tpu.vector_load %arg9[%swap3A_650, %swap3A_651, %swap3A_652] {strides = array<i32>} : memref<3x208x128xf32, #tpu.memory_space<vmem>>, vector<16xf32>,
    tpu.vector_store %arg9[%swap3A_650, %swap3A_651, %swap3A_652], %broadcast_in_dim3A_5 {strides = array<i32>} : memref<3x208x128xf32, #tpu.memory_space<vmem>>, vector<16xf32>,
    %swap3A_654 = arith.constant 1 : i32
    %swap3A_655 = arith.constant 205 : i32
    %swap3A_656 = arith.index_cast %swap3A_654 : i32 to index
    %swap3A_657 = arith.index_cast %swap3A_655 : i32 to index
    %swap3A_658 = arith.constant 16 : index
    %swap3A_659 = tpu.vector_load %arg9[%swap3A_656, %swap3A_657, %swap3A_658] {strides = array<i32>} : memref<3x208x128xf32, #tpu.memory_space<vmem>>, vector<16xf32>,
    tpu.vector_store %arg9[%swap3A_656, %swap3A_657, %swap3A_658], %broadcast_in_dim3A_5 {strides = array<i32>} : memref<3x208x128xf32, #tpu.memory_space<vmem>>, vector<16xf32>,
    %swap3A_660 = arith.constant 1 : i32
    %swap3A_661 = arith.constant 205 : i32
    %swap3A_662 = arith.index_cast %swap3A_660 : i32 to index
    %swap3A_663 = arith.index_cast %swap3A_661 : i32 to index
    %swap3A_664 = arith.constant 32 : index
    %swap3A_665 = tpu.vector_load %arg9[%swap3A_662, %swap3A_663, %swap3A_664] {strides = array<i32>} : memref<3x208x128xf32, #tpu.memory_space<vmem>>, vector<16xf32>,
    tpu.vector_store %arg9[%swap3A_662, %swap3A_663, %swap3A_664], %broadcast_in_dim3A_5 {strides = array<i32>} : memref<3x208x128xf32, #tpu.memory_space<vmem>>, vector<16xf32>,
    %swap3A_666 = arith.constant 1 : i32
    %swap3A_667 = arith.constant 205 : i32
    %swap3A_668 = arith.index_cast %swap3A_666 : i32 to index
    %swap3A_669 = arith.index_cast %swap3A_667 : i32 to index
    %swap3A_670 = arith.constant 48 : index
    %swap3A_671 = tpu.vector_load %arg9[%swap3A_668, %swap3A_669, %swap3A_670] {strides = array<i32>} : memref<3x208x128xf32, #tpu.memory_space<vmem>>, vector<16xf32>,
    tpu.vector_store %arg9[%swap3A_668, %swap3A_669, %swap3A_670], %broadcast_in_dim3A_5 {strides = array<i32>} : memref<3x208x128xf32, #tpu.memory_space<vmem>>, vector<16xf32>,
    %swap3A_672 = arith.constant 1 : i32
    %swap3A_673 = arith.constant 205 : i32
    %swap3A_674 = arith.index_cast %swap3A_672 : i32 to index
    %swap3A_675 = arith.index_cast %swap3A_673 : i32 to index
    %swap3A_676 = arith.constant 64 : index
    %swap3A_677 = tpu.vector_load %arg9[%swap3A_674, %swap3A_675, %swap3A_676] {strides = array<i32>} : memref<3x208x128xf32, #tpu.memory_space<vmem>>, vector<16xf32>,
    tpu.vector_store %arg9[%swap3A_674, %swap3A_675, %swap3A_676], %broadcast_in_dim3A_5 {strides = array<i32>} : memref<3x208x128xf32, #tpu.memory_space<vmem>>, vector<16xf32>,
    %swap3A_678 = arith.constant 1 : i32
    %swap3A_679 = arith.constant 205 : i32
    %swap3A_680 = arith.index_cast %swap3A_678 : i32 to index
    %swap3A_681 = arith.index_cast %swap3A_679 : i32 to index
    %swap3A_682 = arith.constant 80 : index
    %swap3A_683 = tpu.vector_load %arg9[%swap3A_680, %swap3A_681, %swap3A_682] {strides = array<i32>} : memref<3x208x128xf32, #tpu.memory_space<vmem>>, vector<16xf32>,
    tpu.vector_store %arg9[%swap3A_680, %swap3A_681, %swap3A_682], %broadcast_in_dim3A_5 {strides = array<i32>} : memref<3x208x128xf32, #tpu.memory_space<vmem>>, vector<16xf32>,
    %swap3A_684 = arith.constant 1 : i32
    %swap3A_685 = arith.constant 205 : i32
    %swap3A_686 = arith.index_cast %swap3A_684 : i32 to index
    %swap3A_687 = arith.index_cast %swap3A_685 : i32 to index
    %swap3A_688 = arith.constant 96 : index
    %swap3A_689 = tpu.vector_load %arg9[%swap3A_686, %swap3A_687, %swap3A_688] {strides = array<i32>} : memref<3x208x128xf32, #tpu.memory_space<vmem>>, vector<16xf32>,
    tpu.vector_store %arg9[%swap3A_686, %swap3A_687, %swap3A_688], %broadcast_in_dim3A_5 {strides = array<i32>} : memref<3x208x128xf32, #tpu.memory_space<vmem>>, vector<16xf32>,
    %swap3A_690 = arith.constant 1 : i32
    %swap3A_691 = arith.constant 205 : i32
    %swap3A_692 = arith.index_cast %swap3A_690 : i32 to index
    %swap3A_693 = arith.index_cast %swap3A_691 : i32 to index
    %swap3A_694 = arith.constant 112 : index
    %swap3A_695 = tpu.vector_load %arg9[%swap3A_692, %swap3A_693, %swap3A_694] {strides = array<i32>} : memref<3x208x128xf32, #tpu.memory_space<vmem>>, vector<16xf32>,
    tpu.vector_store %arg9[%swap3A_692, %swap3A_693, %swap3A_694], %broadcast_in_dim3A_5 {strides = array<i32>} : memref<3x208x128xf32, #tpu.memory_space<vmem>>, vector<16xf32>,
    %swap3A_696 = arith.constant 1 : i32
    %swap3A_697 = arith.constant 206 : i32
    %swap3A_698 = arith.index_cast %swap3A_696 : i32 to index
    %swap3A_699 = arith.index_cast %swap3A_697 : i32 to index
    %swap3A_700 = arith.constant 0 : index
    %swap3A_701 = tpu.vector_load %arg9[%swap3A_698, %swap3A_699, %swap3A_700] {strides = array<i32>} : memref<3x208x128xf32, #tpu.memory_space<vmem>>, vector<16xf32>,
    tpu.vector_store %arg9[%swap3A_698, %swap3A_699, %swap3A_700], %broadcast_in_dim3A_5 {strides = array<i32>} : memref<3x208x128xf32, #tpu.memory_space<vmem>>, vector<16xf32>,
    %swap3A_702 = arith.constant 1 : i32
    %swap3A_703 = arith.constant 206 : i32
    %swap3A_704 = arith.index_cast %swap3A_702 : i32 to index
    %swap3A_705 = arith.index_cast %swap3A_703 : i32 to index
    %swap3A_706 = arith.constant 16 : index
    %swap3A_707 = tpu.vector_load %arg9[%swap3A_704, %swap3A_705, %swap3A_706] {strides = array<i32>} : memref<3x208x128xf32, #tpu.memory_space<vmem>>, vector<16xf32>,
    tpu.vector_store %arg9[%swap3A_704, %swap3A_705, %swap3A_706], %broadcast_in_dim3A_5 {strides = array<i32>} : memref<3x208x128xf32, #tpu.memory_space<vmem>>, vector<16xf32>,
    %swap3A_708 = arith.constant 1 : i32
    %swap3A_709 = arith.constant 206 : i32
    %swap3A_710 = arith.index_cast %swap3A_708 : i32 to index
    %swap3A_711 = arith.index_cast %swap3A_709 : i32 to index
    %swap3A_712 = arith.constant 32 : index
    %swap3A_713 = tpu.vector_load %arg9[%swap3A_710, %swap3A_711, %swap3A_712] {strides = array<i32>} : memref<3x208x128xf32, #tpu.memory_space<vmem>>, vector<16xf32>,
    tpu.vector_store %arg9[%swap3A_710, %swap3A_711, %swap3A_712], %broadcast_in_dim3A_5 {strides = array<i32>} : memref<3x208x128xf32, #tpu.memory_space<vmem>>, vector<16xf32>,
    %swap3A_714 = arith.constant 1 : i32
    %swap3A_715 = arith.constant 206 : i32
    %swap3A_716 = arith.index_cast %swap3A_714 : i32 to index
    %swap3A_717 = arith.index_cast %swap3A_715 : i32 to index
    %swap3A_718 = arith.constant 48 : index
    %swap3A_719 = tpu.vector_load %arg9[%swap3A_716, %swap3A_717, %swap3A_718] {strides = array<i32>} : memref<3x208x128xf32, #tpu.memory_space<vmem>>, vector<16xf32>,
    tpu.vector_store %arg9[%swap3A_716, %swap3A_717, %swap3A_718], %broadcast_in_dim3A_5 {strides = array<i32>} : memref<3x208x128xf32, #tpu.memory_space<vmem>>, vector<16xf32>,
    %swap3A_720 = arith.constant 1 : i32
    %swap3A_721 = arith.constant 206 : i32
    %swap3A_722 = arith.index_cast %swap3A_720 : i32 to index
    %swap3A_723 = arith.index_cast %swap3A_721 : i32 to index
    %swap3A_724 = arith.constant 64 : index
    %swap3A_725 = tpu.vector_load %arg9[%swap3A_722, %swap3A_723, %swap3A_724] {strides = array<i32>} : memref<3x208x128xf32, #tpu.memory_space<vmem>>, vector<16xf32>,
    tpu.vector_store %arg9[%swap3A_722, %swap3A_723, %swap3A_724], %broadcast_in_dim3A_5 {strides = array<i32>} : memref<3x208x128xf32, #tpu.memory_space<vmem>>, vector<16xf32>,
    %swap3A_726 = arith.constant 1 : i32
    %swap3A_727 = arith.constant 206 : i32
    %swap3A_728 = arith.index_cast %swap3A_726 : i32 to index
    %swap3A_729 = arith.index_cast %swap3A_727 : i32 to index
    %swap3A_730 = arith.constant 80 : index
    %swap3A_731 = tpu.vector_load %arg9[%swap3A_728, %swap3A_729, %swap3A_730] {strides = array<i32>} : memref<3x208x128xf32, #tpu.memory_space<vmem>>, vector<16xf32>,
    tpu.vector_store %arg9[%swap3A_728, %swap3A_729, %swap3A_730], %broadcast_in_dim3A_5 {strides = array<i32>} : memref<3x208x128xf32, #tpu.memory_space<vmem>>, vector<16xf32>,
    %swap3A_732 = arith.constant 1 : i32
    %swap3A_733 = arith.constant 206 : i32
    %swap3A_734 = arith.index_cast %swap3A_732 : i32 to index
    %swap3A_735 = arith.index_cast %swap3A_733 : i32 to index
    %swap3A_736 = arith.constant 96 : index
    %swap3A_737 = tpu.vector_load %arg9[%swap3A_734, %swap3A_735, %swap3A_736] {strides = array<i32>} : memref<3x208x128xf32, #tpu.memory_space<vmem>>, vector<16xf32>,
    tpu.vector_store %arg9[%swap3A_734, %swap3A_735, %swap3A_736], %broadcast_in_dim3A_5 {strides = array<i32>} : memref<3x208x128xf32, #tpu.memory_space<vmem>>, vector<16xf32>,
    %swap3A_738 = arith.constant 1 : i32
    %swap3A_739 = arith.constant 206 : i32
    %swap3A_740 = arith.index_cast %swap3A_738 : i32 to index
    %swap3A_741 = arith.index_cast %swap3A_739 : i32 to index
    %swap3A_742 = arith.constant 112 : index
    %swap3A_743 = tpu.vector_load %arg9[%swap3A_740, %swap3A_741, %swap3A_742] {strides = array<i32>} : memref<3x208x128xf32, #tpu.memory_space<vmem>>, vector<16xf32>,
    tpu.vector_store %arg9[%swap3A_740, %swap3A_741, %swap3A_742], %broadcast_in_dim3A_5 {strides = array<i32>} : memref<3x208x128xf32, #tpu.memory_space<vmem>>, vector<16xf32>,
    %swap3A_744 = arith.constant 1 : i32
    %swap3A_745 = arith.constant 207 : i32
    %swap3A_746 = arith.index_cast %swap3A_744 : i32 to index
    %swap3A_747 = arith.index_cast %swap3A_745 : i32 to index
    %swap3A_748 = arith.constant 0 : index
    %swap3A_749 = tpu.vector_load %arg9[%swap3A_746, %swap3A_747, %swap3A_748] {strides = array<i32>} : memref<3x208x128xf32, #tpu.memory_space<vmem>>, vector<16xf32>,
    tpu.vector_store %arg9[%swap3A_746, %swap3A_747, %swap3A_748], %broadcast_in_dim3A_5 {strides = array<i32>} : memref<3x208x128xf32, #tpu.memory_space<vmem>>, vector<16xf32>,
    %swap3A_750 = arith.constant 1 : i32
    %swap3A_751 = arith.constant 207 : i32
    %swap3A_752 = arith.index_cast %swap3A_750 : i32 to index
    %swap3A_753 = arith.index_cast %swap3A_751 : i32 to index
    %swap3A_754 = arith.constant 16 : index
    %swap3A_755 = tpu.vector_load %arg9[%swap3A_752, %swap3A_753, %swap3A_754] {strides = array<i32>} : memref<3x208x128xf32, #tpu.memory_space<vmem>>, vector<16xf32>,
    tpu.vector_store %arg9[%swap3A_752, %swap3A_753, %swap3A_754], %broadcast_in_dim3A_5 {strides = array<i32>} : memref<3x208x128xf32, #tpu.memory_space<vmem>>, vector<16xf32>,
    %swap3A_756 = arith.constant 1 : i32
    %swap3A_757 = arith.constant 207 : i32
    %swap3A_758 = arith.index_cast %swap3A_756 : i32 to index
    %swap3A_759 = arith.index_cast %swap3A_757 : i32 to index
    %swap3A_760 = arith.constant 32 : index
    %swap3A_761 = tpu.vector_load %arg9[%swap3A_758, %swap3A_759, %swap3A_760] {strides = array<i32>} : memref<3x208x128xf32, #tpu.memory_space<vmem>>, vector<16xf32>,
    tpu.vector_store %arg9[%swap3A_758, %swap3A_759, %swap3A_760], %broadcast_in_dim3A_5 {strides = array<i32>} : memref<3x208x128xf32, #tpu.memory_space<vmem>>, vector<16xf32>,
    %swap3A_762 = arith.constant 1 : i32
    %swap3A_763 = arith.constant 207 : i32
    %swap3A_764 = arith.index_cast %swap3A_762 : i32 to index
    %swap3A_765 = arith.index_cast %swap3A_763 : i32 to index
    %swap3A_766 = arith.constant 48 : index
    %swap3A_767 = tpu.vector_load %arg9[%swap3A_764, %swap3A_765, %swap3A_766] {strides = array<i32>} : memref<3x208x128xf32, #tpu.memory_space<vmem>>, vector<16xf32>,
    tpu.vector_store %arg9[%swap3A_764, %swap3A_765, %swap3A_766], %broadcast_in_dim3A_5 {strides = array<i32>} : memref<3x208x128xf32, #tpu.memory_space<vmem>>, vector<16xf32>,
    %swap3A_768 = arith.constant 1 : i32
    %swap3A_769 = arith.constant 207 : i32
    %swap3A_770 = arith.index_cast %swap3A_768 : i32 to index
    %swap3A_771 = arith.index_cast %swap3A_769 : i32 to index
    %swap3A_772 = arith.constant 64 : index
    %swap3A_773 = tpu.vector_load %arg9[%swap3A_770, %swap3A_771, %swap3A_772] {strides = array<i32>} : memref<3x208x128xf32, #tpu.memory_space<vmem>>, vector<16xf32>,
    tpu.vector_store %arg9[%swap3A_770, %swap3A_771, %swap3A_772], %broadcast_in_dim3A_5 {strides = array<i32>} : memref<3x208x128xf32, #tpu.memory_space<vmem>>, vector<16xf32>,
    %swap3A_774 = arith.constant 1 : i32
    %swap3A_775 = arith.constant 207 : i32
    %swap3A_776 = arith.index_cast %swap3A_774 : i32 to index
    %swap3A_777 = arith.index_cast %swap3A_775 : i32 to index
    %swap3A_778 = arith.constant 80 : index
    %swap3A_779 = tpu.vector_load %arg9[%swap3A_776, %swap3A_777, %swap3A_778] {strides = array<i32>} : memref<3x208x128xf32, #tpu.memory_space<vmem>>, vector<16xf32>,
    tpu.vector_store %arg9[%swap3A_776, %swap3A_777, %swap3A_778], %broadcast_in_dim3A_5 {strides = array<i32>} : memref<3x208x128xf32, #tpu.memory_space<vmem>>, vector<16xf32>,
    %swap3A_780 = arith.constant 1 : i32
    %swap3A_781 = arith.constant 207 : i32
    %swap3A_782 = arith.index_cast %swap3A_780 : i32 to index
    %swap3A_783 = arith.index_cast %swap3A_781 : i32 to index
    %swap3A_784 = arith.constant 96 : index
    %swap3A_785 = tpu.vector_load %arg9[%swap3A_782, %swap3A_783, %swap3A_784] {strides = array<i32>} : memref<3x208x128xf32, #tpu.memory_space<vmem>>, vector<16xf32>,
    tpu.vector_store %arg9[%swap3A_782, %swap3A_783, %swap3A_784], %broadcast_in_dim3A_5 {strides = array<i32>} : memref<3x208x128xf32, #tpu.memory_space<vmem>>, vector<16xf32>,
    %swap3A_786 = arith.constant 1 : i32
    %swap3A_787 = arith.constant 207 : i32
    %swap3A_788 = arith.index_cast %swap3A_786 : i32 to index
    %swap3A_789 = arith.index_cast %swap3A_787 : i32 to index
    %swap3A_790 = arith.constant 112 : index
    %swap3A_791 = tpu.vector_load %arg9[%swap3A_788, %swap3A_789, %swap3A_790] {strides = array<i32>} : memref<3x208x128xf32, #tpu.memory_space<vmem>>, vector<16xf32>,
    tpu.vector_store %arg9[%swap3A_788, %swap3A_789, %swap3A_790], %broadcast_in_dim3A_5 {strides = array<i32>} : memref<3x208x128xf32, #tpu.memory_space<vmem>>, vector<16xf32>,
    %swap3A_792 = arith.constant 2 : i32
    %swap3A_793 = arith.constant 200 : i32
    %swap3A_794 = arith.index_cast %swap3A_792 : i32 to index
    %swap3A_795 = arith.index_cast %swap3A_793 : i32 to index
    %swap3A_796 = arith.constant 0 : index
    %swap3A_797 = tpu.vector_load %arg9[%swap3A_794, %swap3A_795, %swap3A_796] {strides = array<i32>} : memref<3x208x128xf32, #tpu.memory_space<vmem>>, vector<16xf32>,
    tpu.vector_store %arg9[%swap3A_794, %swap3A_795, %swap3A_796], %broadcast_in_dim3A_5 {strides = array<i32>} : memref<3x208x128xf32, #tpu.memory_space<vmem>>, vector<16xf32>,
    %swap3A_798 = arith.constant 2 : i32
    %swap3A_799 = arith.constant 200 : i32
    %swap3A_800 = arith.index_cast %swap3A_798 : i32 to index
    %swap3A_801 = arith.index_cast %swap3A_799 : i32 to index
    %swap3A_802 = arith.constant 16 : index
    %swap3A_803 = tpu.vector_load %arg9[%swap3A_800, %swap3A_801, %swap3A_802] {strides = array<i32>} : memref<3x208x128xf32, #tpu.memory_space<vmem>>, vector<16xf32>,
    tpu.vector_store %arg9[%swap3A_800, %swap3A_801, %swap3A_802], %broadcast_in_dim3A_5 {strides = array<i32>} : memref<3x208x128xf32, #tpu.memory_space<vmem>>, vector<16xf32>,
    %swap3A_804 = arith.constant 2 : i32
    %swap3A_805 = arith.constant 200 : i32
    %swap3A_806 = arith.index_cast %swap3A_804 : i32 to index
    %swap3A_807 = arith.index_cast %swap3A_805 : i32 to index
    %swap3A_808 = arith.constant 32 : index
    %swap3A_809 = tpu.vector_load %arg9[%swap3A_806, %swap3A_807, %swap3A_808] {strides = array<i32>} : memref<3x208x128xf32, #tpu.memory_space<vmem>>, vector<16xf32>,
    tpu.vector_store %arg9[%swap3A_806, %swap3A_807, %swap3A_808], %broadcast_in_dim3A_5 {strides = array<i32>} : memref<3x208x128xf32, #tpu.memory_space<vmem>>, vector<16xf32>,
    %swap3A_810 = arith.constant 2 : i32
    %swap3A_811 = arith.constant 200 : i32
    %swap3A_812 = arith.index_cast %swap3A_810 : i32 to index
    %swap3A_813 = arith.index_cast %swap3A_811 : i32 to index
    %swap3A_814 = arith.constant 48 : index
    %swap3A_815 = tpu.vector_load %arg9[%swap3A_812, %swap3A_813, %swap3A_814] {strides = array<i32>} : memref<3x208x128xf32, #tpu.memory_space<vmem>>, vector<16xf32>,
    tpu.vector_store %arg9[%swap3A_812, %swap3A_813, %swap3A_814], %broadcast_in_dim3A_5 {strides = array<i32>} : memref<3x208x128xf32, #tpu.memory_space<vmem>>, vector<16xf32>,
    %swap3A_816 = arith.constant 2 : i32
    %swap3A_817 = arith.constant 200 : i32
    %swap3A_818 = arith.index_cast %swap3A_816 : i32 to index
    %swap3A_819 = arith.index_cast %swap3A_817 : i32 to index
    %swap3A_820 = arith.constant 64 : index
    %swap3A_821 = tpu.vector_load %arg9[%swap3A_818, %swap3A_819, %swap3A_820] {strides = array<i32>} : memref<3x208x128xf32, #tpu.memory_space<vmem>>, vector<16xf32>,
    tpu.vector_store %arg9[%swap3A_818, %swap3A_819, %swap3A_820], %broadcast_in_dim3A_5 {strides = array<i32>} : memref<3x208x128xf32, #tpu.memory_space<vmem>>, vector<16xf32>,
    %swap3A_822 = arith.constant 2 : i32
    %swap3A_823 = arith.constant 200 : i32
    %swap3A_824 = arith.index_cast %swap3A_822 : i32 to index
    %swap3A_825 = arith.index_cast %swap3A_823 : i32 to index
    %swap3A_826 = arith.constant 80 : index
    %swap3A_827 = tpu.vector_load %arg9[%swap3A_824, %swap3A_825, %swap3A_826] {strides = array<i32>} : memref<3x208x128xf32, #tpu.memory_space<vmem>>, vector<16xf32>,
    tpu.vector_store %arg9[%swap3A_824, %swap3A_825, %swap3A_826], %broadcast_in_dim3A_5 {strides = array<i32>} : memref<3x208x128xf32, #tpu.memory_space<vmem>>, vector<16xf32>,
    %swap3A_828 = arith.constant 2 : i32
    %swap3A_829 = arith.constant 200 : i32
    %swap3A_830 = arith.index_cast %swap3A_828 : i32 to index
    %swap3A_831 = arith.index_cast %swap3A_829 : i32 to index
    %swap3A_832 = arith.constant 96 : index
    %swap3A_833 = tpu.vector_load %arg9[%swap3A_830, %swap3A_831, %swap3A_832] {strides = array<i32>} : memref<3x208x128xf32, #tpu.memory_space<vmem>>, vector<16xf32>,
    tpu.vector_store %arg9[%swap3A_830, %swap3A_831, %swap3A_832], %broadcast_in_dim3A_5 {strides = array<i32>} : memref<3x208x128xf32, #tpu.memory_space<vmem>>, vector<16xf32>,
    %swap3A_834 = arith.constant 2 : i32
    %swap3A_835 = arith.constant 200 : i32
    %swap3A_836 = arith.index_cast %swap3A_834 : i32 to index
    %swap3A_837 = arith.index_cast %swap3A_835 : i32 to index
    %swap3A_838 = arith.constant 112 : index
    %swap3A_839 = tpu.vector_load %arg9[%swap3A_836, %swap3A_837, %swap3A_838] {strides = array<i32>} : memref<3x208x128xf32, #tpu.memory_space<vmem>>, vector<16xf32>,
    tpu.vector_store %arg9[%swap3A_836, %swap3A_837, %swap3A_838], %broadcast_in_dim3A_5 {strides = array<i32>} : memref<3x208x128xf32, #tpu.memory_space<vmem>>, vector<16xf32>,
    %swap3A_840 = arith.constant 2 : i32
    %swap3A_841 = arith.constant 201 : i32
    %swap3A_842 = arith.index_cast %swap3A_840 : i32 to index
    %swap3A_843 = arith.index_cast %swap3A_841 : i32 to index
    %swap3A_844 = arith.constant 0 : index
    %swap3A_845 = tpu.vector_load %arg9[%swap3A_842, %swap3A_843, %swap3A_844] {strides = array<i32>} : memref<3x208x128xf32, #tpu.memory_space<vmem>>, vector<16xf32>,
    tpu.vector_store %arg9[%swap3A_842, %swap3A_843, %swap3A_844], %broadcast_in_dim3A_5 {strides = array<i32>} : memref<3x208x128xf32, #tpu.memory_space<vmem>>, vector<16xf32>,
    %swap3A_846 = arith.constant 2 : i32
    %swap3A_847 = arith.constant 201 : i32
    %swap3A_848 = arith.index_cast %swap3A_846 : i32 to index
    %swap3A_849 = arith.index_cast %swap3A_847 : i32 to index
    %swap3A_850 = arith.constant 16 : index
    %swap3A_851 = tpu.vector_load %arg9[%swap3A_848, %swap3A_849, %swap3A_850] {strides = array<i32>} : memref<3x208x128xf32, #tpu.memory_space<vmem>>, vector<16xf32>,
    tpu.vector_store %arg9[%swap3A_848, %swap3A_849, %swap3A_850], %broadcast_in_dim3A_5 {strides = array<i32>} : memref<3x208x128xf32, #tpu.memory_space<vmem>>, vector<16xf32>,
    %swap3A_852 = arith.constant 2 : i32
    %swap3A_853 = arith.constant 201 : i32
    %swap3A_854 = arith.index_cast %swap3A_852 : i32 to index
    %swap3A_855 = arith.index_cast %swap3A_853 : i32 to index
    %swap3A_856 = arith.constant 32 : index
    %swap3A_857 = tpu.vector_load %arg9[%swap3A_854, %swap3A_855, %swap3A_856] {strides = array<i32>} : memref<3x208x128xf32, #tpu.memory_space<vmem>>, vector<16xf32>,
    tpu.vector_store %arg9[%swap3A_854, %swap3A_855, %swap3A_856], %broadcast_in_dim3A_5 {strides = array<i32>} : memref<3x208x128xf32, #tpu.memory_space<vmem>>, vector<16xf32>,
    %swap3A_858 = arith.constant 2 : i32
    %swap3A_859 = arith.constant 201 : i32
    %swap3A_860 = arith.index_cast %swap3A_858 : i32 to index
    %swap3A_861 = arith.index_cast %swap3A_859 : i32 to index
    %swap3A_862 = arith.constant 48 : index
    %swap3A_863 = tpu.vector_load %arg9[%swap3A_860, %swap3A_861, %swap3A_862] {strides = array<i32>} : memref<3x208x128xf32, #tpu.memory_space<vmem>>, vector<16xf32>,
    tpu.vector_store %arg9[%swap3A_860, %swap3A_861, %swap3A_862], %broadcast_in_dim3A_5 {strides = array<i32>} : memref<3x208x128xf32, #tpu.memory_space<vmem>>, vector<16xf32>,
    %swap3A_864 = arith.constant 2 : i32
    %swap3A_865 = arith.constant 201 : i32
    %swap3A_866 = arith.index_cast %swap3A_864 : i32 to index
    %swap3A_867 = arith.index_cast %swap3A_865 : i32 to index
    %swap3A_868 = arith.constant 64 : index
    %swap3A_869 = tpu.vector_load %arg9[%swap3A_866, %swap3A_867, %swap3A_868] {strides = array<i32>} : memref<3x208x128xf32, #tpu.memory_space<vmem>>, vector<16xf32>,
    tpu.vector_store %arg9[%swap3A_866, %swap3A_867, %swap3A_868], %broadcast_in_dim3A_5 {strides = array<i32>} : memref<3x208x128xf32, #tpu.memory_space<vmem>>, vector<16xf32>,
    %swap3A_870 = arith.constant 2 : i32
    %swap3A_871 = arith.constant 201 : i32
    %swap3A_872 = arith.index_cast %swap3A_870 : i32 to index
    %swap3A_873 = arith.index_cast %swap3A_871 : i32 to index
    %swap3A_874 = arith.constant 80 : index
    %swap3A_875 = tpu.vector_load %arg9[%swap3A_872, %swap3A_873, %swap3A_874] {strides = array<i32>} : memref<3x208x128xf32, #tpu.memory_space<vmem>>, vector<16xf32>,
    tpu.vector_store %arg9[%swap3A_872, %swap3A_873, %swap3A_874], %broadcast_in_dim3A_5 {strides = array<i32>} : memref<3x208x128xf32, #tpu.memory_space<vmem>>, vector<16xf32>,
    %swap3A_876 = arith.constant 2 : i32
    %swap3A_877 = arith.constant 201 : i32
    %swap3A_878 = arith.index_cast %swap3A_876 : i32 to index
    %swap3A_879 = arith.index_cast %swap3A_877 : i32 to index
    %swap3A_880 = arith.constant 96 : index
    %swap3A_881 = tpu.vector_load %arg9[%swap3A_878, %swap3A_879, %swap3A_880] {strides = array<i32>} : memref<3x208x128xf32, #tpu.memory_space<vmem>>, vector<16xf32>,
    tpu.vector_store %arg9[%swap3A_878, %swap3A_879, %swap3A_880], %broadcast_in_dim3A_5 {strides = array<i32>} : memref<3x208x128xf32, #tpu.memory_space<vmem>>, vector<16xf32>,
    %swap3A_882 = arith.constant 2 : i32
    %swap3A_883 = arith.constant 201 : i32
    %swap3A_884 = arith.index_cast %swap3A_882 : i32 to index
    %swap3A_885 = arith.index_cast %swap3A_883 : i32 to index
    %swap3A_886 = arith.constant 112 : index
    %swap3A_887 = tpu.vector_load %arg9[%swap3A_884, %swap3A_885, %swap3A_886] {strides = array<i32>} : memref<3x208x128xf32, #tpu.memory_space<vmem>>, vector<16xf32>,
    tpu.vector_store %arg9[%swap3A_884, %swap3A_885, %swap3A_886], %broadcast_in_dim3A_5 {strides = array<i32>} : memref<3x208x128xf32, #tpu.memory_space<vmem>>, vector<16xf32>,
    %swap3A_888 = arith.constant 2 : i32
    %swap3A_889 = arith.constant 202 : i32
    %swap3A_890 = arith.index_cast %swap3A_888 : i32 to index
    %swap3A_891 = arith.index_cast %swap3A_889 : i32 to index
    %swap3A_892 = arith.constant 0 : index
    %swap3A_893 = tpu.vector_load %arg9[%swap3A_890, %swap3A_891, %swap3A_892] {strides = array<i32>} : memref<3x208x128xf32, #tpu.memory_space<vmem>>, vector<16xf32>,
    tpu.vector_store %arg9[%swap3A_890, %swap3A_891, %swap3A_892], %broadcast_in_dim3A_5 {strides = array<i32>} : memref<3x208x128xf32, #tpu.memory_space<vmem>>, vector<16xf32>,
    %swap3A_894 = arith.constant 2 : i32
    %swap3A_895 = arith.constant 202 : i32
    %swap3A_896 = arith.index_cast %swap3A_894 : i32 to index
    %swap3A_897 = arith.index_cast %swap3A_895 : i32 to index
    %swap3A_898 = arith.constant 16 : index
    %swap3A_899 = tpu.vector_load %arg9[%swap3A_896, %swap3A_897, %swap3A_898] {strides = array<i32>} : memref<3x208x128xf32, #tpu.memory_space<vmem>>, vector<16xf32>,
    tpu.vector_store %arg9[%swap3A_896, %swap3A_897, %swap3A_898], %broadcast_in_dim3A_5 {strides = array<i32>} : memref<3x208x128xf32, #tpu.memory_space<vmem>>, vector<16xf32>,
    %swap3A_900 = arith.constant 2 : i32
    %swap3A_901 = arith.constant 202 : i32
    %swap3A_902 = arith.index_cast %swap3A_900 : i32 to index
    %swap3A_903 = arith.index_cast %swap3A_901 : i32 to index
    %swap3A_904 = arith.constant 32 : index
    %swap3A_905 = tpu.vector_load %arg9[%swap3A_902, %swap3A_903, %swap3A_904] {strides = array<i32>} : memref<3x208x128xf32, #tpu.memory_space<vmem>>, vector<16xf32>,
    tpu.vector_store %arg9[%swap3A_902, %swap3A_903, %swap3A_904], %broadcast_in_dim3A_5 {strides = array<i32>} : memref<3x208x128xf32, #tpu.memory_space<vmem>>, vector<16xf32>,
    %swap3A_906 = arith.constant 2 : i32
    %swap3A_907 = arith.constant 202 : i32
    %swap3A_908 = arith.index_cast %swap3A_906 : i32 to index
    %swap3A_909 = arith.index_cast %swap3A_907 : i32 to index
    %swap3A_910 = arith.constant 48 : index
    %swap3A_911 = tpu.vector_load %arg9[%swap3A_908, %swap3A_909, %swap3A_910] {strides = array<i32>} : memref<3x208x128xf32, #tpu.memory_space<vmem>>, vector<16xf32>,
    tpu.vector_store %arg9[%swap3A_908, %swap3A_909, %swap3A_910], %broadcast_in_dim3A_5 {strides = array<i32>} : memref<3x208x128xf32, #tpu.memory_space<vmem>>, vector<16xf32>,
    %swap3A_912 = arith.constant 2 : i32
    %swap3A_913 = arith.constant 202 : i32
    %swap3A_914 = arith.index_cast %swap3A_912 : i32 to index
    %swap3A_915 = arith.index_cast %swap3A_913 : i32 to index
    %swap3A_916 = arith.constant 64 : index
    %swap3A_917 = tpu.vector_load %arg9[%swap3A_914, %swap3A_915, %swap3A_916] {strides = array<i32>} : memref<3x208x128xf32, #tpu.memory_space<vmem>>, vector<16xf32>,
    tpu.vector_store %arg9[%swap3A_914, %swap3A_915, %swap3A_916], %broadcast_in_dim3A_5 {strides = array<i32>} : memref<3x208x128xf32, #tpu.memory_space<vmem>>, vector<16xf32>,
    %swap3A_918 = arith.constant 2 : i32
    %swap3A_919 = arith.constant 202 : i32
    %swap3A_920 = arith.index_cast %swap3A_918 : i32 to index
    %swap3A_921 = arith.index_cast %swap3A_919 : i32 to index
    %swap3A_922 = arith.constant 80 : index
    %swap3A_923 = tpu.vector_load %arg9[%swap3A_920, %swap3A_921, %swap3A_922] {strides = array<i32>} : memref<3x208x128xf32, #tpu.memory_space<vmem>>, vector<16xf32>,
    tpu.vector_store %arg9[%swap3A_920, %swap3A_921, %swap3A_922], %broadcast_in_dim3A_5 {strides = array<i32>} : memref<3x208x128xf32, #tpu.memory_space<vmem>>, vector<16xf32>,
    %swap3A_924 = arith.constant 2 : i32
    %swap3A_925 = arith.constant 202 : i32
    %swap3A_926 = arith.index_cast %swap3A_924 : i32 to index
    %swap3A_927 = arith.index_cast %swap3A_925 : i32 to index
    %swap3A_928 = arith.constant 96 : index
    %swap3A_929 = tpu.vector_load %arg9[%swap3A_926, %swap3A_927, %swap3A_928] {strides = array<i32>} : memref<3x208x128xf32, #tpu.memory_space<vmem>>, vector<16xf32>,
    tpu.vector_store %arg9[%swap3A_926, %swap3A_927, %swap3A_928], %broadcast_in_dim3A_5 {strides = array<i32>} : memref<3x208x128xf32, #tpu.memory_space<vmem>>, vector<16xf32>,
    %swap3A_930 = arith.constant 2 : i32
    %swap3A_931 = arith.constant 202 : i32
    %swap3A_932 = arith.index_cast %swap3A_930 : i32 to index
    %swap3A_933 = arith.index_cast %swap3A_931 : i32 to index
    %swap3A_934 = arith.constant 112 : index
    %swap3A_935 = tpu.vector_load %arg9[%swap3A_932, %swap3A_933, %swap3A_934] {strides = array<i32>} : memref<3x208x128xf32, #tpu.memory_space<vmem>>, vector<16xf32>,
    tpu.vector_store %arg9[%swap3A_932, %swap3A_933, %swap3A_934], %broadcast_in_dim3A_5 {strides = array<i32>} : memref<3x208x128xf32, #tpu.memory_space<vmem>>, vector<16xf32>,
    %swap3A_936 = arith.constant 2 : i32
    %swap3A_937 = arith.constant 203 : i32
    %swap3A_938 = arith.index_cast %swap3A_936 : i32 to index
    %swap3A_939 = arith.index_cast %swap3A_937 : i32 to index
    %swap3A_940 = arith.constant 0 : index
    %swap3A_941 = tpu.vector_load %arg9[%swap3A_938, %swap3A_939, %swap3A_940] {strides = array<i32>} : memref<3x208x128xf32, #tpu.memory_space<vmem>>, vector<16xf32>,
    tpu.vector_store %arg9[%swap3A_938, %swap3A_939, %swap3A_940], %broadcast_in_dim3A_5 {strides = array<i32>} : memref<3x208x128xf32, #tpu.memory_space<vmem>>, vector<16xf32>,
    %swap3A_942 = arith.constant 2 : i32
    %swap3A_943 = arith.constant 203 : i32
    %swap3A_944 = arith.index_cast %swap3A_942 : i32 to index
    %swap3A_945 = arith.index_cast %swap3A_943 : i32 to index
    %swap3A_946 = arith.constant 16 : index
    %swap3A_947 = tpu.vector_load %arg9[%swap3A_944, %swap3A_945, %swap3A_946] {strides = array<i32>} : memref<3x208x128xf32, #tpu.memory_space<vmem>>, vector<16xf32>,
    tpu.vector_store %arg9[%swap3A_944, %swap3A_945, %swap3A_946], %broadcast_in_dim3A_5 {strides = array<i32>} : memref<3x208x128xf32, #tpu.memory_space<vmem>>, vector<16xf32>,
    %swap3A_948 = arith.constant 2 : i32
    %swap3A_949 = arith.constant 203 : i32
    %swap3A_950 = arith.index_cast %swap3A_948 : i32 to index
    %swap3A_951 = arith.index_cast %swap3A_949 : i32 to index
    %swap3A_952 = arith.constant 32 : index
    %swap3A_953 = tpu.vector_load %arg9[%swap3A_950, %swap3A_951, %swap3A_952] {strides = array<i32>} : memref<3x208x128xf32, #tpu.memory_space<vmem>>, vector<16xf32>,
    tpu.vector_store %arg9[%swap3A_950, %swap3A_951, %swap3A_952], %broadcast_in_dim3A_5 {strides = array<i32>} : memref<3x208x128xf32, #tpu.memory_space<vmem>>, vector<16xf32>,
    %swap3A_954 = arith.constant 2 : i32
    %swap3A_955 = arith.constant 203 : i32
    %swap3A_956 = arith.index_cast %swap3A_954 : i32 to index
    %swap3A_957 = arith.index_cast %swap3A_955 : i32 to index
    %swap3A_958 = arith.constant 48 : index
    %swap3A_959 = tpu.vector_load %arg9[%swap3A_956, %swap3A_957, %swap3A_958] {strides = array<i32>} : memref<3x208x128xf32, #tpu.memory_space<vmem>>, vector<16xf32>,
    tpu.vector_store %arg9[%swap3A_956, %swap3A_957, %swap3A_958], %broadcast_in_dim3A_5 {strides = array<i32>} : memref<3x208x128xf32, #tpu.memory_space<vmem>>, vector<16xf32>,
    %swap3A_960 = arith.constant 2 : i32
    %swap3A_961 = arith.constant 203 : i32
    %swap3A_962 = arith.index_cast %swap3A_960 : i32 to index
    %swap3A_963 = arith.index_cast %swap3A_961 : i32 to index
    %swap3A_964 = arith.constant 64 : index
    %swap3A_965 = tpu.vector_load %arg9[%swap3A_962, %swap3A_963, %swap3A_964] {strides = array<i32>} : memref<3x208x128xf32, #tpu.memory_space<vmem>>, vector<16xf32>,
    tpu.vector_store %arg9[%swap3A_962, %swap3A_963, %swap3A_964], %broadcast_in_dim3A_5 {strides = array<i32>} : memref<3x208x128xf32, #tpu.memory_space<vmem>>, vector<16xf32>,
    %swap3A_966 = arith.constant 2 : i32
    %swap3A_967 = arith.constant 203 : i32
    %swap3A_968 = arith.index_cast %swap3A_966 : i32 to index
    %swap3A_969 = arith.index_cast %swap3A_967 : i32 to index
    %swap3A_970 = arith.constant 80 : index
    %swap3A_971 = tpu.vector_load %arg9[%swap3A_968, %swap3A_969, %swap3A_970] {strides = array<i32>} : memref<3x208x128xf32, #tpu.memory_space<vmem>>, vector<16xf32>,
    tpu.vector_store %arg9[%swap3A_968, %swap3A_969, %swap3A_970], %broadcast_in_dim3A_5 {strides = array<i32>} : memref<3x208x128xf32, #tpu.memory_space<vmem>>, vector<16xf32>,
    %swap3A_972 = arith.constant 2 : i32
    %swap3A_973 = arith.constant 203 : i32
    %swap3A_974 = arith.index_cast %swap3A_972 : i32 to index
    %swap3A_975 = arith.index_cast %swap3A_973 : i32 to index
    %swap3A_976 = arith.constant 96 : index
    %swap3A_977 = tpu.vector_load %arg9[%swap3A_974, %swap3A_975, %swap3A_976] {strides = array<i32>} : memref<3x208x128xf32, #tpu.memory_space<vmem>>, vector<16xf32>,
    tpu.vector_store %arg9[%swap3A_974, %swap3A_975, %swap3A_976], %broadcast_in_dim3A_5 {strides = array<i32>} : memref<3x208x128xf32, #tpu.memory_space<vmem>>, vector<16xf32>,
    %swap3A_978 = arith.constant 2 : i32
    %swap3A_979 = arith.constant 203 : i32
    %swap3A_980 = arith.index_cast %swap3A_978 : i32 to index
    %swap3A_981 = arith.index_cast %swap3A_979 : i32 to index
    %swap3A_982 = arith.constant 112 : index
    %swap3A_983 = tpu.vector_load %arg9[%swap3A_980, %swap3A_981, %swap3A_982] {strides = array<i32>} : memref<3x208x128xf32, #tpu.memory_space<vmem>>, vector<16xf32>,
    tpu.vector_store %arg9[%swap3A_980, %swap3A_981, %swap3A_982], %broadcast_in_dim3A_5 {strides = array<i32>} : memref<3x208x128xf32, #tpu.memory_space<vmem>>, vector<16xf32>,
    %swap3A_984 = arith.constant 2 : i32
    %swap3A_985 = arith.constant 204 : i32
    %swap3A_986 = arith.index_cast %swap3A_984 : i32 to index
    %swap3A_987 = arith.index_cast %swap3A_985 : i32 to index
    %swap3A_988 = arith.constant 0 : index
    %swap3A_989 = tpu.vector_load %arg9[%swap3A_986, %swap3A_987, %swap3A_988] {strides = array<i32>} : memref<3x208x128xf32, #tpu.memory_space<vmem>>, vector<16xf32>,
    tpu.vector_store %arg9[%swap3A_986, %swap3A_987, %swap3A_988], %broadcast_in_dim3A_5 {strides = array<i32>} : memref<3x208x128xf32, #tpu.memory_space<vmem>>, vector<16xf32>,
    %swap3A_990 = arith.constant 2 : i32
    %swap3A_991 = arith.constant 204 : i32
    %swap3A_992 = arith.index_cast %swap3A_990 : i32 to index
    %swap3A_993 = arith.index_cast %swap3A_991 : i32 to index
    %swap3A_994 = arith.constant 16 : index
    %swap3A_995 = tpu.vector_load %arg9[%swap3A_992, %swap3A_993, %swap3A_994] {strides = array<i32>} : memref<3x208x128xf32, #tpu.memory_space<vmem>>, vector<16xf32>,
    tpu.vector_store %arg9[%swap3A_992, %swap3A_993, %swap3A_994], %broadcast_in_dim3A_5 {strides = array<i32>} : memref<3x208x128xf32, #tpu.memory_space<vmem>>, vector<16xf32>,
    %swap3A_996 = arith.constant 2 : i32
    %swap3A_997 = arith.constant 204 : i32
    %swap3A_998 = arith.index_cast %swap3A_996 : i32 to index
    %swap3A_999 = arith.index_cast %swap3A_997 : i32 to index
    %swap3A_1000 = arith.constant 32 : index
    %swap3A_1001 = tpu.vector_load %arg9[%swap3A_998, %swap3A_999, %swap3A_1000] {strides = array<i32>} : memref<3x208x128xf32, #tpu.memory_space<vmem>>, vector<16xf32>,
    tpu.vector_store %arg9[%swap3A_998, %swap3A_999, %swap3A_1000], %broadcast_in_dim3A_5 {strides = array<i32>} : memref<3x208x128xf32, #tpu.memory_space<vmem>>, vector<16xf32>,
    %swap3A_1002 = arith.constant 2 : i32
    %swap3A_1003 = arith.constant 204 : i32
    %swap3A_1004 = arith.index_cast %swap3A_1002 : i32 to index
    %swap3A_1005 = arith.index_cast %swap3A_1003 : i32 to index
    %swap3A_1006 = arith.constant 48 : index
    %swap3A_1007 = tpu.vector_load %arg9[%swap3A_1004, %swap3A_1005, %swap3A_1006] {strides = array<i32>} : memref<3x208x128xf32, #tpu.memory_space<vmem>>, vector<16xf32>,
    tpu.vector_store %arg9[%swap3A_1004, %swap3A_1005, %swap3A_1006], %broadcast_in_dim3A_5 {strides = array<i32>} : memref<3x208x128xf32, #tpu.memory_space<vmem>>, vector<16xf32>,
    %swap3A_1008 = arith.constant 2 : i32
    %swap3A_1009 = arith.constant 204 : i32
    %swap3A_1010 = arith.index_cast %swap3A_1008 : i32 to index
    %swap3A_1011 = arith.index_cast %swap3A_1009 : i32 to index
    %swap3A_1012 = arith.constant 64 : index
    %swap3A_1013 = tpu.vector_load %arg9[%swap3A_1010, %swap3A_1011, %swap3A_1012] {strides = array<i32>} : memref<3x208x128xf32, #tpu.memory_space<vmem>>, vector<16xf32>,
    tpu.vector_store %arg9[%swap3A_1010, %swap3A_1011, %swap3A_1012], %broadcast_in_dim3A_5 {strides = array<i32>} : memref<3x208x128xf32, #tpu.memory_space<vmem>>, vector<16xf32>,
    %swap3A_1014 = arith.constant 2 : i32
    %swap3A_1015 = arith.constant 204 : i32
    %swap3A_1016 = arith.index_cast %swap3A_1014 : i32 to index
    %swap3A_1017 = arith.index_cast %swap3A_1015 : i32 to index
    %swap3A_1018 = arith.constant 80 : index
    %swap3A_1019 = tpu.vector_load %arg9[%swap3A_1016, %swap3A_1017, %swap3A_1018] {strides = array<i32>} : memref<3x208x128xf32, #tpu.memory_space<vmem>>, vector<16xf32>,
    tpu.vector_store %arg9[%swap3A_1016, %swap3A_1017, %swap3A_1018], %broadcast_in_dim3A_5 {strides = array<i32>} : memref<3x208x128xf32, #tpu.memory_space<vmem>>, vector<16xf32>,
    %swap3A_1020 = arith.constant 2 : i32
    %swap3A_1021 = arith.constant 204 : i32
    %swap3A_1022 = arith.index_cast %swap3A_1020 : i32 to index
    %swap3A_1023 = arith.index_cast %swap3A_1021 : i32 to index
    %swap3A_1024 = arith.constant 96 : index
    %swap3A_1025 = tpu.vector_load %arg9[%swap3A_1022, %swap3A_1023, %swap3A_1024] {strides = array<i32>} : memref<3x208x128xf32, #tpu.memory_space<vmem>>, vector<16xf32>,
    tpu.vector_store %arg9[%swap3A_1022, %swap3A_1023, %swap3A_1024], %broadcast_in_dim3A_5 {strides = array<i32>} : memref<3x208x128xf32, #tpu.memory_space<vmem>>, vector<16xf32>,
    %swap3A_1026 = arith.constant 2 : i32
    %swap3A_1027 = arith.constant 204 : i32
    %swap3A_1028 = arith.index_cast %swap3A_1026 : i32 to index
    %swap3A_1029 = arith.index_cast %swap3A_1027 : i32 to index
    %swap3A_1030 = arith.constant 112 : index
    %swap3A_1031 = tpu.vector_load %arg9[%swap3A_1028, %swap3A_1029, %swap3A_1030] {strides = array<i32>} : memref<3x208x128xf32, #tpu.memory_space<vmem>>, vector<16xf32>,
    tpu.vector_store %arg9[%swap3A_1028, %swap3A_1029, %swap3A_1030], %broadcast_in_dim3A_5 {strides = array<i32>} : memref<3x208x128xf32, #tpu.memory_space<vmem>>, vector<16xf32>,
    %swap3A_1032 = arith.constant 2 : i32
    %swap3A_1033 = arith.constant 205 : i32
    %swap3A_1034 = arith.index_cast %swap3A_1032 : i32 to index
    %swap3A_1035 = arith.index_cast %swap3A_1033 : i32 to index
    %swap3A_1036 = arith.constant 0 : index
    %swap3A_1037 = tpu.vector_load %arg9[%swap3A_1034, %swap3A_1035, %swap3A_1036] {strides = array<i32>} : memref<3x208x128xf32, #tpu.memory_space<vmem>>, vector<16xf32>,
    tpu.vector_store %arg9[%swap3A_1034, %swap3A_1035, %swap3A_1036], %broadcast_in_dim3A_5 {strides = array<i32>} : memref<3x208x128xf32, #tpu.memory_space<vmem>>, vector<16xf32>,
    %swap3A_1038 = arith.constant 2 : i32
    %swap3A_1039 = arith.constant 205 : i32
    %swap3A_1040 = arith.index_cast %swap3A_1038 : i32 to index
    %swap3A_1041 = arith.index_cast %swap3A_1039 : i32 to index
    %swap3A_1042 = arith.constant 16 : index
    %swap3A_1043 = tpu.vector_load %arg9[%swap3A_1040, %swap3A_1041, %swap3A_1042] {strides = array<i32>} : memref<3x208x128xf32, #tpu.memory_space<vmem>>, vector<16xf32>,
    tpu.vector_store %arg9[%swap3A_1040, %swap3A_1041, %swap3A_1042], %broadcast_in_dim3A_5 {strides = array<i32>} : memref<3x208x128xf32, #tpu.memory_space<vmem>>, vector<16xf32>,
    %swap3A_1044 = arith.constant 2 : i32
    %swap3A_1045 = arith.constant 205 : i32
    %swap3A_1046 = arith.index_cast %swap3A_1044 : i32 to index
    %swap3A_1047 = arith.index_cast %swap3A_1045 : i32 to index
    %swap3A_1048 = arith.constant 32 : index
    %swap3A_1049 = tpu.vector_load %arg9[%swap3A_1046, %swap3A_1047, %swap3A_1048] {strides = array<i32>} : memref<3x208x128xf32, #tpu.memory_space<vmem>>, vector<16xf32>,
    tpu.vector_store %arg9[%swap3A_1046, %swap3A_1047, %swap3A_1048], %broadcast_in_dim3A_5 {strides = array<i32>} : memref<3x208x128xf32, #tpu.memory_space<vmem>>, vector<16xf32>,
    %swap3A_1050 = arith.constant 2 : i32
    %swap3A_1051 = arith.constant 205 : i32
    %swap3A_1052 = arith.index_cast %swap3A_1050 : i32 to index
    %swap3A_1053 = arith.index_cast %swap3A_1051 : i32 to index
    %swap3A_1054 = arith.constant 48 : index
    %swap3A_1055 = tpu.vector_load %arg9[%swap3A_1052, %swap3A_1053, %swap3A_1054] {strides = array<i32>} : memref<3x208x128xf32, #tpu.memory_space<vmem>>, vector<16xf32>,
    tpu.vector_store %arg9[%swap3A_1052, %swap3A_1053, %swap3A_1054], %broadcast_in_dim3A_5 {strides = array<i32>} : memref<3x208x128xf32, #tpu.memory_space<vmem>>, vector<16xf32>,
    %swap3A_1056 = arith.constant 2 : i32
    %swap3A_1057 = arith.constant 205 : i32
    %swap3A_1058 = arith.index_cast %swap3A_1056 : i32 to index
    %swap3A_1059 = arith.index_cast %swap3A_1057 : i32 to index
    %swap3A_1060 = arith.constant 64 : index
    %swap3A_1061 = tpu.vector_load %arg9[%swap3A_1058, %swap3A_1059, %swap3A_1060] {strides = array<i32>} : memref<3x208x128xf32, #tpu.memory_space<vmem>>, vector<16xf32>,
    tpu.vector_store %arg9[%swap3A_1058, %swap3A_1059, %swap3A_1060], %broadcast_in_dim3A_5 {strides = array<i32>} : memref<3x208x128xf32, #tpu.memory_space<vmem>>, vector<16xf32>,
    %swap3A_1062 = arith.constant 2 : i32
    %swap3A_1063 = arith.constant 205 : i32
    %swap3A_1064 = arith.index_cast %swap3A_1062 : i32 to index
    %swap3A_1065 = arith.index_cast %swap3A_1063 : i32 to index
    %swap3A_1066 = arith.constant 80 : index
    %swap3A_1067 = tpu.vector_load %arg9[%swap3A_1064, %swap3A_1065, %swap3A_1066] {strides = array<i32>} : memref<3x208x128xf32, #tpu.memory_space<vmem>>, vector<16xf32>,
    tpu.vector_store %arg9[%swap3A_1064, %swap3A_1065, %swap3A_1066], %broadcast_in_dim3A_5 {strides = array<i32>} : memref<3x208x128xf32, #tpu.memory_space<vmem>>, vector<16xf32>,
    %swap3A_1068 = arith.constant 2 : i32
    %swap3A_1069 = arith.constant 205 : i32
    %swap3A_1070 = arith.index_cast %swap3A_1068 : i32 to index
    %swap3A_1071 = arith.index_cast %swap3A_1069 : i32 to index
    %swap3A_1072 = arith.constant 96 : index
    %swap3A_1073 = tpu.vector_load %arg9[%swap3A_1070, %swap3A_1071, %swap3A_1072] {strides = array<i32>} : memref<3x208x128xf32, #tpu.memory_space<vmem>>, vector<16xf32>,
    tpu.vector_store %arg9[%swap3A_1070, %swap3A_1071, %swap3A_1072], %broadcast_in_dim3A_5 {strides = array<i32>} : memref<3x208x128xf32, #tpu.memory_space<vmem>>, vector<16xf32>,
    %swap3A_1074 = arith.constant 2 : i32
    %swap3A_1075 = arith.constant 205 : i32
    %swap3A_1076 = arith.index_cast %swap3A_1074 : i32 to index
    %swap3A_1077 = arith.index_cast %swap3A_1075 : i32 to index
    %swap3A_1078 = arith.constant 112 : index
    %swap3A_1079 = tpu.vector_load %arg9[%swap3A_1076, %swap3A_1077, %swap3A_1078] {strides = array<i32>} : memref<3x208x128xf32, #tpu.memory_space<vmem>>, vector<16xf32>,
    tpu.vector_store %arg9[%swap3A_1076, %swap3A_1077, %swap3A_1078], %broadcast_in_dim3A_5 {strides = array<i32>} : memref<3x208x128xf32, #tpu.memory_space<vmem>>, vector<16xf32>,
    %swap3A_1080 = arith.constant 2 : i32
    %swap3A_1081 = arith.constant 206 : i32
    %swap3A_1082 = arith.index_cast %swap3A_1080 : i32 to index
    %swap3A_1083 = arith.index_cast %swap3A_1081 : i32 to index
    %swap3A_1084 = arith.constant 0 : index
    %swap3A_1085 = tpu.vector_load %arg9[%swap3A_1082, %swap3A_1083, %swap3A_1084] {strides = array<i32>} : memref<3x208x128xf32, #tpu.memory_space<vmem>>, vector<16xf32>,
    tpu.vector_store %arg9[%swap3A_1082, %swap3A_1083, %swap3A_1084], %broadcast_in_dim3A_5 {strides = array<i32>} : memref<3x208x128xf32, #tpu.memory_space<vmem>>, vector<16xf32>,
    %swap3A_1086 = arith.constant 2 : i32
    %swap3A_1087 = arith.constant 206 : i32
    %swap3A_1088 = arith.index_cast %swap3A_1086 : i32 to index
    %swap3A_1089 = arith.index_cast %swap3A_1087 : i32 to index
    %swap3A_1090 = arith.constant 16 : index
    %swap3A_1091 = tpu.vector_load %arg9[%swap3A_1088, %swap3A_1089, %swap3A_1090] {strides = array<i32>} : memref<3x208x128xf32, #tpu.memory_space<vmem>>, vector<16xf32>,
    tpu.vector_store %arg9[%swap3A_1088, %swap3A_1089, %swap3A_1090], %broadcast_in_dim3A_5 {strides = array<i32>} : memref<3x208x128xf32, #tpu.memory_space<vmem>>, vector<16xf32>,
    %swap3A_1092 = arith.constant 2 : i32
    %swap3A_1093 = arith.constant 206 : i32
    %swap3A_1094 = arith.index_cast %swap3A_1092 : i32 to index
    %swap3A_1095 = arith.index_cast %swap3A_1093 : i32 to index
    %swap3A_1096 = arith.constant 32 : index
    %swap3A_1097 = tpu.vector_load %arg9[%swap3A_1094, %swap3A_1095, %swap3A_1096] {strides = array<i32>} : memref<3x208x128xf32, #tpu.memory_space<vmem>>, vector<16xf32>,
    tpu.vector_store %arg9[%swap3A_1094, %swap3A_1095, %swap3A_1096], %broadcast_in_dim3A_5 {strides = array<i32>} : memref<3x208x128xf32, #tpu.memory_space<vmem>>, vector<16xf32>,
    %swap3A_1098 = arith.constant 2 : i32
    %swap3A_1099 = arith.constant 206 : i32
    %swap3A_1100 = arith.index_cast %swap3A_1098 : i32 to index
    %swap3A_1101 = arith.index_cast %swap3A_1099 : i32 to index
    %swap3A_1102 = arith.constant 48 : index
    %swap3A_1103 = tpu.vector_load %arg9[%swap3A_1100, %swap3A_1101, %swap3A_1102] {strides = array<i32>} : memref<3x208x128xf32, #tpu.memory_space<vmem>>, vector<16xf32>,
    tpu.vector_store %arg9[%swap3A_1100, %swap3A_1101, %swap3A_1102], %broadcast_in_dim3A_5 {strides = array<i32>} : memref<3x208x128xf32, #tpu.memory_space<vmem>>, vector<16xf32>,
    %swap3A_1104 = arith.constant 2 : i32
    %swap3A_1105 = arith.constant 206 : i32
    %swap3A_1106 = arith.index_cast %swap3A_1104 : i32 to index
    %swap3A_1107 = arith.index_cast %swap3A_1105 : i32 to index
    %swap3A_1108 = arith.constant 64 : index
    %swap3A_1109 = tpu.vector_load %arg9[%swap3A_1106, %swap3A_1107, %swap3A_1108] {strides = array<i32>} : memref<3x208x128xf32, #tpu.memory_space<vmem>>, vector<16xf32>,
    tpu.vector_store %arg9[%swap3A_1106, %swap3A_1107, %swap3A_1108], %broadcast_in_dim3A_5 {strides = array<i32>} : memref<3x208x128xf32, #tpu.memory_space<vmem>>, vector<16xf32>,
    %swap3A_1110 = arith.constant 2 : i32
    %swap3A_1111 = arith.constant 206 : i32
    %swap3A_1112 = arith.index_cast %swap3A_1110 : i32 to index
    %swap3A_1113 = arith.index_cast %swap3A_1111 : i32 to index
    %swap3A_1114 = arith.constant 80 : index
    %swap3A_1115 = tpu.vector_load %arg9[%swap3A_1112, %swap3A_1113, %swap3A_1114] {strides = array<i32>} : memref<3x208x128xf32, #tpu.memory_space<vmem>>, vector<16xf32>,
    tpu.vector_store %arg9[%swap3A_1112, %swap3A_1113, %swap3A_1114], %broadcast_in_dim3A_5 {strides = array<i32>} : memref<3x208x128xf32, #tpu.memory_space<vmem>>, vector<16xf32>,
    %swap3A_1116 = arith.constant 2 : i32
    %swap3A_1117 = arith.constant 206 : i32
    %swap3A_1118 = arith.index_cast %swap3A_1116 : i32 to index
    %swap3A_1119 = arith.index_cast %swap3A_1117 : i32 to index
    %swap3A_1120 = arith.constant 96 : index
    %swap3A_1121 = tpu.vector_load %arg9[%swap3A_1118, %swap3A_1119, %swap3A_1120] {strides = array<i32>} : memref<3x208x128xf32, #tpu.memory_space<vmem>>, vector<16xf32>,
    tpu.vector_store %arg9[%swap3A_1118, %swap3A_1119, %swap3A_1120], %broadcast_in_dim3A_5 {strides = array<i32>} : memref<3x208x128xf32, #tpu.memory_space<vmem>>, vector<16xf32>,
    %swap3A_1122 = arith.constant 2 : i32
    %swap3A_1123 = arith.constant 206 : i32
    %swap3A_1124 = arith.index_cast %swap3A_1122 : i32 to index
    %swap3A_1125 = arith.index_cast %swap3A_1123 : i32 to index
    %swap3A_1126 = arith.constant 112 : index
    %swap3A_1127 = tpu.vector_load %arg9[%swap3A_1124, %swap3A_1125, %swap3A_1126] {strides = array<i32>} : memref<3x208x128xf32, #tpu.memory_space<vmem>>, vector<16xf32>,
    tpu.vector_store %arg9[%swap3A_1124, %swap3A_1125, %swap3A_1126], %broadcast_in_dim3A_5 {strides = array<i32>} : memref<3x208x128xf32, #tpu.memory_space<vmem>>, vector<16xf32>,
    %swap3A_1128 = arith.constant 2 : i32
    %swap3A_1129 = arith.constant 207 : i32
    %swap3A_1130 = arith.index_cast %swap3A_1128 : i32 to index
    %swap3A_1131 = arith.index_cast %swap3A_1129 : i32 to index
    %swap3A_1132 = arith.constant 0 : index
    %swap3A_1133 = tpu.vector_load %arg9[%swap3A_1130, %swap3A_1131, %swap3A_1132] {strides = array<i32>} : memref<3x208x128xf32, #tpu.memory_space<vmem>>, vector<16xf32>,
    tpu.vector_store %arg9[%swap3A_1130, %swap3A_1131, %swap3A_1132], %broadcast_in_dim3A_5 {strides = array<i32>} : memref<3x208x128xf32, #tpu.memory_space<vmem>>, vector<16xf32>,
    %swap3A_1134 = arith.constant 2 : i32
    %swap3A_1135 = arith.constant 207 : i32
    %swap3A_1136 = arith.index_cast %swap3A_1134 : i32 to index
    %swap3A_1137 = arith.index_cast %swap3A_1135 : i32 to index
    %swap3A_1138 = arith.constant 16 : index
    %swap3A_1139 = tpu.vector_load %arg9[%swap3A_1136, %swap3A_1137, %swap3A_1138] {strides = array<i32>} : memref<3x208x128xf32, #tpu.memory_space<vmem>>, vector<16xf32>,
    tpu.vector_store %arg9[%swap3A_1136, %swap3A_1137, %swap3A_1138], %broadcast_in_dim3A_5 {strides = array<i32>} : memref<3x208x128xf32, #tpu.memory_space<vmem>>, vector<16xf32>,
    %swap3A_1140 = arith.constant 2 : i32
    %swap3A_1141 = arith.constant 207 : i32
    %swap3A_1142 = arith.index_cast %swap3A_1140 : i32 to index
    %swap3A_1143 = arith.index_cast %swap3A_1141 : i32 to index
    %swap3A_1144 = arith.constant 32 : index
    %swap3A_1145 = tpu.vector_load %arg9[%swap3A_1142, %swap3A_1143, %swap3A_1144] {strides = array<i32>} : memref<3x208x128xf32, #tpu.memory_space<vmem>>, vector<16xf32>,
    tpu.vector_store %arg9[%swap3A_1142, %swap3A_1143, %swap3A_1144], %broadcast_in_dim3A_5 {strides = array<i32>} : memref<3x208x128xf32, #tpu.memory_space<vmem>>, vector<16xf32>,
    %swap3A_1146 = arith.constant 2 : i32
    %swap3A_1147 = arith.constant 207 : i32
    %swap3A_1148 = arith.index_cast %swap3A_1146 : i32 to index
    %swap3A_1149 = arith.index_cast %swap3A_1147 : i32 to index
    %swap3A_1150 = arith.constant 48 : index
    %swap3A_1151 = tpu.vector_load %arg9[%swap3A_1148, %swap3A_1149, %swap3A_1150] {strides = array<i32>} : memref<3x208x128xf32, #tpu.memory_space<vmem>>, vector<16xf32>,
    tpu.vector_store %arg9[%swap3A_1148, %swap3A_1149, %swap3A_1150], %broadcast_in_dim3A_5 {strides = array<i32>} : memref<3x208x128xf32, #tpu.memory_space<vmem>>, vector<16xf32>,
    %swap3A_1152 = arith.constant 2 : i32
    %swap3A_1153 = arith.constant 207 : i32
    %swap3A_1154 = arith.index_cast %swap3A_1152 : i32 to index
    %swap3A_1155 = arith.index_cast %swap3A_1153 : i32 to index
    %swap3A_1156 = arith.constant 64 : index
    %swap3A_1157 = tpu.vector_load %arg9[%swap3A_1154, %swap3A_1155, %swap3A_1156] {strides = array<i32>} : memref<3x208x128xf32, #tpu.memory_space<vmem>>, vector<16xf32>,
    tpu.vector_store %arg9[%swap3A_1154, %swap3A_1155, %swap3A_1156], %broadcast_in_dim3A_5 {strides = array<i32>} : memref<3x208x128xf32, #tpu.memory_space<vmem>>, vector<16xf32>,
    %swap3A_1158 = arith.constant 2 : i32
    %swap3A_1159 = arith.constant 207 : i32
    %swap3A_1160 = arith.index_cast %swap3A_1158 : i32 to index
    %swap3A_1161 = arith.index_cast %swap3A_1159 : i32 to index
    %swap3A_1162 = arith.constant 80 : index
    %swap3A_1163 = tpu.vector_load %arg9[%swap3A_1160, %swap3A_1161, %swap3A_1162] {strides = array<i32>} : memref<3x208x128xf32, #tpu.memory_space<vmem>>, vector<16xf32>,
    tpu.vector_store %arg9[%swap3A_1160, %swap3A_1161, %swap3A_1162], %broadcast_in_dim3A_5 {strides = array<i32>} : memref<3x208x128xf32, #tpu.memory_space<vmem>>, vector<16xf32>,
    %swap3A_1164 = arith.constant 2 : i32
    %swap3A_1165 = arith.constant 207 : i32
    %swap3A_1166 = arith.index_cast %swap3A_1164 : i32 to index
    %swap3A_1167 = arith.index_cast %swap3A_1165 : i32 to index
    %swap3A_1168 = arith.constant 96 : index
    %swap3A_1169 = tpu.vector_load %arg9[%swap3A_1166, %swap3A_1167, %swap3A_1168] {strides = array<i32>} : memref<3x208x128xf32, #tpu.memory_space<vmem>>, vector<16xf32>,
    tpu.vector_store %arg9[%swap3A_1166, %swap3A_1167, %swap3A_1168], %broadcast_in_dim3A_5 {strides = array<i32>} : memref<3x208x128xf32, #tpu.memory_space<vmem>>, vector<16xf32>,
    %swap3A_1170 = arith.constant 2 : i32
    %swap3A_1171 = arith.constant 207 : i32
    %swap3A_1172 = arith.index_cast %swap3A_1170 : i32 to index
    %swap3A_1173 = arith.index_cast %swap3A_1171 : i32 to index
    %swap3A_1174 = arith.constant 112 : index
    %swap3A_1175 = tpu.vector_load %arg9[%swap3A_1172, %swap3A_1173, %swap3A_1174] {strides = array<i32>} : memref<3x208x128xf32, #tpu.memory_space<vmem>>, vector<16xf32>,
    tpu.vector_store %arg9[%swap3A_1172, %swap3A_1173, %swap3A_1174], %broadcast_in_dim3A_5 {strides = array<i32>} : memref<3x208x128xf32, #tpu.memory_space<vmem>>, vector<16xf32>,
    %dma_start3A = arith.constant 0 : i32
    %dma_start3A_1176 = arith.constant 0 : i32
    %dma_start3A_1177 = arith.constant 0 : i32
    %dma_start3A_1178 = tpu.memref_slice %arg9[%dma_start3A, %dma_start3A_1176, %dma_start3A_1177] : memref<3x208x128xf32, #tpu.memory_space<vmem>> -> memref<1x200x128xf32, #tpu.memory_space<vmem>>
    %dma_start3A_1179 = tpu.memref_squeeze %dma_start3A_1178 : memref<1x200x128xf32, #tpu.memory_space<vmem>> -> memref<200x128xf32, #tpu.memory_space<vmem>>
    %dma_start3A_1180 = arith.constant 0 : i32
    %dma_start3A_1181 = arith.constant 0 : i32
    %dma_start3A_1182 = tpu.memref_slice %arg3[%add3A_4, %dma_start3A_1180, %dma_start3A_1181] : memref<1024x200x128xf32, #tpu.memory_space<hbm>> -> memref<1x200x128xf32, #tpu.memory_space<hbm>>
    %dma_start3A_1183 = tpu.memref_squeeze %dma_start3A_1182 : memref<1x200x128xf32, #tpu.memory_space<hbm>> -> memref<200x128xf32, #tpu.memory_space<hbm>>
    %dma_start3A_1184 = arith.constant 0 : i32
    %dma_start3A_1185 = arith.constant 0 : i32
    %dma_start3A_1186 = tpu.memref_slice %arg9[%dma_start3A, %dma_start3A_1184, %dma_start3A_1185] : memref<3x208x128xf32, #tpu.memory_space<vmem>> -> memref<1x200x128xf32, #tpu.memory_space<vmem>>
    %dma_start3A_1187 = tpu.memref_squeeze %dma_start3A_1186 : memref<1x200x128xf32, #tpu.memory_space<vmem>> -> memref<200x128xf32, #tpu.memory_space<vmem>>
    %dma_start3A_1188 = arith.constant 0 : i32
    %dma_start3A_1189 = arith.constant 0 : i32
    %dma_start3A_1190 = tpu.memref_slice %arg3[%add3A_4, %dma_start3A_1188, %dma_start3A_1189] : memref<1024x200x128xf32, #tpu.memory_space<hbm>> -> memref<1x200x128xf32, #tpu.memory_space<hbm>>
    %dma_start3A_1191 = tpu.memref_squeeze %dma_start3A_1190 : memref<1x200x128xf32, #tpu.memory_space<hbm>> -> memref<200x128xf32, #tpu.memory_space<hbm>>
    tpu.enqueue_dma source(%dma_start3A_1191 : memref<200x128xf32, #tpu.memory_space<hbm>>) target(%dma_start3A_1187 : memref<200x128xf32, #tpu.memory_space<vmem>>) target_semaphore(%arg13 : memref<!tpu.dma_semaphore, #tpu.memory_space<semaphore_mem>>)
    %dma_start3A_1192 = arith.constant 1 : i32
    %dma_start3A_1193 = arith.constant 0 : i32
    %dma_start3A_1194 = arith.constant 0 : i32
    %dma_start3A_1195 = tpu.memref_slice %arg9[%dma_start3A_1192, %dma_start3A_1193, %dma_start3A_1194] : memref<3x208x128xf32, #tpu.memory_space<vmem>> -> memref<1x200x128xf32, #tpu.memory_space<vmem>>
    %dma_start3A_1196 = tpu.memref_squeeze %dma_start3A_1195 : memref<1x200x128xf32, #tpu.memory_space<vmem>> -> memref<200x128xf32, #tpu.memory_space<vmem>>
    %dma_start3A_1197 = arith.constant 0 : i32
    %dma_start3A_1198 = arith.constant 0 : i32
    %dma_start3A_1199 = tpu.memref_slice %arg4[%add3A_4, %dma_start3A_1197, %dma_start3A_1198] : memref<1024x200x128xf32, #tpu.memory_space<hbm>> -> memref<1x200x128xf32, #tpu.memory_space<hbm>>
    %dma_start3A_1200 = tpu.memref_squeeze %dma_start3A_1199 : memref<1x200x128xf32, #tpu.memory_space<hbm>> -> memref<200x128xf32, #tpu.memory_space<hbm>>
    %dma_start3A_1201 = arith.constant 0 : i32
    %dma_start3A_1202 = arith.constant 0 : i32
    %dma_start3A_1203 = tpu.memref_slice %arg9[%dma_start3A_1192, %dma_start3A_1201, %dma_start3A_1202] : memref<3x208x128xf32, #tpu.memory_space<vmem>> -> memref<1x200x128xf32, #tpu.memory_space<vmem>>
    %dma_start3A_1204 = tpu.memref_squeeze %dma_start3A_1203 : memref<1x200x128xf32, #tpu.memory_space<vmem>> -> memref<200x128xf32, #tpu.memory_space<vmem>>
    %dma_start3A_1205 = arith.constant 0 : i32
    %dma_start3A_1206 = arith.constant 0 : i32
    %dma_start3A_1207 = tpu.memref_slice %arg4[%add3A_4, %dma_start3A_1205, %dma_start3A_1206] : memref<1024x200x128xf32, #tpu.memory_space<hbm>> -> memref<1x200x128xf32, #tpu.memory_space<hbm>>
    %dma_start3A_1208 = tpu.memref_squeeze %dma_start3A_1207 : memref<1x200x128xf32, #tpu.memory_space<hbm>> -> memref<200x128xf32, #tpu.memory_space<hbm>>
    tpu.enqueue_dma source(%dma_start3A_1208 : memref<200x128xf32, #tpu.memory_space<hbm>>) target(%dma_start3A_1204 : memref<200x128xf32, #tpu.memory_space<vmem>>) target_semaphore(%arg14 : memref<!tpu.dma_semaphore, #tpu.memory_space<semaphore_mem>>)
    %dma_start3A_1209 = arith.constant 2 : i32
    %dma_start3A_1210 = arith.constant 0 : i32
    %dma_start3A_1211 = arith.constant 0 : i32
    %dma_start3A_1212 = tpu.memref_slice %arg9[%dma_start3A_1209, %dma_start3A_1210, %dma_start3A_1211] : memref<3x208x128xf32, #tpu.memory_space<vmem>> -> memref<1x200x128xf32, #tpu.memory_space<vmem>>
    %dma_start3A_1213 = tpu.memref_squeeze %dma_start3A_1212 : memref<1x200x128xf32, #tpu.memory_space<vmem>> -> memref<200x128xf32, #tpu.memory_space<vmem>>
    %dma_start3A_1214 = arith.constant 0 : i32
    %dma_start3A_1215 = arith.constant 0 : i32
    %dma_start3A_1216 = tpu.memref_slice %arg5[%add3A_4, %dma_start3A_1214, %dma_start3A_1215] : memref<1024x200x128xf32, #tpu.memory_space<hbm>> -> memref<1x200x128xf32, #tpu.memory_space<hbm>>
    %dma_start3A_1217 = tpu.memref_squeeze %dma_start3A_1216 : memref<1x200x128xf32, #tpu.memory_space<hbm>> -> memref<200x128xf32, #tpu.memory_space<hbm>>
    %dma_start3A_1218 = arith.constant 0 : i32
    %dma_start3A_1219 = arith.constant 0 : i32
    %dma_start3A_1220 = tpu.memref_slice %arg9[%dma_start3A_1209, %dma_start3A_1218, %dma_start3A_1219] : memref<3x208x128xf32, #tpu.memory_space<vmem>> -> memref<1x200x128xf32, #tpu.memory_space<vmem>>
    %dma_start3A_1221 = tpu.memref_squeeze %dma_start3A_1220 : memref<1x200x128xf32, #tpu.memory_space<vmem>> -> memref<200x128xf32, #tpu.memory_space<vmem>>
    %dma_start3A_1222 = arith.constant 0 : i32
    %dma_start3A_1223 = arith.constant 0 : i32
    %dma_start3A_1224 = tpu.memref_slice %arg5[%add3A_4, %dma_start3A_1222, %dma_start3A_1223] : memref<1024x200x128xf32, #tpu.memory_space<hbm>> -> memref<1x200x128xf32, #tpu.memory_space<hbm>>
    %dma_start3A_1225 = tpu.memref_squeeze %dma_start3A_1224 : memref<1x200x128xf32, #tpu.memory_space<hbm>> -> memref<200x128xf32, #tpu.memory_space<hbm>>
    tpu.enqueue_dma source(%dma_start3A_1225 : memref<200x128xf32, #tpu.memory_space<hbm>>) target(%dma_start3A_1221 : memref<200x128xf32, #tpu.memory_space<vmem>>) target_semaphore(%arg15 : memref<!tpu.dma_semaphore, #tpu.memory_space<semaphore_mem>>)
    %scan3A = arith.constant 0 : i32
    %scan3A_1226 = arith.constant 0 : i32
    %scan3A_1227 = arith.constant 21 : i32
    %scan3A_1228 = arith.addi %scan3A_1226, %scan3A_1227 : i32
    %scan3A_1229 = arith.constant 1 : i32
    %scan3A_1230 = scf.for %scan3A_1295 = %scan3A_1226 to %scan3A_1228 step %scan3A_1229 iter_args(%scan3A_1296 = %scan3A) -> (i32)  : i32 {
      %add3A_1297 = arith.addi %add3A_4, %scan3A_1295 : i32
      %sub3A_1298 = arith.constant 352 : i32
      %sub3A_1299 = arith.subi %add3A_4, %sub3A_1298 : i32
      %add3A_1300 = arith.addi %sub3A_1299, %scan3A_1295 : i32
      %rem3A_1301 = arith.constant 2 : i32
      %rem3A_1302 = arith.remsi %scan3A_1295, %rem3A_1301 : i32
      %add3A_1303 = arith.addi %scan3A_1295, %sub3A_24 : i32
      %get3A = arith.index_cast %add3A_1303 : i32 to index
      %get3A_1304 = arith.constant 208 : index
      %get3A_1305 = tpu.vector_load %arg8[%get3A, %get3A_1304] {strides = array<i32>} : memref<32x336xf32, #tpu.memory_space<vmem>>, vector<16xf32>,
      %get3A_1306 = arith.index_cast %add3A_1303 : i32 to index
      %get3A_1307 = arith.constant 224 : index
      %get3A_1308 = tpu.vector_load %arg8[%get3A_1306, %get3A_1307] {strides = array<i32>} : memref<32x336xf32, #tpu.memory_space<vmem>>, vector<16xf32>,
      %get3A_1309 = arith.index_cast %add3A_1303 : i32 to index
      %get3A_1310 = arith.constant 240 : index
      %get3A_1311 = tpu.vector_load %arg8[%get3A_1309, %get3A_1310] {strides = array<i32>} : memref<32x336xf32, #tpu.memory_space<vmem>>, vector<16xf32>,
      %get3A_1312 = arith.index_cast %add3A_1303 : i32 to index
      %get3A_1313 = arith.constant 256 : index
      %get3A_1314 = tpu.vector_load %arg8[%get3A_1312, %get3A_1313] {strides = array<i32>} : memref<32x336xf32, #tpu.memory_space<vmem>>, vector<16xf32>,
      %get3A_1315 = arith.index_cast %add3A_1303 : i32 to index
      %get3A_1316 = arith.constant 272 : index
      %get3A_1317 = tpu.vector_load %arg8[%get3A_1315, %get3A_1316] {strides = array<i32>} : memref<32x336xf32, #tpu.memory_space<vmem>>, vector<16xf32>,
      %get3A_1318 = arith.index_cast %add3A_1303 : i32 to index
      %get3A_1319 = arith.constant 288 : index
      %get3A_1320 = tpu.vector_load %arg8[%get3A_1318, %get3A_1319] {strides = array<i32>} : memref<32x336xf32, #tpu.memory_space<vmem>>, vector<16xf32>,
      %get3A_1321 = arith.index_cast %add3A_1303 : i32 to index
      %get3A_1322 = arith.constant 304 : index
      %get3A_1323 = tpu.vector_load %arg8[%get3A_1321, %get3A_1322] {strides = array<i32>} : memref<32x336xf32, #tpu.memory_space<vmem>>, vector<16xf32>,
      %get3A_1324 = arith.index_cast %add3A_1303 : i32 to index
      %get3A_1325 = arith.constant 320 : index
      %get3A_1326 = tpu.vector_load %arg8[%get3A_1324, %get3A_1325] {strides = array<i32>} : memref<32x336xf32, #tpu.memory_space<vmem>>, vector<16xf32>,
      %dma_wait3A_1327 = arith.constant 0 : i32
      %dma_wait3A_1328 = arith.constant 0 : i32
      %dma_wait3A_1329 = arith.constant 0 : i32
      %dma_wait3A_1330 = arith.constant 0 : i32
      %dma_wait3A_1331 = tpu.memref_slice %arg9[%dma_wait3A_1328, %dma_wait3A_1329, %dma_wait3A_1330] : memref<3x208x128xf32, #tpu.memory_space<vmem>> -> memref<1x200x128xf32, #tpu.memory_space<vmem>>
      %dma_wait3A_1332 = tpu.memref_squeeze %dma_wait3A_1331 : memref<1x200x128xf32, #tpu.memory_space<vmem>> -> memref<200x128xf32, #tpu.memory_space<vmem>>
      %dma_wait3A_1333 = arith.constant 0 : i32
      %dma_wait3A_1334 = arith.constant 0 : i32
      %dma_wait3A_1335 = tpu.memref_slice %arg3[%dma_wait3A_1327, %dma_wait3A_1333, %dma_wait3A_1334] : memref<1024x200x128xf32, #tpu.memory_space<hbm>> -> memref<1x200x128xf32, #tpu.memory_space<hbm>>
      %dma_wait3A_1336 = tpu.memref_squeeze %dma_wait3A_1335 : memref<1x200x128xf32, #tpu.memory_space<hbm>> -> memref<200x128xf32, #tpu.memory_space<hbm>>
      %dma_wait3A_1337 = arith.constant 0 : i32
      %dma_wait3A_1338 = arith.constant 0 : i32
      %dma_wait3A_1339 = tpu.memref_slice %arg9[%dma_wait3A_1328, %dma_wait3A_1337, %dma_wait3A_1338] : memref<3x208x128xf32, #tpu.memory_space<vmem>> -> memref<1x200x128xf32, #tpu.memory_space<vmem>>
      %dma_wait3A_1340 = tpu.memref_squeeze %dma_wait3A_1339 : memref<1x200x128xf32, #tpu.memory_space<vmem>> -> memref<200x128xf32, #tpu.memory_space<vmem>>
      %dma_wait3A_1341 = arith.constant 0 : i32
      %dma_wait3A_1342 = arith.constant 0 : i32
      %dma_wait3A_1343 = tpu.memref_slice %arg3[%dma_wait3A_1327, %dma_wait3A_1341, %dma_wait3A_1342] : memref<1024x200x128xf32, #tpu.memory_space<hbm>> -> memref<1x200x128xf32, #tpu.memory_space<hbm>>
      %dma_wait3A_1344 = tpu.memref_squeeze %dma_wait3A_1343 : memref<1x200x128xf32, #tpu.memory_space<hbm>> -> memref<200x128xf32, #tpu.memory_space<hbm>>
      tpu.wait_dma2 semaphore(%arg13 : memref<!tpu.dma_semaphore, #tpu.memory_space<semaphore_mem>>) src(%dma_wait3A_1344 : memref<200x128xf32, #tpu.memory_space<hbm>>) dst(%dma_wait3A_1340 : memref<200x128xf32, #tpu.memory_space<vmem>>)
      %dma_wait3A_1345 = arith.constant 0 : i32
      %dma_wait3A_1346 = arith.constant 1 : i32
      %dma_wait3A_1347 = arith.constant 0 : i32
      %dma_wait3A_1348 = arith.constant 0 : i32
      %dma_wait3A_1349 = tpu.memref_slice %arg9[%dma_wait3A_1346, %dma_wait3A_1347, %dma_wait3A_1348] : memref<3x208x128xf32, #tpu.memory_space<vmem>> -> memref<1x200x128xf32, #tpu.memory_space<vmem>>
      %dma_wait3A_1350 = tpu.memref_squeeze %dma_wait3A_1349 : memref<1x200x128xf32, #tpu.memory_space<vmem>> -> memref<200x128xf32, #tpu.memory_space<vmem>>
      %dma_wait3A_1351 = arith.constant 0 : i32
      %dma_wait3A_1352 = arith.constant 0 : i32
      %dma_wait3A_1353 = tpu.memref_slice %arg4[%dma_wait3A_1345, %dma_wait3A_1351, %dma_wait3A_1352] : memref<1024x200x128xf32, #tpu.memory_space<hbm>> -> memref<1x200x128xf32, #tpu.memory_space<hbm>>
      %dma_wait3A_1354 = tpu.memref_squeeze %dma_wait3A_1353 : memref<1x200x128xf32, #tpu.memory_space<hbm>> -> memref<200x128xf32, #tpu.memory_space<hbm>>
      %dma_wait3A_1355 = arith.constant 0 : i32
      %dma_wait3A_1356 = arith.constant 0 : i32
      %dma_wait3A_1357 = tpu.memref_slice %arg9[%dma_wait3A_1346, %dma_wait3A_1355, %dma_wait3A_1356] : memref<3x208x128xf32, #tpu.memory_space<vmem>> -> memref<1x200x128xf32, #tpu.memory_space<vmem>>
      %dma_wait3A_1358 = tpu.memref_squeeze %dma_wait3A_1357 : memref<1x200x128xf32, #tpu.memory_space<vmem>> -> memref<200x128xf32, #tpu.memory_space<vmem>>
      %dma_wait3A_1359 = arith.constant 0 : i32
      %dma_wait3A_1360 = arith.constant 0 : i32
      %dma_wait3A_1361 = tpu.memref_slice %arg4[%dma_wait3A_1345, %dma_wait3A_1359, %dma_wait3A_1360] : memref<1024x200x128xf32, #tpu.memory_space<hbm>> -> memref<1x200x128xf32, #tpu.memory_space<hbm>>
      %dma_wait3A_1362 = tpu.memref_squeeze %dma_wait3A_1361 : memref<1x200x128xf32, #tpu.memory_space<hbm>> -> memref<200x128xf32, #tpu.memory_space<hbm>>
      tpu.wait_dma2 semaphore(%arg14 : memref<!tpu.dma_semaphore, #tpu.memory_space<semaphore_mem>>) src(%dma_wait3A_1362 : memref<200x128xf32, #tpu.memory_space<hbm>>) dst(%dma_wait3A_1358 : memref<200x128xf32, #tpu.memory_space<vmem>>)
      %dma_wait3A_1363 = arith.constant 0 : i32
      %dma_wait3A_1364 = arith.constant 2 : i32
      %dma_wait3A_1365 = arith.constant 0 : i32
      %dma_wait3A_1366 = arith.constant 0 : i32
      %dma_wait3A_1367 = tpu.memref_slice %arg9[%dma_wait3A_1364, %dma_wait3A_1365, %dma_wait3A_1366] : memref<3x208x128xf32, #tpu.memory_space<vmem>> -> memref<1x200x128xf32, #tpu.memory_space<vmem>>
      %dma_wait3A_1368 = tpu.memref_squeeze %dma_wait3A_1367 : memref<1x200x128xf32, #tpu.memory_space<vmem>> -> memref<200x128xf32, #tpu.memory_space<vmem>>
      %dma_wait3A_1369 = arith.constant 0 : i32
      %dma_wait3A_1370 = arith.constant 0 : i32
      %dma_wait3A_1371 = tpu.memref_slice %arg5[%dma_wait3A_1363, %dma_wait3A_1369, %dma_wait3A_1370] : memref<1024x200x128xf32, #tpu.memory_space<hbm>> -> memref<1x200x128xf32, #tpu.memory_space<hbm>>
      %dma_wait3A_1372 = tpu.memref_squeeze %dma_wait3A_1371 : memref<1x200x128xf32, #tpu.memory_space<hbm>> -> memref<200x128xf32, #tpu.memory_space<hbm>>
      %dma_wait3A_1373 = arith.constant 0 : i32
      %dma_wait3A_1374 = arith.constant 0 : i32
      %dma_wait3A_1375 = tpu.memref_slice %arg9[%dma_wait3A_1364, %dma_wait3A_1373, %dma_wait3A_1374] : memref<3x208x128xf32, #tpu.memory_space<vmem>> -> memref<1x200x128xf32, #tpu.memory_space<vmem>>
      %dma_wait3A_1376 = tpu.memref_squeeze %dma_wait3A_1375 : memref<1x200x128xf32, #tpu.memory_space<vmem>> -> memref<200x128xf32, #tpu.memory_space<vmem>>
      %dma_wait3A_1377 = arith.constant 0 : i32
      %dma_wait3A_1378 = arith.constant 0 : i32
      %dma_wait3A_1379 = tpu.memref_slice %arg5[%dma_wait3A_1363, %dma_wait3A_1377, %dma_wait3A_1378] : memref<1024x200x128xf32, #tpu.memory_space<hbm>> -> memref<1x200x128xf32, #tpu.memory_space<hbm>>
      %dma_wait3A_1380 = tpu.memref_squeeze %dma_wait3A_1379 : memref<1x200x128xf32, #tpu.memory_space<hbm>> -> memref<200x128xf32, #tpu.memory_space<hbm>>
      tpu.wait_dma2 semaphore(%arg15 : memref<!tpu.dma_semaphore, #tpu.memory_space<semaphore_mem>>) src(%dma_wait3A_1380 : memref<200x128xf32, #tpu.memory_space<hbm>>) dst(%dma_wait3A_1376 : memref<200x128xf32, #tpu.memory_space<vmem>>)
      %ge3A = arith.constant 2 : i32
      %ge3A_1381 = arith.cmpi sge, %scan3A_1295, %ge3A : i32
      %convert_element_type3A = arith.extui %ge3A_1381 : i1 to i32
      %cond3A = arith.constant 0 : i32
      %cond3A_1382 = arith.cmpi ne, %convert_element_type3A, %cond3A : i32
      scf.if %cond3A_1382 {
        %dma_wait3A_1416 = arith.constant 0 : i32
        %dma_wait3A_1417 = arith.constant 0 : i32
        %dma_wait3A_1418 = tpu.memref_slice %arg12[%rem3A_1302, %dma_wait3A_1416, %dma_wait3A_1417] : memref<2x2x208xf32, #tpu.memory_space<vmem>> -> memref<1x1x208xf32, #tpu.memory_space<vmem>>
        %dma_wait3A_1419 = tpu.memref_squeeze %dma_wait3A_1418 : memref<1x1x208xf32, #tpu.memory_space<vmem>> -> memref<208xf32, #tpu.memory_space<vmem>>
        %dma_wait3A_1420 = arith.constant 0 : i32
        %dma_wait3A_1421 = tpu.memref_slice %arg6[%add3A_1300, %dma_wait3A_1420] : memref<672x208xf32, #tpu.memory_space<hbm>> -> memref<1x208xf32, #tpu.memory_space<hbm>>
        %dma_wait3A_1422 = tpu.memref_squeeze %dma_wait3A_1421 : memref<1x208xf32, #tpu.memory_space<hbm>> -> memref<208xf32, #tpu.memory_space<hbm>>
        %dma_wait3A_1423 = arith.constant 0 : i32
        %dma_wait3A_1424 = tpu.memref_slice %arg6[%add3A_1300, %dma_wait3A_1423] : memref<672x208xf32, #tpu.memory_space<hbm>> -> memref<1x208xf32, #tpu.memory_space<hbm>>
        %dma_wait3A_1425 = tpu.memref_squeeze %dma_wait3A_1424 : memref<1x208xf32, #tpu.memory_space<hbm>> -> memref<208xf32, #tpu.memory_space<hbm>>
        %dma_wait3A_1426 = arith.constant 0 : i32
        %dma_wait3A_1427 = tpu.memref_slice %arg12[%rem3A_1302, %dma_wait3A_1416, %dma_wait3A_1426] : memref<2x2x208xf32, #tpu.memory_space<vmem>> -> memref<1x1x208xf32, #tpu.memory_space<vmem>>
        %dma_wait3A_1428 = tpu.memref_squeeze %dma_wait3A_1427 : memref<1x1x208xf32, #tpu.memory_space<vmem>> -> memref<208xf32, #tpu.memory_space<vmem>>
        tpu.wait_dma2 semaphore(%arg16 : memref<!tpu.dma_semaphore, #tpu.memory_space<semaphore_mem>>) src(%dma_wait3A_1428 : memref<208xf32, #tpu.memory_space<vmem>>) dst(%dma_wait3A_1425 : memref<208xf32, #tpu.memory_space<hbm>>)
        %dma_wait3A_1429 = arith.constant 1 : i32
        %dma_wait3A_1430 = arith.constant 0 : i32
        %dma_wait3A_1431 = tpu.memref_slice %arg12[%rem3A_1302, %dma_wait3A_1429, %dma_wait3A_1430] : memref<2x2x208xf32, #tpu.memory_space<vmem>> -> memref<1x1x208xf32, #tpu.memory_space<vmem>>
        %dma_wait3A_1432 = tpu.memref_squeeze %dma_wait3A_1431 : memref<1x1x208xf32, #tpu.memory_space<vmem>> -> memref<208xf32, #tpu.memory_space<vmem>>
        %dma_wait3A_1433 = arith.constant 0 : i32
        %dma_wait3A_1434 = tpu.memref_slice %arg7[%add3A_1300, %dma_wait3A_1433] : memref<672x208xf32, #tpu.memory_space<hbm>> -> memref<1x208xf32, #tpu.memory_space<hbm>>
        %dma_wait3A_1435 = tpu.memref_squeeze %dma_wait3A_1434 : memref<1x208xf32, #tpu.memory_space<hbm>> -> memref<208xf32, #tpu.memory_space<hbm>>
        %dma_wait3A_1436 = arith.constant 0 : i32
        %dma_wait3A_1437 = tpu.memref_slice %arg7[%add3A_1300, %dma_wait3A_1436] : memref<672x208xf32, #tpu.memory_space<hbm>> -> memref<1x208xf32, #tpu.memory_space<hbm>>
        %dma_wait3A_1438 = tpu.memref_squeeze %dma_wait3A_1437 : memref<1x208xf32, #tpu.memory_space<hbm>> -> memref<208xf32, #tpu.memory_space<hbm>>
        %dma_wait3A_1439 = arith.constant 0 : i32
        %dma_wait3A_1440 = tpu.memref_slice %arg12[%rem3A_1302, %dma_wait3A_1429, %dma_wait3A_1439] : memref<2x2x208xf32, #tpu.memory_space<vmem>> -> memref<1x1x208xf32, #tpu.memory_space<vmem>>
        %dma_wait3A_1441 = tpu.memref_squeeze %dma_wait3A_1440 : memref<1x1x208xf32, #tpu.memory_space<vmem>> -> memref<208xf32, #tpu.memory_space<vmem>>
        tpu.wait_dma2 semaphore(%arg16 : memref<!tpu.dma_semaphore, #tpu.memory_space<semaphore_mem>>) src(%dma_wait3A_1441 : memref<208xf32, #tpu.memory_space<vmem>>) dst(%dma_wait3A_1438 : memref<208xf32, #tpu.memory_space<hbm>>)
      } else {
      }
      %scan3A_1383 = arith.constant 0 : i32
      %scan3A_1384 = arith.constant 3 : i32
      %scan3A_1385 = arith.addi %scan3A_1383, %scan3A_1384 : i32
      %scan3A_1386 = arith.constant 1 : i32
      %scan3A_1387:8 = scf.for %scan3A_1416 = %scan3A_1383 to %scan3A_1385 step %scan3A_1386 iter_args(%scan3A_1417 = %get3A_1305, %scan3A_1418 = %get3A_1308, %scan3A_1419 = %get3A_1311, %scan3A_1420 = %get3A_1314, %scan3A_1421 = %get3A_1317, %scan3A_1422 = %get3A_1320, %scan3A_1423 = %get3A_1323, %scan3A_1424 = %get3A_1326) -> (vector<16xf32>, vector<16xf32>, vector<16xf32>, vector<16xf32>, vector<16xf32>, vector<16xf32>, vector<16xf32>, vector<16xf32>)  : i32 {
        %scan3A_1425 = arith.constant 0 : i32
        %scan3A_1426 = arith.constant 0 : i32
        %scan3A_1427 = arith.constant 13 : i32
        %scan3A_1428 = arith.addi %scan3A_1426, %scan3A_1427 : i32
        %scan3A_1429 = arith.constant 1 : i32
        %scan3A_1430 = scf.for %scan3A_1490 = %scan3A_1426 to %scan3A_1428 step %scan3A_1429 iter_args(%scan3A_1491 = %scan3A_1425) -> (i32)  : i32 {
          %mul3A_1492 = arith.constant 16 : i32
          %mul3A_1493 = arith.muli %scan3A_1490, %mul3A_1492 : i32
          %add3A_1494 = arith.constant 0 : i32
          %add3A_1495 = arith.addi %mul3A_1493, %add3A_1494 : i32
          %get3A_1496 = arith.index_cast %scan3A_1416 : i32 to index
          %get3A_1497 = arith.index_cast %add3A_1495 : i32 to index
          %get3A_1498 = arith.constant 0 : index
          %get3A_1499 = tpu.vector_load %arg9[%get3A_1496, %get3A_1497, %get3A_1498] {strides = array<i32>} : memref<3x208x128xf32, #tpu.memory_space<vmem>>, vector<16xf32>,
          %mul3A_1500 = arith.mulf %get3A_1499, %scan3A_1417 : vector<16xf32>
          %get3A_1501 = arith.index_cast %scan3A_1416 : i32 to index
          %get3A_1502 = arith.index_cast %add3A_1495 : i32 to index
          %get3A_1503 = arith.constant 16 : index
          %get3A_1504 = tpu.vector_load %arg9[%get3A_1501, %get3A_1502, %get3A_1503] {strides = array<i32>} : memref<3x208x128xf32, #tpu.memory_space<vmem>>, vector<16xf32>,
          %mul3A_1505 = arith.mulf %get3A_1504, %scan3A_1418 : vector<16xf32>
          %get3A_1506 = arith.index_cast %scan3A_1416 : i32 to index
          %get3A_1507 = arith.index_cast %add3A_1495 : i32 to index
          %get3A_1508 = arith.constant 32 : index
          %get3A_1509 = tpu.vector_load %arg9[%get3A_1506, %get3A_1507, %get3A_1508] {strides = array<i32>} : memref<3x208x128xf32, #tpu.memory_space<vmem>>, vector<16xf32>,
          %mul3A_1510 = arith.mulf %get3A_1509, %scan3A_1419 : vector<16xf32>
          %get3A_1511 = arith.index_cast %scan3A_1416 : i32 to index
          %get3A_1512 = arith.index_cast %add3A_1495 : i32 to index
          %get3A_1513 = arith.constant 48 : index
          %get3A_1514 = tpu.vector_load %arg9[%get3A_1511, %get3A_1512, %get3A_1513] {strides = array<i32>} : memref<3x208x128xf32, #tpu.memory_space<vmem>>, vector<16xf32>,
          %mul3A_1515 = arith.mulf %get3A_1514, %scan3A_1420 : vector<16xf32>
          %get3A_1516 = arith.index_cast %scan3A_1416 : i32 to index
          %get3A_1517 = arith.index_cast %add3A_1495 : i32 to index
          %get3A_1518 = arith.constant 64 : index
          %get3A_1519 = tpu.vector_load %arg9[%get3A_1516, %get3A_1517, %get3A_1518] {strides = array<i32>} : memref<3x208x128xf32, #tpu.memory_space<vmem>>, vector<16xf32>,
          %mul3A_1520 = arith.mulf %get3A_1519, %scan3A_1421 : vector<16xf32>
          %get3A_1521 = arith.index_cast %scan3A_1416 : i32 to index
          %get3A_1522 = arith.index_cast %add3A_1495 : i32 to index
          %get3A_1523 = arith.constant 80 : index
          %get3A_1524 = tpu.vector_load %arg9[%get3A_1521, %get3A_1522, %get3A_1523] {strides = array<i32>} : memref<3x208x128xf32, #tpu.memory_space<vmem>>, vector<16xf32>,
          %mul3A_1525 = arith.mulf %get3A_1524, %scan3A_1422 : vector<16xf32>
          %get3A_1526 = arith.index_cast %scan3A_1416 : i32 to index
          %get3A_1527 = arith.index_cast %add3A_1495 : i32 to index
          %get3A_1528 = arith.constant 96 : index
          %get3A_1529 = tpu.vector_load %arg9[%get3A_1526, %get3A_1527, %get3A_1528] {strides = array<i32>} : memref<3x208x128xf32, #tpu.memory_space<vmem>>, vector<16xf32>,
          %mul3A_1530 = arith.mulf %get3A_1529, %scan3A_1423 : vector<16xf32>
          %get3A_1531 = arith.index_cast %scan3A_1416 : i32 to index
          %get3A_1532 = arith.index_cast %add3A_1495 : i32 to index
          %get3A_1533 = arith.constant 112 : index
          %get3A_1534 = tpu.vector_load %arg9[%get3A_1531, %get3A_1532, %get3A_1533] {strides = array<i32>} : memref<3x208x128xf32, #tpu.memory_space<vmem>>, vector<16xf32>,
          %mul3A_1535 = arith.mulf %get3A_1534, %scan3A_1424 : vector<16xf32>
          %add3A_1536 = arith.addf %mul3A_1500, %mul3A_1505 : vector<16xf32>
          %add3A_1537 = arith.addf %mul3A_1510, %mul3A_1515 : vector<16xf32>
          %add3A_1538 = arith.addf %add3A_1536, %add3A_1537 : vector<16xf32>
          %add3A_1539 = arith.addf %mul3A_1520, %mul3A_1525 : vector<16xf32>
          %add3A_1540 = arith.addf %mul3A_1530, %mul3A_1535 : vector<16xf32>
          %add3A_1541 = arith.addf %add3A_1539, %add3A_1540 : vector<16xf32>
          %add3A_1542 = arith.addf %add3A_1538, %add3A_1541 : vector<16xf32>
          %reduce_sum3A_1543 = arith.constant true
          %reduce_sum3A_1544 = vector.broadcast %reduce_sum3A_1543 : i1 to vector<16xi1>
          %reduce_sum3A_1545 = tpu.scan <sum>, %add3A_1542 masked %reduce_sum3A_1544 : vector<16xf32>, vector<16xi1> -> vector<16xf32>
          %reduce_sum3A_1546 = vector.extract %reduce_sum3A_1545[15] : f32 from vector<16xf32>
          %eq3A_1547 = arith.constant 0 : i32
          %eq3A_1548 = vector.broadcast %eq3A_1547 : i32 to vector<16xi32>
          %eq3A_1549 = arith.cmpi eq, %iota3A, %eq3A_1548 : vector<16xi32>
          %broadcast_in_dim3A_1550 = vector.broadcast %reduce_sum3A_1546 : f32 to vector<16xf32>
          %select_n3A_1551 = arith.select %eq3A_1549, %broadcast_in_dim3A_1550, %broadcast_in_dim3A_5 : vector<16xi1>, vector<16xf32>
          %mul3A_1552 = arith.constant 16 : i32
          %mul3A_1553 = arith.muli %scan3A_1490, %mul3A_1552 : i32
          %add3A_1554 = arith.constant 1 : i32
          %add3A_1555 = arith.addi %mul3A_1553, %add3A_1554 : i32
          %get3A_1556 = arith.index_cast %scan3A_1416 : i32 to index
          %get3A_1557 = arith.index_cast %add3A_1555 : i32 to index
          %get3A_1558 = arith.constant 0 : index
          %get3A_1559 = tpu.vector_load %arg9[%get3A_1556, %get3A_1557, %get3A_1558] {strides = array<i32>} : memref<3x208x128xf32, #tpu.memory_space<vmem>>, vector<16xf32>,
          %mul3A_1560 = arith.mulf %get3A_1559, %scan3A_1417 : vector<16xf32>
          %get3A_1561 = arith.index_cast %scan3A_1416 : i32 to index
          %get3A_1562 = arith.index_cast %add3A_1555 : i32 to index
          %get3A_1563 = arith.constant 16 : index
          %get3A_1564 = tpu.vector_load %arg9[%get3A_1561, %get3A_1562, %get3A_1563] {strides = array<i32>} : memref<3x208x128xf32, #tpu.memory_space<vmem>>, vector<16xf32>,
          %mul3A_1565 = arith.mulf %get3A_1564, %scan3A_1418 : vector<16xf32>
          %get3A_1566 = arith.index_cast %scan3A_1416 : i32 to index
          %get3A_1567 = arith.index_cast %add3A_1555 : i32 to index
          %get3A_1568 = arith.constant 32 : index
          %get3A_1569 = tpu.vector_load %arg9[%get3A_1566, %get3A_1567, %get3A_1568] {strides = array<i32>} : memref<3x208x128xf32, #tpu.memory_space<vmem>>, vector<16xf32>,
          %mul3A_1570 = arith.mulf %get3A_1569, %scan3A_1419 : vector<16xf32>
          %get3A_1571 = arith.index_cast %scan3A_1416 : i32 to index
          %get3A_1572 = arith.index_cast %add3A_1555 : i32 to index
          %get3A_1573 = arith.constant 48 : index
          %get3A_1574 = tpu.vector_load %arg9[%get3A_1571, %get3A_1572, %get3A_1573] {strides = array<i32>} : memref<3x208x128xf32, #tpu.memory_space<vmem>>, vector<16xf32>,
          %mul3A_1575 = arith.mulf %get3A_1574, %scan3A_1420 : vector<16xf32>
          %get3A_1576 = arith.index_cast %scan3A_1416 : i32 to index
          %get3A_1577 = arith.index_cast %add3A_1555 : i32 to index
          %get3A_1578 = arith.constant 64 : index
          %get3A_1579 = tpu.vector_load %arg9[%get3A_1576, %get3A_1577, %get3A_1578] {strides = array<i32>} : memref<3x208x128xf32, #tpu.memory_space<vmem>>, vector<16xf32>,
          %mul3A_1580 = arith.mulf %get3A_1579, %scan3A_1421 : vector<16xf32>
          %get3A_1581 = arith.index_cast %scan3A_1416 : i32 to index
          %get3A_1582 = arith.index_cast %add3A_1555 : i32 to index
          %get3A_1583 = arith.constant 80 : index
          %get3A_1584 = tpu.vector_load %arg9[%get3A_1581, %get3A_1582, %get3A_1583] {strides = array<i32>} : memref<3x208x128xf32, #tpu.memory_space<vmem>>, vector<16xf32>,
          %mul3A_1585 = arith.mulf %get3A_1584, %scan3A_1422 : vector<16xf32>
          %get3A_1586 = arith.index_cast %scan3A_1416 : i32 to index
          %get3A_1587 = arith.index_cast %add3A_1555 : i32 to index
          %get3A_1588 = arith.constant 96 : index
          %get3A_1589 = tpu.vector_load %arg9[%get3A_1586, %get3A_1587, %get3A_1588] {strides = array<i32>} : memref<3x208x128xf32, #tpu.memory_space<vmem>>, vector<16xf32>,
          %mul3A_1590 = arith.mulf %get3A_1589, %scan3A_1423 : vector<16xf32>
          %get3A_1591 = arith.index_cast %scan3A_1416 : i32 to index
          %get3A_1592 = arith.index_cast %add3A_1555 : i32 to index
          %get3A_1593 = arith.constant 112 : index
          %get3A_1594 = tpu.vector_load %arg9[%get3A_1591, %get3A_1592, %get3A_1593] {strides = array<i32>} : memref<3x208x128xf32, #tpu.memory_space<vmem>>, vector<16xf32>,
          %mul3A_1595 = arith.mulf %get3A_1594, %scan3A_1424 : vector<16xf32>
          %add3A_1596 = arith.addf %mul3A_1560, %mul3A_1565 : vector<16xf32>
          %add3A_1597 = arith.addf %mul3A_1570, %mul3A_1575 : vector<16xf32>
          %add3A_1598 = arith.addf %add3A_1596, %add3A_1597 : vector<16xf32>
          %add3A_1599 = arith.addf %mul3A_1580, %mul3A_1585 : vector<16xf32>
          %add3A_1600 = arith.addf %mul3A_1590, %mul3A_1595 : vector<16xf32>
          %add3A_1601 = arith.addf %add3A_1599, %add3A_1600 : vector<16xf32>
          %add3A_1602 = arith.addf %add3A_1598, %add3A_1601 : vector<16xf32>
          %reduce_sum3A_1603 = arith.constant true
          %reduce_sum3A_1604 = vector.broadcast %reduce_sum3A_1603 : i1 to vector<16xi1>
          %reduce_sum3A_1605 = tpu.scan <sum>, %add3A_1602 masked %reduce_sum3A_1604 : vector<16xf32>, vector<16xi1> -> vector<16xf32>
          %reduce_sum3A_1606 = vector.extract %reduce_sum3A_1605[15] : f32 from vector<16xf32>
          %eq3A_1607 = arith.constant 1 : i32
          %eq3A_1608 = vector.broadcast %eq3A_1607 : i32 to vector<16xi32>
          %eq3A_1609 = arith.cmpi eq, %iota3A, %eq3A_1608 : vector<16xi32>
          %broadcast_in_dim3A_1610 = vector.broadcast %reduce_sum3A_1606 : f32 to vector<16xf32>
          %select_n3A_1611 = arith.select %eq3A_1609, %broadcast_in_dim3A_1610, %select_n3A_1551 : vector<16xi1>, vector<16xf32>
          %mul3A_1612 = arith.constant 16 : i32
          %mul3A_1613 = arith.muli %scan3A_1490, %mul3A_1612 : i32
          %add3A_1614 = arith.constant 2 : i32
          %add3A_1615 = arith.addi %mul3A_1613, %add3A_1614 : i32
          %get3A_1616 = arith.index_cast %scan3A_1416 : i32 to index
          %get3A_1617 = arith.index_cast %add3A_1615 : i32 to index
          %get3A_1618 = arith.constant 0 : index
          %get3A_1619 = tpu.vector_load %arg9[%get3A_1616, %get3A_1617, %get3A_1618] {strides = array<i32>} : memref<3x208x128xf32, #tpu.memory_space<vmem>>, vector<16xf32>,
          %mul3A_1620 = arith.mulf %get3A_1619, %scan3A_1417 : vector<16xf32>
          %get3A_1621 = arith.index_cast %scan3A_1416 : i32 to index
          %get3A_1622 = arith.index_cast %add3A_1615 : i32 to index
          %get3A_1623 = arith.constant 16 : index
          %get3A_1624 = tpu.vector_load %arg9[%get3A_1621, %get3A_1622, %get3A_1623] {strides = array<i32>} : memref<3x208x128xf32, #tpu.memory_space<vmem>>, vector<16xf32>,
          %mul3A_1625 = arith.mulf %get3A_1624, %scan3A_1418 : vector<16xf32>
          %get3A_1626 = arith.index_cast %scan3A_1416 : i32 to index
          %get3A_1627 = arith.index_cast %add3A_1615 : i32 to index
          %get3A_1628 = arith.constant 32 : index
          %get3A_1629 = tpu.vector_load %arg9[%get3A_1626, %get3A_1627, %get3A_1628] {strides = array<i32>} : memref<3x208x128xf32, #tpu.memory_space<vmem>>, vector<16xf32>,
          %mul3A_1630 = arith.mulf %get3A_1629, %scan3A_1419 : vector<16xf32>
          %get3A_1631 = arith.index_cast %scan3A_1416 : i32 to index
          %get3A_1632 = arith.index_cast %add3A_1615 : i32 to index
          %get3A_1633 = arith.constant 48 : index
          %get3A_1634 = tpu.vector_load %arg9[%get3A_1631, %get3A_1632, %get3A_1633] {strides = array<i32>} : memref<3x208x128xf32, #tpu.memory_space<vmem>>, vector<16xf32>,
          %mul3A_1635 = arith.mulf %get3A_1634, %scan3A_1420 : vector<16xf32>
          %get3A_1636 = arith.index_cast %scan3A_1416 : i32 to index
          %get3A_1637 = arith.index_cast %add3A_1615 : i32 to index
          %get3A_1638 = arith.constant 64 : index
          %get3A_1639 = tpu.vector_load %arg9[%get3A_1636, %get3A_1637, %get3A_1638] {strides = array<i32>} : memref<3x208x128xf32, #tpu.memory_space<vmem>>, vector<16xf32>,
          %mul3A_1640 = arith.mulf %get3A_1639, %scan3A_1421 : vector<16xf32>
          %get3A_1641 = arith.index_cast %scan3A_1416 : i32 to index
          %get3A_1642 = arith.index_cast %add3A_1615 : i32 to index
          %get3A_1643 = arith.constant 80 : index
          %get3A_1644 = tpu.vector_load %arg9[%get3A_1641, %get3A_1642, %get3A_1643] {strides = array<i32>} : memref<3x208x128xf32, #tpu.memory_space<vmem>>, vector<16xf32>,
          %mul3A_1645 = arith.mulf %get3A_1644, %scan3A_1422 : vector<16xf32>
          %get3A_1646 = arith.index_cast %scan3A_1416 : i32 to index
          %get3A_1647 = arith.index_cast %add3A_1615 : i32 to index
          %get3A_1648 = arith.constant 96 : index
          %get3A_1649 = tpu.vector_load %arg9[%get3A_1646, %get3A_1647, %get3A_1648] {strides = array<i32>} : memref<3x208x128xf32, #tpu.memory_space<vmem>>, vector<16xf32>,
          %mul3A_1650 = arith.mulf %get3A_1649, %scan3A_1423 : vector<16xf32>
          %get3A_1651 = arith.index_cast %scan3A_1416 : i32 to index
          %get3A_1652 = arith.index_cast %add3A_1615 : i32 to index
          %get3A_1653 = arith.constant 112 : index
          %get3A_1654 = tpu.vector_load %arg9[%get3A_1651, %get3A_1652, %get3A_1653] {strides = array<i32>} : memref<3x208x128xf32, #tpu.memory_space<vmem>>, vector<16xf32>,
          %mul3A_1655 = arith.mulf %get3A_1654, %scan3A_1424 : vector<16xf32>
          %add3A_1656 = arith.addf %mul3A_1620, %mul3A_1625 : vector<16xf32>
          %add3A_1657 = arith.addf %mul3A_1630, %mul3A_1635 : vector<16xf32>
          %add3A_1658 = arith.addf %add3A_1656, %add3A_1657 : vector<16xf32>
          %add3A_1659 = arith.addf %mul3A_1640, %mul3A_1645 : vector<16xf32>
          %add3A_1660 = arith.addf %mul3A_1650, %mul3A_1655 : vector<16xf32>
          %add3A_1661 = arith.addf %add3A_1659, %add3A_1660 : vector<16xf32>
          %add3A_1662 = arith.addf %add3A_1658, %add3A_1661 : vector<16xf32>
          %reduce_sum3A_1663 = arith.constant true
          %reduce_sum3A_1664 = vector.broadcast %reduce_sum3A_1663 : i1 to vector<16xi1>
          %reduce_sum3A_1665 = tpu.scan <sum>, %add3A_1662 masked %reduce_sum3A_1664 : vector<16xf32>, vector<16xi1> -> vector<16xf32>
          %reduce_sum3A_1666 = vector.extract %reduce_sum3A_1665[15] : f32 from vector<16xf32>
          %eq3A_1667 = arith.constant 2 : i32
          %eq3A_1668 = vector.broadcast %eq3A_1667 : i32 to vector<16xi32>
          %eq3A_1669 = arith.cmpi eq, %iota3A, %eq3A_1668 : vector<16xi32>
          %broadcast_in_dim3A_1670 = vector.broadcast %reduce_sum3A_1666 : f32 to vector<16xf32>
          %select_n3A_1671 = arith.select %eq3A_1669, %broadcast_in_dim3A_1670, %select_n3A_1611 : vector<16xi1>, vector<16xf32>
          %mul3A_1672 = arith.constant 16 : i32
          %mul3A_1673 = arith.muli %scan3A_1490, %mul3A_1672 : i32
          %add3A_1674 = arith.constant 3 : i32
          %add3A_1675 = arith.addi %mul3A_1673, %add3A_1674 : i32
          %get3A_1676 = arith.index_cast %scan3A_1416 : i32 to index
          %get3A_1677 = arith.index_cast %add3A_1675 : i32 to index
          %get3A_1678 = arith.constant 0 : index
          %get3A_1679 = tpu.vector_load %arg9[%get3A_1676, %get3A_1677, %get3A_1678] {strides = array<i32>} : memref<3x208x128xf32, #tpu.memory_space<vmem>>, vector<16xf32>,
          %mul3A_1680 = arith.mulf %get3A_1679, %scan3A_1417 : vector<16xf32>
          %get3A_1681 = arith.index_cast %scan3A_1416 : i32 to index
          %get3A_1682 = arith.index_cast %add3A_1675 : i32 to index
          %get3A_1683 = arith.constant 16 : index
          %get3A_1684 = tpu.vector_load %arg9[%get3A_1681, %get3A_1682, %get3A_1683] {strides = array<i32>} : memref<3x208x128xf32, #tpu.memory_space<vmem>>, vector<16xf32>,
          %mul3A_1685 = arith.mulf %get3A_1684, %scan3A_1418 : vector<16xf32>
          %get3A_1686 = arith.index_cast %scan3A_1416 : i32 to index
          %get3A_1687 = arith.index_cast %add3A_1675 : i32 to index
          %get3A_1688 = arith.constant 32 : index
          %get3A_1689 = tpu.vector_load %arg9[%get3A_1686, %get3A_1687, %get3A_1688] {strides = array<i32>} : memref<3x208x128xf32, #tpu.memory_space<vmem>>, vector<16xf32>,
          %mul3A_1690 = arith.mulf %get3A_1689, %scan3A_1419 : vector<16xf32>
          %get3A_1691 = arith.index_cast %scan3A_1416 : i32 to index
          %get3A_1692 = arith.index_cast %add3A_1675 : i32 to index
          %get3A_1693 = arith.constant 48 : index
          %get3A_1694 = tpu.vector_load %arg9[%get3A_1691, %get3A_1692, %get3A_1693] {strides = array<i32>} : memref<3x208x128xf32, #tpu.memory_space<vmem>>, vector<16xf32>,
          %mul3A_1695 = arith.mulf %get3A_1694, %scan3A_1420 : vector<16xf32>
          %get3A_1696 = arith.index_cast %scan3A_1416 : i32 to index
          %get3A_1697 = arith.index_cast %add3A_1675 : i32 to index
          %get3A_1698 = arith.constant 64 : index
          %get3A_1699 = tpu.vector_load %arg9[%get3A_1696, %get3A_1697, %get3A_1698] {strides = array<i32>} : memref<3x208x128xf32, #tpu.memory_space<vmem>>, vector<16xf32>,
          %mul3A_1700 = arith.mulf %get3A_1699, %scan3A_1421 : vector<16xf32>
          %get3A_1701 = arith.index_cast %scan3A_1416 : i32 to index
          %get3A_1702 = arith.index_cast %add3A_1675 : i32 to index
          %get3A_1703 = arith.constant 80 : index
          %get3A_1704 = tpu.vector_load %arg9[%get3A_1701, %get3A_1702, %get3A_1703] {strides = array<i32>} : memref<3x208x128xf32, #tpu.memory_space<vmem>>, vector<16xf32>,
          %mul3A_1705 = arith.mulf %get3A_1704, %scan3A_1422 : vector<16xf32>
          %get3A_1706 = arith.index_cast %scan3A_1416 : i32 to index
          %get3A_1707 = arith.index_cast %add3A_1675 : i32 to index
          %get3A_1708 = arith.constant 96 : index
          %get3A_1709 = tpu.vector_load %arg9[%get3A_1706, %get3A_1707, %get3A_1708] {strides = array<i32>} : memref<3x208x128xf32, #tpu.memory_space<vmem>>, vector<16xf32>,
          %mul3A_1710 = arith.mulf %get3A_1709, %scan3A_1423 : vector<16xf32>
          %get3A_1711 = arith.index_cast %scan3A_1416 : i32 to index
          %get3A_1712 = arith.index_cast %add3A_1675 : i32 to index
          %get3A_1713 = arith.constant 112 : index
          %get3A_1714 = tpu.vector_load %arg9[%get3A_1711, %get3A_1712, %get3A_1713] {strides = array<i32>} : memref<3x208x128xf32, #tpu.memory_space<vmem>>, vector<16xf32>,
          %mul3A_1715 = arith.mulf %get3A_1714, %scan3A_1424 : vector<16xf32>
          %add3A_1716 = arith.addf %mul3A_1680, %mul3A_1685 : vector<16xf32>
          %add3A_1717 = arith.addf %mul3A_1690, %mul3A_1695 : vector<16xf32>
          %add3A_1718 = arith.addf %add3A_1716, %add3A_1717 : vector<16xf32>
          %add3A_1719 = arith.addf %mul3A_1700, %mul3A_1705 : vector<16xf32>
          %add3A_1720 = arith.addf %mul3A_1710, %mul3A_1715 : vector<16xf32>
          %add3A_1721 = arith.addf %add3A_1719, %add3A_1720 : vector<16xf32>
          %add3A_1722 = arith.addf %add3A_1718, %add3A_1721 : vector<16xf32>
          %reduce_sum3A_1723 = arith.constant true
          %reduce_sum3A_1724 = vector.broadcast %reduce_sum3A_1723 : i1 to vector<16xi1>
          %reduce_sum3A_1725 = tpu.scan <sum>, %add3A_1722 masked %reduce_sum3A_1724 : vector<16xf32>, vector<16xi1> -> vector<16xf32>
          %reduce_sum3A_1726 = vector.extract %reduce_sum3A_1725[15] : f32 from vector<16xf32>
          %eq3A_1727 = arith.constant 3 : i32
          %eq3A_1728 = vector.broadcast %eq3A_1727 : i32 to vector<16xi32>
          %eq3A_1729 = arith.cmpi eq, %iota3A, %eq3A_1728 : vector<16xi32>
          %broadcast_in_dim3A_1730 = vector.broadcast %reduce_sum3A_1726 : f32 to vector<16xf32>
          %select_n3A_1731 = arith.select %eq3A_1729, %broadcast_in_dim3A_1730, %select_n3A_1671 : vector<16xi1>, vector<16xf32>
          %mul3A_1732 = arith.constant 16 : i32
          %mul3A_1733 = arith.muli %scan3A_1490, %mul3A_1732 : i32
          %add3A_1734 = arith.constant 4 : i32
          %add3A_1735 = arith.addi %mul3A_1733, %add3A_1734 : i32
          %get3A_1736 = arith.index_cast %scan3A_1416 : i32 to index
          %get3A_1737 = arith.index_cast %add3A_1735 : i32 to index
          %get3A_1738 = arith.constant 0 : index
          %get3A_1739 = tpu.vector_load %arg9[%get3A_1736, %get3A_1737, %get3A_1738] {strides = array<i32>} : memref<3x208x128xf32, #tpu.memory_space<vmem>>, vector<16xf32>,
          %mul3A_1740 = arith.mulf %get3A_1739, %scan3A_1417 : vector<16xf32>
          %get3A_1741 = arith.index_cast %scan3A_1416 : i32 to index
          %get3A_1742 = arith.index_cast %add3A_1735 : i32 to index
          %get3A_1743 = arith.constant 16 : index
          %get3A_1744 = tpu.vector_load %arg9[%get3A_1741, %get3A_1742, %get3A_1743] {strides = array<i32>} : memref<3x208x128xf32, #tpu.memory_space<vmem>>, vector<16xf32>,
          %mul3A_1745 = arith.mulf %get3A_1744, %scan3A_1418 : vector<16xf32>
          %get3A_1746 = arith.index_cast %scan3A_1416 : i32 to index
          %get3A_1747 = arith.index_cast %add3A_1735 : i32 to index
          %get3A_1748 = arith.constant 32 : index
          %get3A_1749 = tpu.vector_load %arg9[%get3A_1746, %get3A_1747, %get3A_1748] {strides = array<i32>} : memref<3x208x128xf32, #tpu.memory_space<vmem>>, vector<16xf32>,
          %mul3A_1750 = arith.mulf %get3A_1749, %scan3A_1419 : vector<16xf32>
          %get3A_1751 = arith.index_cast %scan3A_1416 : i32 to index
          %get3A_1752 = arith.index_cast %add3A_1735 : i32 to index
          %get3A_1753 = arith.constant 48 : index
          %get3A_1754 = tpu.vector_load %arg9[%get3A_1751, %get3A_1752, %get3A_1753] {strides = array<i32>} : memref<3x208x128xf32, #tpu.memory_space<vmem>>, vector<16xf32>,
          %mul3A_1755 = arith.mulf %get3A_1754, %scan3A_1420 : vector<16xf32>
          %get3A_1756 = arith.index_cast %scan3A_1416 : i32 to index
          %get3A_1757 = arith.index_cast %add3A_1735 : i32 to index
          %get3A_1758 = arith.constant 64 : index
          %get3A_1759 = tpu.vector_load %arg9[%get3A_1756, %get3A_1757, %get3A_1758] {strides = array<i32>} : memref<3x208x128xf32, #tpu.memory_space<vmem>>, vector<16xf32>,
          %mul3A_1760 = arith.mulf %get3A_1759, %scan3A_1421 : vector<16xf32>
          %get3A_1761 = arith.index_cast %scan3A_1416 : i32 to index
          %get3A_1762 = arith.index_cast %add3A_1735 : i32 to index
          %get3A_1763 = arith.constant 80 : index
          %get3A_1764 = tpu.vector_load %arg9[%get3A_1761, %get3A_1762, %get3A_1763] {strides = array<i32>} : memref<3x208x128xf32, #tpu.memory_space<vmem>>, vector<16xf32>,
          %mul3A_1765 = arith.mulf %get3A_1764, %scan3A_1422 : vector<16xf32>
          %get3A_1766 = arith.index_cast %scan3A_1416 : i32 to index
          %get3A_1767 = arith.index_cast %add3A_1735 : i32 to index
          %get3A_1768 = arith.constant 96 : index
          %get3A_1769 = tpu.vector_load %arg9[%get3A_1766, %get3A_1767, %get3A_1768] {strides = array<i32>} : memref<3x208x128xf32, #tpu.memory_space<vmem>>, vector<16xf32>,
          %mul3A_1770 = arith.mulf %get3A_1769, %scan3A_1423 : vector<16xf32>
          %get3A_1771 = arith.index_cast %scan3A_1416 : i32 to index
          %get3A_1772 = arith.index_cast %add3A_1735 : i32 to index
          %get3A_1773 = arith.constant 112 : index
          %get3A_1774 = tpu.vector_load %arg9[%get3A_1771, %get3A_1772, %get3A_1773] {strides = array<i32>} : memref<3x208x128xf32, #tpu.memory_space<vmem>>, vector<16xf32>,
          %mul3A_1775 = arith.mulf %get3A_1774, %scan3A_1424 : vector<16xf32>
          %add3A_1776 = arith.addf %mul3A_1740, %mul3A_1745 : vector<16xf32>
          %add3A_1777 = arith.addf %mul3A_1750, %mul3A_1755 : vector<16xf32>
          %add3A_1778 = arith.addf %add3A_1776, %add3A_1777 : vector<16xf32>
          %add3A_1779 = arith.addf %mul3A_1760, %mul3A_1765 : vector<16xf32>
          %add3A_1780 = arith.addf %mul3A_1770, %mul3A_1775 : vector<16xf32>
          %add3A_1781 = arith.addf %add3A_1779, %add3A_1780 : vector<16xf32>
          %add3A_1782 = arith.addf %add3A_1778, %add3A_1781 : vector<16xf32>
          %reduce_sum3A_1783 = arith.constant true
          %reduce_sum3A_1784 = vector.broadcast %reduce_sum3A_1783 : i1 to vector<16xi1>
          %reduce_sum3A_1785 = tpu.scan <sum>, %add3A_1782 masked %reduce_sum3A_1784 : vector<16xf32>, vector<16xi1> -> vector<16xf32>
          %reduce_sum3A_1786 = vector.extract %reduce_sum3A_1785[15] : f32 from vector<16xf32>
          %eq3A_1787 = arith.constant 4 : i32
          %eq3A_1788 = vector.broadcast %eq3A_1787 : i32 to vector<16xi32>
          %eq3A_1789 = arith.cmpi eq, %iota3A, %eq3A_1788 : vector<16xi32>
          %broadcast_in_dim3A_1790 = vector.broadcast %reduce_sum3A_1786 : f32 to vector<16xf32>
          %select_n3A_1791 = arith.select %eq3A_1789, %broadcast_in_dim3A_1790, %select_n3A_1731 : vector<16xi1>, vector<16xf32>
          %mul3A_1792 = arith.constant 16 : i32
          %mul3A_1793 = arith.muli %scan3A_1490, %mul3A_1792 : i32
          %add3A_1794 = arith.constant 5 : i32
          %add3A_1795 = arith.addi %mul3A_1793, %add3A_1794 : i32
          %get3A_1796 = arith.index_cast %scan3A_1416 : i32 to index
          %get3A_1797 = arith.index_cast %add3A_1795 : i32 to index
          %get3A_1798 = arith.constant 0 : index
          %get3A_1799 = tpu.vector_load %arg9[%get3A_1796, %get3A_1797, %get3A_1798] {strides = array<i32>} : memref<3x208x128xf32, #tpu.memory_space<vmem>>, vector<16xf32>,
          %mul3A_1800 = arith.mulf %get3A_1799, %scan3A_1417 : vector<16xf32>
          %get3A_1801 = arith.index_cast %scan3A_1416 : i32 to index
          %get3A_1802 = arith.index_cast %add3A_1795 : i32 to index
          %get3A_1803 = arith.constant 16 : index
          %get3A_1804 = tpu.vector_load %arg9[%get3A_1801, %get3A_1802, %get3A_1803] {strides = array<i32>} : memref<3x208x128xf32, #tpu.memory_space<vmem>>, vector<16xf32>,
          %mul3A_1805 = arith.mulf %get3A_1804, %scan3A_1418 : vector<16xf32>
          %get3A_1806 = arith.index_cast %scan3A_1416 : i32 to index
          %get3A_1807 = arith.index_cast %add3A_1795 : i32 to index
          %get3A_1808 = arith.constant 32 : index
          %get3A_1809 = tpu.vector_load %arg9[%get3A_1806, %get3A_1807, %get3A_1808] {strides = array<i32>} : memref<3x208x128xf32, #tpu.memory_space<vmem>>, vector<16xf32>,
          %mul3A_1810 = arith.mulf %get3A_1809, %scan3A_1419 : vector<16xf32>
          %get3A_1811 = arith.index_cast %scan3A_1416 : i32 to index
          %get3A_1812 = arith.index_cast %add3A_1795 : i32 to index
          %get3A_1813 = arith.constant 48 : index
          %get3A_1814 = tpu.vector_load %arg9[%get3A_1811, %get3A_1812, %get3A_1813] {strides = array<i32>} : memref<3x208x128xf32, #tpu.memory_space<vmem>>, vector<16xf32>,
          %mul3A_1815 = arith.mulf %get3A_1814, %scan3A_1420 : vector<16xf32>
          %get3A_1816 = arith.index_cast %scan3A_1416 : i32 to index
          %get3A_1817 = arith.index_cast %add3A_1795 : i32 to index
          %get3A_1818 = arith.constant 64 : index
          %get3A_1819 = tpu.vector_load %arg9[%get3A_1816, %get3A_1817, %get3A_1818] {strides = array<i32>} : memref<3x208x128xf32, #tpu.memory_space<vmem>>, vector<16xf32>,
          %mul3A_1820 = arith.mulf %get3A_1819, %scan3A_1421 : vector<16xf32>
          %get3A_1821 = arith.index_cast %scan3A_1416 : i32 to index
          %get3A_1822 = arith.index_cast %add3A_1795 : i32 to index
          %get3A_1823 = arith.constant 80 : index
          %get3A_1824 = tpu.vector_load %arg9[%get3A_1821, %get3A_1822, %get3A_1823] {strides = array<i32>} : memref<3x208x128xf32, #tpu.memory_space<vmem>>, vector<16xf32>,
          %mul3A_1825 = arith.mulf %get3A_1824, %scan3A_1422 : vector<16xf32>
          %get3A_1826 = arith.index_cast %scan3A_1416 : i32 to index
          %get3A_1827 = arith.index_cast %add3A_1795 : i32 to index
          %get3A_1828 = arith.constant 96 : index
          %get3A_1829 = tpu.vector_load %arg9[%get3A_1826, %get3A_1827, %get3A_1828] {strides = array<i32>} : memref<3x208x128xf32, #tpu.memory_space<vmem>>, vector<16xf32>,
          %mul3A_1830 = arith.mulf %get3A_1829, %scan3A_1423 : vector<16xf32>
          %get3A_1831 = arith.index_cast %scan3A_1416 : i32 to index
          %get3A_1832 = arith.index_cast %add3A_1795 : i32 to index
          %get3A_1833 = arith.constant 112 : index
          %get3A_1834 = tpu.vector_load %arg9[%get3A_1831, %get3A_1832, %get3A_1833] {strides = array<i32>} : memref<3x208x128xf32, #tpu.memory_space<vmem>>, vector<16xf32>,
          %mul3A_1835 = arith.mulf %get3A_1834, %scan3A_1424 : vector<16xf32>
          %add3A_1836 = arith.addf %mul3A_1800, %mul3A_1805 : vector<16xf32>
          %add3A_1837 = arith.addf %mul3A_1810, %mul3A_1815 : vector<16xf32>
          %add3A_1838 = arith.addf %add3A_1836, %add3A_1837 : vector<16xf32>
          %add3A_1839 = arith.addf %mul3A_1820, %mul3A_1825 : vector<16xf32>
          %add3A_1840 = arith.addf %mul3A_1830, %mul3A_1835 : vector<16xf32>
          %add3A_1841 = arith.addf %add3A_1839, %add3A_1840 : vector<16xf32>
          %add3A_1842 = arith.addf %add3A_1838, %add3A_1841 : vector<16xf32>
          %reduce_sum3A_1843 = arith.constant true
          %reduce_sum3A_1844 = vector.broadcast %reduce_sum3A_1843 : i1 to vector<16xi1>
          %reduce_sum3A_1845 = tpu.scan <sum>, %add3A_1842 masked %reduce_sum3A_1844 : vector<16xf32>, vector<16xi1> -> vector<16xf32>
          %reduce_sum3A_1846 = vector.extract %reduce_sum3A_1845[15] : f32 from vector<16xf32>
          %eq3A_1847 = arith.constant 5 : i32
          %eq3A_1848 = vector.broadcast %eq3A_1847 : i32 to vector<16xi32>
          %eq3A_1849 = arith.cmpi eq, %iota3A, %eq3A_1848 : vector<16xi32>
          %broadcast_in_dim3A_1850 = vector.broadcast %reduce_sum3A_1846 : f32 to vector<16xf32>
          %select_n3A_1851 = arith.select %eq3A_1849, %broadcast_in_dim3A_1850, %select_n3A_1791 : vector<16xi1>, vector<16xf32>
          %mul3A_1852 = arith.constant 16 : i32
          %mul3A_1853 = arith.muli %scan3A_1490, %mul3A_1852 : i32
          %add3A_1854 = arith.constant 6 : i32
          %add3A_1855 = arith.addi %mul3A_1853, %add3A_1854 : i32
          %get3A_1856 = arith.index_cast %scan3A_1416 : i32 to index
          %get3A_1857 = arith.index_cast %add3A_1855 : i32 to index
          %get3A_1858 = arith.constant 0 : index
          %get3A_1859 = tpu.vector_load %arg9[%get3A_1856, %get3A_1857, %get3A_1858] {strides = array<i32>} : memref<3x208x128xf32, #tpu.memory_space<vmem>>, vector<16xf32>,
          %mul3A_1860 = arith.mulf %get3A_1859, %scan3A_1417 : vector<16xf32>
          %get3A_1861 = arith.index_cast %scan3A_1416 : i32 to index
          %get3A_1862 = arith.index_cast %add3A_1855 : i32 to index
          %get3A_1863 = arith.constant 16 : index
          %get3A_1864 = tpu.vector_load %arg9[%get3A_1861, %get3A_1862, %get3A_1863] {strides = array<i32>} : memref<3x208x128xf32, #tpu.memory_space<vmem>>, vector<16xf32>,
          %mul3A_1865 = arith.mulf %get3A_1864, %scan3A_1418 : vector<16xf32>
          %get3A_1866 = arith.index_cast %scan3A_1416 : i32 to index
          %get3A_1867 = arith.index_cast %add3A_1855 : i32 to index
          %get3A_1868 = arith.constant 32 : index
          %get3A_1869 = tpu.vector_load %arg9[%get3A_1866, %get3A_1867, %get3A_1868] {strides = array<i32>} : memref<3x208x128xf32, #tpu.memory_space<vmem>>, vector<16xf32>,
          %mul3A_1870 = arith.mulf %get3A_1869, %scan3A_1419 : vector<16xf32>
          %get3A_1871 = arith.index_cast %scan3A_1416 : i32 to index
          %get3A_1872 = arith.index_cast %add3A_1855 : i32 to index
          %get3A_1873 = arith.constant 48 : index
          %get3A_1874 = tpu.vector_load %arg9[%get3A_1871, %get3A_1872, %get3A_1873] {strides = array<i32>} : memref<3x208x128xf32, #tpu.memory_space<vmem>>, vector<16xf32>,
          %mul3A_1875 = arith.mulf %get3A_1874, %scan3A_1420 : vector<16xf32>
          %get3A_1876 = arith.index_cast %scan3A_1416 : i32 to index
          %get3A_1877 = arith.index_cast %add3A_1855 : i32 to index
          %get3A_1878 = arith.constant 64 : index
          %get3A_1879 = tpu.vector_load %arg9[%get3A_1876, %get3A_1877, %get3A_1878] {strides = array<i32>} : memref<3x208x128xf32, #tpu.memory_space<vmem>>, vector<16xf32>,
          %mul3A_1880 = arith.mulf %get3A_1879, %scan3A_1421 : vector<16xf32>
          %get3A_1881 = arith.index_cast %scan3A_1416 : i32 to index
          %get3A_1882 = arith.index_cast %add3A_1855 : i32 to index
          %get3A_1883 = arith.constant 80 : index
          %get3A_1884 = tpu.vector_load %arg9[%get3A_1881, %get3A_1882, %get3A_1883] {strides = array<i32>} : memref<3x208x128xf32, #tpu.memory_space<vmem>>, vector<16xf32>,
          %mul3A_1885 = arith.mulf %get3A_1884, %scan3A_1422 : vector<16xf32>
          %get3A_1886 = arith.index_cast %scan3A_1416 : i32 to index
          %get3A_1887 = arith.index_cast %add3A_1855 : i32 to index
          %get3A_1888 = arith.constant 96 : index
          %get3A_1889 = tpu.vector_load %arg9[%get3A_1886, %get3A_1887, %get3A_1888] {strides = array<i32>} : memref<3x208x128xf32, #tpu.memory_space<vmem>>, vector<16xf32>,
          %mul3A_1890 = arith.mulf %get3A_1889, %scan3A_1423 : vector<16xf32>
          %get3A_1891 = arith.index_cast %scan3A_1416 : i32 to index
          %get3A_1892 = arith.index_cast %add3A_1855 : i32 to index
          %get3A_1893 = arith.constant 112 : index
          %get3A_1894 = tpu.vector_load %arg9[%get3A_1891, %get3A_1892, %get3A_1893] {strides = array<i32>} : memref<3x208x128xf32, #tpu.memory_space<vmem>>, vector<16xf32>,
          %mul3A_1895 = arith.mulf %get3A_1894, %scan3A_1424 : vector<16xf32>
          %add3A_1896 = arith.addf %mul3A_1860, %mul3A_1865 : vector<16xf32>
          %add3A_1897 = arith.addf %mul3A_1870, %mul3A_1875 : vector<16xf32>
          %add3A_1898 = arith.addf %add3A_1896, %add3A_1897 : vector<16xf32>
          %add3A_1899 = arith.addf %mul3A_1880, %mul3A_1885 : vector<16xf32>
          %add3A_1900 = arith.addf %mul3A_1890, %mul3A_1895 : vector<16xf32>
          %add3A_1901 = arith.addf %add3A_1899, %add3A_1900 : vector<16xf32>
          %add3A_1902 = arith.addf %add3A_1898, %add3A_1901 : vector<16xf32>
          %reduce_sum3A_1903 = arith.constant true
          %reduce_sum3A_1904 = vector.broadcast %reduce_sum3A_1903 : i1 to vector<16xi1>
          %reduce_sum3A_1905 = tpu.scan <sum>, %add3A_1902 masked %reduce_sum3A_1904 : vector<16xf32>, vector<16xi1> -> vector<16xf32>
          %reduce_sum3A_1906 = vector.extract %reduce_sum3A_1905[15] : f32 from vector<16xf32>
          %eq3A_1907 = arith.constant 6 : i32
          %eq3A_1908 = vector.broadcast %eq3A_1907 : i32 to vector<16xi32>
          %eq3A_1909 = arith.cmpi eq, %iota3A, %eq3A_1908 : vector<16xi32>
          %broadcast_in_dim3A_1910 = vector.broadcast %reduce_sum3A_1906 : f32 to vector<16xf32>
          %select_n3A_1911 = arith.select %eq3A_1909, %broadcast_in_dim3A_1910, %select_n3A_1851 : vector<16xi1>, vector<16xf32>
          %mul3A_1912 = arith.constant 16 : i32
          %mul3A_1913 = arith.muli %scan3A_1490, %mul3A_1912 : i32
          %add3A_1914 = arith.constant 7 : i32
          %add3A_1915 = arith.addi %mul3A_1913, %add3A_1914 : i32
          %get3A_1916 = arith.index_cast %scan3A_1416 : i32 to index
          %get3A_1917 = arith.index_cast %add3A_1915 : i32 to index
          %get3A_1918 = arith.constant 0 : index
          %get3A_1919 = tpu.vector_load %arg9[%get3A_1916, %get3A_1917, %get3A_1918] {strides = array<i32>} : memref<3x208x128xf32, #tpu.memory_space<vmem>>, vector<16xf32>,
          %mul3A_1920 = arith.mulf %get3A_1919, %scan3A_1417 : vector<16xf32>
          %get3A_1921 = arith.index_cast %scan3A_1416 : i32 to index
          %get3A_1922 = arith.index_cast %add3A_1915 : i32 to index
          %get3A_1923 = arith.constant 16 : index
          %get3A_1924 = tpu.vector_load %arg9[%get3A_1921, %get3A_1922, %get3A_1923] {strides = array<i32>} : memref<3x208x128xf32, #tpu.memory_space<vmem>>, vector<16xf32>,
          %mul3A_1925 = arith.mulf %get3A_1924, %scan3A_1418 : vector<16xf32>
          %get3A_1926 = arith.index_cast %scan3A_1416 : i32 to index
          %get3A_1927 = arith.index_cast %add3A_1915 : i32 to index
          %get3A_1928 = arith.constant 32 : index
          %get3A_1929 = tpu.vector_load %arg9[%get3A_1926, %get3A_1927, %get3A_1928] {strides = array<i32>} : memref<3x208x128xf32, #tpu.memory_space<vmem>>, vector<16xf32>,
          %mul3A_1930 = arith.mulf %get3A_1929, %scan3A_1419 : vector<16xf32>
          %get3A_1931 = arith.index_cast %scan3A_1416 : i32 to index
          %get3A_1932 = arith.index_cast %add3A_1915 : i32 to index
          %get3A_1933 = arith.constant 48 : index
          %get3A_1934 = tpu.vector_load %arg9[%get3A_1931, %get3A_1932, %get3A_1933] {strides = array<i32>} : memref<3x208x128xf32, #tpu.memory_space<vmem>>, vector<16xf32>,
          %mul3A_1935 = arith.mulf %get3A_1934, %scan3A_1420 : vector<16xf32>
          %get3A_1936 = arith.index_cast %scan3A_1416 : i32 to index
          %get3A_1937 = arith.index_cast %add3A_1915 : i32 to index
          %get3A_1938 = arith.constant 64 : index
          %get3A_1939 = tpu.vector_load %arg9[%get3A_1936, %get3A_1937, %get3A_1938] {strides = array<i32>} : memref<3x208x128xf32, #tpu.memory_space<vmem>>, vector<16xf32>,
          %mul3A_1940 = arith.mulf %get3A_1939, %scan3A_1421 : vector<16xf32>
          %get3A_1941 = arith.index_cast %scan3A_1416 : i32 to index
          %get3A_1942 = arith.index_cast %add3A_1915 : i32 to index
          %get3A_1943 = arith.constant 80 : index
          %get3A_1944 = tpu.vector_load %arg9[%get3A_1941, %get3A_1942, %get3A_1943] {strides = array<i32>} : memref<3x208x128xf32, #tpu.memory_space<vmem>>, vector<16xf32>,
          %mul3A_1945 = arith.mulf %get3A_1944, %scan3A_1422 : vector<16xf32>
          %get3A_1946 = arith.index_cast %scan3A_1416 : i32 to index
          %get3A_1947 = arith.index_cast %add3A_1915 : i32 to index
          %get3A_1948 = arith.constant 96 : index
          %get3A_1949 = tpu.vector_load %arg9[%get3A_1946, %get3A_1947, %get3A_1948] {strides = array<i32>} : memref<3x208x128xf32, #tpu.memory_space<vmem>>, vector<16xf32>,
          %mul3A_1950 = arith.mulf %get3A_1949, %scan3A_1423 : vector<16xf32>
          %get3A_1951 = arith.index_cast %scan3A_1416 : i32 to index
          %get3A_1952 = arith.index_cast %add3A_1915 : i32 to index
          %get3A_1953 = arith.constant 112 : index
          %get3A_1954 = tpu.vector_load %arg9[%get3A_1951, %get3A_1952, %get3A_1953] {strides = array<i32>} : memref<3x208x128xf32, #tpu.memory_space<vmem>>, vector<16xf32>,
          %mul3A_1955 = arith.mulf %get3A_1954, %scan3A_1424 : vector<16xf32>
          %add3A_1956 = arith.addf %mul3A_1920, %mul3A_1925 : vector<16xf32>
          %add3A_1957 = arith.addf %mul3A_1930, %mul3A_1935 : vector<16xf32>
          %add3A_1958 = arith.addf %add3A_1956, %add3A_1957 : vector<16xf32>
          %add3A_1959 = arith.addf %mul3A_1940, %mul3A_1945 : vector<16xf32>
          %add3A_1960 = arith.addf %mul3A_1950, %mul3A_1955 : vector<16xf32>
          %add3A_1961 = arith.addf %add3A_1959, %add3A_1960 : vector<16xf32>
          %add3A_1962 = arith.addf %add3A_1958, %add3A_1961 : vector<16xf32>
          %reduce_sum3A_1963 = arith.constant true
          %reduce_sum3A_1964 = vector.broadcast %reduce_sum3A_1963 : i1 to vector<16xi1>
          %reduce_sum3A_1965 = tpu.scan <sum>, %add3A_1962 masked %reduce_sum3A_1964 : vector<16xf32>, vector<16xi1> -> vector<16xf32>
          %reduce_sum3A_1966 = vector.extract %reduce_sum3A_1965[15] : f32 from vector<16xf32>
          %eq3A_1967 = arith.constant 7 : i32
          %eq3A_1968 = vector.broadcast %eq3A_1967 : i32 to vector<16xi32>
          %eq3A_1969 = arith.cmpi eq, %iota3A, %eq3A_1968 : vector<16xi32>
          %broadcast_in_dim3A_1970 = vector.broadcast %reduce_sum3A_1966 : f32 to vector<16xf32>
          %select_n3A_1971 = arith.select %eq3A_1969, %broadcast_in_dim3A_1970, %select_n3A_1911 : vector<16xi1>, vector<16xf32>
          %mul3A_1972 = arith.constant 16 : i32
          %mul3A_1973 = arith.muli %scan3A_1490, %mul3A_1972 : i32
          %add3A_1974 = arith.constant 8 : i32
          %add3A_1975 = arith.addi %mul3A_1973, %add3A_1974 : i32
          %get3A_1976 = arith.index_cast %scan3A_1416 : i32 to index
          %get3A_1977 = arith.index_cast %add3A_1975 : i32 to index
          %get3A_1978 = arith.constant 0 : index
          %get3A_1979 = tpu.vector_load %arg9[%get3A_1976, %get3A_1977, %get3A_1978] {strides = array<i32>} : memref<3x208x128xf32, #tpu.memory_space<vmem>>, vector<16xf32>,
          %mul3A_1980 = arith.mulf %get3A_1979, %scan3A_1417 : vector<16xf32>
          %get3A_1981 = arith.index_cast %scan3A_1416 : i32 to index
          %get3A_1982 = arith.index_cast %add3A_1975 : i32 to index
          %get3A_1983 = arith.constant 16 : index
          %get3A_1984 = tpu.vector_load %arg9[%get3A_1981, %get3A_1982, %get3A_1983] {strides = array<i32>} : memref<3x208x128xf32, #tpu.memory_space<vmem>>, vector<16xf32>,
          %mul3A_1985 = arith.mulf %get3A_1984, %scan3A_1418 : vector<16xf32>
          %get3A_1986 = arith.index_cast %scan3A_1416 : i32 to index
          %get3A_1987 = arith.index_cast %add3A_1975 : i32 to index
          %get3A_1988 = arith.constant 32 : index
          %get3A_1989 = tpu.vector_load %arg9[%get3A_1986, %get3A_1987, %get3A_1988] {strides = array<i32>} : memref<3x208x128xf32, #tpu.memory_space<vmem>>, vector<16xf32>,
          %mul3A_1990 = arith.mulf %get3A_1989, %scan3A_1419 : vector<16xf32>
          %get3A_1991 = arith.index_cast %scan3A_1416 : i32 to index
          %get3A_1992 = arith.index_cast %add3A_1975 : i32 to index
          %get3A_1993 = arith.constant 48 : index
          %get3A_1994 = tpu.vector_load %arg9[%get3A_1991, %get3A_1992, %get3A_1993] {strides = array<i32>} : memref<3x208x128xf32, #tpu.memory_space<vmem>>, vector<16xf32>,
          %mul3A_1995 = arith.mulf %get3A_1994, %scan3A_1420 : vector<16xf32>
          %get3A_1996 = arith.index_cast %scan3A_1416 : i32 to index
          %get3A_1997 = arith.index_cast %add3A_1975 : i32 to index
          %get3A_1998 = arith.constant 64 : index
          %get3A_1999 = tpu.vector_load %arg9[%get3A_1996, %get3A_1997, %get3A_1998] {strides = array<i32>} : memref<3x208x128xf32, #tpu.memory_space<vmem>>, vector<16xf32>,
          %mul3A_2000 = arith.mulf %get3A_1999, %scan3A_1421 : vector<16xf32>
          %get3A_2001 = arith.index_cast %scan3A_1416 : i32 to index
          %get3A_2002 = arith.index_cast %add3A_1975 : i32 to index
          %get3A_2003 = arith.constant 80 : index
          %get3A_2004 = tpu.vector_load %arg9[%get3A_2001, %get3A_2002, %get3A_2003] {strides = array<i32>} : memref<3x208x128xf32, #tpu.memory_space<vmem>>, vector<16xf32>,
          %mul3A_2005 = arith.mulf %get3A_2004, %scan3A_1422 : vector<16xf32>
          %get3A_2006 = arith.index_cast %scan3A_1416 : i32 to index
          %get3A_2007 = arith.index_cast %add3A_1975 : i32 to index
          %get3A_2008 = arith.constant 96 : index
          %get3A_2009 = tpu.vector_load %arg9[%get3A_2006, %get3A_2007, %get3A_2008] {strides = array<i32>} : memref<3x208x128xf32, #tpu.memory_space<vmem>>, vector<16xf32>,
          %mul3A_2010 = arith.mulf %get3A_2009, %scan3A_1423 : vector<16xf32>
          %get3A_2011 = arith.index_cast %scan3A_1416 : i32 to index
          %get3A_2012 = arith.index_cast %add3A_1975 : i32 to index
          %get3A_2013 = arith.constant 112 : index
          %get3A_2014 = tpu.vector_load %arg9[%get3A_2011, %get3A_2012, %get3A_2013] {strides = array<i32>} : memref<3x208x128xf32, #tpu.memory_space<vmem>>, vector<16xf32>,
          %mul3A_2015 = arith.mulf %get3A_2014, %scan3A_1424 : vector<16xf32>
          %add3A_2016 = arith.addf %mul3A_1980, %mul3A_1985 : vector<16xf32>
          %add3A_2017 = arith.addf %mul3A_1990, %mul3A_1995 : vector<16xf32>
          %add3A_2018 = arith.addf %add3A_2016, %add3A_2017 : vector<16xf32>
          %add3A_2019 = arith.addf %mul3A_2000, %mul3A_2005 : vector<16xf32>
          %add3A_2020 = arith.addf %mul3A_2010, %mul3A_2015 : vector<16xf32>
          %add3A_2021 = arith.addf %add3A_2019, %add3A_2020 : vector<16xf32>
          %add3A_2022 = arith.addf %add3A_2018, %add3A_2021 : vector<16xf32>
          %reduce_sum3A_2023 = arith.constant true
          %reduce_sum3A_2024 = vector.broadcast %reduce_sum3A_2023 : i1 to vector<16xi1>
          %reduce_sum3A_2025 = tpu.scan <sum>, %add3A_2022 masked %reduce_sum3A_2024 : vector<16xf32>, vector<16xi1> -> vector<16xf32>
          %reduce_sum3A_2026 = vector.extract %reduce_sum3A_2025[15] : f32 from vector<16xf32>
          %eq3A_2027 = arith.constant 8 : i32
          %eq3A_2028 = vector.broadcast %eq3A_2027 : i32 to vector<16xi32>
          %eq3A_2029 = arith.cmpi eq, %iota3A, %eq3A_2028 : vector<16xi32>
          %broadcast_in_dim3A_2030 = vector.broadcast %reduce_sum3A_2026 : f32 to vector<16xf32>
          %select_n3A_2031 = arith.select %eq3A_2029, %broadcast_in_dim3A_2030, %select_n3A_1971 : vector<16xi1>, vector<16xf32>
          %mul3A_2032 = arith.constant 16 : i32
          %mul3A_2033 = arith.muli %scan3A_1490, %mul3A_2032 : i32
          %add3A_2034 = arith.constant 9 : i32
          %add3A_2035 = arith.addi %mul3A_2033, %add3A_2034 : i32
          %get3A_2036 = arith.index_cast %scan3A_1416 : i32 to index
          %get3A_2037 = arith.index_cast %add3A_2035 : i32 to index
          %get3A_2038 = arith.constant 0 : index
          %get3A_2039 = tpu.vector_load %arg9[%get3A_2036, %get3A_2037, %get3A_2038] {strides = array<i32>} : memref<3x208x128xf32, #tpu.memory_space<vmem>>, vector<16xf32>,
          %mul3A_2040 = arith.mulf %get3A_2039, %scan3A_1417 : vector<16xf32>
          %get3A_2041 = arith.index_cast %scan3A_1416 : i32 to index
          %get3A_2042 = arith.index_cast %add3A_2035 : i32 to index
          %get3A_2043 = arith.constant 16 : index
          %get3A_2044 = tpu.vector_load %arg9[%get3A_2041, %get3A_2042, %get3A_2043] {strides = array<i32>} : memref<3x208x128xf32, #tpu.memory_space<vmem>>, vector<16xf32>,
          %mul3A_2045 = arith.mulf %get3A_2044, %scan3A_1418 : vector<16xf32>
          %get3A_2046 = arith.index_cast %scan3A_1416 : i32 to index
          %get3A_2047 = arith.index_cast %add3A_2035 : i32 to index
          %get3A_2048 = arith.constant 32 : index
          %get3A_2049 = tpu.vector_load %arg9[%get3A_2046, %get3A_2047, %get3A_2048] {strides = array<i32>} : memref<3x208x128xf32, #tpu.memory_space<vmem>>, vector<16xf32>,
          %mul3A_2050 = arith.mulf %get3A_2049, %scan3A_1419 : vector<16xf32>
          %get3A_2051 = arith.index_cast %scan3A_1416 : i32 to index
          %get3A_2052 = arith.index_cast %add3A_2035 : i32 to index
          %get3A_2053 = arith.constant 48 : index
          %get3A_2054 = tpu.vector_load %arg9[%get3A_2051, %get3A_2052, %get3A_2053] {strides = array<i32>} : memref<3x208x128xf32, #tpu.memory_space<vmem>>, vector<16xf32>,
          %mul3A_2055 = arith.mulf %get3A_2054, %scan3A_1420 : vector<16xf32>
          %get3A_2056 = arith.index_cast %scan3A_1416 : i32 to index
          %get3A_2057 = arith.index_cast %add3A_2035 : i32 to index
          %get3A_2058 = arith.constant 64 : index
          %get3A_2059 = tpu.vector_load %arg9[%get3A_2056, %get3A_2057, %get3A_2058] {strides = array<i32>} : memref<3x208x128xf32, #tpu.memory_space<vmem>>, vector<16xf32>,
          %mul3A_2060 = arith.mulf %get3A_2059, %scan3A_1421 : vector<16xf32>
          %get3A_2061 = arith.index_cast %scan3A_1416 : i32 to index
          %get3A_2062 = arith.index_cast %add3A_2035 : i32 to index
          %get3A_2063 = arith.constant 80 : index
          %get3A_2064 = tpu.vector_load %arg9[%get3A_2061, %get3A_2062, %get3A_2063] {strides = array<i32>} : memref<3x208x128xf32, #tpu.memory_space<vmem>>, vector<16xf32>,
          %mul3A_2065 = arith.mulf %get3A_2064, %scan3A_1422 : vector<16xf32>
          %get3A_2066 = arith.index_cast %scan3A_1416 : i32 to index
          %get3A_2067 = arith.index_cast %add3A_2035 : i32 to index
          %get3A_2068 = arith.constant 96 : index
          %get3A_2069 = tpu.vector_load %arg9[%get3A_2066, %get3A_2067, %get3A_2068] {strides = array<i32>} : memref<3x208x128xf32, #tpu.memory_space<vmem>>, vector<16xf32>,
          %mul3A_2070 = arith.mulf %get3A_2069, %scan3A_1423 : vector<16xf32>
          %get3A_2071 = arith.index_cast %scan3A_1416 : i32 to index
          %get3A_2072 = arith.index_cast %add3A_2035 : i32 to index
          %get3A_2073 = arith.constant 112 : index
          %get3A_2074 = tpu.vector_load %arg9[%get3A_2071, %get3A_2072, %get3A_2073] {strides = array<i32>} : memref<3x208x128xf32, #tpu.memory_space<vmem>>, vector<16xf32>,
          %mul3A_2075 = arith.mulf %get3A_2074, %scan3A_1424 : vector<16xf32>
          %add3A_2076 = arith.addf %mul3A_2040, %mul3A_2045 : vector<16xf32>
          %add3A_2077 = arith.addf %mul3A_2050, %mul3A_2055 : vector<16xf32>
          %add3A_2078 = arith.addf %add3A_2076, %add3A_2077 : vector<16xf32>
          %add3A_2079 = arith.addf %mul3A_2060, %mul3A_2065 : vector<16xf32>
          %add3A_2080 = arith.addf %mul3A_2070, %mul3A_2075 : vector<16xf32>
          %add3A_2081 = arith.addf %add3A_2079, %add3A_2080 : vector<16xf32>
          %add3A_2082 = arith.addf %add3A_2078, %add3A_2081 : vector<16xf32>
          %reduce_sum3A_2083 = arith.constant true
          %reduce_sum3A_2084 = vector.broadcast %reduce_sum3A_2083 : i1 to vector<16xi1>
          %reduce_sum3A_2085 = tpu.scan <sum>, %add3A_2082 masked %reduce_sum3A_2084 : vector<16xf32>, vector<16xi1> -> vector<16xf32>
          %reduce_sum3A_2086 = vector.extract %reduce_sum3A_2085[15] : f32 from vector<16xf32>
          %eq3A_2087 = arith.constant 9 : i32
          %eq3A_2088 = vector.broadcast %eq3A_2087 : i32 to vector<16xi32>
          %eq3A_2089 = arith.cmpi eq, %iota3A, %eq3A_2088 : vector<16xi32>
          %broadcast_in_dim3A_2090 = vector.broadcast %reduce_sum3A_2086 : f32 to vector<16xf32>
          %select_n3A_2091 = arith.select %eq3A_2089, %broadcast_in_dim3A_2090, %select_n3A_2031 : vector<16xi1>, vector<16xf32>
          %mul3A_2092 = arith.constant 16 : i32
          %mul3A_2093 = arith.muli %scan3A_1490, %mul3A_2092 : i32
          %add3A_2094 = arith.constant 10 : i32
          %add3A_2095 = arith.addi %mul3A_2093, %add3A_2094 : i32
          %get3A_2096 = arith.index_cast %scan3A_1416 : i32 to index
          %get3A_2097 = arith.index_cast %add3A_2095 : i32 to index
          %get3A_2098 = arith.constant 0 : index
          %get3A_2099 = tpu.vector_load %arg9[%get3A_2096, %get3A_2097, %get3A_2098] {strides = array<i32>} : memref<3x208x128xf32, #tpu.memory_space<vmem>>, vector<16xf32>,
          %mul3A_2100 = arith.mulf %get3A_2099, %scan3A_1417 : vector<16xf32>
          %get3A_2101 = arith.index_cast %scan3A_1416 : i32 to index
          %get3A_2102 = arith.index_cast %add3A_2095 : i32 to index
          %get3A_2103 = arith.constant 16 : index
          %get3A_2104 = tpu.vector_load %arg9[%get3A_2101, %get3A_2102, %get3A_2103] {strides = array<i32>} : memref<3x208x128xf32, #tpu.memory_space<vmem>>, vector<16xf32>,
          %mul3A_2105 = arith.mulf %get3A_2104, %scan3A_1418 : vector<16xf32>
          %get3A_2106 = arith.index_cast %scan3A_1416 : i32 to index
          %get3A_2107 = arith.index_cast %add3A_2095 : i32 to index
          %get3A_2108 = arith.constant 32 : index
          %get3A_2109 = tpu.vector_load %arg9[%get3A_2106, %get3A_2107, %get3A_2108] {strides = array<i32>} : memref<3x208x128xf32, #tpu.memory_space<vmem>>, vector<16xf32>,
          %mul3A_2110 = arith.mulf %get3A_2109, %scan3A_1419 : vector<16xf32>
          %get3A_2111 = arith.index_cast %scan3A_1416 : i32 to index
          %get3A_2112 = arith.index_cast %add3A_2095 : i32 to index
          %get3A_2113 = arith.constant 48 : index
          %get3A_2114 = tpu.vector_load %arg9[%get3A_2111, %get3A_2112, %get3A_2113] {strides = array<i32>} : memref<3x208x128xf32, #tpu.memory_space<vmem>>, vector<16xf32>,
          %mul3A_2115 = arith.mulf %get3A_2114, %scan3A_1420 : vector<16xf32>
          %get3A_2116 = arith.index_cast %scan3A_1416 : i32 to index
          %get3A_2117 = arith.index_cast %add3A_2095 : i32 to index
          %get3A_2118 = arith.constant 64 : index
          %get3A_2119 = tpu.vector_load %arg9[%get3A_2116, %get3A_2117, %get3A_2118] {strides = array<i32>} : memref<3x208x128xf32, #tpu.memory_space<vmem>>, vector<16xf32>,
          %mul3A_2120 = arith.mulf %get3A_2119, %scan3A_1421 : vector<16xf32>
          %get3A_2121 = arith.index_cast %scan3A_1416 : i32 to index
          %get3A_2122 = arith.index_cast %add3A_2095 : i32 to index
          %get3A_2123 = arith.constant 80 : index
          %get3A_2124 = tpu.vector_load %arg9[%get3A_2121, %get3A_2122, %get3A_2123] {strides = array<i32>} : memref<3x208x128xf32, #tpu.memory_space<vmem>>, vector<16xf32>,
          %mul3A_2125 = arith.mulf %get3A_2124, %scan3A_1422 : vector<16xf32>
          %get3A_2126 = arith.index_cast %scan3A_1416 : i32 to index
          %get3A_2127 = arith.index_cast %add3A_2095 : i32 to index
          %get3A_2128 = arith.constant 96 : index
          %get3A_2129 = tpu.vector_load %arg9[%get3A_2126, %get3A_2127, %get3A_2128] {strides = array<i32>} : memref<3x208x128xf32, #tpu.memory_space<vmem>>, vector<16xf32>,
          %mul3A_2130 = arith.mulf %get3A_2129, %scan3A_1423 : vector<16xf32>
          %get3A_2131 = arith.index_cast %scan3A_1416 : i32 to index
          %get3A_2132 = arith.index_cast %add3A_2095 : i32 to index
          %get3A_2133 = arith.constant 112 : index
          %get3A_2134 = tpu.vector_load %arg9[%get3A_2131, %get3A_2132, %get3A_2133] {strides = array<i32>} : memref<3x208x128xf32, #tpu.memory_space<vmem>>, vector<16xf32>,
          %mul3A_2135 = arith.mulf %get3A_2134, %scan3A_1424 : vector<16xf32>
          %add3A_2136 = arith.addf %mul3A_2100, %mul3A_2105 : vector<16xf32>
          %add3A_2137 = arith.addf %mul3A_2110, %mul3A_2115 : vector<16xf32>
          %add3A_2138 = arith.addf %add3A_2136, %add3A_2137 : vector<16xf32>
          %add3A_2139 = arith.addf %mul3A_2120, %mul3A_2125 : vector<16xf32>
          %add3A_2140 = arith.addf %mul3A_2130, %mul3A_2135 : vector<16xf32>
          %add3A_2141 = arith.addf %add3A_2139, %add3A_2140 : vector<16xf32>
          %add3A_2142 = arith.addf %add3A_2138, %add3A_2141 : vector<16xf32>
          %reduce_sum3A_2143 = arith.constant true
          %reduce_sum3A_2144 = vector.broadcast %reduce_sum3A_2143 : i1 to vector<16xi1>
          %reduce_sum3A_2145 = tpu.scan <sum>, %add3A_2142 masked %reduce_sum3A_2144 : vector<16xf32>, vector<16xi1> -> vector<16xf32>
          %reduce_sum3A_2146 = vector.extract %reduce_sum3A_2145[15] : f32 from vector<16xf32>
          %eq3A_2147 = arith.constant 10 : i32
          %eq3A_2148 = vector.broadcast %eq3A_2147 : i32 to vector<16xi32>
          %eq3A_2149 = arith.cmpi eq, %iota3A, %eq3A_2148 : vector<16xi32>
          %broadcast_in_dim3A_2150 = vector.broadcast %reduce_sum3A_2146 : f32 to vector<16xf32>
          %select_n3A_2151 = arith.select %eq3A_2149, %broadcast_in_dim3A_2150, %select_n3A_2091 : vector<16xi1>, vector<16xf32>
          %mul3A_2152 = arith.constant 16 : i32
          %mul3A_2153 = arith.muli %scan3A_1490, %mul3A_2152 : i32
          %add3A_2154 = arith.constant 11 : i32
          %add3A_2155 = arith.addi %mul3A_2153, %add3A_2154 : i32
          %get3A_2156 = arith.index_cast %scan3A_1416 : i32 to index
          %get3A_2157 = arith.index_cast %add3A_2155 : i32 to index
          %get3A_2158 = arith.constant 0 : index
          %get3A_2159 = tpu.vector_load %arg9[%get3A_2156, %get3A_2157, %get3A_2158] {strides = array<i32>} : memref<3x208x128xf32, #tpu.memory_space<vmem>>, vector<16xf32>,
          %mul3A_2160 = arith.mulf %get3A_2159, %scan3A_1417 : vector<16xf32>
          %get3A_2161 = arith.index_cast %scan3A_1416 : i32 to index
          %get3A_2162 = arith.index_cast %add3A_2155 : i32 to index
          %get3A_2163 = arith.constant 16 : index
          %get3A_2164 = tpu.vector_load %arg9[%get3A_2161, %get3A_2162, %get3A_2163] {strides = array<i32>} : memref<3x208x128xf32, #tpu.memory_space<vmem>>, vector<16xf32>,
          %mul3A_2165 = arith.mulf %get3A_2164, %scan3A_1418 : vector<16xf32>
          %get3A_2166 = arith.index_cast %scan3A_1416 : i32 to index
          %get3A_2167 = arith.index_cast %add3A_2155 : i32 to index
          %get3A_2168 = arith.constant 32 : index
          %get3A_2169 = tpu.vector_load %arg9[%get3A_2166, %get3A_2167, %get3A_2168] {strides = array<i32>} : memref<3x208x128xf32, #tpu.memory_space<vmem>>, vector<16xf32>,
          %mul3A_2170 = arith.mulf %get3A_2169, %scan3A_1419 : vector<16xf32>
          %get3A_2171 = arith.index_cast %scan3A_1416 : i32 to index
          %get3A_2172 = arith.index_cast %add3A_2155 : i32 to index
          %get3A_2173 = arith.constant 48 : index
          %get3A_2174 = tpu.vector_load %arg9[%get3A_2171, %get3A_2172, %get3A_2173] {strides = array<i32>} : memref<3x208x128xf32, #tpu.memory_space<vmem>>, vector<16xf32>,
          %mul3A_2175 = arith.mulf %get3A_2174, %scan3A_1420 : vector<16xf32>
          %get3A_2176 = arith.index_cast %scan3A_1416 : i32 to index
          %get3A_2177 = arith.index_cast %add3A_2155 : i32 to index
          %get3A_2178 = arith.constant 64 : index
          %get3A_2179 = tpu.vector_load %arg9[%get3A_2176, %get3A_2177, %get3A_2178] {strides = array<i32>} : memref<3x208x128xf32, #tpu.memory_space<vmem>>, vector<16xf32>,
          %mul3A_2180 = arith.mulf %get3A_2179, %scan3A_1421 : vector<16xf32>
          %get3A_2181 = arith.index_cast %scan3A_1416 : i32 to index
          %get3A_2182 = arith.index_cast %add3A_2155 : i32 to index
          %get3A_2183 = arith.constant 80 : index
          %get3A_2184 = tpu.vector_load %arg9[%get3A_2181, %get3A_2182, %get3A_2183] {strides = array<i32>} : memref<3x208x128xf32, #tpu.memory_space<vmem>>, vector<16xf32>,
          %mul3A_2185 = arith.mulf %get3A_2184, %scan3A_1422 : vector<16xf32>
          %get3A_2186 = arith.index_cast %scan3A_1416 : i32 to index
          %get3A_2187 = arith.index_cast %add3A_2155 : i32 to index
          %get3A_2188 = arith.constant 96 : index
          %get3A_2189 = tpu.vector_load %arg9[%get3A_2186, %get3A_2187, %get3A_2188] {strides = array<i32>} : memref<3x208x128xf32, #tpu.memory_space<vmem>>, vector<16xf32>,
          %mul3A_2190 = arith.mulf %get3A_2189, %scan3A_1423 : vector<16xf32>
          %get3A_2191 = arith.index_cast %scan3A_1416 : i32 to index
          %get3A_2192 = arith.index_cast %add3A_2155 : i32 to index
          %get3A_2193 = arith.constant 112 : index
          %get3A_2194 = tpu.vector_load %arg9[%get3A_2191, %get3A_2192, %get3A_2193] {strides = array<i32>} : memref<3x208x128xf32, #tpu.memory_space<vmem>>, vector<16xf32>,
          %mul3A_2195 = arith.mulf %get3A_2194, %scan3A_1424 : vector<16xf32>
          %add3A_2196 = arith.addf %mul3A_2160, %mul3A_2165 : vector<16xf32>
          %add3A_2197 = arith.addf %mul3A_2170, %mul3A_2175 : vector<16xf32>
          %add3A_2198 = arith.addf %add3A_2196, %add3A_2197 : vector<16xf32>
          %add3A_2199 = arith.addf %mul3A_2180, %mul3A_2185 : vector<16xf32>
          %add3A_2200 = arith.addf %mul3A_2190, %mul3A_2195 : vector<16xf32>
          %add3A_2201 = arith.addf %add3A_2199, %add3A_2200 : vector<16xf32>
          %add3A_2202 = arith.addf %add3A_2198, %add3A_2201 : vector<16xf32>
          %reduce_sum3A_2203 = arith.constant true
          %reduce_sum3A_2204 = vector.broadcast %reduce_sum3A_2203 : i1 to vector<16xi1>
          %reduce_sum3A_2205 = tpu.scan <sum>, %add3A_2202 masked %reduce_sum3A_2204 : vector<16xf32>, vector<16xi1> -> vector<16xf32>
          %reduce_sum3A_2206 = vector.extract %reduce_sum3A_2205[15] : f32 from vector<16xf32>
          %eq3A_2207 = arith.constant 11 : i32
          %eq3A_2208 = vector.broadcast %eq3A_2207 : i32 to vector<16xi32>
          %eq3A_2209 = arith.cmpi eq, %iota3A, %eq3A_2208 : vector<16xi32>
          %broadcast_in_dim3A_2210 = vector.broadcast %reduce_sum3A_2206 : f32 to vector<16xf32>
          %select_n3A_2211 = arith.select %eq3A_2209, %broadcast_in_dim3A_2210, %select_n3A_2151 : vector<16xi1>, vector<16xf32>
          %mul3A_2212 = arith.constant 16 : i32
          %mul3A_2213 = arith.muli %scan3A_1490, %mul3A_2212 : i32
          %add3A_2214 = arith.constant 12 : i32
          %add3A_2215 = arith.addi %mul3A_2213, %add3A_2214 : i32
          %get3A_2216 = arith.index_cast %scan3A_1416 : i32 to index
          %get3A_2217 = arith.index_cast %add3A_2215 : i32 to index
          %get3A_2218 = arith.constant 0 : index
          %get3A_2219 = tpu.vector_load %arg9[%get3A_2216, %get3A_2217, %get3A_2218] {strides = array<i32>} : memref<3x208x128xf32, #tpu.memory_space<vmem>>, vector<16xf32>,
          %mul3A_2220 = arith.mulf %get3A_2219, %scan3A_1417 : vector<16xf32>
          %get3A_2221 = arith.index_cast %scan3A_1416 : i32 to index
          %get3A_2222 = arith.index_cast %add3A_2215 : i32 to index
          %get3A_2223 = arith.constant 16 : index
          %get3A_2224 = tpu.vector_load %arg9[%get3A_2221, %get3A_2222, %get3A_2223] {strides = array<i32>} : memref<3x208x128xf32, #tpu.memory_space<vmem>>, vector<16xf32>,
          %mul3A_2225 = arith.mulf %get3A_2224, %scan3A_1418 : vector<16xf32>
          %get3A_2226 = arith.index_cast %scan3A_1416 : i32 to index
          %get3A_2227 = arith.index_cast %add3A_2215 : i32 to index
          %get3A_2228 = arith.constant 32 : index
          %get3A_2229 = tpu.vector_load %arg9[%get3A_2226, %get3A_2227, %get3A_2228] {strides = array<i32>} : memref<3x208x128xf32, #tpu.memory_space<vmem>>, vector<16xf32>,
          %mul3A_2230 = arith.mulf %get3A_2229, %scan3A_1419 : vector<16xf32>
          %get3A_2231 = arith.index_cast %scan3A_1416 : i32 to index
          %get3A_2232 = arith.index_cast %add3A_2215 : i32 to index
          %get3A_2233 = arith.constant 48 : index
          %get3A_2234 = tpu.vector_load %arg9[%get3A_2231, %get3A_2232, %get3A_2233] {strides = array<i32>} : memref<3x208x128xf32, #tpu.memory_space<vmem>>, vector<16xf32>,
          %mul3A_2235 = arith.mulf %get3A_2234, %scan3A_1420 : vector<16xf32>
          %get3A_2236 = arith.index_cast %scan3A_1416 : i32 to index
          %get3A_2237 = arith.index_cast %add3A_2215 : i32 to index
          %get3A_2238 = arith.constant 64 : index
          %get3A_2239 = tpu.vector_load %arg9[%get3A_2236, %get3A_2237, %get3A_2238] {strides = array<i32>} : memref<3x208x128xf32, #tpu.memory_space<vmem>>, vector<16xf32>,
          %mul3A_2240 = arith.mulf %get3A_2239, %scan3A_1421 : vector<16xf32>
          %get3A_2241 = arith.index_cast %scan3A_1416 : i32 to index
          %get3A_2242 = arith.index_cast %add3A_2215 : i32 to index
          %get3A_2243 = arith.constant 80 : index
          %get3A_2244 = tpu.vector_load %arg9[%get3A_2241, %get3A_2242, %get3A_2243] {strides = array<i32>} : memref<3x208x128xf32, #tpu.memory_space<vmem>>, vector<16xf32>,
          %mul3A_2245 = arith.mulf %get3A_2244, %scan3A_1422 : vector<16xf32>
          %get3A_2246 = arith.index_cast %scan3A_1416 : i32 to index
          %get3A_2247 = arith.index_cast %add3A_2215 : i32 to index
          %get3A_2248 = arith.constant 96 : index
          %get3A_2249 = tpu.vector_load %arg9[%get3A_2246, %get3A_2247, %get3A_2248] {strides = array<i32>} : memref<3x208x128xf32, #tpu.memory_space<vmem>>, vector<16xf32>,
          %mul3A_2250 = arith.mulf %get3A_2249, %scan3A_1423 : vector<16xf32>
          %get3A_2251 = arith.index_cast %scan3A_1416 : i32 to index
          %get3A_2252 = arith.index_cast %add3A_2215 : i32 to index
          %get3A_2253 = arith.constant 112 : index
          %get3A_2254 = tpu.vector_load %arg9[%get3A_2251, %get3A_2252, %get3A_2253] {strides = array<i32>} : memref<3x208x128xf32, #tpu.memory_space<vmem>>, vector<16xf32>,
          %mul3A_2255 = arith.mulf %get3A_2254, %scan3A_1424 : vector<16xf32>
          %add3A_2256 = arith.addf %mul3A_2220, %mul3A_2225 : vector<16xf32>
          %add3A_2257 = arith.addf %mul3A_2230, %mul3A_2235 : vector<16xf32>
          %add3A_2258 = arith.addf %add3A_2256, %add3A_2257 : vector<16xf32>
          %add3A_2259 = arith.addf %mul3A_2240, %mul3A_2245 : vector<16xf32>
          %add3A_2260 = arith.addf %mul3A_2250, %mul3A_2255 : vector<16xf32>
          %add3A_2261 = arith.addf %add3A_2259, %add3A_2260 : vector<16xf32>
          %add3A_2262 = arith.addf %add3A_2258, %add3A_2261 : vector<16xf32>
          %reduce_sum3A_2263 = arith.constant true
          %reduce_sum3A_2264 = vector.broadcast %reduce_sum3A_2263 : i1 to vector<16xi1>
          %reduce_sum3A_2265 = tpu.scan <sum>, %add3A_2262 masked %reduce_sum3A_2264 : vector<16xf32>, vector<16xi1> -> vector<16xf32>
          %reduce_sum3A_2266 = vector.extract %reduce_sum3A_2265[15] : f32 from vector<16xf32>
          %eq3A_2267 = arith.constant 12 : i32
          %eq3A_2268 = vector.broadcast %eq3A_2267 : i32 to vector<16xi32>
          %eq3A_2269 = arith.cmpi eq, %iota3A, %eq3A_2268 : vector<16xi32>
          %broadcast_in_dim3A_2270 = vector.broadcast %reduce_sum3A_2266 : f32 to vector<16xf32>
          %select_n3A_2271 = arith.select %eq3A_2269, %broadcast_in_dim3A_2270, %select_n3A_2211 : vector<16xi1>, vector<16xf32>
          %mul3A_2272 = arith.constant 16 : i32
          %mul3A_2273 = arith.muli %scan3A_1490, %mul3A_2272 : i32
          %add3A_2274 = arith.constant 13 : i32
          %add3A_2275 = arith.addi %mul3A_2273, %add3A_2274 : i32
          %get3A_2276 = arith.index_cast %scan3A_1416 : i32 to index
          %get3A_2277 = arith.index_cast %add3A_2275 : i32 to index
          %get3A_2278 = arith.constant 0 : index
          %get3A_2279 = tpu.vector_load %arg9[%get3A_2276, %get3A_2277, %get3A_2278] {strides = array<i32>} : memref<3x208x128xf32, #tpu.memory_space<vmem>>, vector<16xf32>,
          %mul3A_2280 = arith.mulf %get3A_2279, %scan3A_1417 : vector<16xf32>
          %get3A_2281 = arith.index_cast %scan3A_1416 : i32 to index
          %get3A_2282 = arith.index_cast %add3A_2275 : i32 to index
          %get3A_2283 = arith.constant 16 : index
          %get3A_2284 = tpu.vector_load %arg9[%get3A_2281, %get3A_2282, %get3A_2283] {strides = array<i32>} : memref<3x208x128xf32, #tpu.memory_space<vmem>>, vector<16xf32>,
          %mul3A_2285 = arith.mulf %get3A_2284, %scan3A_1418 : vector<16xf32>
          %get3A_2286 = arith.index_cast %scan3A_1416 : i32 to index
          %get3A_2287 = arith.index_cast %add3A_2275 : i32 to index
          %get3A_2288 = arith.constant 32 : index
          %get3A_2289 = tpu.vector_load %arg9[%get3A_2286, %get3A_2287, %get3A_2288] {strides = array<i32>} : memref<3x208x128xf32, #tpu.memory_space<vmem>>, vector<16xf32>,
          %mul3A_2290 = arith.mulf %get3A_2289, %scan3A_1419 : vector<16xf32>
          %get3A_2291 = arith.index_cast %scan3A_1416 : i32 to index
          %get3A_2292 = arith.index_cast %add3A_2275 : i32 to index
          %get3A_2293 = arith.constant 48 : index
          %get3A_2294 = tpu.vector_load %arg9[%get3A_2291, %get3A_2292, %get3A_2293] {strides = array<i32>} : memref<3x208x128xf32, #tpu.memory_space<vmem>>, vector<16xf32>,
          %mul3A_2295 = arith.mulf %get3A_2294, %scan3A_1420 : vector<16xf32>
          %get3A_2296 = arith.index_cast %scan3A_1416 : i32 to index
          %get3A_2297 = arith.index_cast %add3A_2275 : i32 to index
          %get3A_2298 = arith.constant 64 : index
          %get3A_2299 = tpu.vector_load %arg9[%get3A_2296, %get3A_2297, %get3A_2298] {strides = array<i32>} : memref<3x208x128xf32, #tpu.memory_space<vmem>>, vector<16xf32>,
          %mul3A_2300 = arith.mulf %get3A_2299, %scan3A_1421 : vector<16xf32>
          %get3A_2301 = arith.index_cast %scan3A_1416 : i32 to index
          %get3A_2302 = arith.index_cast %add3A_2275 : i32 to index
          %get3A_2303 = arith.constant 80 : index
          %get3A_2304 = tpu.vector_load %arg9[%get3A_2301, %get3A_2302, %get3A_2303] {strides = array<i32>} : memref<3x208x128xf32, #tpu.memory_space<vmem>>, vector<16xf32>,
          %mul3A_2305 = arith.mulf %get3A_2304, %scan3A_1422 : vector<16xf32>
          %get3A_2306 = arith.index_cast %scan3A_1416 : i32 to index
          %get3A_2307 = arith.index_cast %add3A_2275 : i32 to index
          %get3A_2308 = arith.constant 96 : index
          %get3A_2309 = tpu.vector_load %arg9[%get3A_2306, %get3A_2307, %get3A_2308] {strides = array<i32>} : memref<3x208x128xf32, #tpu.memory_space<vmem>>, vector<16xf32>,
          %mul3A_2310 = arith.mulf %get3A_2309, %scan3A_1423 : vector<16xf32>
          %get3A_2311 = arith.index_cast %scan3A_1416 : i32 to index
          %get3A_2312 = arith.index_cast %add3A_2275 : i32 to index
          %get3A_2313 = arith.constant 112 : index
          %get3A_2314 = tpu.vector_load %arg9[%get3A_2311, %get3A_2312, %get3A_2313] {strides = array<i32>} : memref<3x208x128xf32, #tpu.memory_space<vmem>>, vector<16xf32>,
          %mul3A_2315 = arith.mulf %get3A_2314, %scan3A_1424 : vector<16xf32>
          %add3A_2316 = arith.addf %mul3A_2280, %mul3A_2285 : vector<16xf32>
          %add3A_2317 = arith.addf %mul3A_2290, %mul3A_2295 : vector<16xf32>
          %add3A_2318 = arith.addf %add3A_2316, %add3A_2317 : vector<16xf32>
          %add3A_2319 = arith.addf %mul3A_2300, %mul3A_2305 : vector<16xf32>
          %add3A_2320 = arith.addf %mul3A_2310, %mul3A_2315 : vector<16xf32>
          %add3A_2321 = arith.addf %add3A_2319, %add3A_2320 : vector<16xf32>
          %add3A_2322 = arith.addf %add3A_2318, %add3A_2321 : vector<16xf32>
          %reduce_sum3A_2323 = arith.constant true
          %reduce_sum3A_2324 = vector.broadcast %reduce_sum3A_2323 : i1 to vector<16xi1>
          %reduce_sum3A_2325 = tpu.scan <sum>, %add3A_2322 masked %reduce_sum3A_2324 : vector<16xf32>, vector<16xi1> -> vector<16xf32>
          %reduce_sum3A_2326 = vector.extract %reduce_sum3A_2325[15] : f32 from vector<16xf32>
          %eq3A_2327 = arith.constant 13 : i32
          %eq3A_2328 = vector.broadcast %eq3A_2327 : i32 to vector<16xi32>
          %eq3A_2329 = arith.cmpi eq, %iota3A, %eq3A_2328 : vector<16xi32>
          %broadcast_in_dim3A_2330 = vector.broadcast %reduce_sum3A_2326 : f32 to vector<16xf32>
          %select_n3A_2331 = arith.select %eq3A_2329, %broadcast_in_dim3A_2330, %select_n3A_2271 : vector<16xi1>, vector<16xf32>
          %mul3A_2332 = arith.constant 16 : i32
          %mul3A_2333 = arith.muli %scan3A_1490, %mul3A_2332 : i32
          %add3A_2334 = arith.constant 14 : i32
          %add3A_2335 = arith.addi %mul3A_2333, %add3A_2334 : i32
          %get3A_2336 = arith.index_cast %scan3A_1416 : i32 to index
          %get3A_2337 = arith.index_cast %add3A_2335 : i32 to index
          %get3A_2338 = arith.constant 0 : index
          %get3A_2339 = tpu.vector_load %arg9[%get3A_2336, %get3A_2337, %get3A_2338] {strides = array<i32>} : memref<3x208x128xf32, #tpu.memory_space<vmem>>, vector<16xf32>,
          %mul3A_2340 = arith.mulf %get3A_2339, %scan3A_1417 : vector<16xf32>
          %get3A_2341 = arith.index_cast %scan3A_1416 : i32 to index
          %get3A_2342 = arith.index_cast %add3A_2335 : i32 to index
          %get3A_2343 = arith.constant 16 : index
          %get3A_2344 = tpu.vector_load %arg9[%get3A_2341, %get3A_2342, %get3A_2343] {strides = array<i32>} : memref<3x208x128xf32, #tpu.memory_space<vmem>>, vector<16xf32>,
          %mul3A_2345 = arith.mulf %get3A_2344, %scan3A_1418 : vector<16xf32>
          %get3A_2346 = arith.index_cast %scan3A_1416 : i32 to index
          %get3A_2347 = arith.index_cast %add3A_2335 : i32 to index
          %get3A_2348 = arith.constant 32 : index
          %get3A_2349 = tpu.vector_load %arg9[%get3A_2346, %get3A_2347, %get3A_2348] {strides = array<i32>} : memref<3x208x128xf32, #tpu.memory_space<vmem>>, vector<16xf32>,
          %mul3A_2350 = arith.mulf %get3A_2349, %scan3A_1419 : vector<16xf32>
          %get3A_2351 = arith.index_cast %scan3A_1416 : i32 to index
          %get3A_2352 = arith.index_cast %add3A_2335 : i32 to index
          %get3A_2353 = arith.constant 48 : index
          %get3A_2354 = tpu.vector_load %arg9[%get3A_2351, %get3A_2352, %get3A_2353] {strides = array<i32>} : memref<3x208x128xf32, #tpu.memory_space<vmem>>, vector<16xf32>,
          %mul3A_2355 = arith.mulf %get3A_2354, %scan3A_1420 : vector<16xf32>
          %get3A_2356 = arith.index_cast %scan3A_1416 : i32 to index
          %get3A_2357 = arith.index_cast %add3A_2335 : i32 to index
          %get3A_2358 = arith.constant 64 : index
          %get3A_2359 = tpu.vector_load %arg9[%get3A_2356, %get3A_2357, %get3A_2358] {strides = array<i32>} : memref<3x208x128xf32, #tpu.memory_space<vmem>>, vector<16xf32>,
          %mul3A_2360 = arith.mulf %get3A_2359, %scan3A_1421 : vector<16xf32>
          %get3A_2361 = arith.index_cast %scan3A_1416 : i32 to index
          %get3A_2362 = arith.index_cast %add3A_2335 : i32 to index
          %get3A_2363 = arith.constant 80 : index
          %get3A_2364 = tpu.vector_load %arg9[%get3A_2361, %get3A_2362, %get3A_2363] {strides = array<i32>} : memref<3x208x128xf32, #tpu.memory_space<vmem>>, vector<16xf32>,
          %mul3A_2365 = arith.mulf %get3A_2364, %scan3A_1422 : vector<16xf32>
          %get3A_2366 = arith.index_cast %scan3A_1416 : i32 to index
          %get3A_2367 = arith.index_cast %add3A_2335 : i32 to index
          %get3A_2368 = arith.constant 96 : index
          %get3A_2369 = tpu.vector_load %arg9[%get3A_2366, %get3A_2367, %get3A_2368] {strides = array<i32>} : memref<3x208x128xf32, #tpu.memory_space<vmem>>, vector<16xf32>,
          %mul3A_2370 = arith.mulf %get3A_2369, %scan3A_1423 : vector<16xf32>
          %get3A_2371 = arith.index_cast %scan3A_1416 : i32 to index
          %get3A_2372 = arith.index_cast %add3A_2335 : i32 to index
          %get3A_2373 = arith.constant 112 : index
          %get3A_2374 = tpu.vector_load %arg9[%get3A_2371, %get3A_2372, %get3A_2373] {strides = array<i32>} : memref<3x208x128xf32, #tpu.memory_space<vmem>>, vector<16xf32>,
          %mul3A_2375 = arith.mulf %get3A_2374, %scan3A_1424 : vector<16xf32>
          %add3A_2376 = arith.addf %mul3A_2340, %mul3A_2345 : vector<16xf32>
          %add3A_2377 = arith.addf %mul3A_2350, %mul3A_2355 : vector<16xf32>
          %add3A_2378 = arith.addf %add3A_2376, %add3A_2377 : vector<16xf32>
          %add3A_2379 = arith.addf %mul3A_2360, %mul3A_2365 : vector<16xf32>
          %add3A_2380 = arith.addf %mul3A_2370, %mul3A_2375 : vector<16xf32>
          %add3A_2381 = arith.addf %add3A_2379, %add3A_2380 : vector<16xf32>
          %add3A_2382 = arith.addf %add3A_2378, %add3A_2381 : vector<16xf32>
          %reduce_sum3A_2383 = arith.constant true
          %reduce_sum3A_2384 = vector.broadcast %reduce_sum3A_2383 : i1 to vector<16xi1>
          %reduce_sum3A_2385 = tpu.scan <sum>, %add3A_2382 masked %reduce_sum3A_2384 : vector<16xf32>, vector<16xi1> -> vector<16xf32>
          %reduce_sum3A_2386 = vector.extract %reduce_sum3A_2385[15] : f32 from vector<16xf32>
          %eq3A_2387 = arith.constant 14 : i32
          %eq3A_2388 = vector.broadcast %eq3A_2387 : i32 to vector<16xi32>
          %eq3A_2389 = arith.cmpi eq, %iota3A, %eq3A_2388 : vector<16xi32>
          %broadcast_in_dim3A_2390 = vector.broadcast %reduce_sum3A_2386 : f32 to vector<16xf32>
          %select_n3A_2391 = arith.select %eq3A_2389, %broadcast_in_dim3A_2390, %select_n3A_2331 : vector<16xi1>, vector<16xf32>
          %mul3A_2392 = arith.constant 16 : i32
          %mul3A_2393 = arith.muli %scan3A_1490, %mul3A_2392 : i32
          %add3A_2394 = arith.constant 15 : i32
          %add3A_2395 = arith.addi %mul3A_2393, %add3A_2394 : i32
          %get3A_2396 = arith.index_cast %scan3A_1416 : i32 to index
          %get3A_2397 = arith.index_cast %add3A_2395 : i32 to index
          %get3A_2398 = arith.constant 0 : index
          %get3A_2399 = tpu.vector_load %arg9[%get3A_2396, %get3A_2397, %get3A_2398] {strides = array<i32>} : memref<3x208x128xf32, #tpu.memory_space<vmem>>, vector<16xf32>,
          %mul3A_2400 = arith.mulf %get3A_2399, %scan3A_1417 : vector<16xf32>
          %get3A_2401 = arith.index_cast %scan3A_1416 : i32 to index
          %get3A_2402 = arith.index_cast %add3A_2395 : i32 to index
          %get3A_2403 = arith.constant 16 : index
          %get3A_2404 = tpu.vector_load %arg9[%get3A_2401, %get3A_2402, %get3A_2403] {strides = array<i32>} : memref<3x208x128xf32, #tpu.memory_space<vmem>>, vector<16xf32>,
          %mul3A_2405 = arith.mulf %get3A_2404, %scan3A_1418 : vector<16xf32>
          %get3A_2406 = arith.index_cast %scan3A_1416 : i32 to index
          %get3A_2407 = arith.index_cast %add3A_2395 : i32 to index
          %get3A_2408 = arith.constant 32 : index
          %get3A_2409 = tpu.vector_load %arg9[%get3A_2406, %get3A_2407, %get3A_2408] {strides = array<i32>} : memref<3x208x128xf32, #tpu.memory_space<vmem>>, vector<16xf32>,
          %mul3A_2410 = arith.mulf %get3A_2409, %scan3A_1419 : vector<16xf32>
          %get3A_2411 = arith.index_cast %scan3A_1416 : i32 to index
          %get3A_2412 = arith.index_cast %add3A_2395 : i32 to index
          %get3A_2413 = arith.constant 48 : index
          %get3A_2414 = tpu.vector_load %arg9[%get3A_2411, %get3A_2412, %get3A_2413] {strides = array<i32>} : memref<3x208x128xf32, #tpu.memory_space<vmem>>, vector<16xf32>,
          %mul3A_2415 = arith.mulf %get3A_2414, %scan3A_1420 : vector<16xf32>
          %get3A_2416 = arith.index_cast %scan3A_1416 : i32 to index
          %get3A_2417 = arith.index_cast %add3A_2395 : i32 to index
          %get3A_2418 = arith.constant 64 : index
          %get3A_2419 = tpu.vector_load %arg9[%get3A_2416, %get3A_2417, %get3A_2418] {strides = array<i32>} : memref<3x208x128xf32, #tpu.memory_space<vmem>>, vector<16xf32>,
          %mul3A_2420 = arith.mulf %get3A_2419, %scan3A_1421 : vector<16xf32>
          %get3A_2421 = arith.index_cast %scan3A_1416 : i32 to index
          %get3A_2422 = arith.index_cast %add3A_2395 : i32 to index
          %get3A_2423 = arith.constant 80 : index
          %get3A_2424 = tpu.vector_load %arg9[%get3A_2421, %get3A_2422, %get3A_2423] {strides = array<i32>} : memref<3x208x128xf32, #tpu.memory_space<vmem>>, vector<16xf32>,
          %mul3A_2425 = arith.mulf %get3A_2424, %scan3A_1422 : vector<16xf32>
          %get3A_2426 = arith.index_cast %scan3A_1416 : i32 to index
          %get3A_2427 = arith.index_cast %add3A_2395 : i32 to index
          %get3A_2428 = arith.constant 96 : index
          %get3A_2429 = tpu.vector_load %arg9[%get3A_2426, %get3A_2427, %get3A_2428] {strides = array<i32>} : memref<3x208x128xf32, #tpu.memory_space<vmem>>, vector<16xf32>,
          %mul3A_2430 = arith.mulf %get3A_2429, %scan3A_1423 : vector<16xf32>
          %get3A_2431 = arith.index_cast %scan3A_1416 : i32 to index
          %get3A_2432 = arith.index_cast %add3A_2395 : i32 to index
          %get3A_2433 = arith.constant 112 : index
          %get3A_2434 = tpu.vector_load %arg9[%get3A_2431, %get3A_2432, %get3A_2433] {strides = array<i32>} : memref<3x208x128xf32, #tpu.memory_space<vmem>>, vector<16xf32>,
          %mul3A_2435 = arith.mulf %get3A_2434, %scan3A_1424 : vector<16xf32>
          %add3A_2436 = arith.addf %mul3A_2400, %mul3A_2405 : vector<16xf32>
          %add3A_2437 = arith.addf %mul3A_2410, %mul3A_2415 : vector<16xf32>
          %add3A_2438 = arith.addf %add3A_2436, %add3A_2437 : vector<16xf32>
          %add3A_2439 = arith.addf %mul3A_2420, %mul3A_2425 : vector<16xf32>
          %add3A_2440 = arith.addf %mul3A_2430, %mul3A_2435 : vector<16xf32>
          %add3A_2441 = arith.addf %add3A_2439, %add3A_2440 : vector<16xf32>
          %add3A_2442 = arith.addf %add3A_2438, %add3A_2441 : vector<16xf32>
          %reduce_sum3A_2443 = arith.constant true
          %reduce_sum3A_2444 = vector.broadcast %reduce_sum3A_2443 : i1 to vector<16xi1>
          %reduce_sum3A_2445 = tpu.scan <sum>, %add3A_2442 masked %reduce_sum3A_2444 : vector<16xf32>, vector<16xi1> -> vector<16xf32>
          %reduce_sum3A_2446 = vector.extract %reduce_sum3A_2445[15] : f32 from vector<16xf32>
          %eq3A_2447 = arith.constant 15 : i32
          %eq3A_2448 = vector.broadcast %eq3A_2447 : i32 to vector<16xi32>
          %eq3A_2449 = arith.cmpi eq, %iota3A, %eq3A_2448 : vector<16xi32>
          %broadcast_in_dim3A_2450 = vector.broadcast %reduce_sum3A_2446 : f32 to vector<16xf32>
          %select_n3A_2451 = arith.select %eq3A_2449, %broadcast_in_dim3A_2450, %select_n3A_2391 : vector<16xi1>, vector<16xf32>
          %mul3A_2452 = arith.constant 16 : i32
          %mul3A_2453 = arith.muli %scan3A_1490, %mul3A_2452 : i32
          %get3A_2454 = arith.index_cast %add3A_1303 : i32 to index
          %get3A_2455 = arith.index_cast %mul3A_2453 : i32 to index
          %get3A_2456 = tpu.vector_load %arg8[%get3A_2454, %get3A_2455] {strides = array<i32>} : memref<32x336xf32, #tpu.memory_space<vmem>>, vector<16xf32>,
          %mul3A_2457 = arith.mulf %select_n3A_2451, %get3A_2456 : vector<16xf32>
          %mul3A_2458 = arith.constant 16 : i32
          %mul3A_2459 = arith.muli %scan3A_1490, %mul3A_2458 : i32
          %add3A_2460 = vector.broadcast %mul3A_2459 : i32 to vector<16xi32>
          %add3A_2461 = arith.addi %add3A_2460, %iota3A : vector<16xi32>
          %lt3A_2462 = arith.constant 200 : i32
          %lt3A_2463 = vector.broadcast %lt3A_2462 : i32 to vector<16xi32>
          %lt3A_2464 = arith.cmpi slt, %add3A_2461, %lt3A_2463 : vector<16xi32>
          %jit3A_2465 = arith.constant -1.000000e+30 : f32
          %broadcast_in_dim3A_2466 = vector.broadcast %jit3A_2465 : f32 to vector<16xf32>
          %select_n3A_2467 = arith.select %lt3A_2464, %mul3A_2457, %broadcast_in_dim3A_2466 : vector<16xi1>, vector<16xf32>
          %mul3A_2468 = arith.constant 16 : i32
          %mul3A_2469 = arith.muli %scan3A_1490, %mul3A_2468 : i32
          %swap3A_2470 = arith.index_cast %mul3A_2469 : i32 to index
          %swap3A_2471 = tpu.vector_load %arg10[%swap3A_2470] {strides = array<i32>} : memref<208xf32, #tpu.memory_space<vmem>>, vector<16xf32>,
          tpu.vector_store %arg10[%swap3A_2470], %select_n3A_2467 {strides = array<i32>} : memref<208xf32, #tpu.memory_space<vmem>>, vector<16xf32>,
          %scan3A_2472 = arith.constant 0 : i32
          scf.yield %scan3A_2472 : i32
        }
        %scan3A_1431 = arith.constant 13 : i32
        %eq3A = arith.constant 0 : i32
        %eq3A_1432 = arith.cmpi eq, %scan3A_1416, %eq3A : i32
        %add3A_1433 = arith.constant 1 : i32
        %add3A_1434 = arith.addi %scan3A_1295, %add3A_1433 : i32
        %lt3A = arith.constant 21 : i32
        %lt3A_1435 = arith.cmpi slt, %add3A_1434, %lt3A : i32
        %and3A_1436 = arith.andi %eq3A_1432, %lt3A_1435 : i1
        %convert_element_type3A_1437 = arith.extui %and3A_1436 : i1 to i32
        %cond3A_1438 = arith.constant 0 : i32
        %cond3A_1439 = arith.cmpi ne, %convert_element_type3A_1437, %cond3A_1438 : i32
        scf.if %cond3A_1439 {
          %add3A_1490 = arith.constant 1 : i32
          %add3A_1491 = arith.addi %add3A_1297, %add3A_1490 : i32
          %dma_start3A_1492 = arith.constant 0 : i32
          %dma_start3A_1493 = arith.constant 0 : i32
          %dma_start3A_1494 = arith.constant 0 : i32
          %dma_start3A_1495 = tpu.memref_slice %arg9[%dma_start3A_1492, %dma_start3A_1493, %dma_start3A_1494] : memref<3x208x128xf32, #tpu.memory_space<vmem>> -> memref<1x200x128xf32, #tpu.memory_space<vmem>>
          %dma_start3A_1496 = tpu.memref_squeeze %dma_start3A_1495 : memref<1x200x128xf32, #tpu.memory_space<vmem>> -> memref<200x128xf32, #tpu.memory_space<vmem>>
          %dma_start3A_1497 = arith.constant 0 : i32
          %dma_start3A_1498 = arith.constant 0 : i32
          %dma_start3A_1499 = tpu.memref_slice %arg3[%add3A_1491, %dma_start3A_1497, %dma_start3A_1498] : memref<1024x200x128xf32, #tpu.memory_space<hbm>> -> memref<1x200x128xf32, #tpu.memory_space<hbm>>
          %dma_start3A_1500 = tpu.memref_squeeze %dma_start3A_1499 : memref<1x200x128xf32, #tpu.memory_space<hbm>> -> memref<200x128xf32, #tpu.memory_space<hbm>>
          %dma_start3A_1501 = arith.constant 0 : i32
          %dma_start3A_1502 = arith.constant 0 : i32
          %dma_start3A_1503 = tpu.memref_slice %arg9[%dma_start3A_1492, %dma_start3A_1501, %dma_start3A_1502] : memref<3x208x128xf32, #tpu.memory_space<vmem>> -> memref<1x200x128xf32, #tpu.memory_space<vmem>>
          %dma_start3A_1504 = tpu.memref_squeeze %dma_start3A_1503 : memref<1x200x128xf32, #tpu.memory_space<vmem>> -> memref<200x128xf32, #tpu.memory_space<vmem>>
          %dma_start3A_1505 = arith.constant 0 : i32
          %dma_start3A_1506 = arith.constant 0 : i32
          %dma_start3A_1507 = tpu.memref_slice %arg3[%add3A_1491, %dma_start3A_1505, %dma_start3A_1506] : memref<1024x200x128xf32, #tpu.memory_space<hbm>> -> memref<1x200x128xf32, #tpu.memory_space<hbm>>
          %dma_start3A_1508 = tpu.memref_squeeze %dma_start3A_1507 : memref<1x200x128xf32, #tpu.memory_space<hbm>> -> memref<200x128xf32, #tpu.memory_space<hbm>>
          tpu.enqueue_dma source(%dma_start3A_1508 : memref<200x128xf32, #tpu.memory_space<hbm>>) target(%dma_start3A_1504 : memref<200x128xf32, #tpu.memory_space<vmem>>) target_semaphore(%arg13 : memref<!tpu.dma_semaphore, #tpu.memory_space<semaphore_mem>>)
        } else {
        }
        %eq3A_1440 = arith.constant 1 : i32
        %eq3A_1441 = arith.cmpi eq, %scan3A_1416, %eq3A_1440 : i32
        %add3A_1442 = arith.constant 1 : i32
        %add3A_1443 = arith.addi %scan3A_1295, %add3A_1442 : i32
        %lt3A_1444 = arith.constant 21 : i32
        %lt3A_1445 = arith.cmpi slt, %add3A_1443, %lt3A_1444 : i32
        %and3A_1446 = arith.andi %eq3A_1441, %lt3A_1445 : i1
        %convert_element_type3A_1447 = arith.extui %and3A_1446 : i1 to i32
        %cond3A_1448 = arith.constant 0 : i32
        %cond3A_1449 = arith.cmpi ne, %convert_element_type3A_1447, %cond3A_1448 : i32
        scf.if %cond3A_1449 {
          %add3A_1490 = arith.constant 1 : i32
          %add3A_1491 = arith.addi %add3A_1297, %add3A_1490 : i32
          %dma_start3A_1492 = arith.constant 1 : i32
          %dma_start3A_1493 = arith.constant 0 : i32
          %dma_start3A_1494 = arith.constant 0 : i32
          %dma_start3A_1495 = tpu.memref_slice %arg9[%dma_start3A_1492, %dma_start3A_1493, %dma_start3A_1494] : memref<3x208x128xf32, #tpu.memory_space<vmem>> -> memref<1x200x128xf32, #tpu.memory_space<vmem>>
          %dma_start3A_1496 = tpu.memref_squeeze %dma_start3A_1495 : memref<1x200x128xf32, #tpu.memory_space<vmem>> -> memref<200x128xf32, #tpu.memory_space<vmem>>
          %dma_start3A_1497 = arith.constant 0 : i32
          %dma_start3A_1498 = arith.constant 0 : i32
          %dma_start3A_1499 = tpu.memref_slice %arg4[%add3A_1491, %dma_start3A_1497, %dma_start3A_1498] : memref<1024x200x128xf32, #tpu.memory_space<hbm>> -> memref<1x200x128xf32, #tpu.memory_space<hbm>>
          %dma_start3A_1500 = tpu.memref_squeeze %dma_start3A_1499 : memref<1x200x128xf32, #tpu.memory_space<hbm>> -> memref<200x128xf32, #tpu.memory_space<hbm>>
          %dma_start3A_1501 = arith.constant 0 : i32
          %dma_start3A_1502 = arith.constant 0 : i32
          %dma_start3A_1503 = tpu.memref_slice %arg9[%dma_start3A_1492, %dma_start3A_1501, %dma_start3A_1502] : memref<3x208x128xf32, #tpu.memory_space<vmem>> -> memref<1x200x128xf32, #tpu.memory_space<vmem>>
          %dma_start3A_1504 = tpu.memref_squeeze %dma_start3A_1503 : memref<1x200x128xf32, #tpu.memory_space<vmem>> -> memref<200x128xf32, #tpu.memory_space<vmem>>
          %dma_start3A_1505 = arith.constant 0 : i32
          %dma_start3A_1506 = arith.constant 0 : i32
          %dma_start3A_1507 = tpu.memref_slice %arg4[%add3A_1491, %dma_start3A_1505, %dma_start3A_1506] : memref<1024x200x128xf32, #tpu.memory_space<hbm>> -> memref<1x200x128xf32, #tpu.memory_space<hbm>>
          %dma_start3A_1508 = tpu.memref_squeeze %dma_start3A_1507 : memref<1x200x128xf32, #tpu.memory_space<hbm>> -> memref<200x128xf32, #tpu.memory_space<hbm>>
          tpu.enqueue_dma source(%dma_start3A_1508 : memref<200x128xf32, #tpu.memory_space<hbm>>) target(%dma_start3A_1504 : memref<200x128xf32, #tpu.memory_space<vmem>>) target_semaphore(%arg14 : memref<!tpu.dma_semaphore, #tpu.memory_space<semaphore_mem>>)
        } else {
        }
        %eq3A_1450 = arith.constant 2 : i32
        %eq3A_1451 = arith.cmpi eq, %scan3A_1416, %eq3A_1450 : i32
        %add3A_1452 = arith.constant 1 : i32
        %add3A_1453 = arith.addi %scan3A_1295, %add3A_1452 : i32
        %lt3A_1454 = arith.constant 21 : i32
        %lt3A_1455 = arith.cmpi slt, %add3A_1453, %lt3A_1454 : i32
        %and3A_1456 = arith.andi %eq3A_1451, %lt3A_1455 : i1
        %convert_element_type3A_1457 = arith.extui %and3A_1456 : i1 to i32
        %cond3A_1458 = arith.constant 0 : i32
        %cond3A_1459 = arith.cmpi ne, %convert_element_type3A_1457, %cond3A_1458 : i32
        scf.if %cond3A_1459 {
          %add3A_1490 = arith.constant 1 : i32
          %add3A_1491 = arith.addi %add3A_1297, %add3A_1490 : i32
          %dma_start3A_1492 = arith.constant 2 : i32
          %dma_start3A_1493 = arith.constant 0 : i32
          %dma_start3A_1494 = arith.constant 0 : i32
          %dma_start3A_1495 = tpu.memref_slice %arg9[%dma_start3A_1492, %dma_start3A_1493, %dma_start3A_1494] : memref<3x208x128xf32, #tpu.memory_space<vmem>> -> memref<1x200x128xf32, #tpu.memory_space<vmem>>
          %dma_start3A_1496 = tpu.memref_squeeze %dma_start3A_1495 : memref<1x200x128xf32, #tpu.memory_space<vmem>> -> memref<200x128xf32, #tpu.memory_space<vmem>>
          %dma_start3A_1497 = arith.constant 0 : i32
          %dma_start3A_1498 = arith.constant 0 : i32
          %dma_start3A_1499 = tpu.memref_slice %arg5[%add3A_1491, %dma_start3A_1497, %dma_start3A_1498] : memref<1024x200x128xf32, #tpu.memory_space<hbm>> -> memref<1x200x128xf32, #tpu.memory_space<hbm>>
          %dma_start3A_1500 = tpu.memref_squeeze %dma_start3A_1499 : memref<1x200x128xf32, #tpu.memory_space<hbm>> -> memref<200x128xf32, #tpu.memory_space<hbm>>
          %dma_start3A_1501 = arith.constant 0 : i32
          %dma_start3A_1502 = arith.constant 0 : i32
          %dma_start3A_1503 = tpu.memref_slice %arg9[%dma_start3A_1492, %dma_start3A_1501, %dma_start3A_1502] : memref<3x208x128xf32, #tpu.memory_space<vmem>> -> memref<1x200x128xf32, #tpu.memory_space<vmem>>
          %dma_start3A_1504 = tpu.memref_squeeze %dma_start3A_1503 : memref<1x200x128xf32, #tpu.memory_space<vmem>> -> memref<200x128xf32, #tpu.memory_space<vmem>>
          %dma_start3A_1505 = arith.constant 0 : i32
          %dma_start3A_1506 = arith.constant 0 : i32
          %dma_start3A_1507 = tpu.memref_slice %arg5[%add3A_1491, %dma_start3A_1505, %dma_start3A_1506] : memref<1024x200x128xf32, #tpu.memory_space<hbm>> -> memref<1x200x128xf32, #tpu.memory_space<hbm>>
          %dma_start3A_1508 = tpu.memref_squeeze %dma_start3A_1507 : memref<1x200x128xf32, #tpu.memory_space<hbm>> -> memref<200x128xf32, #tpu.memory_space<hbm>>
          tpu.enqueue_dma source(%dma_start3A_1508 : memref<200x128xf32, #tpu.memory_space<hbm>>) target(%dma_start3A_1504 : memref<200x128xf32, #tpu.memory_space<vmem>>) target_semaphore(%arg15 : memref<!tpu.dma_semaphore, #tpu.memory_space<semaphore_mem>>)
        } else {
        }
        %broadcast_in_dim3A_1460 = arith.constant -1.000000e+30 : f32
        %broadcast_in_dim3A_1461 = vector.broadcast %broadcast_in_dim3A_1460 : f32 to vector<16xf32>
        %scan3A_1462 = arith.constant 0 : i32
        %scan3A_1463 = arith.constant 13 : i32
        %scan3A_1464 = arith.addi %scan3A_1462, %scan3A_1463 : i32
        %scan3A_1465 = arith.constant 1 : i32
        %scan3A_1466 = scf.for %scan3A_1490 = %scan3A_1462 to %scan3A_1464 step %scan3A_1465 iter_args(%scan3A_1491 = %broadcast_in_dim3A_1461) -> (vector<16xf32>)  : i32 {
          %mul3A_1492 = arith.constant 16 : i32
          %mul3A_1493 = arith.muli %scan3A_1490, %mul3A_1492 : i32
          %get3A_1494 = arith.index_cast %mul3A_1493 : i32 to index
          %get3A_1495 = tpu.vector_load %arg10[%get3A_1494] {strides = array<i32>} : memref<208xf32, #tpu.memory_space<vmem>>, vector<16xf32>,
          %max3A = arith.maximumf %scan3A_1491, %get3A_1495 : vector<16xf32>
          scf.yield %max3A : vector<16xf32>
        }
        %scan3A_1467 = arith.constant 13 : i32
        %reduce_max3A = arith.constant true
        %reduce_max3A_1468 = vector.broadcast %reduce_max3A : i1 to vector<16xi1>
        %reduce_max3A_1469 = tpu.scan <max>, %scan3A_1466 masked %reduce_max3A_1468 : vector<16xf32>, vector<16xi1> -> vector<16xf32>
        %reduce_max3A_1470 = vector.extract %reduce_max3A_1469[15] : f32 from vector<16xf32>
        %scan3A_1471 = arith.constant 0 : i32
        %scan3A_1472 = arith.constant 13 : i32
        %scan3A_1473 = arith.addi %scan3A_1471, %scan3A_1472 : i32
        %scan3A_1474 = arith.constant 1 : i32
        %scan3A_1475 = scf.for %scan3A_1490 = %scan3A_1471 to %scan3A_1473 step %scan3A_1474 iter_args(%scan3A_1491 = %broadcast_in_dim3A_5) -> (vector<16xf32>)  : i32 {
          %mul3A_1492 = arith.constant 16 : i32
          %mul3A_1493 = arith.muli %scan3A_1490, %mul3A_1492 : i32
          %get3A_1494 = arith.index_cast %mul3A_1493 : i32 to index
          %get3A_1495 = tpu.vector_load %arg10[%get3A_1494] {strides = array<i32>} : memref<208xf32, #tpu.memory_space<vmem>>, vector<16xf32>,
          %sub3A_1496 = vector.broadcast %reduce_max3A_1470 : f32 to vector<16xf32>
          %sub3A_1497 = arith.subf %get3A_1495, %sub3A_1496 : vector<16xf32>
          %exp3A = math.exp %sub3A_1497 : vector<16xf32>
          %mul3A_1498 = arith.constant 16 : i32
          %mul3A_1499 = arith.muli %scan3A_1490, %mul3A_1498 : i32
          %swap3A_1500 = arith.index_cast %mul3A_1499 : i32 to index
          %swap3A_1501 = tpu.vector_load %arg11[%swap3A_1500] {strides = array<i32>} : memref<208xf32, #tpu.memory_space<vmem>>, vector<16xf32>,
          tpu.vector_store %arg11[%swap3A_1500], %exp3A {strides = array<i32>} : memref<208xf32, #tpu.memory_space<vmem>>, vector<16xf32>,
          %add3A_1502 = arith.addf %scan3A_1491, %exp3A : vector<16xf32>
          scf.yield %add3A_1502 : vector<16xf32>
        }
        %scan3A_1476 = arith.constant 13 : i32
        %reduce_sum3A = arith.constant true
        %reduce_sum3A_1477 = vector.broadcast %reduce_sum3A : i1 to vector<16xi1>
        %reduce_sum3A_1478 = tpu.scan <sum>, %scan3A_1475 masked %reduce_sum3A_1477 : vector<16xf32>, vector<16xi1> -> vector<16xf32>
        %reduce_sum3A_1479 = vector.extract %reduce_sum3A_1478[15] : f32 from vector<16xf32>
        %broadcast_in_dim3A_1480 = arith.constant 1.000000e+00 : f32
        %broadcast_in_dim3A_1481 = vector.broadcast %broadcast_in_dim3A_1480 : f32 to vector<16xf32>
        %broadcast_in_dim3A_1482 = vector.broadcast %reduce_sum3A_1479 : f32 to vector<16xf32>
        %div3A_1483 = arith.divf %broadcast_in_dim3A_1481, %broadcast_in_dim3A_1482 : vector<16xf32>
        %lt3A_1484 = arith.constant 2 : i32
        %lt3A_1485 = arith.cmpi slt, %scan3A_1416, %lt3A_1484 : i32
        %convert_element_type3A_1486 = arith.extui %lt3A_1485 : i1 to i32
        %cond3A_1487 = arith.constant 0 : i32
        %cond3A_1488 = arith.cmpi ne, %convert_element_type3A_1486, %cond3A_1487 : i32
        %cond3A_1489:8 = scf.if %cond3A_1488 -> (vector<16xf32>, vector<16xf32>, vector<16xf32>, vector<16xf32>, vector<16xf32>, vector<16xf32>, vector<16xf32>, vector<16xf32>) {
          %scan3A_1490 = arith.constant 0 : i32
          %scan3A_1491 = arith.constant 13 : i32
          %scan3A_1492 = arith.addi %scan3A_1490, %scan3A_1491 : i32
          %scan3A_1493 = arith.constant 1 : i32
          %scan3A_1494:8 = scf.for %scan3A_1512 = %scan3A_1490 to %scan3A_1492 step %scan3A_1493 iter_args(%scan3A_1513 = %broadcast_in_dim3A_5, %scan3A_1514 = %broadcast_in_dim3A_5, %scan3A_1515 = %broadcast_in_dim3A_5, %scan3A_1516 = %broadcast_in_dim3A_5, %scan3A_1517 = %broadcast_in_dim3A_5, %scan3A_1518 = %broadcast_in_dim3A_5, %scan3A_1519 = %broadcast_in_dim3A_5, %scan3A_1520 = %broadcast_in_dim3A_5) -> (vector<16xf32>, vector<16xf32>, vector<16xf32>, vector<16xf32>, vector<16xf32>, vector<16xf32>, vector<16xf32>, vector<16xf32>)  : i32 {
            %mul3A_1521 = arith.constant 16 : i32
            %mul3A_1522 = arith.muli %scan3A_1512, %mul3A_1521 : i32
            %get3A_1523 = arith.index_cast %mul3A_1522 : i32 to index
            %get3A_1524 = tpu.vector_load %arg11[%get3A_1523] {strides = array<i32>} : memref<208xf32, #tpu.memory_space<vmem>>, vector<16xf32>,
            %mul3A_1525 = arith.constant 16 : i32
            %mul3A_1526 = arith.muli %scan3A_1512, %mul3A_1525 : i32
            %get3A_1527 = arith.index_cast %add3A_1303 : i32 to index
            %get3A_1528 = arith.index_cast %mul3A_1526 : i32 to index
            %get3A_1529 = tpu.vector_load %arg8[%get3A_1527, %get3A_1528] {strides = array<i32>} : memref<32x336xf32, #tpu.memory_space<vmem>>, vector<16xf32>,
            %mul3A_1530 = arith.mulf %get3A_1524, %get3A_1529 : vector<16xf32>
            %mul3A_1531 = arith.constant 16 : i32
            %mul3A_1532 = arith.muli %scan3A_1512, %mul3A_1531 : i32
            %add3A_1533 = arith.constant 0 : i32
            %add3A_1534 = arith.addi %mul3A_1532, %add3A_1533 : i32
            %slice3A = vector.extract_strided_slice %mul3A_1530 {offsets = [0], sizes = [1], strides = [1]} : vector<16xf32> to vector<1xf32>
            %squeeze3A = vector.extract %slice3A[0] : f32 from vector<1xf32>
            %add3A_1535 = arith.constant 1 : i32
            %add3A_1536 = arith.addi %scan3A_1416, %add3A_1535 : i32
            %get3A_1537 = arith.index_cast %add3A_1536 : i32 to index
            %get3A_1538 = arith.index_cast %add3A_1534 : i32 to index
            %get3A_1539 = arith.constant 0 : index
            %get3A_1540 = tpu.vector_load %arg9[%get3A_1537, %get3A_1538, %get3A_1539] {strides = array<i32>} : memref<3x208x128xf32, #tpu.memory_space<vmem>>, vector<16xf32>,
            %mul3A_1541 = vector.broadcast %squeeze3A : f32 to vector<16xf32>
            %mul3A_1542 = arith.mulf %mul3A_1541, %get3A_1540 : vector<16xf32>
            %add3A_1543 = arith.addf %scan3A_1513, %mul3A_1542 : vector<16xf32>
            %add3A_1544 = arith.constant 1 : i32
            %add3A_1545 = arith.addi %scan3A_1416, %add3A_1544 : i32
            %get3A_1546 = arith.index_cast %add3A_1545 : i32 to index
            %get3A_1547 = arith.index_cast %add3A_1534 : i32 to index
            %get3A_1548 = arith.constant 16 : index
            %get3A_1549 = tpu.vector_load %arg9[%get3A_1546, %get3A_1547, %get3A_1548] {strides = array<i32>} : memref<3x208x128xf32, #tpu.memory_space<vmem>>, vector<16xf32>,
            %mul3A_1550 = vector.broadcast %squeeze3A : f32 to vector<16xf32>
            %mul3A_1551 = arith.mulf %mul3A_1550, %get3A_1549 : vector<16xf32>
            %add3A_1552 = arith.addf %scan3A_1514, %mul3A_1551 : vector<16xf32>
            %add3A_1553 = arith.constant 1 : i32
            %add3A_1554 = arith.addi %scan3A_1416, %add3A_1553 : i32
            %get3A_1555 = arith.index_cast %add3A_1554 : i32 to index
            %get3A_1556 = arith.index_cast %add3A_1534 : i32 to index
            %get3A_1557 = arith.constant 32 : index
            %get3A_1558 = tpu.vector_load %arg9[%get3A_1555, %get3A_1556, %get3A_1557] {strides = array<i32>} : memref<3x208x128xf32, #tpu.memory_space<vmem>>, vector<16xf32>,
            %mul3A_1559 = vector.broadcast %squeeze3A : f32 to vector<16xf32>
            %mul3A_1560 = arith.mulf %mul3A_1559, %get3A_1558 : vector<16xf32>
            %add3A_1561 = arith.addf %scan3A_1515, %mul3A_1560 : vector<16xf32>
            %add3A_1562 = arith.constant 1 : i32
            %add3A_1563 = arith.addi %scan3A_1416, %add3A_1562 : i32
            %get3A_1564 = arith.index_cast %add3A_1563 : i32 to index
            %get3A_1565 = arith.index_cast %add3A_1534 : i32 to index
            %get3A_1566 = arith.constant 48 : index
            %get3A_1567 = tpu.vector_load %arg9[%get3A_1564, %get3A_1565, %get3A_1566] {strides = array<i32>} : memref<3x208x128xf32, #tpu.memory_space<vmem>>, vector<16xf32>,
            %mul3A_1568 = vector.broadcast %squeeze3A : f32 to vector<16xf32>
            %mul3A_1569 = arith.mulf %mul3A_1568, %get3A_1567 : vector<16xf32>
            %add3A_1570 = arith.addf %scan3A_1516, %mul3A_1569 : vector<16xf32>
            %add3A_1571 = arith.constant 1 : i32
            %add3A_1572 = arith.addi %scan3A_1416, %add3A_1571 : i32
            %get3A_1573 = arith.index_cast %add3A_1572 : i32 to index
            %get3A_1574 = arith.index_cast %add3A_1534 : i32 to index
            %get3A_1575 = arith.constant 64 : index
            %get3A_1576 = tpu.vector_load %arg9[%get3A_1573, %get3A_1574, %get3A_1575] {strides = array<i32>} : memref<3x208x128xf32, #tpu.memory_space<vmem>>, vector<16xf32>,
            %mul3A_1577 = vector.broadcast %squeeze3A : f32 to vector<16xf32>
            %mul3A_1578 = arith.mulf %mul3A_1577, %get3A_1576 : vector<16xf32>
            %add3A_1579 = arith.addf %scan3A_1517, %mul3A_1578 : vector<16xf32>
            %add3A_1580 = arith.constant 1 : i32
            %add3A_1581 = arith.addi %scan3A_1416, %add3A_1580 : i32
            %get3A_1582 = arith.index_cast %add3A_1581 : i32 to index
            %get3A_1583 = arith.index_cast %add3A_1534 : i32 to index
            %get3A_1584 = arith.constant 80 : index
            %get3A_1585 = tpu.vector_load %arg9[%get3A_1582, %get3A_1583, %get3A_1584] {strides = array<i32>} : memref<3x208x128xf32, #tpu.memory_space<vmem>>, vector<16xf32>,
            %mul3A_1586 = vector.broadcast %squeeze3A : f32 to vector<16xf32>
            %mul3A_1587 = arith.mulf %mul3A_1586, %get3A_1585 : vector<16xf32>
            %add3A_1588 = arith.addf %scan3A_1518, %mul3A_1587 : vector<16xf32>
            %add3A_1589 = arith.constant 1 : i32
            %add3A_1590 = arith.addi %scan3A_1416, %add3A_1589 : i32
            %get3A_1591 = arith.index_cast %add3A_1590 : i32 to index
            %get3A_1592 = arith.index_cast %add3A_1534 : i32 to index
            %get3A_1593 = arith.constant 96 : index
            %get3A_1594 = tpu.vector_load %arg9[%get3A_1591, %get3A_1592, %get3A_1593] {strides = array<i32>} : memref<3x208x128xf32, #tpu.memory_space<vmem>>, vector<16xf32>,
            %mul3A_1595 = vector.broadcast %squeeze3A : f32 to vector<16xf32>
            %mul3A_1596 = arith.mulf %mul3A_1595, %get3A_1594 : vector<16xf32>
            %add3A_1597 = arith.addf %scan3A_1519, %mul3A_1596 : vector<16xf32>
            %add3A_1598 = arith.constant 1 : i32
            %add3A_1599 = arith.addi %scan3A_1416, %add3A_1598 : i32
            %get3A_1600 = arith.index_cast %add3A_1599 : i32 to index
            %get3A_1601 = arith.index_cast %add3A_1534 : i32 to index
            %get3A_1602 = arith.constant 112 : index
            %get3A_1603 = tpu.vector_load %arg9[%get3A_1600, %get3A_1601, %get3A_1602] {strides = array<i32>} : memref<3x208x128xf32, #tpu.memory_space<vmem>>, vector<16xf32>,
            %mul3A_1604 = vector.broadcast %squeeze3A : f32 to vector<16xf32>
            %mul3A_1605 = arith.mulf %mul3A_1604, %get3A_1603 : vector<16xf32>
            %add3A_1606 = arith.addf %scan3A_1520, %mul3A_1605 : vector<16xf32>
            %mul3A_1607 = arith.constant 16 : i32
            %mul3A_1608 = arith.muli %scan3A_1512, %mul3A_1607 : i32
            %add3A_1609 = arith.constant 1 : i32
            %add3A_1610 = arith.addi %mul3A_1608, %add3A_1609 : i32
            %slice3A_1611 = vector.extract_strided_slice %mul3A_1530 {offsets = [1], sizes = [1], strides = [1]} : vector<16xf32> to vector<1xf32>
            %squeeze3A_1612 = vector.extract %slice3A_1611[0] : f32 from vector<1xf32>
            %add3A_1613 = arith.constant 1 : i32
            %add3A_1614 = arith.addi %scan3A_1416, %add3A_1613 : i32
            %get3A_1615 = arith.index_cast %add3A_1614 : i32 to index
            %get3A_1616 = arith.index_cast %add3A_1610 : i32 to index
            %get3A_1617 = arith.constant 0 : index
            %get3A_1618 = tpu.vector_load %arg9[%get3A_1615, %get3A_1616, %get3A_1617] {strides = array<i32>} : memref<3x208x128xf32, #tpu.memory_space<vmem>>, vector<16xf32>,
            %mul3A_1619 = vector.broadcast %squeeze3A_1612 : f32 to vector<16xf32>
            %mul3A_1620 = arith.mulf %mul3A_1619, %get3A_1618 : vector<16xf32>
            %add3A_1621 = arith.addf %add3A_1543, %mul3A_1620 : vector<16xf32>
            %add3A_1622 = arith.constant 1 : i32
            %add3A_1623 = arith.addi %scan3A_1416, %add3A_1622 : i32
            %get3A_1624 = arith.index_cast %add3A_1623 : i32 to index
            %get3A_1625 = arith.index_cast %add3A_1610 : i32 to index
            %get3A_1626 = arith.constant 16 : index
            %get3A_1627 = tpu.vector_load %arg9[%get3A_1624, %get3A_1625, %get3A_1626] {strides = array<i32>} : memref<3x208x128xf32, #tpu.memory_space<vmem>>, vector<16xf32>,
            %mul3A_1628 = vector.broadcast %squeeze3A_1612 : f32 to vector<16xf32>
            %mul3A_1629 = arith.mulf %mul3A_1628, %get3A_1627 : vector<16xf32>
            %add3A_1630 = arith.addf %add3A_1552, %mul3A_1629 : vector<16xf32>
            %add3A_1631 = arith.constant 1 : i32
            %add3A_1632 = arith.addi %scan3A_1416, %add3A_1631 : i32
            %get3A_1633 = arith.index_cast %add3A_1632 : i32 to index
            %get3A_1634 = arith.index_cast %add3A_1610 : i32 to index
            %get3A_1635 = arith.constant 32 : index
            %get3A_1636 = tpu.vector_load %arg9[%get3A_1633, %get3A_1634, %get3A_1635] {strides = array<i32>} : memref<3x208x128xf32, #tpu.memory_space<vmem>>, vector<16xf32>,
            %mul3A_1637 = vector.broadcast %squeeze3A_1612 : f32 to vector<16xf32>
            %mul3A_1638 = arith.mulf %mul3A_1637, %get3A_1636 : vector<16xf32>
            %add3A_1639 = arith.addf %add3A_1561, %mul3A_1638 : vector<16xf32>
            %add3A_1640 = arith.constant 1 : i32
            %add3A_1641 = arith.addi %scan3A_1416, %add3A_1640 : i32
            %get3A_1642 = arith.index_cast %add3A_1641 : i32 to index
            %get3A_1643 = arith.index_cast %add3A_1610 : i32 to index
            %get3A_1644 = arith.constant 48 : index
            %get3A_1645 = tpu.vector_load %arg9[%get3A_1642, %get3A_1643, %get3A_1644] {strides = array<i32>} : memref<3x208x128xf32, #tpu.memory_space<vmem>>, vector<16xf32>,
            %mul3A_1646 = vector.broadcast %squeeze3A_1612 : f32 to vector<16xf32>
            %mul3A_1647 = arith.mulf %mul3A_1646, %get3A_1645 : vector<16xf32>
            %add3A_1648 = arith.addf %add3A_1570, %mul3A_1647 : vector<16xf32>
            %add3A_1649 = arith.constant 1 : i32
            %add3A_1650 = arith.addi %scan3A_1416, %add3A_1649 : i32
            %get3A_1651 = arith.index_cast %add3A_1650 : i32 to index
            %get3A_1652 = arith.index_cast %add3A_1610 : i32 to index
            %get3A_1653 = arith.constant 64 : index
            %get3A_1654 = tpu.vector_load %arg9[%get3A_1651, %get3A_1652, %get3A_1653] {strides = array<i32>} : memref<3x208x128xf32, #tpu.memory_space<vmem>>, vector<16xf32>,
            %mul3A_1655 = vector.broadcast %squeeze3A_1612 : f32 to vector<16xf32>
            %mul3A_1656 = arith.mulf %mul3A_1655, %get3A_1654 : vector<16xf32>
            %add3A_1657 = arith.addf %add3A_1579, %mul3A_1656 : vector<16xf32>
            %add3A_1658 = arith.constant 1 : i32
            %add3A_1659 = arith.addi %scan3A_1416, %add3A_1658 : i32
            %get3A_1660 = arith.index_cast %add3A_1659 : i32 to index
            %get3A_1661 = arith.index_cast %add3A_1610 : i32 to index
            %get3A_1662 = arith.constant 80 : index
            %get3A_1663 = tpu.vector_load %arg9[%get3A_1660, %get3A_1661, %get3A_1662] {strides = array<i32>} : memref<3x208x128xf32, #tpu.memory_space<vmem>>, vector<16xf32>,
            %mul3A_1664 = vector.broadcast %squeeze3A_1612 : f32 to vector<16xf32>
            %mul3A_1665 = arith.mulf %mul3A_1664, %get3A_1663 : vector<16xf32>
            %add3A_1666 = arith.addf %add3A_1588, %mul3A_1665 : vector<16xf32>
            %add3A_1667 = arith.constant 1 : i32
            %add3A_1668 = arith.addi %scan3A_1416, %add3A_1667 : i32
            %get3A_1669 = arith.index_cast %add3A_1668 : i32 to index
            %get3A_1670 = arith.index_cast %add3A_1610 : i32 to index
            %get3A_1671 = arith.constant 96 : index
            %get3A_1672 = tpu.vector_load %arg9[%get3A_1669, %get3A_1670, %get3A_1671] {strides = array<i32>} : memref<3x208x128xf32, #tpu.memory_space<vmem>>, vector<16xf32>,
            %mul3A_1673 = vector.broadcast %squeeze3A_1612 : f32 to vector<16xf32>
            %mul3A_1674 = arith.mulf %mul3A_1673, %get3A_1672 : vector<16xf32>
            %add3A_1675 = arith.addf %add3A_1597, %mul3A_1674 : vector<16xf32>
            %add3A_1676 = arith.constant 1 : i32
            %add3A_1677 = arith.addi %scan3A_1416, %add3A_1676 : i32
            %get3A_1678 = arith.index_cast %add3A_1677 : i32 to index
            %get3A_1679 = arith.index_cast %add3A_1610 : i32 to index
            %get3A_1680 = arith.constant 112 : index
            %get3A_1681 = tpu.vector_load %arg9[%get3A_1678, %get3A_1679, %get3A_1680] {strides = array<i32>} : memref<3x208x128xf32, #tpu.memory_space<vmem>>, vector<16xf32>,
            %mul3A_1682 = vector.broadcast %squeeze3A_1612 : f32 to vector<16xf32>
            %mul3A_1683 = arith.mulf %mul3A_1682, %get3A_1681 : vector<16xf32>
            %add3A_1684 = arith.addf %add3A_1606, %mul3A_1683 : vector<16xf32>
            %mul3A_1685 = arith.constant 16 : i32
            %mul3A_1686 = arith.muli %scan3A_1512, %mul3A_1685 : i32
            %add3A_1687 = arith.constant 2 : i32
            %add3A_1688 = arith.addi %mul3A_1686, %add3A_1687 : i32
            %slice3A_1689 = vector.extract_strided_slice %mul3A_1530 {offsets = [2], sizes = [1], strides = [1]} : vector<16xf32> to vector<1xf32>
            %squeeze3A_1690 = vector.extract %slice3A_1689[0] : f32 from vector<1xf32>
            %add3A_1691 = arith.constant 1 : i32
            %add3A_1692 = arith.addi %scan3A_1416, %add3A_1691 : i32
            %get3A_1693 = arith.index_cast %add3A_1692 : i32 to index
            %get3A_1694 = arith.index_cast %add3A_1688 : i32 to index
            %get3A_1695 = arith.constant 0 : index
            %get3A_1696 = tpu.vector_load %arg9[%get3A_1693, %get3A_1694, %get3A_1695] {strides = array<i32>} : memref<3x208x128xf32, #tpu.memory_space<vmem>>, vector<16xf32>,
            %mul3A_1697 = vector.broadcast %squeeze3A_1690 : f32 to vector<16xf32>
            %mul3A_1698 = arith.mulf %mul3A_1697, %get3A_1696 : vector<16xf32>
            %add3A_1699 = arith.addf %add3A_1621, %mul3A_1698 : vector<16xf32>
            %add3A_1700 = arith.constant 1 : i32
            %add3A_1701 = arith.addi %scan3A_1416, %add3A_1700 : i32
            %get3A_1702 = arith.index_cast %add3A_1701 : i32 to index
            %get3A_1703 = arith.index_cast %add3A_1688 : i32 to index
            %get3A_1704 = arith.constant 16 : index
            %get3A_1705 = tpu.vector_load %arg9[%get3A_1702, %get3A_1703, %get3A_1704] {strides = array<i32>} : memref<3x208x128xf32, #tpu.memory_space<vmem>>, vector<16xf32>,
            %mul3A_1706 = vector.broadcast %squeeze3A_1690 : f32 to vector<16xf32>
            %mul3A_1707 = arith.mulf %mul3A_1706, %get3A_1705 : vector<16xf32>
            %add3A_1708 = arith.addf %add3A_1630, %mul3A_1707 : vector<16xf32>
            %add3A_1709 = arith.constant 1 : i32
            %add3A_1710 = arith.addi %scan3A_1416, %add3A_1709 : i32
            %get3A_1711 = arith.index_cast %add3A_1710 : i32 to index
            %get3A_1712 = arith.index_cast %add3A_1688 : i32 to index
            %get3A_1713 = arith.constant 32 : index
            %get3A_1714 = tpu.vector_load %arg9[%get3A_1711, %get3A_1712, %get3A_1713] {strides = array<i32>} : memref<3x208x128xf32, #tpu.memory_space<vmem>>, vector<16xf32>,
            %mul3A_1715 = vector.broadcast %squeeze3A_1690 : f32 to vector<16xf32>
            %mul3A_1716 = arith.mulf %mul3A_1715, %get3A_1714 : vector<16xf32>
            %add3A_1717 = arith.addf %add3A_1639, %mul3A_1716 : vector<16xf32>
            %add3A_1718 = arith.constant 1 : i32
            %add3A_1719 = arith.addi %scan3A_1416, %add3A_1718 : i32
            %get3A_1720 = arith.index_cast %add3A_1719 : i32 to index
            %get3A_1721 = arith.index_cast %add3A_1688 : i32 to index
            %get3A_1722 = arith.constant 48 : index
            %get3A_1723 = tpu.vector_load %arg9[%get3A_1720, %get3A_1721, %get3A_1722] {strides = array<i32>} : memref<3x208x128xf32, #tpu.memory_space<vmem>>, vector<16xf32>,
            %mul3A_1724 = vector.broadcast %squeeze3A_1690 : f32 to vector<16xf32>
            %mul3A_1725 = arith.mulf %mul3A_1724, %get3A_1723 : vector<16xf32>
            %add3A_1726 = arith.addf %add3A_1648, %mul3A_1725 : vector<16xf32>
            %add3A_1727 = arith.constant 1 : i32
            %add3A_1728 = arith.addi %scan3A_1416, %add3A_1727 : i32
            %get3A_1729 = arith.index_cast %add3A_1728 : i32 to index
            %get3A_1730 = arith.index_cast %add3A_1688 : i32 to index
            %get3A_1731 = arith.constant 64 : index
            %get3A_1732 = tpu.vector_load %arg9[%get3A_1729, %get3A_1730, %get3A_1731] {strides = array<i32>} : memref<3x208x128xf32, #tpu.memory_space<vmem>>, vector<16xf32>,
            %mul3A_1733 = vector.broadcast %squeeze3A_1690 : f32 to vector<16xf32>
            %mul3A_1734 = arith.mulf %mul3A_1733, %get3A_1732 : vector<16xf32>
            %add3A_1735 = arith.addf %add3A_1657, %mul3A_1734 : vector<16xf32>
            %add3A_1736 = arith.constant 1 : i32
            %add3A_1737 = arith.addi %scan3A_1416, %add3A_1736 : i32
            %get3A_1738 = arith.index_cast %add3A_1737 : i32 to index
            %get3A_1739 = arith.index_cast %add3A_1688 : i32 to index
            %get3A_1740 = arith.constant 80 : index
            %get3A_1741 = tpu.vector_load %arg9[%get3A_1738, %get3A_1739, %get3A_1740] {strides = array<i32>} : memref<3x208x128xf32, #tpu.memory_space<vmem>>, vector<16xf32>,
            %mul3A_1742 = vector.broadcast %squeeze3A_1690 : f32 to vector<16xf32>
            %mul3A_1743 = arith.mulf %mul3A_1742, %get3A_1741 : vector<16xf32>
            %add3A_1744 = arith.addf %add3A_1666, %mul3A_1743 : vector<16xf32>
            %add3A_1745 = arith.constant 1 : i32
            %add3A_1746 = arith.addi %scan3A_1416, %add3A_1745 : i32
            %get3A_1747 = arith.index_cast %add3A_1746 : i32 to index
            %get3A_1748 = arith.index_cast %add3A_1688 : i32 to index
            %get3A_1749 = arith.constant 96 : index
            %get3A_1750 = tpu.vector_load %arg9[%get3A_1747, %get3A_1748, %get3A_1749] {strides = array<i32>} : memref<3x208x128xf32, #tpu.memory_space<vmem>>, vector<16xf32>,
            %mul3A_1751 = vector.broadcast %squeeze3A_1690 : f32 to vector<16xf32>
            %mul3A_1752 = arith.mulf %mul3A_1751, %get3A_1750 : vector<16xf32>
            %add3A_1753 = arith.addf %add3A_1675, %mul3A_1752 : vector<16xf32>
            %add3A_1754 = arith.constant 1 : i32
            %add3A_1755 = arith.addi %scan3A_1416, %add3A_1754 : i32
            %get3A_1756 = arith.index_cast %add3A_1755 : i32 to index
            %get3A_1757 = arith.index_cast %add3A_1688 : i32 to index
            %get3A_1758 = arith.constant 112 : index
            %get3A_1759 = tpu.vector_load %arg9[%get3A_1756, %get3A_1757, %get3A_1758] {strides = array<i32>} : memref<3x208x128xf32, #tpu.memory_space<vmem>>, vector<16xf32>,
            %mul3A_1760 = vector.broadcast %squeeze3A_1690 : f32 to vector<16xf32>
            %mul3A_1761 = arith.mulf %mul3A_1760, %get3A_1759 : vector<16xf32>
            %add3A_1762 = arith.addf %add3A_1684, %mul3A_1761 : vector<16xf32>
            %mul3A_1763 = arith.constant 16 : i32
            %mul3A_1764 = arith.muli %scan3A_1512, %mul3A_1763 : i32
            %add3A_1765 = arith.constant 3 : i32
            %add3A_1766 = arith.addi %mul3A_1764, %add3A_1765 : i32
            %slice3A_1767 = vector.extract_strided_slice %mul3A_1530 {offsets = [3], sizes = [1], strides = [1]} : vector<16xf32> to vector<1xf32>
            %squeeze3A_1768 = vector.extract %slice3A_1767[0] : f32 from vector<1xf32>
            %add3A_1769 = arith.constant 1 : i32
            %add3A_1770 = arith.addi %scan3A_1416, %add3A_1769 : i32
            %get3A_1771 = arith.index_cast %add3A_1770 : i32 to index
            %get3A_1772 = arith.index_cast %add3A_1766 : i32 to index
            %get3A_1773 = arith.constant 0 : index
            %get3A_1774 = tpu.vector_load %arg9[%get3A_1771, %get3A_1772, %get3A_1773] {strides = array<i32>} : memref<3x208x128xf32, #tpu.memory_space<vmem>>, vector<16xf32>,
            %mul3A_1775 = vector.broadcast %squeeze3A_1768 : f32 to vector<16xf32>
            %mul3A_1776 = arith.mulf %mul3A_1775, %get3A_1774 : vector<16xf32>
            %add3A_1777 = arith.addf %add3A_1699, %mul3A_1776 : vector<16xf32>
            %add3A_1778 = arith.constant 1 : i32
            %add3A_1779 = arith.addi %scan3A_1416, %add3A_1778 : i32
            %get3A_1780 = arith.index_cast %add3A_1779 : i32 to index
            %get3A_1781 = arith.index_cast %add3A_1766 : i32 to index
            %get3A_1782 = arith.constant 16 : index
            %get3A_1783 = tpu.vector_load %arg9[%get3A_1780, %get3A_1781, %get3A_1782] {strides = array<i32>} : memref<3x208x128xf32, #tpu.memory_space<vmem>>, vector<16xf32>,
            %mul3A_1784 = vector.broadcast %squeeze3A_1768 : f32 to vector<16xf32>
            %mul3A_1785 = arith.mulf %mul3A_1784, %get3A_1783 : vector<16xf32>
            %add3A_1786 = arith.addf %add3A_1708, %mul3A_1785 : vector<16xf32>
            %add3A_1787 = arith.constant 1 : i32
            %add3A_1788 = arith.addi %scan3A_1416, %add3A_1787 : i32
            %get3A_1789 = arith.index_cast %add3A_1788 : i32 to index
            %get3A_1790 = arith.index_cast %add3A_1766 : i32 to index
            %get3A_1791 = arith.constant 32 : index
            %get3A_1792 = tpu.vector_load %arg9[%get3A_1789, %get3A_1790, %get3A_1791] {strides = array<i32>} : memref<3x208x128xf32, #tpu.memory_space<vmem>>, vector<16xf32>,
            %mul3A_1793 = vector.broadcast %squeeze3A_1768 : f32 to vector<16xf32>
            %mul3A_1794 = arith.mulf %mul3A_1793, %get3A_1792 : vector<16xf32>
            %add3A_1795 = arith.addf %add3A_1717, %mul3A_1794 : vector<16xf32>
            %add3A_1796 = arith.constant 1 : i32
            %add3A_1797 = arith.addi %scan3A_1416, %add3A_1796 : i32
            %get3A_1798 = arith.index_cast %add3A_1797 : i32 to index
            %get3A_1799 = arith.index_cast %add3A_1766 : i32 to index
            %get3A_1800 = arith.constant 48 : index
            %get3A_1801 = tpu.vector_load %arg9[%get3A_1798, %get3A_1799, %get3A_1800] {strides = array<i32>} : memref<3x208x128xf32, #tpu.memory_space<vmem>>, vector<16xf32>,
            %mul3A_1802 = vector.broadcast %squeeze3A_1768 : f32 to vector<16xf32>
            %mul3A_1803 = arith.mulf %mul3A_1802, %get3A_1801 : vector<16xf32>
            %add3A_1804 = arith.addf %add3A_1726, %mul3A_1803 : vector<16xf32>
            %add3A_1805 = arith.constant 1 : i32
            %add3A_1806 = arith.addi %scan3A_1416, %add3A_1805 : i32
            %get3A_1807 = arith.index_cast %add3A_1806 : i32 to index
            %get3A_1808 = arith.index_cast %add3A_1766 : i32 to index
            %get3A_1809 = arith.constant 64 : index
            %get3A_1810 = tpu.vector_load %arg9[%get3A_1807, %get3A_1808, %get3A_1809] {strides = array<i32>} : memref<3x208x128xf32, #tpu.memory_space<vmem>>, vector<16xf32>,
            %mul3A_1811 = vector.broadcast %squeeze3A_1768 : f32 to vector<16xf32>
            %mul3A_1812 = arith.mulf %mul3A_1811, %get3A_1810 : vector<16xf32>
            %add3A_1813 = arith.addf %add3A_1735, %mul3A_1812 : vector<16xf32>
            %add3A_1814 = arith.constant 1 : i32
            %add3A_1815 = arith.addi %scan3A_1416, %add3A_1814 : i32
            %get3A_1816 = arith.index_cast %add3A_1815 : i32 to index
            %get3A_1817 = arith.index_cast %add3A_1766 : i32 to index
            %get3A_1818 = arith.constant 80 : index
            %get3A_1819 = tpu.vector_load %arg9[%get3A_1816, %get3A_1817, %get3A_1818] {strides = array<i32>} : memref<3x208x128xf32, #tpu.memory_space<vmem>>, vector<16xf32>,
            %mul3A_1820 = vector.broadcast %squeeze3A_1768 : f32 to vector<16xf32>
            %mul3A_1821 = arith.mulf %mul3A_1820, %get3A_1819 : vector<16xf32>
            %add3A_1822 = arith.addf %add3A_1744, %mul3A_1821 : vector<16xf32>
            %add3A_1823 = arith.constant 1 : i32
            %add3A_1824 = arith.addi %scan3A_1416, %add3A_1823 : i32
            %get3A_1825 = arith.index_cast %add3A_1824 : i32 to index
            %get3A_1826 = arith.index_cast %add3A_1766 : i32 to index
            %get3A_1827 = arith.constant 96 : index
            %get3A_1828 = tpu.vector_load %arg9[%get3A_1825, %get3A_1826, %get3A_1827] {strides = array<i32>} : memref<3x208x128xf32, #tpu.memory_space<vmem>>, vector<16xf32>,
            %mul3A_1829 = vector.broadcast %squeeze3A_1768 : f32 to vector<16xf32>
            %mul3A_1830 = arith.mulf %mul3A_1829, %get3A_1828 : vector<16xf32>
            %add3A_1831 = arith.addf %add3A_1753, %mul3A_1830 : vector<16xf32>
            %add3A_1832 = arith.constant 1 : i32
            %add3A_1833 = arith.addi %scan3A_1416, %add3A_1832 : i32
            %get3A_1834 = arith.index_cast %add3A_1833 : i32 to index
            %get3A_1835 = arith.index_cast %add3A_1766 : i32 to index
            %get3A_1836 = arith.constant 112 : index
            %get3A_1837 = tpu.vector_load %arg9[%get3A_1834, %get3A_1835, %get3A_1836] {strides = array<i32>} : memref<3x208x128xf32, #tpu.memory_space<vmem>>, vector<16xf32>,
            %mul3A_1838 = vector.broadcast %squeeze3A_1768 : f32 to vector<16xf32>
            %mul3A_1839 = arith.mulf %mul3A_1838, %get3A_1837 : vector<16xf32>
            %add3A_1840 = arith.addf %add3A_1762, %mul3A_1839 : vector<16xf32>
            %mul3A_1841 = arith.constant 16 : i32
            %mul3A_1842 = arith.muli %scan3A_1512, %mul3A_1841 : i32
            %add3A_1843 = arith.constant 4 : i32
            %add3A_1844 = arith.addi %mul3A_1842, %add3A_1843 : i32
            %slice3A_1845 = vector.extract_strided_slice %mul3A_1530 {offsets = [4], sizes = [1], strides = [1]} : vector<16xf32> to vector<1xf32>
            %squeeze3A_1846 = vector.extract %slice3A_1845[0] : f32 from vector<1xf32>
            %add3A_1847 = arith.constant 1 : i32
            %add3A_1848 = arith.addi %scan3A_1416, %add3A_1847 : i32
            %get3A_1849 = arith.index_cast %add3A_1848 : i32 to index
            %get3A_1850 = arith.index_cast %add3A_1844 : i32 to index
            %get3A_1851 = arith.constant 0 : index
            %get3A_1852 = tpu.vector_load %arg9[%get3A_1849, %get3A_1850, %get3A_1851] {strides = array<i32>} : memref<3x208x128xf32, #tpu.memory_space<vmem>>, vector<16xf32>,
            %mul3A_1853 = vector.broadcast %squeeze3A_1846 : f32 to vector<16xf32>
            %mul3A_1854 = arith.mulf %mul3A_1853, %get3A_1852 : vector<16xf32>
            %add3A_1855 = arith.addf %add3A_1777, %mul3A_1854 : vector<16xf32>
            %add3A_1856 = arith.constant 1 : i32
            %add3A_1857 = arith.addi %scan3A_1416, %add3A_1856 : i32
            %get3A_1858 = arith.index_cast %add3A_1857 : i32 to index
            %get3A_1859 = arith.index_cast %add3A_1844 : i32 to index
            %get3A_1860 = arith.constant 16 : index
            %get3A_1861 = tpu.vector_load %arg9[%get3A_1858, %get3A_1859, %get3A_1860] {strides = array<i32>} : memref<3x208x128xf32, #tpu.memory_space<vmem>>, vector<16xf32>,
            %mul3A_1862 = vector.broadcast %squeeze3A_1846 : f32 to vector<16xf32>
            %mul3A_1863 = arith.mulf %mul3A_1862, %get3A_1861 : vector<16xf32>
            %add3A_1864 = arith.addf %add3A_1786, %mul3A_1863 : vector<16xf32>
            %add3A_1865 = arith.constant 1 : i32
            %add3A_1866 = arith.addi %scan3A_1416, %add3A_1865 : i32
            %get3A_1867 = arith.index_cast %add3A_1866 : i32 to index
            %get3A_1868 = arith.index_cast %add3A_1844 : i32 to index
            %get3A_1869 = arith.constant 32 : index
            %get3A_1870 = tpu.vector_load %arg9[%get3A_1867, %get3A_1868, %get3A_1869] {strides = array<i32>} : memref<3x208x128xf32, #tpu.memory_space<vmem>>, vector<16xf32>,
            %mul3A_1871 = vector.broadcast %squeeze3A_1846 : f32 to vector<16xf32>
            %mul3A_1872 = arith.mulf %mul3A_1871, %get3A_1870 : vector<16xf32>
            %add3A_1873 = arith.addf %add3A_1795, %mul3A_1872 : vector<16xf32>
            %add3A_1874 = arith.constant 1 : i32
            %add3A_1875 = arith.addi %scan3A_1416, %add3A_1874 : i32
            %get3A_1876 = arith.index_cast %add3A_1875 : i32 to index
            %get3A_1877 = arith.index_cast %add3A_1844 : i32 to index
            %get3A_1878 = arith.constant 48 : index
            %get3A_1879 = tpu.vector_load %arg9[%get3A_1876, %get3A_1877, %get3A_1878] {strides = array<i32>} : memref<3x208x128xf32, #tpu.memory_space<vmem>>, vector<16xf32>,
            %mul3A_1880 = vector.broadcast %squeeze3A_1846 : f32 to vector<16xf32>
            %mul3A_1881 = arith.mulf %mul3A_1880, %get3A_1879 : vector<16xf32>
            %add3A_1882 = arith.addf %add3A_1804, %mul3A_1881 : vector<16xf32>
            %add3A_1883 = arith.constant 1 : i32
            %add3A_1884 = arith.addi %scan3A_1416, %add3A_1883 : i32
            %get3A_1885 = arith.index_cast %add3A_1884 : i32 to index
            %get3A_1886 = arith.index_cast %add3A_1844 : i32 to index
            %get3A_1887 = arith.constant 64 : index
            %get3A_1888 = tpu.vector_load %arg9[%get3A_1885, %get3A_1886, %get3A_1887] {strides = array<i32>} : memref<3x208x128xf32, #tpu.memory_space<vmem>>, vector<16xf32>,
            %mul3A_1889 = vector.broadcast %squeeze3A_1846 : f32 to vector<16xf32>
            %mul3A_1890 = arith.mulf %mul3A_1889, %get3A_1888 : vector<16xf32>
            %add3A_1891 = arith.addf %add3A_1813, %mul3A_1890 : vector<16xf32>
            %add3A_1892 = arith.constant 1 : i32
            %add3A_1893 = arith.addi %scan3A_1416, %add3A_1892 : i32
            %get3A_1894 = arith.index_cast %add3A_1893 : i32 to index
            %get3A_1895 = arith.index_cast %add3A_1844 : i32 to index
            %get3A_1896 = arith.constant 80 : index
            %get3A_1897 = tpu.vector_load %arg9[%get3A_1894, %get3A_1895, %get3A_1896] {strides = array<i32>} : memref<3x208x128xf32, #tpu.memory_space<vmem>>, vector<16xf32>,
            %mul3A_1898 = vector.broadcast %squeeze3A_1846 : f32 to vector<16xf32>
            %mul3A_1899 = arith.mulf %mul3A_1898, %get3A_1897 : vector<16xf32>
            %add3A_1900 = arith.addf %add3A_1822, %mul3A_1899 : vector<16xf32>
            %add3A_1901 = arith.constant 1 : i32
            %add3A_1902 = arith.addi %scan3A_1416, %add3A_1901 : i32
            %get3A_1903 = arith.index_cast %add3A_1902 : i32 to index
            %get3A_1904 = arith.index_cast %add3A_1844 : i32 to index
            %get3A_1905 = arith.constant 96 : index
            %get3A_1906 = tpu.vector_load %arg9[%get3A_1903, %get3A_1904, %get3A_1905] {strides = array<i32>} : memref<3x208x128xf32, #tpu.memory_space<vmem>>, vector<16xf32>,
            %mul3A_1907 = vector.broadcast %squeeze3A_1846 : f32 to vector<16xf32>
            %mul3A_1908 = arith.mulf %mul3A_1907, %get3A_1906 : vector<16xf32>
            %add3A_1909 = arith.addf %add3A_1831, %mul3A_1908 : vector<16xf32>
            %add3A_1910 = arith.constant 1 : i32
            %add3A_1911 = arith.addi %scan3A_1416, %add3A_1910 : i32
            %get3A_1912 = arith.index_cast %add3A_1911 : i32 to index
            %get3A_1913 = arith.index_cast %add3A_1844 : i32 to index
            %get3A_1914 = arith.constant 112 : index
            %get3A_1915 = tpu.vector_load %arg9[%get3A_1912, %get3A_1913, %get3A_1914] {strides = array<i32>} : memref<3x208x128xf32, #tpu.memory_space<vmem>>, vector<16xf32>,
            %mul3A_1916 = vector.broadcast %squeeze3A_1846 : f32 to vector<16xf32>
            %mul3A_1917 = arith.mulf %mul3A_1916, %get3A_1915 : vector<16xf32>
            %add3A_1918 = arith.addf %add3A_1840, %mul3A_1917 : vector<16xf32>
            %mul3A_1919 = arith.constant 16 : i32
            %mul3A_1920 = arith.muli %scan3A_1512, %mul3A_1919 : i32
            %add3A_1921 = arith.constant 5 : i32
            %add3A_1922 = arith.addi %mul3A_1920, %add3A_1921 : i32
            %slice3A_1923 = vector.extract_strided_slice %mul3A_1530 {offsets = [5], sizes = [1], strides = [1]} : vector<16xf32> to vector<1xf32>
            %squeeze3A_1924 = vector.extract %slice3A_1923[0] : f32 from vector<1xf32>
            %add3A_1925 = arith.constant 1 : i32
            %add3A_1926 = arith.addi %scan3A_1416, %add3A_1925 : i32
            %get3A_1927 = arith.index_cast %add3A_1926 : i32 to index
            %get3A_1928 = arith.index_cast %add3A_1922 : i32 to index
            %get3A_1929 = arith.constant 0 : index
            %get3A_1930 = tpu.vector_load %arg9[%get3A_1927, %get3A_1928, %get3A_1929] {strides = array<i32>} : memref<3x208x128xf32, #tpu.memory_space<vmem>>, vector<16xf32>,
            %mul3A_1931 = vector.broadcast %squeeze3A_1924 : f32 to vector<16xf32>
            %mul3A_1932 = arith.mulf %mul3A_1931, %get3A_1930 : vector<16xf32>
            %add3A_1933 = arith.addf %add3A_1855, %mul3A_1932 : vector<16xf32>
            %add3A_1934 = arith.constant 1 : i32
            %add3A_1935 = arith.addi %scan3A_1416, %add3A_1934 : i32
            %get3A_1936 = arith.index_cast %add3A_1935 : i32 to index
            %get3A_1937 = arith.index_cast %add3A_1922 : i32 to index
            %get3A_1938 = arith.constant 16 : index
            %get3A_1939 = tpu.vector_load %arg9[%get3A_1936, %get3A_1937, %get3A_1938] {strides = array<i32>} : memref<3x208x128xf32, #tpu.memory_space<vmem>>, vector<16xf32>,
            %mul3A_1940 = vector.broadcast %squeeze3A_1924 : f32 to vector<16xf32>
            %mul3A_1941 = arith.mulf %mul3A_1940, %get3A_1939 : vector<16xf32>
            %add3A_1942 = arith.addf %add3A_1864, %mul3A_1941 : vector<16xf32>
            %add3A_1943 = arith.constant 1 : i32
            %add3A_1944 = arith.addi %scan3A_1416, %add3A_1943 : i32
            %get3A_1945 = arith.index_cast %add3A_1944 : i32 to index
            %get3A_1946 = arith.index_cast %add3A_1922 : i32 to index
            %get3A_1947 = arith.constant 32 : index
            %get3A_1948 = tpu.vector_load %arg9[%get3A_1945, %get3A_1946, %get3A_1947] {strides = array<i32>} : memref<3x208x128xf32, #tpu.memory_space<vmem>>, vector<16xf32>,
            %mul3A_1949 = vector.broadcast %squeeze3A_1924 : f32 to vector<16xf32>
            %mul3A_1950 = arith.mulf %mul3A_1949, %get3A_1948 : vector<16xf32>
            %add3A_1951 = arith.addf %add3A_1873, %mul3A_1950 : vector<16xf32>
            %add3A_1952 = arith.constant 1 : i32
            %add3A_1953 = arith.addi %scan3A_1416, %add3A_1952 : i32
            %get3A_1954 = arith.index_cast %add3A_1953 : i32 to index
            %get3A_1955 = arith.index_cast %add3A_1922 : i32 to index
            %get3A_1956 = arith.constant 48 : index
            %get3A_1957 = tpu.vector_load %arg9[%get3A_1954, %get3A_1955, %get3A_1956] {strides = array<i32>} : memref<3x208x128xf32, #tpu.memory_space<vmem>>, vector<16xf32>,
            %mul3A_1958 = vector.broadcast %squeeze3A_1924 : f32 to vector<16xf32>
            %mul3A_1959 = arith.mulf %mul3A_1958, %get3A_1957 : vector<16xf32>
            %add3A_1960 = arith.addf %add3A_1882, %mul3A_1959 : vector<16xf32>
            %add3A_1961 = arith.constant 1 : i32
            %add3A_1962 = arith.addi %scan3A_1416, %add3A_1961 : i32
            %get3A_1963 = arith.index_cast %add3A_1962 : i32 to index
            %get3A_1964 = arith.index_cast %add3A_1922 : i32 to index
            %get3A_1965 = arith.constant 64 : index
            %get3A_1966 = tpu.vector_load %arg9[%get3A_1963, %get3A_1964, %get3A_1965] {strides = array<i32>} : memref<3x208x128xf32, #tpu.memory_space<vmem>>, vector<16xf32>,
            %mul3A_1967 = vector.broadcast %squeeze3A_1924 : f32 to vector<16xf32>
            %mul3A_1968 = arith.mulf %mul3A_1967, %get3A_1966 : vector<16xf32>
            %add3A_1969 = arith.addf %add3A_1891, %mul3A_1968 : vector<16xf32>
            %add3A_1970 = arith.constant 1 : i32
            %add3A_1971 = arith.addi %scan3A_1416, %add3A_1970 : i32
            %get3A_1972 = arith.index_cast %add3A_1971 : i32 to index
            %get3A_1973 = arith.index_cast %add3A_1922 : i32 to index
            %get3A_1974 = arith.constant 80 : index
            %get3A_1975 = tpu.vector_load %arg9[%get3A_1972, %get3A_1973, %get3A_1974] {strides = array<i32>} : memref<3x208x128xf32, #tpu.memory_space<vmem>>, vector<16xf32>,
            %mul3A_1976 = vector.broadcast %squeeze3A_1924 : f32 to vector<16xf32>
            %mul3A_1977 = arith.mulf %mul3A_1976, %get3A_1975 : vector<16xf32>
            %add3A_1978 = arith.addf %add3A_1900, %mul3A_1977 : vector<16xf32>
            %add3A_1979 = arith.constant 1 : i32
            %add3A_1980 = arith.addi %scan3A_1416, %add3A_1979 : i32
            %get3A_1981 = arith.index_cast %add3A_1980 : i32 to index
            %get3A_1982 = arith.index_cast %add3A_1922 : i32 to index
            %get3A_1983 = arith.constant 96 : index
            %get3A_1984 = tpu.vector_load %arg9[%get3A_1981, %get3A_1982, %get3A_1983] {strides = array<i32>} : memref<3x208x128xf32, #tpu.memory_space<vmem>>, vector<16xf32>,
            %mul3A_1985 = vector.broadcast %squeeze3A_1924 : f32 to vector<16xf32>
            %mul3A_1986 = arith.mulf %mul3A_1985, %get3A_1984 : vector<16xf32>
            %add3A_1987 = arith.addf %add3A_1909, %mul3A_1986 : vector<16xf32>
            %add3A_1988 = arith.constant 1 : i32
            %add3A_1989 = arith.addi %scan3A_1416, %add3A_1988 : i32
            %get3A_1990 = arith.index_cast %add3A_1989 : i32 to index
            %get3A_1991 = arith.index_cast %add3A_1922 : i32 to index
            %get3A_1992 = arith.constant 112 : index
            %get3A_1993 = tpu.vector_load %arg9[%get3A_1990, %get3A_1991, %get3A_1992] {strides = array<i32>} : memref<3x208x128xf32, #tpu.memory_space<vmem>>, vector<16xf32>,
            %mul3A_1994 = vector.broadcast %squeeze3A_1924 : f32 to vector<16xf32>
            %mul3A_1995 = arith.mulf %mul3A_1994, %get3A_1993 : vector<16xf32>
            %add3A_1996 = arith.addf %add3A_1918, %mul3A_1995 : vector<16xf32>
            %mul3A_1997 = arith.constant 16 : i32
            %mul3A_1998 = arith.muli %scan3A_1512, %mul3A_1997 : i32
            %add3A_1999 = arith.constant 6 : i32
            %add3A_2000 = arith.addi %mul3A_1998, %add3A_1999 : i32
            %slice3A_2001 = vector.extract_strided_slice %mul3A_1530 {offsets = [6], sizes = [1], strides = [1]} : vector<16xf32> to vector<1xf32>
            %squeeze3A_2002 = vector.extract %slice3A_2001[0] : f32 from vector<1xf32>
            %add3A_2003 = arith.constant 1 : i32
            %add3A_2004 = arith.addi %scan3A_1416, %add3A_2003 : i32
            %get3A_2005 = arith.index_cast %add3A_2004 : i32 to index
            %get3A_2006 = arith.index_cast %add3A_2000 : i32 to index
            %get3A_2007 = arith.constant 0 : index
            %get3A_2008 = tpu.vector_load %arg9[%get3A_2005, %get3A_2006, %get3A_2007] {strides = array<i32>} : memref<3x208x128xf32, #tpu.memory_space<vmem>>, vector<16xf32>,
            %mul3A_2009 = vector.broadcast %squeeze3A_2002 : f32 to vector<16xf32>
            %mul3A_2010 = arith.mulf %mul3A_2009, %get3A_2008 : vector<16xf32>
            %add3A_2011 = arith.addf %add3A_1933, %mul3A_2010 : vector<16xf32>
            %add3A_2012 = arith.constant 1 : i32
            %add3A_2013 = arith.addi %scan3A_1416, %add3A_2012 : i32
            %get3A_2014 = arith.index_cast %add3A_2013 : i32 to index
            %get3A_2015 = arith.index_cast %add3A_2000 : i32 to index
            %get3A_2016 = arith.constant 16 : index
            %get3A_2017 = tpu.vector_load %arg9[%get3A_2014, %get3A_2015, %get3A_2016] {strides = array<i32>} : memref<3x208x128xf32, #tpu.memory_space<vmem>>, vector<16xf32>,
            %mul3A_2018 = vector.broadcast %squeeze3A_2002 : f32 to vector<16xf32>
            %mul3A_2019 = arith.mulf %mul3A_2018, %get3A_2017 : vector<16xf32>
            %add3A_2020 = arith.addf %add3A_1942, %mul3A_2019 : vector<16xf32>
            %add3A_2021 = arith.constant 1 : i32
            %add3A_2022 = arith.addi %scan3A_1416, %add3A_2021 : i32
            %get3A_2023 = arith.index_cast %add3A_2022 : i32 to index
            %get3A_2024 = arith.index_cast %add3A_2000 : i32 to index
            %get3A_2025 = arith.constant 32 : index
            %get3A_2026 = tpu.vector_load %arg9[%get3A_2023, %get3A_2024, %get3A_2025] {strides = array<i32>} : memref<3x208x128xf32, #tpu.memory_space<vmem>>, vector<16xf32>,
            %mul3A_2027 = vector.broadcast %squeeze3A_2002 : f32 to vector<16xf32>
            %mul3A_2028 = arith.mulf %mul3A_2027, %get3A_2026 : vector<16xf32>
            %add3A_2029 = arith.addf %add3A_1951, %mul3A_2028 : vector<16xf32>
            %add3A_2030 = arith.constant 1 : i32
            %add3A_2031 = arith.addi %scan3A_1416, %add3A_2030 : i32
            %get3A_2032 = arith.index_cast %add3A_2031 : i32 to index
            %get3A_2033 = arith.index_cast %add3A_2000 : i32 to index
            %get3A_2034 = arith.constant 48 : index
            %get3A_2035 = tpu.vector_load %arg9[%get3A_2032, %get3A_2033, %get3A_2034] {strides = array<i32>} : memref<3x208x128xf32, #tpu.memory_space<vmem>>, vector<16xf32>,
            %mul3A_2036 = vector.broadcast %squeeze3A_2002 : f32 to vector<16xf32>
            %mul3A_2037 = arith.mulf %mul3A_2036, %get3A_2035 : vector<16xf32>
            %add3A_2038 = arith.addf %add3A_1960, %mul3A_2037 : vector<16xf32>
            %add3A_2039 = arith.constant 1 : i32
            %add3A_2040 = arith.addi %scan3A_1416, %add3A_2039 : i32
            %get3A_2041 = arith.index_cast %add3A_2040 : i32 to index
            %get3A_2042 = arith.index_cast %add3A_2000 : i32 to index
            %get3A_2043 = arith.constant 64 : index
            %get3A_2044 = tpu.vector_load %arg9[%get3A_2041, %get3A_2042, %get3A_2043] {strides = array<i32>} : memref<3x208x128xf32, #tpu.memory_space<vmem>>, vector<16xf32>,
            %mul3A_2045 = vector.broadcast %squeeze3A_2002 : f32 to vector<16xf32>
            %mul3A_2046 = arith.mulf %mul3A_2045, %get3A_2044 : vector<16xf32>
            %add3A_2047 = arith.addf %add3A_1969, %mul3A_2046 : vector<16xf32>
            %add3A_2048 = arith.constant 1 : i32
            %add3A_2049 = arith.addi %scan3A_1416, %add3A_2048 : i32
            %get3A_2050 = arith.index_cast %add3A_2049 : i32 to index
            %get3A_2051 = arith.index_cast %add3A_2000 : i32 to index
            %get3A_2052 = arith.constant 80 : index
            %get3A_2053 = tpu.vector_load %arg9[%get3A_2050, %get3A_2051, %get3A_2052] {strides = array<i32>} : memref<3x208x128xf32, #tpu.memory_space<vmem>>, vector<16xf32>,
            %mul3A_2054 = vector.broadcast %squeeze3A_2002 : f32 to vector<16xf32>
            %mul3A_2055 = arith.mulf %mul3A_2054, %get3A_2053 : vector<16xf32>
            %add3A_2056 = arith.addf %add3A_1978, %mul3A_2055 : vector<16xf32>
            %add3A_2057 = arith.constant 1 : i32
            %add3A_2058 = arith.addi %scan3A_1416, %add3A_2057 : i32
            %get3A_2059 = arith.index_cast %add3A_2058 : i32 to index
            %get3A_2060 = arith.index_cast %add3A_2000 : i32 to index
            %get3A_2061 = arith.constant 96 : index
            %get3A_2062 = tpu.vector_load %arg9[%get3A_2059, %get3A_2060, %get3A_2061] {strides = array<i32>} : memref<3x208x128xf32, #tpu.memory_space<vmem>>, vector<16xf32>,
            %mul3A_2063 = vector.broadcast %squeeze3A_2002 : f32 to vector<16xf32>
            %mul3A_2064 = arith.mulf %mul3A_2063, %get3A_2062 : vector<16xf32>
            %add3A_2065 = arith.addf %add3A_1987, %mul3A_2064 : vector<16xf32>
            %add3A_2066 = arith.constant 1 : i32
            %add3A_2067 = arith.addi %scan3A_1416, %add3A_2066 : i32
            %get3A_2068 = arith.index_cast %add3A_2067 : i32 to index
            %get3A_2069 = arith.index_cast %add3A_2000 : i32 to index
            %get3A_2070 = arith.constant 112 : index
            %get3A_2071 = tpu.vector_load %arg9[%get3A_2068, %get3A_2069, %get3A_2070] {strides = array<i32>} : memref<3x208x128xf32, #tpu.memory_space<vmem>>, vector<16xf32>,
            %mul3A_2072 = vector.broadcast %squeeze3A_2002 : f32 to vector<16xf32>
            %mul3A_2073 = arith.mulf %mul3A_2072, %get3A_2071 : vector<16xf32>
            %add3A_2074 = arith.addf %add3A_1996, %mul3A_2073 : vector<16xf32>
            %mul3A_2075 = arith.constant 16 : i32
            %mul3A_2076 = arith.muli %scan3A_1512, %mul3A_2075 : i32
            %add3A_2077 = arith.constant 7 : i32
            %add3A_2078 = arith.addi %mul3A_2076, %add3A_2077 : i32
            %slice3A_2079 = vector.extract_strided_slice %mul3A_1530 {offsets = [7], sizes = [1], strides = [1]} : vector<16xf32> to vector<1xf32>
            %squeeze3A_2080 = vector.extract %slice3A_2079[0] : f32 from vector<1xf32>
            %add3A_2081 = arith.constant 1 : i32
            %add3A_2082 = arith.addi %scan3A_1416, %add3A_2081 : i32
            %get3A_2083 = arith.index_cast %add3A_2082 : i32 to index
            %get3A_2084 = arith.index_cast %add3A_2078 : i32 to index
            %get3A_2085 = arith.constant 0 : index
            %get3A_2086 = tpu.vector_load %arg9[%get3A_2083, %get3A_2084, %get3A_2085] {strides = array<i32>} : memref<3x208x128xf32, #tpu.memory_space<vmem>>, vector<16xf32>,
            %mul3A_2087 = vector.broadcast %squeeze3A_2080 : f32 to vector<16xf32>
            %mul3A_2088 = arith.mulf %mul3A_2087, %get3A_2086 : vector<16xf32>
            %add3A_2089 = arith.addf %add3A_2011, %mul3A_2088 : vector<16xf32>
            %add3A_2090 = arith.constant 1 : i32
            %add3A_2091 = arith.addi %scan3A_1416, %add3A_2090 : i32
            %get3A_2092 = arith.index_cast %add3A_2091 : i32 to index
            %get3A_2093 = arith.index_cast %add3A_2078 : i32 to index
            %get3A_2094 = arith.constant 16 : index
            %get3A_2095 = tpu.vector_load %arg9[%get3A_2092, %get3A_2093, %get3A_2094] {strides = array<i32>} : memref<3x208x128xf32, #tpu.memory_space<vmem>>, vector<16xf32>,
            %mul3A_2096 = vector.broadcast %squeeze3A_2080 : f32 to vector<16xf32>
            %mul3A_2097 = arith.mulf %mul3A_2096, %get3A_2095 : vector<16xf32>
            %add3A_2098 = arith.addf %add3A_2020, %mul3A_2097 : vector<16xf32>
            %add3A_2099 = arith.constant 1 : i32
            %add3A_2100 = arith.addi %scan3A_1416, %add3A_2099 : i32
            %get3A_2101 = arith.index_cast %add3A_2100 : i32 to index
            %get3A_2102 = arith.index_cast %add3A_2078 : i32 to index
            %get3A_2103 = arith.constant 32 : index
            %get3A_2104 = tpu.vector_load %arg9[%get3A_2101, %get3A_2102, %get3A_2103] {strides = array<i32>} : memref<3x208x128xf32, #tpu.memory_space<vmem>>, vector<16xf32>,
            %mul3A_2105 = vector.broadcast %squeeze3A_2080 : f32 to vector<16xf32>
            %mul3A_2106 = arith.mulf %mul3A_2105, %get3A_2104 : vector<16xf32>
            %add3A_2107 = arith.addf %add3A_2029, %mul3A_2106 : vector<16xf32>
            %add3A_2108 = arith.constant 1 : i32
            %add3A_2109 = arith.addi %scan3A_1416, %add3A_2108 : i32
            %get3A_2110 = arith.index_cast %add3A_2109 : i32 to index
            %get3A_2111 = arith.index_cast %add3A_2078 : i32 to index
            %get3A_2112 = arith.constant 48 : index
            %get3A_2113 = tpu.vector_load %arg9[%get3A_2110, %get3A_2111, %get3A_2112] {strides = array<i32>} : memref<3x208x128xf32, #tpu.memory_space<vmem>>, vector<16xf32>,
            %mul3A_2114 = vector.broadcast %squeeze3A_2080 : f32 to vector<16xf32>
            %mul3A_2115 = arith.mulf %mul3A_2114, %get3A_2113 : vector<16xf32>
            %add3A_2116 = arith.addf %add3A_2038, %mul3A_2115 : vector<16xf32>
            %add3A_2117 = arith.constant 1 : i32
            %add3A_2118 = arith.addi %scan3A_1416, %add3A_2117 : i32
            %get3A_2119 = arith.index_cast %add3A_2118 : i32 to index
            %get3A_2120 = arith.index_cast %add3A_2078 : i32 to index
            %get3A_2121 = arith.constant 64 : index
            %get3A_2122 = tpu.vector_load %arg9[%get3A_2119, %get3A_2120, %get3A_2121] {strides = array<i32>} : memref<3x208x128xf32, #tpu.memory_space<vmem>>, vector<16xf32>,
            %mul3A_2123 = vector.broadcast %squeeze3A_2080 : f32 to vector<16xf32>
            %mul3A_2124 = arith.mulf %mul3A_2123, %get3A_2122 : vector<16xf32>
            %add3A_2125 = arith.addf %add3A_2047, %mul3A_2124 : vector<16xf32>
            %add3A_2126 = arith.constant 1 : i32
            %add3A_2127 = arith.addi %scan3A_1416, %add3A_2126 : i32
            %get3A_2128 = arith.index_cast %add3A_2127 : i32 to index
            %get3A_2129 = arith.index_cast %add3A_2078 : i32 to index
            %get3A_2130 = arith.constant 80 : index
            %get3A_2131 = tpu.vector_load %arg9[%get3A_2128, %get3A_2129, %get3A_2130] {strides = array<i32>} : memref<3x208x128xf32, #tpu.memory_space<vmem>>, vector<16xf32>,
            %mul3A_2132 = vector.broadcast %squeeze3A_2080 : f32 to vector<16xf32>
            %mul3A_2133 = arith.mulf %mul3A_2132, %get3A_2131 : vector<16xf32>
            %add3A_2134 = arith.addf %add3A_2056, %mul3A_2133 : vector<16xf32>
            %add3A_2135 = arith.constant 1 : i32
            %add3A_2136 = arith.addi %scan3A_1416, %add3A_2135 : i32
            %get3A_2137 = arith.index_cast %add3A_2136 : i32 to index
            %get3A_2138 = arith.index_cast %add3A_2078 : i32 to index
            %get3A_2139 = arith.constant 96 : index
            %get3A_2140 = tpu.vector_load %arg9[%get3A_2137, %get3A_2138, %get3A_2139] {strides = array<i32>} : memref<3x208x128xf32, #tpu.memory_space<vmem>>, vector<16xf32>,
            %mul3A_2141 = vector.broadcast %squeeze3A_2080 : f32 to vector<16xf32>
            %mul3A_2142 = arith.mulf %mul3A_2141, %get3A_2140 : vector<16xf32>
            %add3A_2143 = arith.addf %add3A_2065, %mul3A_2142 : vector<16xf32>
            %add3A_2144 = arith.constant 1 : i32
            %add3A_2145 = arith.addi %scan3A_1416, %add3A_2144 : i32
            %get3A_2146 = arith.index_cast %add3A_2145 : i32 to index
            %get3A_2147 = arith.index_cast %add3A_2078 : i32 to index
            %get3A_2148 = arith.constant 112 : index
            %get3A_2149 = tpu.vector_load %arg9[%get3A_2146, %get3A_2147, %get3A_2148] {strides = array<i32>} : memref<3x208x128xf32, #tpu.memory_space<vmem>>, vector<16xf32>,
            %mul3A_2150 = vector.broadcast %squeeze3A_2080 : f32 to vector<16xf32>
            %mul3A_2151 = arith.mulf %mul3A_2150, %get3A_2149 : vector<16xf32>
            %add3A_2152 = arith.addf %add3A_2074, %mul3A_2151 : vector<16xf32>
            %mul3A_2153 = arith.constant 16 : i32
            %mul3A_2154 = arith.muli %scan3A_1512, %mul3A_2153 : i32
            %add3A_2155 = arith.constant 8 : i32
            %add3A_2156 = arith.addi %mul3A_2154, %add3A_2155 : i32
            %slice3A_2157 = vector.extract_strided_slice %mul3A_1530 {offsets = [8], sizes = [1], strides = [1]} : vector<16xf32> to vector<1xf32>
            %squeeze3A_2158 = vector.extract %slice3A_2157[0] : f32 from vector<1xf32>
            %add3A_2159 = arith.constant 1 : i32
            %add3A_2160 = arith.addi %scan3A_1416, %add3A_2159 : i32
            %get3A_2161 = arith.index_cast %add3A_2160 : i32 to index
            %get3A_2162 = arith.index_cast %add3A_2156 : i32 to index
            %get3A_2163 = arith.constant 0 : index
            %get3A_2164 = tpu.vector_load %arg9[%get3A_2161, %get3A_2162, %get3A_2163] {strides = array<i32>} : memref<3x208x128xf32, #tpu.memory_space<vmem>>, vector<16xf32>,
            %mul3A_2165 = vector.broadcast %squeeze3A_2158 : f32 to vector<16xf32>
            %mul3A_2166 = arith.mulf %mul3A_2165, %get3A_2164 : vector<16xf32>
            %add3A_2167 = arith.addf %add3A_2089, %mul3A_2166 : vector<16xf32>
            %add3A_2168 = arith.constant 1 : i32
            %add3A_2169 = arith.addi %scan3A_1416, %add3A_2168 : i32
            %get3A_2170 = arith.index_cast %add3A_2169 : i32 to index
            %get3A_2171 = arith.index_cast %add3A_2156 : i32 to index
            %get3A_2172 = arith.constant 16 : index
            %get3A_2173 = tpu.vector_load %arg9[%get3A_2170, %get3A_2171, %get3A_2172] {strides = array<i32>} : memref<3x208x128xf32, #tpu.memory_space<vmem>>, vector<16xf32>,
            %mul3A_2174 = vector.broadcast %squeeze3A_2158 : f32 to vector<16xf32>
            %mul3A_2175 = arith.mulf %mul3A_2174, %get3A_2173 : vector<16xf32>
            %add3A_2176 = arith.addf %add3A_2098, %mul3A_2175 : vector<16xf32>
            %add3A_2177 = arith.constant 1 : i32
            %add3A_2178 = arith.addi %scan3A_1416, %add3A_2177 : i32
            %get3A_2179 = arith.index_cast %add3A_2178 : i32 to index
            %get3A_2180 = arith.index_cast %add3A_2156 : i32 to index
            %get3A_2181 = arith.constant 32 : index
            %get3A_2182 = tpu.vector_load %arg9[%get3A_2179, %get3A_2180, %get3A_2181] {strides = array<i32>} : memref<3x208x128xf32, #tpu.memory_space<vmem>>, vector<16xf32>,
            %mul3A_2183 = vector.broadcast %squeeze3A_2158 : f32 to vector<16xf32>
            %mul3A_2184 = arith.mulf %mul3A_2183, %get3A_2182 : vector<16xf32>
            %add3A_2185 = arith.addf %add3A_2107, %mul3A_2184 : vector<16xf32>
            %add3A_2186 = arith.constant 1 : i32
            %add3A_2187 = arith.addi %scan3A_1416, %add3A_2186 : i32
            %get3A_2188 = arith.index_cast %add3A_2187 : i32 to index
            %get3A_2189 = arith.index_cast %add3A_2156 : i32 to index
            %get3A_2190 = arith.constant 48 : index
            %get3A_2191 = tpu.vector_load %arg9[%get3A_2188, %get3A_2189, %get3A_2190] {strides = array<i32>} : memref<3x208x128xf32, #tpu.memory_space<vmem>>, vector<16xf32>,
            %mul3A_2192 = vector.broadcast %squeeze3A_2158 : f32 to vector<16xf32>
            %mul3A_2193 = arith.mulf %mul3A_2192, %get3A_2191 : vector<16xf32>
            %add3A_2194 = arith.addf %add3A_2116, %mul3A_2193 : vector<16xf32>
            %add3A_2195 = arith.constant 1 : i32
            %add3A_2196 = arith.addi %scan3A_1416, %add3A_2195 : i32
            %get3A_2197 = arith.index_cast %add3A_2196 : i32 to index
            %get3A_2198 = arith.index_cast %add3A_2156 : i32 to index
            %get3A_2199 = arith.constant 64 : index
            %get3A_2200 = tpu.vector_load %arg9[%get3A_2197, %get3A_2198, %get3A_2199] {strides = array<i32>} : memref<3x208x128xf32, #tpu.memory_space<vmem>>, vector<16xf32>,
            %mul3A_2201 = vector.broadcast %squeeze3A_2158 : f32 to vector<16xf32>
            %mul3A_2202 = arith.mulf %mul3A_2201, %get3A_2200 : vector<16xf32>
            %add3A_2203 = arith.addf %add3A_2125, %mul3A_2202 : vector<16xf32>
            %add3A_2204 = arith.constant 1 : i32
            %add3A_2205 = arith.addi %scan3A_1416, %add3A_2204 : i32
            %get3A_2206 = arith.index_cast %add3A_2205 : i32 to index
            %get3A_2207 = arith.index_cast %add3A_2156 : i32 to index
            %get3A_2208 = arith.constant 80 : index
            %get3A_2209 = tpu.vector_load %arg9[%get3A_2206, %get3A_2207, %get3A_2208] {strides = array<i32>} : memref<3x208x128xf32, #tpu.memory_space<vmem>>, vector<16xf32>,
            %mul3A_2210 = vector.broadcast %squeeze3A_2158 : f32 to vector<16xf32>
            %mul3A_2211 = arith.mulf %mul3A_2210, %get3A_2209 : vector<16xf32>
            %add3A_2212 = arith.addf %add3A_2134, %mul3A_2211 : vector<16xf32>
            %add3A_2213 = arith.constant 1 : i32
            %add3A_2214 = arith.addi %scan3A_1416, %add3A_2213 : i32
            %get3A_2215 = arith.index_cast %add3A_2214 : i32 to index
            %get3A_2216 = arith.index_cast %add3A_2156 : i32 to index
            %get3A_2217 = arith.constant 96 : index
            %get3A_2218 = tpu.vector_load %arg9[%get3A_2215, %get3A_2216, %get3A_2217] {strides = array<i32>} : memref<3x208x128xf32, #tpu.memory_space<vmem>>, vector<16xf32>,
            %mul3A_2219 = vector.broadcast %squeeze3A_2158 : f32 to vector<16xf32>
            %mul3A_2220 = arith.mulf %mul3A_2219, %get3A_2218 : vector<16xf32>
            %add3A_2221 = arith.addf %add3A_2143, %mul3A_2220 : vector<16xf32>
            %add3A_2222 = arith.constant 1 : i32
            %add3A_2223 = arith.addi %scan3A_1416, %add3A_2222 : i32
            %get3A_2224 = arith.index_cast %add3A_2223 : i32 to index
            %get3A_2225 = arith.index_cast %add3A_2156 : i32 to index
            %get3A_2226 = arith.constant 112 : index
            %get3A_2227 = tpu.vector_load %arg9[%get3A_2224, %get3A_2225, %get3A_2226] {strides = array<i32>} : memref<3x208x128xf32, #tpu.memory_space<vmem>>, vector<16xf32>,
            %mul3A_2228 = vector.broadcast %squeeze3A_2158 : f32 to vector<16xf32>
            %mul3A_2229 = arith.mulf %mul3A_2228, %get3A_2227 : vector<16xf32>
            %add3A_2230 = arith.addf %add3A_2152, %mul3A_2229 : vector<16xf32>
            %mul3A_2231 = arith.constant 16 : i32
            %mul3A_2232 = arith.muli %scan3A_1512, %mul3A_2231 : i32
            %add3A_2233 = arith.constant 9 : i32
            %add3A_2234 = arith.addi %mul3A_2232, %add3A_2233 : i32
            %slice3A_2235 = vector.extract_strided_slice %mul3A_1530 {offsets = [9], sizes = [1], strides = [1]} : vector<16xf32> to vector<1xf32>
            %squeeze3A_2236 = vector.extract %slice3A_2235[0] : f32 from vector<1xf32>
            %add3A_2237 = arith.constant 1 : i32
            %add3A_2238 = arith.addi %scan3A_1416, %add3A_2237 : i32
            %get3A_2239 = arith.index_cast %add3A_2238 : i32 to index
            %get3A_2240 = arith.index_cast %add3A_2234 : i32 to index
            %get3A_2241 = arith.constant 0 : index
            %get3A_2242 = tpu.vector_load %arg9[%get3A_2239, %get3A_2240, %get3A_2241] {strides = array<i32>} : memref<3x208x128xf32, #tpu.memory_space<vmem>>, vector<16xf32>,
            %mul3A_2243 = vector.broadcast %squeeze3A_2236 : f32 to vector<16xf32>
            %mul3A_2244 = arith.mulf %mul3A_2243, %get3A_2242 : vector<16xf32>
            %add3A_2245 = arith.addf %add3A_2167, %mul3A_2244 : vector<16xf32>
            %add3A_2246 = arith.constant 1 : i32
            %add3A_2247 = arith.addi %scan3A_1416, %add3A_2246 : i32
            %get3A_2248 = arith.index_cast %add3A_2247 : i32 to index
            %get3A_2249 = arith.index_cast %add3A_2234 : i32 to index
            %get3A_2250 = arith.constant 16 : index
            %get3A_2251 = tpu.vector_load %arg9[%get3A_2248, %get3A_2249, %get3A_2250] {strides = array<i32>} : memref<3x208x128xf32, #tpu.memory_space<vmem>>, vector<16xf32>,
            %mul3A_2252 = vector.broadcast %squeeze3A_2236 : f32 to vector<16xf32>
            %mul3A_2253 = arith.mulf %mul3A_2252, %get3A_2251 : vector<16xf32>
            %add3A_2254 = arith.addf %add3A_2176, %mul3A_2253 : vector<16xf32>
            %add3A_2255 = arith.constant 1 : i32
            %add3A_2256 = arith.addi %scan3A_1416, %add3A_2255 : i32
            %get3A_2257 = arith.index_cast %add3A_2256 : i32 to index
            %get3A_2258 = arith.index_cast %add3A_2234 : i32 to index
            %get3A_2259 = arith.constant 32 : index
            %get3A_2260 = tpu.vector_load %arg9[%get3A_2257, %get3A_2258, %get3A_2259] {strides = array<i32>} : memref<3x208x128xf32, #tpu.memory_space<vmem>>, vector<16xf32>,
            %mul3A_2261 = vector.broadcast %squeeze3A_2236 : f32 to vector<16xf32>
            %mul3A_2262 = arith.mulf %mul3A_2261, %get3A_2260 : vector<16xf32>
            %add3A_2263 = arith.addf %add3A_2185, %mul3A_2262 : vector<16xf32>
            %add3A_2264 = arith.constant 1 : i32
            %add3A_2265 = arith.addi %scan3A_1416, %add3A_2264 : i32
            %get3A_2266 = arith.index_cast %add3A_2265 : i32 to index
            %get3A_2267 = arith.index_cast %add3A_2234 : i32 to index
            %get3A_2268 = arith.constant 48 : index
            %get3A_2269 = tpu.vector_load %arg9[%get3A_2266, %get3A_2267, %get3A_2268] {strides = array<i32>} : memref<3x208x128xf32, #tpu.memory_space<vmem>>, vector<16xf32>,
            %mul3A_2270 = vector.broadcast %squeeze3A_2236 : f32 to vector<16xf32>
            %mul3A_2271 = arith.mulf %mul3A_2270, %get3A_2269 : vector<16xf32>
            %add3A_2272 = arith.addf %add3A_2194, %mul3A_2271 : vector<16xf32>
            %add3A_2273 = arith.constant 1 : i32
            %add3A_2274 = arith.addi %scan3A_1416, %add3A_2273 : i32
            %get3A_2275 = arith.index_cast %add3A_2274 : i32 to index
            %get3A_2276 = arith.index_cast %add3A_2234 : i32 to index
            %get3A_2277 = arith.constant 64 : index
            %get3A_2278 = tpu.vector_load %arg9[%get3A_2275, %get3A_2276, %get3A_2277] {strides = array<i32>} : memref<3x208x128xf32, #tpu.memory_space<vmem>>, vector<16xf32>,
            %mul3A_2279 = vector.broadcast %squeeze3A_2236 : f32 to vector<16xf32>
            %mul3A_2280 = arith.mulf %mul3A_2279, %get3A_2278 : vector<16xf32>
            %add3A_2281 = arith.addf %add3A_2203, %mul3A_2280 : vector<16xf32>
            %add3A_2282 = arith.constant 1 : i32
            %add3A_2283 = arith.addi %scan3A_1416, %add3A_2282 : i32
            %get3A_2284 = arith.index_cast %add3A_2283 : i32 to index
            %get3A_2285 = arith.index_cast %add3A_2234 : i32 to index
            %get3A_2286 = arith.constant 80 : index
            %get3A_2287 = tpu.vector_load %arg9[%get3A_2284, %get3A_2285, %get3A_2286] {strides = array<i32>} : memref<3x208x128xf32, #tpu.memory_space<vmem>>, vector<16xf32>,
            %mul3A_2288 = vector.broadcast %squeeze3A_2236 : f32 to vector<16xf32>
            %mul3A_2289 = arith.mulf %mul3A_2288, %get3A_2287 : vector<16xf32>
            %add3A_2290 = arith.addf %add3A_2212, %mul3A_2289 : vector<16xf32>
            %add3A_2291 = arith.constant 1 : i32
            %add3A_2292 = arith.addi %scan3A_1416, %add3A_2291 : i32
            %get3A_2293 = arith.index_cast %add3A_2292 : i32 to index
            %get3A_2294 = arith.index_cast %add3A_2234 : i32 to index
            %get3A_2295 = arith.constant 96 : index
            %get3A_2296 = tpu.vector_load %arg9[%get3A_2293, %get3A_2294, %get3A_2295] {strides = array<i32>} : memref<3x208x128xf32, #tpu.memory_space<vmem>>, vector<16xf32>,
            %mul3A_2297 = vector.broadcast %squeeze3A_2236 : f32 to vector<16xf32>
            %mul3A_2298 = arith.mulf %mul3A_2297, %get3A_2296 : vector<16xf32>
            %add3A_2299 = arith.addf %add3A_2221, %mul3A_2298 : vector<16xf32>
            %add3A_2300 = arith.constant 1 : i32
            %add3A_2301 = arith.addi %scan3A_1416, %add3A_2300 : i32
            %get3A_2302 = arith.index_cast %add3A_2301 : i32 to index
            %get3A_2303 = arith.index_cast %add3A_2234 : i32 to index
            %get3A_2304 = arith.constant 112 : index
            %get3A_2305 = tpu.vector_load %arg9[%get3A_2302, %get3A_2303, %get3A_2304] {strides = array<i32>} : memref<3x208x128xf32, #tpu.memory_space<vmem>>, vector<16xf32>,
            %mul3A_2306 = vector.broadcast %squeeze3A_2236 : f32 to vector<16xf32>
            %mul3A_2307 = arith.mulf %mul3A_2306, %get3A_2305 : vector<16xf32>
            %add3A_2308 = arith.addf %add3A_2230, %mul3A_2307 : vector<16xf32>
            %mul3A_2309 = arith.constant 16 : i32
            %mul3A_2310 = arith.muli %scan3A_1512, %mul3A_2309 : i32
            %add3A_2311 = arith.constant 10 : i32
            %add3A_2312 = arith.addi %mul3A_2310, %add3A_2311 : i32
            %slice3A_2313 = vector.extract_strided_slice %mul3A_1530 {offsets = [10], sizes = [1], strides = [1]} : vector<16xf32> to vector<1xf32>
            %squeeze3A_2314 = vector.extract %slice3A_2313[0] : f32 from vector<1xf32>
            %add3A_2315 = arith.constant 1 : i32
            %add3A_2316 = arith.addi %scan3A_1416, %add3A_2315 : i32
            %get3A_2317 = arith.index_cast %add3A_2316 : i32 to index
            %get3A_2318 = arith.index_cast %add3A_2312 : i32 to index
            %get3A_2319 = arith.constant 0 : index
            %get3A_2320 = tpu.vector_load %arg9[%get3A_2317, %get3A_2318, %get3A_2319] {strides = array<i32>} : memref<3x208x128xf32, #tpu.memory_space<vmem>>, vector<16xf32>,
            %mul3A_2321 = vector.broadcast %squeeze3A_2314 : f32 to vector<16xf32>
            %mul3A_2322 = arith.mulf %mul3A_2321, %get3A_2320 : vector<16xf32>
            %add3A_2323 = arith.addf %add3A_2245, %mul3A_2322 : vector<16xf32>
            %add3A_2324 = arith.constant 1 : i32
            %add3A_2325 = arith.addi %scan3A_1416, %add3A_2324 : i32
            %get3A_2326 = arith.index_cast %add3A_2325 : i32 to index
            %get3A_2327 = arith.index_cast %add3A_2312 : i32 to index
            %get3A_2328 = arith.constant 16 : index
            %get3A_2329 = tpu.vector_load %arg9[%get3A_2326, %get3A_2327, %get3A_2328] {strides = array<i32>} : memref<3x208x128xf32, #tpu.memory_space<vmem>>, vector<16xf32>,
            %mul3A_2330 = vector.broadcast %squeeze3A_2314 : f32 to vector<16xf32>
            %mul3A_2331 = arith.mulf %mul3A_2330, %get3A_2329 : vector<16xf32>
            %add3A_2332 = arith.addf %add3A_2254, %mul3A_2331 : vector<16xf32>
            %add3A_2333 = arith.constant 1 : i32
            %add3A_2334 = arith.addi %scan3A_1416, %add3A_2333 : i32
            %get3A_2335 = arith.index_cast %add3A_2334 : i32 to index
            %get3A_2336 = arith.index_cast %add3A_2312 : i32 to index
            %get3A_2337 = arith.constant 32 : index
            %get3A_2338 = tpu.vector_load %arg9[%get3A_2335, %get3A_2336, %get3A_2337] {strides = array<i32>} : memref<3x208x128xf32, #tpu.memory_space<vmem>>, vector<16xf32>,
            %mul3A_2339 = vector.broadcast %squeeze3A_2314 : f32 to vector<16xf32>
            %mul3A_2340 = arith.mulf %mul3A_2339, %get3A_2338 : vector<16xf32>
            %add3A_2341 = arith.addf %add3A_2263, %mul3A_2340 : vector<16xf32>
            %add3A_2342 = arith.constant 1 : i32
            %add3A_2343 = arith.addi %scan3A_1416, %add3A_2342 : i32
            %get3A_2344 = arith.index_cast %add3A_2343 : i32 to index
            %get3A_2345 = arith.index_cast %add3A_2312 : i32 to index
            %get3A_2346 = arith.constant 48 : index
            %get3A_2347 = tpu.vector_load %arg9[%get3A_2344, %get3A_2345, %get3A_2346] {strides = array<i32>} : memref<3x208x128xf32, #tpu.memory_space<vmem>>, vector<16xf32>,
            %mul3A_2348 = vector.broadcast %squeeze3A_2314 : f32 to vector<16xf32>
            %mul3A_2349 = arith.mulf %mul3A_2348, %get3A_2347 : vector<16xf32>
            %add3A_2350 = arith.addf %add3A_2272, %mul3A_2349 : vector<16xf32>
            %add3A_2351 = arith.constant 1 : i32
            %add3A_2352 = arith.addi %scan3A_1416, %add3A_2351 : i32
            %get3A_2353 = arith.index_cast %add3A_2352 : i32 to index
            %get3A_2354 = arith.index_cast %add3A_2312 : i32 to index
            %get3A_2355 = arith.constant 64 : index
            %get3A_2356 = tpu.vector_load %arg9[%get3A_2353, %get3A_2354, %get3A_2355] {strides = array<i32>} : memref<3x208x128xf32, #tpu.memory_space<vmem>>, vector<16xf32>,
            %mul3A_2357 = vector.broadcast %squeeze3A_2314 : f32 to vector<16xf32>
            %mul3A_2358 = arith.mulf %mul3A_2357, %get3A_2356 : vector<16xf32>
            %add3A_2359 = arith.addf %add3A_2281, %mul3A_2358 : vector<16xf32>
            %add3A_2360 = arith.constant 1 : i32
            %add3A_2361 = arith.addi %scan3A_1416, %add3A_2360 : i32
            %get3A_2362 = arith.index_cast %add3A_2361 : i32 to index
            %get3A_2363 = arith.index_cast %add3A_2312 : i32 to index
            %get3A_2364 = arith.constant 80 : index
            %get3A_2365 = tpu.vector_load %arg9[%get3A_2362, %get3A_2363, %get3A_2364] {strides = array<i32>} : memref<3x208x128xf32, #tpu.memory_space<vmem>>, vector<16xf32>,
            %mul3A_2366 = vector.broadcast %squeeze3A_2314 : f32 to vector<16xf32>
            %mul3A_2367 = arith.mulf %mul3A_2366, %get3A_2365 : vector<16xf32>
            %add3A_2368 = arith.addf %add3A_2290, %mul3A_2367 : vector<16xf32>
            %add3A_2369 = arith.constant 1 : i32
            %add3A_2370 = arith.addi %scan3A_1416, %add3A_2369 : i32
            %get3A_2371 = arith.index_cast %add3A_2370 : i32 to index
            %get3A_2372 = arith.index_cast %add3A_2312 : i32 to index
            %get3A_2373 = arith.constant 96 : index
            %get3A_2374 = tpu.vector_load %arg9[%get3A_2371, %get3A_2372, %get3A_2373] {strides = array<i32>} : memref<3x208x128xf32, #tpu.memory_space<vmem>>, vector<16xf32>,
            %mul3A_2375 = vector.broadcast %squeeze3A_2314 : f32 to vector<16xf32>
            %mul3A_2376 = arith.mulf %mul3A_2375, %get3A_2374 : vector<16xf32>
            %add3A_2377 = arith.addf %add3A_2299, %mul3A_2376 : vector<16xf32>
            %add3A_2378 = arith.constant 1 : i32
            %add3A_2379 = arith.addi %scan3A_1416, %add3A_2378 : i32
            %get3A_2380 = arith.index_cast %add3A_2379 : i32 to index
            %get3A_2381 = arith.index_cast %add3A_2312 : i32 to index
            %get3A_2382 = arith.constant 112 : index
            %get3A_2383 = tpu.vector_load %arg9[%get3A_2380, %get3A_2381, %get3A_2382] {strides = array<i32>} : memref<3x208x128xf32, #tpu.memory_space<vmem>>, vector<16xf32>,
            %mul3A_2384 = vector.broadcast %squeeze3A_2314 : f32 to vector<16xf32>
            %mul3A_2385 = arith.mulf %mul3A_2384, %get3A_2383 : vector<16xf32>
            %add3A_2386 = arith.addf %add3A_2308, %mul3A_2385 : vector<16xf32>
            %mul3A_2387 = arith.constant 16 : i32
            %mul3A_2388 = arith.muli %scan3A_1512, %mul3A_2387 : i32
            %add3A_2389 = arith.constant 11 : i32
            %add3A_2390 = arith.addi %mul3A_2388, %add3A_2389 : i32
            %slice3A_2391 = vector.extract_strided_slice %mul3A_1530 {offsets = [11], sizes = [1], strides = [1]} : vector<16xf32> to vector<1xf32>
            %squeeze3A_2392 = vector.extract %slice3A_2391[0] : f32 from vector<1xf32>
            %add3A_2393 = arith.constant 1 : i32
            %add3A_2394 = arith.addi %scan3A_1416, %add3A_2393 : i32
            %get3A_2395 = arith.index_cast %add3A_2394 : i32 to index
            %get3A_2396 = arith.index_cast %add3A_2390 : i32 to index
            %get3A_2397 = arith.constant 0 : index
            %get3A_2398 = tpu.vector_load %arg9[%get3A_2395, %get3A_2396, %get3A_2397] {strides = array<i32>} : memref<3x208x128xf32, #tpu.memory_space<vmem>>, vector<16xf32>,
            %mul3A_2399 = vector.broadcast %squeeze3A_2392 : f32 to vector<16xf32>
            %mul3A_2400 = arith.mulf %mul3A_2399, %get3A_2398 : vector<16xf32>
            %add3A_2401 = arith.addf %add3A_2323, %mul3A_2400 : vector<16xf32>
            %add3A_2402 = arith.constant 1 : i32
            %add3A_2403 = arith.addi %scan3A_1416, %add3A_2402 : i32
            %get3A_2404 = arith.index_cast %add3A_2403 : i32 to index
            %get3A_2405 = arith.index_cast %add3A_2390 : i32 to index
            %get3A_2406 = arith.constant 16 : index
            %get3A_2407 = tpu.vector_load %arg9[%get3A_2404, %get3A_2405, %get3A_2406] {strides = array<i32>} : memref<3x208x128xf32, #tpu.memory_space<vmem>>, vector<16xf32>,
            %mul3A_2408 = vector.broadcast %squeeze3A_2392 : f32 to vector<16xf32>
            %mul3A_2409 = arith.mulf %mul3A_2408, %get3A_2407 : vector<16xf32>
            %add3A_2410 = arith.addf %add3A_2332, %mul3A_2409 : vector<16xf32>
            %add3A_2411 = arith.constant 1 : i32
            %add3A_2412 = arith.addi %scan3A_1416, %add3A_2411 : i32
            %get3A_2413 = arith.index_cast %add3A_2412 : i32 to index
            %get3A_2414 = arith.index_cast %add3A_2390 : i32 to index
            %get3A_2415 = arith.constant 32 : index
            %get3A_2416 = tpu.vector_load %arg9[%get3A_2413, %get3A_2414, %get3A_2415] {strides = array<i32>} : memref<3x208x128xf32, #tpu.memory_space<vmem>>, vector<16xf32>,
            %mul3A_2417 = vector.broadcast %squeeze3A_2392 : f32 to vector<16xf32>
            %mul3A_2418 = arith.mulf %mul3A_2417, %get3A_2416 : vector<16xf32>
            %add3A_2419 = arith.addf %add3A_2341, %mul3A_2418 : vector<16xf32>
            %add3A_2420 = arith.constant 1 : i32
            %add3A_2421 = arith.addi %scan3A_1416, %add3A_2420 : i32
            %get3A_2422 = arith.index_cast %add3A_2421 : i32 to index
            %get3A_2423 = arith.index_cast %add3A_2390 : i32 to index
            %get3A_2424 = arith.constant 48 : index
            %get3A_2425 = tpu.vector_load %arg9[%get3A_2422, %get3A_2423, %get3A_2424] {strides = array<i32>} : memref<3x208x128xf32, #tpu.memory_space<vmem>>, vector<16xf32>,
            %mul3A_2426 = vector.broadcast %squeeze3A_2392 : f32 to vector<16xf32>
            %mul3A_2427 = arith.mulf %mul3A_2426, %get3A_2425 : vector<16xf32>
            %add3A_2428 = arith.addf %add3A_2350, %mul3A_2427 : vector<16xf32>
            %add3A_2429 = arith.constant 1 : i32
            %add3A_2430 = arith.addi %scan3A_1416, %add3A_2429 : i32
            %get3A_2431 = arith.index_cast %add3A_2430 : i32 to index
            %get3A_2432 = arith.index_cast %add3A_2390 : i32 to index
            %get3A_2433 = arith.constant 64 : index
            %get3A_2434 = tpu.vector_load %arg9[%get3A_2431, %get3A_2432, %get3A_2433] {strides = array<i32>} : memref<3x208x128xf32, #tpu.memory_space<vmem>>, vector<16xf32>,
            %mul3A_2435 = vector.broadcast %squeeze3A_2392 : f32 to vector<16xf32>
            %mul3A_2436 = arith.mulf %mul3A_2435, %get3A_2434 : vector<16xf32>
            %add3A_2437 = arith.addf %add3A_2359, %mul3A_2436 : vector<16xf32>
            %add3A_2438 = arith.constant 1 : i32
            %add3A_2439 = arith.addi %scan3A_1416, %add3A_2438 : i32
            %get3A_2440 = arith.index_cast %add3A_2439 : i32 to index
            %get3A_2441 = arith.index_cast %add3A_2390 : i32 to index
            %get3A_2442 = arith.constant 80 : index
            %get3A_2443 = tpu.vector_load %arg9[%get3A_2440, %get3A_2441, %get3A_2442] {strides = array<i32>} : memref<3x208x128xf32, #tpu.memory_space<vmem>>, vector<16xf32>,
            %mul3A_2444 = vector.broadcast %squeeze3A_2392 : f32 to vector<16xf32>
            %mul3A_2445 = arith.mulf %mul3A_2444, %get3A_2443 : vector<16xf32>
            %add3A_2446 = arith.addf %add3A_2368, %mul3A_2445 : vector<16xf32>
            %add3A_2447 = arith.constant 1 : i32
            %add3A_2448 = arith.addi %scan3A_1416, %add3A_2447 : i32
            %get3A_2449 = arith.index_cast %add3A_2448 : i32 to index
            %get3A_2450 = arith.index_cast %add3A_2390 : i32 to index
            %get3A_2451 = arith.constant 96 : index
            %get3A_2452 = tpu.vector_load %arg9[%get3A_2449, %get3A_2450, %get3A_2451] {strides = array<i32>} : memref<3x208x128xf32, #tpu.memory_space<vmem>>, vector<16xf32>,
            %mul3A_2453 = vector.broadcast %squeeze3A_2392 : f32 to vector<16xf32>
            %mul3A_2454 = arith.mulf %mul3A_2453, %get3A_2452 : vector<16xf32>
            %add3A_2455 = arith.addf %add3A_2377, %mul3A_2454 : vector<16xf32>
            %add3A_2456 = arith.constant 1 : i32
            %add3A_2457 = arith.addi %scan3A_1416, %add3A_2456 : i32
            %get3A_2458 = arith.index_cast %add3A_2457 : i32 to index
            %get3A_2459 = arith.index_cast %add3A_2390 : i32 to index
            %get3A_2460 = arith.constant 112 : index
            %get3A_2461 = tpu.vector_load %arg9[%get3A_2458, %get3A_2459, %get3A_2460] {strides = array<i32>} : memref<3x208x128xf32, #tpu.memory_space<vmem>>, vector<16xf32>,
            %mul3A_2462 = vector.broadcast %squeeze3A_2392 : f32 to vector<16xf32>
            %mul3A_2463 = arith.mulf %mul3A_2462, %get3A_2461 : vector<16xf32>
            %add3A_2464 = arith.addf %add3A_2386, %mul3A_2463 : vector<16xf32>
            %mul3A_2465 = arith.constant 16 : i32
            %mul3A_2466 = arith.muli %scan3A_1512, %mul3A_2465 : i32
            %add3A_2467 = arith.constant 12 : i32
            %add3A_2468 = arith.addi %mul3A_2466, %add3A_2467 : i32
            %slice3A_2469 = vector.extract_strided_slice %mul3A_1530 {offsets = [12], sizes = [1], strides = [1]} : vector<16xf32> to vector<1xf32>
            %squeeze3A_2470 = vector.extract %slice3A_2469[0] : f32 from vector<1xf32>
            %add3A_2471 = arith.constant 1 : i32
            %add3A_2472 = arith.addi %scan3A_1416, %add3A_2471 : i32
            %get3A_2473 = arith.index_cast %add3A_2472 : i32 to index
            %get3A_2474 = arith.index_cast %add3A_2468 : i32 to index
            %get3A_2475 = arith.constant 0 : index
            %get3A_2476 = tpu.vector_load %arg9[%get3A_2473, %get3A_2474, %get3A_2475] {strides = array<i32>} : memref<3x208x128xf32, #tpu.memory_space<vmem>>, vector<16xf32>,
            %mul3A_2477 = vector.broadcast %squeeze3A_2470 : f32 to vector<16xf32>
            %mul3A_2478 = arith.mulf %mul3A_2477, %get3A_2476 : vector<16xf32>
            %add3A_2479 = arith.addf %add3A_2401, %mul3A_2478 : vector<16xf32>
            %add3A_2480 = arith.constant 1 : i32
            %add3A_2481 = arith.addi %scan3A_1416, %add3A_2480 : i32
            %get3A_2482 = arith.index_cast %add3A_2481 : i32 to index
            %get3A_2483 = arith.index_cast %add3A_2468 : i32 to index
            %get3A_2484 = arith.constant 16 : index
            %get3A_2485 = tpu.vector_load %arg9[%get3A_2482, %get3A_2483, %get3A_2484] {strides = array<i32>} : memref<3x208x128xf32, #tpu.memory_space<vmem>>, vector<16xf32>,
            %mul3A_2486 = vector.broadcast %squeeze3A_2470 : f32 to vector<16xf32>
            %mul3A_2487 = arith.mulf %mul3A_2486, %get3A_2485 : vector<16xf32>
            %add3A_2488 = arith.addf %add3A_2410, %mul3A_2487 : vector<16xf32>
            %add3A_2489 = arith.constant 1 : i32
            %add3A_2490 = arith.addi %scan3A_1416, %add3A_2489 : i32
            %get3A_2491 = arith.index_cast %add3A_2490 : i32 to index
            %get3A_2492 = arith.index_cast %add3A_2468 : i32 to index
            %get3A_2493 = arith.constant 32 : index
            %get3A_2494 = tpu.vector_load %arg9[%get3A_2491, %get3A_2492, %get3A_2493] {strides = array<i32>} : memref<3x208x128xf32, #tpu.memory_space<vmem>>, vector<16xf32>,
            %mul3A_2495 = vector.broadcast %squeeze3A_2470 : f32 to vector<16xf32>
            %mul3A_2496 = arith.mulf %mul3A_2495, %get3A_2494 : vector<16xf32>
            %add3A_2497 = arith.addf %add3A_2419, %mul3A_2496 : vector<16xf32>
            %add3A_2498 = arith.constant 1 : i32
            %add3A_2499 = arith.addi %scan3A_1416, %add3A_2498 : i32
            %get3A_2500 = arith.index_cast %add3A_2499 : i32 to index
            %get3A_2501 = arith.index_cast %add3A_2468 : i32 to index
            %get3A_2502 = arith.constant 48 : index
            %get3A_2503 = tpu.vector_load %arg9[%get3A_2500, %get3A_2501, %get3A_2502] {strides = array<i32>} : memref<3x208x128xf32, #tpu.memory_space<vmem>>, vector<16xf32>,
            %mul3A_2504 = vector.broadcast %squeeze3A_2470 : f32 to vector<16xf32>
            %mul3A_2505 = arith.mulf %mul3A_2504, %get3A_2503 : vector<16xf32>
            %add3A_2506 = arith.addf %add3A_2428, %mul3A_2505 : vector<16xf32>
            %add3A_2507 = arith.constant 1 : i32
            %add3A_2508 = arith.addi %scan3A_1416, %add3A_2507 : i32
            %get3A_2509 = arith.index_cast %add3A_2508 : i32 to index
            %get3A_2510 = arith.index_cast %add3A_2468 : i32 to index
            %get3A_2511 = arith.constant 64 : index
            %get3A_2512 = tpu.vector_load %arg9[%get3A_2509, %get3A_2510, %get3A_2511] {strides = array<i32>} : memref<3x208x128xf32, #tpu.memory_space<vmem>>, vector<16xf32>,
            %mul3A_2513 = vector.broadcast %squeeze3A_2470 : f32 to vector<16xf32>
            %mul3A_2514 = arith.mulf %mul3A_2513, %get3A_2512 : vector<16xf32>
            %add3A_2515 = arith.addf %add3A_2437, %mul3A_2514 : vector<16xf32>
            %add3A_2516 = arith.constant 1 : i32
            %add3A_2517 = arith.addi %scan3A_1416, %add3A_2516 : i32
            %get3A_2518 = arith.index_cast %add3A_2517 : i32 to index
            %get3A_2519 = arith.index_cast %add3A_2468 : i32 to index
            %get3A_2520 = arith.constant 80 : index
            %get3A_2521 = tpu.vector_load %arg9[%get3A_2518, %get3A_2519, %get3A_2520] {strides = array<i32>} : memref<3x208x128xf32, #tpu.memory_space<vmem>>, vector<16xf32>,
            %mul3A_2522 = vector.broadcast %squeeze3A_2470 : f32 to vector<16xf32>
            %mul3A_2523 = arith.mulf %mul3A_2522, %get3A_2521 : vector<16xf32>
            %add3A_2524 = arith.addf %add3A_2446, %mul3A_2523 : vector<16xf32>
            %add3A_2525 = arith.constant 1 : i32
            %add3A_2526 = arith.addi %scan3A_1416, %add3A_2525 : i32
            %get3A_2527 = arith.index_cast %add3A_2526 : i32 to index
            %get3A_2528 = arith.index_cast %add3A_2468 : i32 to index
            %get3A_2529 = arith.constant 96 : index
            %get3A_2530 = tpu.vector_load %arg9[%get3A_2527, %get3A_2528, %get3A_2529] {strides = array<i32>} : memref<3x208x128xf32, #tpu.memory_space<vmem>>, vector<16xf32>,
            %mul3A_2531 = vector.broadcast %squeeze3A_2470 : f32 to vector<16xf32>
            %mul3A_2532 = arith.mulf %mul3A_2531, %get3A_2530 : vector<16xf32>
            %add3A_2533 = arith.addf %add3A_2455, %mul3A_2532 : vector<16xf32>
            %add3A_2534 = arith.constant 1 : i32
            %add3A_2535 = arith.addi %scan3A_1416, %add3A_2534 : i32
            %get3A_2536 = arith.index_cast %add3A_2535 : i32 to index
            %get3A_2537 = arith.index_cast %add3A_2468 : i32 to index
            %get3A_2538 = arith.constant 112 : index
            %get3A_2539 = tpu.vector_load %arg9[%get3A_2536, %get3A_2537, %get3A_2538] {strides = array<i32>} : memref<3x208x128xf32, #tpu.memory_space<vmem>>, vector<16xf32>,
            %mul3A_2540 = vector.broadcast %squeeze3A_2470 : f32 to vector<16xf32>
            %mul3A_2541 = arith.mulf %mul3A_2540, %get3A_2539 : vector<16xf32>
            %add3A_2542 = arith.addf %add3A_2464, %mul3A_2541 : vector<16xf32>
            %mul3A_2543 = arith.constant 16 : i32
            %mul3A_2544 = arith.muli %scan3A_1512, %mul3A_2543 : i32
            %add3A_2545 = arith.constant 13 : i32
            %add3A_2546 = arith.addi %mul3A_2544, %add3A_2545 : i32
            %slice3A_2547 = vector.extract_strided_slice %mul3A_1530 {offsets = [13], sizes = [1], strides = [1]} : vector<16xf32> to vector<1xf32>
            %squeeze3A_2548 = vector.extract %slice3A_2547[0] : f32 from vector<1xf32>
            %add3A_2549 = arith.constant 1 : i32
            %add3A_2550 = arith.addi %scan3A_1416, %add3A_2549 : i32
            %get3A_2551 = arith.index_cast %add3A_2550 : i32 to index
            %get3A_2552 = arith.index_cast %add3A_2546 : i32 to index
            %get3A_2553 = arith.constant 0 : index
            %get3A_2554 = tpu.vector_load %arg9[%get3A_2551, %get3A_2552, %get3A_2553] {strides = array<i32>} : memref<3x208x128xf32, #tpu.memory_space<vmem>>, vector<16xf32>,
            %mul3A_2555 = vector.broadcast %squeeze3A_2548 : f32 to vector<16xf32>
            %mul3A_2556 = arith.mulf %mul3A_2555, %get3A_2554 : vector<16xf32>
            %add3A_2557 = arith.addf %add3A_2479, %mul3A_2556 : vector<16xf32>
            %add3A_2558 = arith.constant 1 : i32
            %add3A_2559 = arith.addi %scan3A_1416, %add3A_2558 : i32
            %get3A_2560 = arith.index_cast %add3A_2559 : i32 to index
            %get3A_2561 = arith.index_cast %add3A_2546 : i32 to index
            %get3A_2562 = arith.constant 16 : index
            %get3A_2563 = tpu.vector_load %arg9[%get3A_2560, %get3A_2561, %get3A_2562] {strides = array<i32>} : memref<3x208x128xf32, #tpu.memory_space<vmem>>, vector<16xf32>,
            %mul3A_2564 = vector.broadcast %squeeze3A_2548 : f32 to vector<16xf32>
            %mul3A_2565 = arith.mulf %mul3A_2564, %get3A_2563 : vector<16xf32>
            %add3A_2566 = arith.addf %add3A_2488, %mul3A_2565 : vector<16xf32>
            %add3A_2567 = arith.constant 1 : i32
            %add3A_2568 = arith.addi %scan3A_1416, %add3A_2567 : i32
            %get3A_2569 = arith.index_cast %add3A_2568 : i32 to index
            %get3A_2570 = arith.index_cast %add3A_2546 : i32 to index
            %get3A_2571 = arith.constant 32 : index
            %get3A_2572 = tpu.vector_load %arg9[%get3A_2569, %get3A_2570, %get3A_2571] {strides = array<i32>} : memref<3x208x128xf32, #tpu.memory_space<vmem>>, vector<16xf32>,
            %mul3A_2573 = vector.broadcast %squeeze3A_2548 : f32 to vector<16xf32>
            %mul3A_2574 = arith.mulf %mul3A_2573, %get3A_2572 : vector<16xf32>
            %add3A_2575 = arith.addf %add3A_2497, %mul3A_2574 : vector<16xf32>
            %add3A_2576 = arith.constant 1 : i32
            %add3A_2577 = arith.addi %scan3A_1416, %add3A_2576 : i32
            %get3A_2578 = arith.index_cast %add3A_2577 : i32 to index
            %get3A_2579 = arith.index_cast %add3A_2546 : i32 to index
            %get3A_2580 = arith.constant 48 : index
            %get3A_2581 = tpu.vector_load %arg9[%get3A_2578, %get3A_2579, %get3A_2580] {strides = array<i32>} : memref<3x208x128xf32, #tpu.memory_space<vmem>>, vector<16xf32>,
            %mul3A_2582 = vector.broadcast %squeeze3A_2548 : f32 to vector<16xf32>
            %mul3A_2583 = arith.mulf %mul3A_2582, %get3A_2581 : vector<16xf32>
            %add3A_2584 = arith.addf %add3A_2506, %mul3A_2583 : vector<16xf32>
            %add3A_2585 = arith.constant 1 : i32
            %add3A_2586 = arith.addi %scan3A_1416, %add3A_2585 : i32
            %get3A_2587 = arith.index_cast %add3A_2586 : i32 to index
            %get3A_2588 = arith.index_cast %add3A_2546 : i32 to index
            %get3A_2589 = arith.constant 64 : index
            %get3A_2590 = tpu.vector_load %arg9[%get3A_2587, %get3A_2588, %get3A_2589] {strides = array<i32>} : memref<3x208x128xf32, #tpu.memory_space<vmem>>, vector<16xf32>,
            %mul3A_2591 = vector.broadcast %squeeze3A_2548 : f32 to vector<16xf32>
            %mul3A_2592 = arith.mulf %mul3A_2591, %get3A_2590 : vector<16xf32>
            %add3A_2593 = arith.addf %add3A_2515, %mul3A_2592 : vector<16xf32>
            %add3A_2594 = arith.constant 1 : i32
            %add3A_2595 = arith.addi %scan3A_1416, %add3A_2594 : i32
            %get3A_2596 = arith.index_cast %add3A_2595 : i32 to index
            %get3A_2597 = arith.index_cast %add3A_2546 : i32 to index
            %get3A_2598 = arith.constant 80 : index
            %get3A_2599 = tpu.vector_load %arg9[%get3A_2596, %get3A_2597, %get3A_2598] {strides = array<i32>} : memref<3x208x128xf32, #tpu.memory_space<vmem>>, vector<16xf32>,
            %mul3A_2600 = vector.broadcast %squeeze3A_2548 : f32 to vector<16xf32>
            %mul3A_2601 = arith.mulf %mul3A_2600, %get3A_2599 : vector<16xf32>
            %add3A_2602 = arith.addf %add3A_2524, %mul3A_2601 : vector<16xf32>
            %add3A_2603 = arith.constant 1 : i32
            %add3A_2604 = arith.addi %scan3A_1416, %add3A_2603 : i32
            %get3A_2605 = arith.index_cast %add3A_2604 : i32 to index
            %get3A_2606 = arith.index_cast %add3A_2546 : i32 to index
            %get3A_2607 = arith.constant 96 : index
            %get3A_2608 = tpu.vector_load %arg9[%get3A_2605, %get3A_2606, %get3A_2607] {strides = array<i32>} : memref<3x208x128xf32, #tpu.memory_space<vmem>>, vector<16xf32>,
            %mul3A_2609 = vector.broadcast %squeeze3A_2548 : f32 to vector<16xf32>
            %mul3A_2610 = arith.mulf %mul3A_2609, %get3A_2608 : vector<16xf32>
            %add3A_2611 = arith.addf %add3A_2533, %mul3A_2610 : vector<16xf32>
            %add3A_2612 = arith.constant 1 : i32
            %add3A_2613 = arith.addi %scan3A_1416, %add3A_2612 : i32
            %get3A_2614 = arith.index_cast %add3A_2613 : i32 to index
            %get3A_2615 = arith.index_cast %add3A_2546 : i32 to index
            %get3A_2616 = arith.constant 112 : index
            %get3A_2617 = tpu.vector_load %arg9[%get3A_2614, %get3A_2615, %get3A_2616] {strides = array<i32>} : memref<3x208x128xf32, #tpu.memory_space<vmem>>, vector<16xf32>,
            %mul3A_2618 = vector.broadcast %squeeze3A_2548 : f32 to vector<16xf32>
            %mul3A_2619 = arith.mulf %mul3A_2618, %get3A_2617 : vector<16xf32>
            %add3A_2620 = arith.addf %add3A_2542, %mul3A_2619 : vector<16xf32>
            %mul3A_2621 = arith.constant 16 : i32
            %mul3A_2622 = arith.muli %scan3A_1512, %mul3A_2621 : i32
            %add3A_2623 = arith.constant 14 : i32
            %add3A_2624 = arith.addi %mul3A_2622, %add3A_2623 : i32
            %slice3A_2625 = vector.extract_strided_slice %mul3A_1530 {offsets = [14], sizes = [1], strides = [1]} : vector<16xf32> to vector<1xf32>
            %squeeze3A_2626 = vector.extract %slice3A_2625[0] : f32 from vector<1xf32>
            %add3A_2627 = arith.constant 1 : i32
            %add3A_2628 = arith.addi %scan3A_1416, %add3A_2627 : i32
            %get3A_2629 = arith.index_cast %add3A_2628 : i32 to index
            %get3A_2630 = arith.index_cast %add3A_2624 : i32 to index
            %get3A_2631 = arith.constant 0 : index
            %get3A_2632 = tpu.vector_load %arg9[%get3A_2629, %get3A_2630, %get3A_2631] {strides = array<i32>} : memref<3x208x128xf32, #tpu.memory_space<vmem>>, vector<16xf32>,
            %mul3A_2633 = vector.broadcast %squeeze3A_2626 : f32 to vector<16xf32>
            %mul3A_2634 = arith.mulf %mul3A_2633, %get3A_2632 : vector<16xf32>
            %add3A_2635 = arith.addf %add3A_2557, %mul3A_2634 : vector<16xf32>
            %add3A_2636 = arith.constant 1 : i32
            %add3A_2637 = arith.addi %scan3A_1416, %add3A_2636 : i32
            %get3A_2638 = arith.index_cast %add3A_2637 : i32 to index
            %get3A_2639 = arith.index_cast %add3A_2624 : i32 to index
            %get3A_2640 = arith.constant 16 : index
            %get3A_2641 = tpu.vector_load %arg9[%get3A_2638, %get3A_2639, %get3A_2640] {strides = array<i32>} : memref<3x208x128xf32, #tpu.memory_space<vmem>>, vector<16xf32>,
            %mul3A_2642 = vector.broadcast %squeeze3A_2626 : f32 to vector<16xf32>
            %mul3A_2643 = arith.mulf %mul3A_2642, %get3A_2641 : vector<16xf32>
            %add3A_2644 = arith.addf %add3A_2566, %mul3A_2643 : vector<16xf32>
            %add3A_2645 = arith.constant 1 : i32
            %add3A_2646 = arith.addi %scan3A_1416, %add3A_2645 : i32
            %get3A_2647 = arith.index_cast %add3A_2646 : i32 to index
            %get3A_2648 = arith.index_cast %add3A_2624 : i32 to index
            %get3A_2649 = arith.constant 32 : index
            %get3A_2650 = tpu.vector_load %arg9[%get3A_2647, %get3A_2648, %get3A_2649] {strides = array<i32>} : memref<3x208x128xf32, #tpu.memory_space<vmem>>, vector<16xf32>,
            %mul3A_2651 = vector.broadcast %squeeze3A_2626 : f32 to vector<16xf32>
            %mul3A_2652 = arith.mulf %mul3A_2651, %get3A_2650 : vector<16xf32>
            %add3A_2653 = arith.addf %add3A_2575, %mul3A_2652 : vector<16xf32>
            %add3A_2654 = arith.constant 1 : i32
            %add3A_2655 = arith.addi %scan3A_1416, %add3A_2654 : i32
            %get3A_2656 = arith.index_cast %add3A_2655 : i32 to index
            %get3A_2657 = arith.index_cast %add3A_2624 : i32 to index
            %get3A_2658 = arith.constant 48 : index
            %get3A_2659 = tpu.vector_load %arg9[%get3A_2656, %get3A_2657, %get3A_2658] {strides = array<i32>} : memref<3x208x128xf32, #tpu.memory_space<vmem>>, vector<16xf32>,
            %mul3A_2660 = vector.broadcast %squeeze3A_2626 : f32 to vector<16xf32>
            %mul3A_2661 = arith.mulf %mul3A_2660, %get3A_2659 : vector<16xf32>
            %add3A_2662 = arith.addf %add3A_2584, %mul3A_2661 : vector<16xf32>
            %add3A_2663 = arith.constant 1 : i32
            %add3A_2664 = arith.addi %scan3A_1416, %add3A_2663 : i32
            %get3A_2665 = arith.index_cast %add3A_2664 : i32 to index
            %get3A_2666 = arith.index_cast %add3A_2624 : i32 to index
            %get3A_2667 = arith.constant 64 : index
            %get3A_2668 = tpu.vector_load %arg9[%get3A_2665, %get3A_2666, %get3A_2667] {strides = array<i32>} : memref<3x208x128xf32, #tpu.memory_space<vmem>>, vector<16xf32>,
            %mul3A_2669 = vector.broadcast %squeeze3A_2626 : f32 to vector<16xf32>
            %mul3A_2670 = arith.mulf %mul3A_2669, %get3A_2668 : vector<16xf32>
            %add3A_2671 = arith.addf %add3A_2593, %mul3A_2670 : vector<16xf32>
            %add3A_2672 = arith.constant 1 : i32
            %add3A_2673 = arith.addi %scan3A_1416, %add3A_2672 : i32
            %get3A_2674 = arith.index_cast %add3A_2673 : i32 to index
            %get3A_2675 = arith.index_cast %add3A_2624 : i32 to index
            %get3A_2676 = arith.constant 80 : index
            %get3A_2677 = tpu.vector_load %arg9[%get3A_2674, %get3A_2675, %get3A_2676] {strides = array<i32>} : memref<3x208x128xf32, #tpu.memory_space<vmem>>, vector<16xf32>,
            %mul3A_2678 = vector.broadcast %squeeze3A_2626 : f32 to vector<16xf32>
            %mul3A_2679 = arith.mulf %mul3A_2678, %get3A_2677 : vector<16xf32>
            %add3A_2680 = arith.addf %add3A_2602, %mul3A_2679 : vector<16xf32>
            %add3A_2681 = arith.constant 1 : i32
            %add3A_2682 = arith.addi %scan3A_1416, %add3A_2681 : i32
            %get3A_2683 = arith.index_cast %add3A_2682 : i32 to index
            %get3A_2684 = arith.index_cast %add3A_2624 : i32 to index
            %get3A_2685 = arith.constant 96 : index
            %get3A_2686 = tpu.vector_load %arg9[%get3A_2683, %get3A_2684, %get3A_2685] {strides = array<i32>} : memref<3x208x128xf32, #tpu.memory_space<vmem>>, vector<16xf32>,
            %mul3A_2687 = vector.broadcast %squeeze3A_2626 : f32 to vector<16xf32>
            %mul3A_2688 = arith.mulf %mul3A_2687, %get3A_2686 : vector<16xf32>
            %add3A_2689 = arith.addf %add3A_2611, %mul3A_2688 : vector<16xf32>
            %add3A_2690 = arith.constant 1 : i32
            %add3A_2691 = arith.addi %scan3A_1416, %add3A_2690 : i32
            %get3A_2692 = arith.index_cast %add3A_2691 : i32 to index
            %get3A_2693 = arith.index_cast %add3A_2624 : i32 to index
            %get3A_2694 = arith.constant 112 : index
            %get3A_2695 = tpu.vector_load %arg9[%get3A_2692, %get3A_2693, %get3A_2694] {strides = array<i32>} : memref<3x208x128xf32, #tpu.memory_space<vmem>>, vector<16xf32>,
            %mul3A_2696 = vector.broadcast %squeeze3A_2626 : f32 to vector<16xf32>
            %mul3A_2697 = arith.mulf %mul3A_2696, %get3A_2695 : vector<16xf32>
            %add3A_2698 = arith.addf %add3A_2620, %mul3A_2697 : vector<16xf32>
            %mul3A_2699 = arith.constant 16 : i32
            %mul3A_2700 = arith.muli %scan3A_1512, %mul3A_2699 : i32
            %add3A_2701 = arith.constant 15 : i32
            %add3A_2702 = arith.addi %mul3A_2700, %add3A_2701 : i32
            %slice3A_2703 = vector.extract_strided_slice %mul3A_1530 {offsets = [15], sizes = [1], strides = [1]} : vector<16xf32> to vector<1xf32>
            %squeeze3A_2704 = vector.extract %slice3A_2703[0] : f32 from vector<1xf32>
            %add3A_2705 = arith.constant 1 : i32
            %add3A_2706 = arith.addi %scan3A_1416, %add3A_2705 : i32
            %get3A_2707 = arith.index_cast %add3A_2706 : i32 to index
            %get3A_2708 = arith.index_cast %add3A_2702 : i32 to index
            %get3A_2709 = arith.constant 0 : index
            %get3A_2710 = tpu.vector_load %arg9[%get3A_2707, %get3A_2708, %get3A_2709] {strides = array<i32>} : memref<3x208x128xf32, #tpu.memory_space<vmem>>, vector<16xf32>,
            %mul3A_2711 = vector.broadcast %squeeze3A_2704 : f32 to vector<16xf32>
            %mul3A_2712 = arith.mulf %mul3A_2711, %get3A_2710 : vector<16xf32>
            %add3A_2713 = arith.addf %add3A_2635, %mul3A_2712 : vector<16xf32>
            %add3A_2714 = arith.constant 1 : i32
            %add3A_2715 = arith.addi %scan3A_1416, %add3A_2714 : i32
            %get3A_2716 = arith.index_cast %add3A_2715 : i32 to index
            %get3A_2717 = arith.index_cast %add3A_2702 : i32 to index
            %get3A_2718 = arith.constant 16 : index
            %get3A_2719 = tpu.vector_load %arg9[%get3A_2716, %get3A_2717, %get3A_2718] {strides = array<i32>} : memref<3x208x128xf32, #tpu.memory_space<vmem>>, vector<16xf32>,
            %mul3A_2720 = vector.broadcast %squeeze3A_2704 : f32 to vector<16xf32>
            %mul3A_2721 = arith.mulf %mul3A_2720, %get3A_2719 : vector<16xf32>
            %add3A_2722 = arith.addf %add3A_2644, %mul3A_2721 : vector<16xf32>
            %add3A_2723 = arith.constant 1 : i32
            %add3A_2724 = arith.addi %scan3A_1416, %add3A_2723 : i32
            %get3A_2725 = arith.index_cast %add3A_2724 : i32 to index
            %get3A_2726 = arith.index_cast %add3A_2702 : i32 to index
            %get3A_2727 = arith.constant 32 : index
            %get3A_2728 = tpu.vector_load %arg9[%get3A_2725, %get3A_2726, %get3A_2727] {strides = array<i32>} : memref<3x208x128xf32, #tpu.memory_space<vmem>>, vector<16xf32>,
            %mul3A_2729 = vector.broadcast %squeeze3A_2704 : f32 to vector<16xf32>
            %mul3A_2730 = arith.mulf %mul3A_2729, %get3A_2728 : vector<16xf32>
            %add3A_2731 = arith.addf %add3A_2653, %mul3A_2730 : vector<16xf32>
            %add3A_2732 = arith.constant 1 : i32
            %add3A_2733 = arith.addi %scan3A_1416, %add3A_2732 : i32
            %get3A_2734 = arith.index_cast %add3A_2733 : i32 to index
            %get3A_2735 = arith.index_cast %add3A_2702 : i32 to index
            %get3A_2736 = arith.constant 48 : index
            %get3A_2737 = tpu.vector_load %arg9[%get3A_2734, %get3A_2735, %get3A_2736] {strides = array<i32>} : memref<3x208x128xf32, #tpu.memory_space<vmem>>, vector<16xf32>,
            %mul3A_2738 = vector.broadcast %squeeze3A_2704 : f32 to vector<16xf32>
            %mul3A_2739 = arith.mulf %mul3A_2738, %get3A_2737 : vector<16xf32>
            %add3A_2740 = arith.addf %add3A_2662, %mul3A_2739 : vector<16xf32>
            %add3A_2741 = arith.constant 1 : i32
            %add3A_2742 = arith.addi %scan3A_1416, %add3A_2741 : i32
            %get3A_2743 = arith.index_cast %add3A_2742 : i32 to index
            %get3A_2744 = arith.index_cast %add3A_2702 : i32 to index
            %get3A_2745 = arith.constant 64 : index
            %get3A_2746 = tpu.vector_load %arg9[%get3A_2743, %get3A_2744, %get3A_2745] {strides = array<i32>} : memref<3x208x128xf32, #tpu.memory_space<vmem>>, vector<16xf32>,
            %mul3A_2747 = vector.broadcast %squeeze3A_2704 : f32 to vector<16xf32>
            %mul3A_2748 = arith.mulf %mul3A_2747, %get3A_2746 : vector<16xf32>
            %add3A_2749 = arith.addf %add3A_2671, %mul3A_2748 : vector<16xf32>
            %add3A_2750 = arith.constant 1 : i32
            %add3A_2751 = arith.addi %scan3A_1416, %add3A_2750 : i32
            %get3A_2752 = arith.index_cast %add3A_2751 : i32 to index
            %get3A_2753 = arith.index_cast %add3A_2702 : i32 to index
            %get3A_2754 = arith.constant 80 : index
            %get3A_2755 = tpu.vector_load %arg9[%get3A_2752, %get3A_2753, %get3A_2754] {strides = array<i32>} : memref<3x208x128xf32, #tpu.memory_space<vmem>>, vector<16xf32>,
            %mul3A_2756 = vector.broadcast %squeeze3A_2704 : f32 to vector<16xf32>
            %mul3A_2757 = arith.mulf %mul3A_2756, %get3A_2755 : vector<16xf32>
            %add3A_2758 = arith.addf %add3A_2680, %mul3A_2757 : vector<16xf32>
            %add3A_2759 = arith.constant 1 : i32
            %add3A_2760 = arith.addi %scan3A_1416, %add3A_2759 : i32
            %get3A_2761 = arith.index_cast %add3A_2760 : i32 to index
            %get3A_2762 = arith.index_cast %add3A_2702 : i32 to index
            %get3A_2763 = arith.constant 96 : index
            %get3A_2764 = tpu.vector_load %arg9[%get3A_2761, %get3A_2762, %get3A_2763] {strides = array<i32>} : memref<3x208x128xf32, #tpu.memory_space<vmem>>, vector<16xf32>,
            %mul3A_2765 = vector.broadcast %squeeze3A_2704 : f32 to vector<16xf32>
            %mul3A_2766 = arith.mulf %mul3A_2765, %get3A_2764 : vector<16xf32>
            %add3A_2767 = arith.addf %add3A_2689, %mul3A_2766 : vector<16xf32>
            %add3A_2768 = arith.constant 1 : i32
            %add3A_2769 = arith.addi %scan3A_1416, %add3A_2768 : i32
            %get3A_2770 = arith.index_cast %add3A_2769 : i32 to index
            %get3A_2771 = arith.index_cast %add3A_2702 : i32 to index
            %get3A_2772 = arith.constant 112 : index
            %get3A_2773 = tpu.vector_load %arg9[%get3A_2770, %get3A_2771, %get3A_2772] {strides = array<i32>} : memref<3x208x128xf32, #tpu.memory_space<vmem>>, vector<16xf32>,
            %mul3A_2774 = vector.broadcast %squeeze3A_2704 : f32 to vector<16xf32>
            %mul3A_2775 = arith.mulf %mul3A_2774, %get3A_2773 : vector<16xf32>
            %add3A_2776 = arith.addf %add3A_2698, %mul3A_2775 : vector<16xf32>
            scf.yield %add3A_2713, %add3A_2722, %add3A_2731, %add3A_2740, %add3A_2749, %add3A_2758, %add3A_2767, %add3A_2776 : vector<16xf32>, vector<16xf32>, vector<16xf32>, vector<16xf32>, vector<16xf32>, vector<16xf32>, vector<16xf32>, vector<16xf32>
          }
          %scan3A_1495 = arith.constant 13 : i32
          %mul3A_1496 = arith.mulf %scan3A_1494#0, %div3A_1483 : vector<16xf32>
          %add3A_1497 = arith.addf %scan3A_1417, %mul3A_1496 : vector<16xf32>
          %mul3A_1498 = arith.mulf %scan3A_1494#1, %div3A_1483 : vector<16xf32>
          %add3A_1499 = arith.addf %scan3A_1418, %mul3A_1498 : vector<16xf32>
          %mul3A_1500 = arith.mulf %scan3A_1494#2, %div3A_1483 : vector<16xf32>
          %add3A_1501 = arith.addf %scan3A_1419, %mul3A_1500 : vector<16xf32>
          %mul3A_1502 = arith.mulf %scan3A_1494#3, %div3A_1483 : vector<16xf32>
          %add3A_1503 = arith.addf %scan3A_1420, %mul3A_1502 : vector<16xf32>
          %mul3A_1504 = arith.mulf %scan3A_1494#4, %div3A_1483 : vector<16xf32>
          %add3A_1505 = arith.addf %scan3A_1421, %mul3A_1504 : vector<16xf32>
          %mul3A_1506 = arith.mulf %scan3A_1494#5, %div3A_1483 : vector<16xf32>
          %add3A_1507 = arith.addf %scan3A_1422, %mul3A_1506 : vector<16xf32>
          %mul3A_1508 = arith.mulf %scan3A_1494#6, %div3A_1483 : vector<16xf32>
          %add3A_1509 = arith.addf %scan3A_1423, %mul3A_1508 : vector<16xf32>
          %mul3A_1510 = arith.mulf %scan3A_1494#7, %div3A_1483 : vector<16xf32>
          %add3A_1511 = arith.addf %scan3A_1424, %mul3A_1510 : vector<16xf32>
          scf.yield %add3A_1497, %add3A_1499, %add3A_1501, %add3A_1503, %add3A_1505, %add3A_1507, %add3A_1509, %add3A_1511 : vector<16xf32>, vector<16xf32>, vector<16xf32>, vector<16xf32>, vector<16xf32>, vector<16xf32>, vector<16xf32>, vector<16xf32>
        } else {
          %scan3A_1490 = arith.constant 0 : i32
          %scan3A_1491 = arith.constant 0 : i32
          %scan3A_1492 = arith.constant 13 : i32
          %scan3A_1493 = arith.addi %scan3A_1491, %scan3A_1492 : i32
          %scan3A_1494 = arith.constant 1 : i32
          %scan3A_1495 = scf.for %scan3A_1497 = %scan3A_1491 to %scan3A_1493 step %scan3A_1494 iter_args(%scan3A_1498 = %scan3A_1490) -> (i32)  : i32 {
            %mul3A_1499 = arith.constant 16 : i32
            %mul3A_1500 = arith.muli %scan3A_1497, %mul3A_1499 : i32
            %get3A_1501 = arith.index_cast %mul3A_1500 : i32 to index
            %get3A_1502 = tpu.vector_load %arg11[%get3A_1501] {strides = array<i32>} : memref<208xf32, #tpu.memory_space<vmem>>, vector<16xf32>,
            %mul3A_1503 = arith.mulf %get3A_1502, %div3A_1483 : vector<16xf32>
            %mul3A_1504 = arith.constant 16 : i32
            %mul3A_1505 = arith.muli %scan3A_1497, %mul3A_1504 : i32
            %swap3A_1506 = arith.constant 0 : i32
            %swap3A_1507 = arith.index_cast %rem3A_1302 : i32 to index
            %swap3A_1508 = arith.index_cast %swap3A_1506 : i32 to index
            %swap3A_1509 = arith.index_cast %mul3A_1505 : i32 to index
            %swap3A_1510 = tpu.vector_load %arg12[%swap3A_1507, %swap3A_1508, %swap3A_1509] {strides = array<i32>} : memref<2x2x208xf32, #tpu.memory_space<vmem>>, vector<16xf32>,
            tpu.vector_store %arg12[%swap3A_1507, %swap3A_1508, %swap3A_1509], %mul3A_1503 {strides = array<i32>} : memref<2x2x208xf32, #tpu.memory_space<vmem>>, vector<16xf32>,
            %mul3A_1511 = arith.constant 16 : i32
            %mul3A_1512 = arith.muli %scan3A_1497, %mul3A_1511 : i32
            %get3A_1513 = arith.index_cast %mul3A_1512 : i32 to index
            %get3A_1514 = tpu.vector_load %arg10[%get3A_1513] {strides = array<i32>} : memref<208xf32, #tpu.memory_space<vmem>>, vector<16xf32>,
            %mul3A_1515 = arith.constant 16 : i32
            %mul3A_1516 = arith.muli %scan3A_1497, %mul3A_1515 : i32
            %swap3A_1517 = arith.constant 1 : i32
            %swap3A_1518 = arith.index_cast %rem3A_1302 : i32 to index
            %swap3A_1519 = arith.index_cast %swap3A_1517 : i32 to index
            %swap3A_1520 = arith.index_cast %mul3A_1516 : i32 to index
            %swap3A_1521 = tpu.vector_load %arg12[%swap3A_1518, %swap3A_1519, %swap3A_1520] {strides = array<i32>} : memref<2x2x208xf32, #tpu.memory_space<vmem>>, vector<16xf32>,
            tpu.vector_store %arg12[%swap3A_1518, %swap3A_1519, %swap3A_1520], %get3A_1514 {strides = array<i32>} : memref<2x2x208xf32, #tpu.memory_space<vmem>>, vector<16xf32>,
            %scan3A_1522 = arith.constant 0 : i32
            scf.yield %scan3A_1522 : i32
          }
          %scan3A_1496 = arith.constant 13 : i32
          scf.yield %scan3A_1417, %scan3A_1418, %scan3A_1419, %scan3A_1420, %scan3A_1421, %scan3A_1422, %scan3A_1423, %scan3A_1424 : vector<16xf32>, vector<16xf32>, vector<16xf32>, vector<16xf32>, vector<16xf32>, vector<16xf32>, vector<16xf32>, vector<16xf32>
        }
        scf.yield %cond3A_1489#0, %cond3A_1489#1, %cond3A_1489#2, %cond3A_1489#3, %cond3A_1489#4, %cond3A_1489#5, %cond3A_1489#6, %cond3A_1489#7 : vector<16xf32>, vector<16xf32>, vector<16xf32>, vector<16xf32>, vector<16xf32>, vector<16xf32>, vector<16xf32>, vector<16xf32>
      }
      %scan3A_1388 = arith.constant 3 : i32
      %dma_start3A_1389 = arith.constant 0 : i32
      %dma_start3A_1390 = arith.constant 0 : i32
      %dma_start3A_1391 = tpu.memref_slice %arg12[%rem3A_1302, %dma_start3A_1389, %dma_start3A_1390] : memref<2x2x208xf32, #tpu.memory_space<vmem>> -> memref<1x1x208xf32, #tpu.memory_space<vmem>>
      %dma_start3A_1392 = tpu.memref_squeeze %dma_start3A_1391 : memref<1x1x208xf32, #tpu.memory_space<vmem>> -> memref<208xf32, #tpu.memory_space<vmem>>
      %dma_start3A_1393 = arith.constant 0 : i32
      %dma_start3A_1394 = tpu.memref_slice %arg6[%add3A_1300, %dma_start3A_1393] : memref<672x208xf32, #tpu.memory_space<hbm>> -> memref<1x208xf32, #tpu.memory_space<hbm>>
      %dma_start3A_1395 = tpu.memref_squeeze %dma_start3A_1394 : memref<1x208xf32, #tpu.memory_space<hbm>> -> memref<208xf32, #tpu.memory_space<hbm>>
      %dma_start3A_1396 = arith.constant 0 : i32
      %dma_start3A_1397 = tpu.memref_slice %arg6[%add3A_1300, %dma_start3A_1396] : memref<672x208xf32, #tpu.memory_space<hbm>> -> memref<1x208xf32, #tpu.memory_space<hbm>>
      %dma_start3A_1398 = tpu.memref_squeeze %dma_start3A_1397 : memref<1x208xf32, #tpu.memory_space<hbm>> -> memref<208xf32, #tpu.memory_space<hbm>>
      %dma_start3A_1399 = arith.constant 0 : i32
      %dma_start3A_1400 = tpu.memref_slice %arg12[%rem3A_1302, %dma_start3A_1389, %dma_start3A_1399] : memref<2x2x208xf32, #tpu.memory_space<vmem>> -> memref<1x1x208xf32, #tpu.memory_space<vmem>>
      %dma_start3A_1401 = tpu.memref_squeeze %dma_start3A_1400 : memref<1x1x208xf32, #tpu.memory_space<vmem>> -> memref<208xf32, #tpu.memory_space<vmem>>
      tpu.enqueue_dma source(%dma_start3A_1401 : memref<208xf32, #tpu.memory_space<vmem>>) target(%dma_start3A_1398 : memref<208xf32, #tpu.memory_space<hbm>>) target_semaphore(%arg16 : memref<!tpu.dma_semaphore, #tpu.memory_space<semaphore_mem>>)
      %dma_start3A_1402 = arith.constant 1 : i32
      %dma_start3A_1403 = arith.constant 0 : i32
      %dma_start3A_1404 = tpu.memref_slice %arg12[%rem3A_1302, %dma_start3A_1402, %dma_start3A_1403] : memref<2x2x208xf32, #tpu.memory_space<vmem>> -> memref<1x1x208xf32, #tpu.memory_space<vmem>>
      %dma_start3A_1405 = tpu.memref_squeeze %dma_start3A_1404 : memref<1x1x208xf32, #tpu.memory_space<vmem>> -> memref<208xf32, #tpu.memory_space<vmem>>
      %dma_start3A_1406 = arith.constant 0 : i32
      %dma_start3A_1407 = tpu.memref_slice %arg7[%add3A_1300, %dma_start3A_1406] : memref<672x208xf32, #tpu.memory_space<hbm>> -> memref<1x208xf32, #tpu.memory_space<hbm>>
      %dma_start3A_1408 = tpu.memref_squeeze %dma_start3A_1407 : memref<1x208xf32, #tpu.memory_space<hbm>> -> memref<208xf32, #tpu.memory_space<hbm>>
      %dma_start3A_1409 = arith.constant 0 : i32
      %dma_start3A_1410 = tpu.memref_slice %arg7[%add3A_1300, %dma_start3A_1409] : memref<672x208xf32, #tpu.memory_space<hbm>> -> memref<1x208xf32, #tpu.memory_space<hbm>>
      %dma_start3A_1411 = tpu.memref_squeeze %dma_start3A_1410 : memref<1x208xf32, #tpu.memory_space<hbm>> -> memref<208xf32, #tpu.memory_space<hbm>>
      %dma_start3A_1412 = arith.constant 0 : i32
      %dma_start3A_1413 = tpu.memref_slice %arg12[%rem3A_1302, %dma_start3A_1402, %dma_start3A_1412] : memref<2x2x208xf32, #tpu.memory_space<vmem>> -> memref<1x1x208xf32, #tpu.memory_space<vmem>>
      %dma_start3A_1414 = tpu.memref_squeeze %dma_start3A_1413 : memref<1x1x208xf32, #tpu.memory_space<vmem>> -> memref<208xf32, #tpu.memory_space<vmem>>
      tpu.enqueue_dma source(%dma_start3A_1414 : memref<208xf32, #tpu.memory_space<vmem>>) target(%dma_start3A_1411 : memref<208xf32, #tpu.memory_space<hbm>>) target_semaphore(%arg16 : memref<!tpu.dma_semaphore, #tpu.memory_space<semaphore_mem>>)
      %scan3A_1415 = arith.constant 0 : i32
      scf.yield %scan3A_1415 : i32
    }
    %scan3A_1231 = arith.constant 21 : i32
    %sub3A_1232 = arith.constant 352 : i32
    %sub3A_1233 = arith.subi %add3A_4, %sub3A_1232 : i32
    %dma_wait3A = arith.constant 0 : i32
    %dma_wait3A_1234 = arith.constant 0 : i32
    %dma_wait3A_1235 = arith.constant 0 : i32
    %dma_wait3A_1236 = tpu.memref_slice %arg12[%dma_wait3A, %dma_wait3A_1234, %dma_wait3A_1235] : memref<2x2x208xf32, #tpu.memory_space<vmem>> -> memref<1x1x208xf32, #tpu.memory_space<vmem>>
    %dma_wait3A_1237 = tpu.memref_squeeze %dma_wait3A_1236 : memref<1x1x208xf32, #tpu.memory_space<vmem>> -> memref<208xf32, #tpu.memory_space<vmem>>
    %dma_wait3A_1238 = arith.constant 0 : i32
    %dma_wait3A_1239 = tpu.memref_slice %arg6[%sub3A_1233, %dma_wait3A_1238] : memref<672x208xf32, #tpu.memory_space<hbm>> -> memref<1x208xf32, #tpu.memory_space<hbm>>
    %dma_wait3A_1240 = tpu.memref_squeeze %dma_wait3A_1239 : memref<1x208xf32, #tpu.memory_space<hbm>> -> memref<208xf32, #tpu.memory_space<hbm>>
    %dma_wait3A_1241 = arith.constant 0 : i32
    %dma_wait3A_1242 = tpu.memref_slice %arg6[%sub3A_1233, %dma_wait3A_1241] : memref<672x208xf32, #tpu.memory_space<hbm>> -> memref<1x208xf32, #tpu.memory_space<hbm>>
    %dma_wait3A_1243 = tpu.memref_squeeze %dma_wait3A_1242 : memref<1x208xf32, #tpu.memory_space<hbm>> -> memref<208xf32, #tpu.memory_space<hbm>>
    %dma_wait3A_1244 = arith.constant 0 : i32
    %dma_wait3A_1245 = tpu.memref_slice %arg12[%dma_wait3A, %dma_wait3A_1234, %dma_wait3A_1244] : memref<2x2x208xf32, #tpu.memory_space<vmem>> -> memref<1x1x208xf32, #tpu.memory_space<vmem>>
    %dma_wait3A_1246 = tpu.memref_squeeze %dma_wait3A_1245 : memref<1x1x208xf32, #tpu.memory_space<vmem>> -> memref<208xf32, #tpu.memory_space<vmem>>
    tpu.wait_dma2 semaphore(%arg16 : memref<!tpu.dma_semaphore, #tpu.memory_space<semaphore_mem>>) src(%dma_wait3A_1246 : memref<208xf32, #tpu.memory_space<vmem>>) dst(%dma_wait3A_1243 : memref<208xf32, #tpu.memory_space<hbm>>)
    %sub3A_1247 = arith.constant 352 : i32
    %sub3A_1248 = arith.subi %add3A_4, %sub3A_1247 : i32
    %dma_wait3A_1249 = arith.constant 0 : i32
    %dma_wait3A_1250 = arith.constant 0 : i32
    %dma_wait3A_1251 = arith.constant 0 : i32
    %dma_wait3A_1252 = tpu.memref_slice %arg12[%dma_wait3A_1249, %dma_wait3A_1250, %dma_wait3A_1251] : memref<2x2x208xf32, #tpu.memory_space<vmem>> -> memref<1x1x208xf32, #tpu.memory_space<vmem>>
    %dma_wait3A_1253 = tpu.memref_squeeze %dma_wait3A_1252 : memref<1x1x208xf32, #tpu.memory_space<vmem>> -> memref<208xf32, #tpu.memory_space<vmem>>
    %dma_wait3A_1254 = arith.constant 0 : i32
    %dma_wait3A_1255 = tpu.memref_slice %arg6[%sub3A_1248, %dma_wait3A_1254] : memref<672x208xf32, #tpu.memory_space<hbm>> -> memref<1x208xf32, #tpu.memory_space<hbm>>
    %dma_wait3A_1256 = tpu.memref_squeeze %dma_wait3A_1255 : memref<1x208xf32, #tpu.memory_space<hbm>> -> memref<208xf32, #tpu.memory_space<hbm>>
    %dma_wait3A_1257 = arith.constant 0 : i32
    %dma_wait3A_1258 = tpu.memref_slice %arg6[%sub3A_1248, %dma_wait3A_1257] : memref<672x208xf32, #tpu.memory_space<hbm>> -> memref<1x208xf32, #tpu.memory_space<hbm>>
    %dma_wait3A_1259 = tpu.memref_squeeze %dma_wait3A_1258 : memref<1x208xf32, #tpu.memory_space<hbm>> -> memref<208xf32, #tpu.memory_space<hbm>>
    %dma_wait3A_1260 = arith.constant 0 : i32
    %dma_wait3A_1261 = tpu.memref_slice %arg12[%dma_wait3A_1249, %dma_wait3A_1250, %dma_wait3A_1260] : memref<2x2x208xf32, #tpu.memory_space<vmem>> -> memref<1x1x208xf32, #tpu.memory_space<vmem>>
    %dma_wait3A_1262 = tpu.memref_squeeze %dma_wait3A_1261 : memref<1x1x208xf32, #tpu.memory_space<vmem>> -> memref<208xf32, #tpu.memory_space<vmem>>
    tpu.wait_dma2 semaphore(%arg16 : memref<!tpu.dma_semaphore, #tpu.memory_space<semaphore_mem>>) src(%dma_wait3A_1262 : memref<208xf32, #tpu.memory_space<vmem>>) dst(%dma_wait3A_1259 : memref<208xf32, #tpu.memory_space<hbm>>)
    %sub3A_1263 = arith.constant 352 : i32
    %sub3A_1264 = arith.subi %add3A_4, %sub3A_1263 : i32
    %dma_wait3A_1265 = arith.constant 0 : i32
    %dma_wait3A_1266 = arith.constant 0 : i32
    %dma_wait3A_1267 = arith.constant 0 : i32
    %dma_wait3A_1268 = tpu.memref_slice %arg12[%dma_wait3A_1265, %dma_wait3A_1266, %dma_wait3A_1267] : memref<2x2x208xf32, #tpu.memory_space<vmem>> -> memref<1x1x208xf32, #tpu.memory_space<vmem>>
    %dma_wait3A_1269 = tpu.memref_squeeze %dma_wait3A_1268 : memref<1x1x208xf32, #tpu.memory_space<vmem>> -> memref<208xf32, #tpu.memory_space<vmem>>
    %dma_wait3A_1270 = arith.constant 0 : i32
    %dma_wait3A_1271 = tpu.memref_slice %arg6[%sub3A_1264, %dma_wait3A_1270] : memref<672x208xf32, #tpu.memory_space<hbm>> -> memref<1x208xf32, #tpu.memory_space<hbm>>
    %dma_wait3A_1272 = tpu.memref_squeeze %dma_wait3A_1271 : memref<1x208xf32, #tpu.memory_space<hbm>> -> memref<208xf32, #tpu.memory_space<hbm>>
    %dma_wait3A_1273 = arith.constant 0 : i32
    %dma_wait3A_1274 = tpu.memref_slice %arg6[%sub3A_1264, %dma_wait3A_1273] : memref<672x208xf32, #tpu.memory_space<hbm>> -> memref<1x208xf32, #tpu.memory_space<hbm>>
    %dma_wait3A_1275 = tpu.memref_squeeze %dma_wait3A_1274 : memref<1x208xf32, #tpu.memory_space<hbm>> -> memref<208xf32, #tpu.memory_space<hbm>>
    %dma_wait3A_1276 = arith.constant 0 : i32
    %dma_wait3A_1277 = tpu.memref_slice %arg12[%dma_wait3A_1265, %dma_wait3A_1266, %dma_wait3A_1276] : memref<2x2x208xf32, #tpu.memory_space<vmem>> -> memref<1x1x208xf32, #tpu.memory_space<vmem>>
    %dma_wait3A_1278 = tpu.memref_squeeze %dma_wait3A_1277 : memref<1x1x208xf32, #tpu.memory_space<vmem>> -> memref<208xf32, #tpu.memory_space<vmem>>
    tpu.wait_dma2 semaphore(%arg16 : memref<!tpu.dma_semaphore, #tpu.memory_space<semaphore_mem>>) src(%dma_wait3A_1278 : memref<208xf32, #tpu.memory_space<vmem>>) dst(%dma_wait3A_1275 : memref<208xf32, #tpu.memory_space<hbm>>)
    %sub3A_1279 = arith.constant 352 : i32
    %sub3A_1280 = arith.subi %add3A_4, %sub3A_1279 : i32
    %dma_wait3A_1281 = arith.constant 0 : i32
    %dma_wait3A_1282 = arith.constant 0 : i32
    %dma_wait3A_1283 = arith.constant 0 : i32
    %dma_wait3A_1284 = tpu.memref_slice %arg12[%dma_wait3A_1281, %dma_wait3A_1282, %dma_wait3A_1283] : memref<2x2x208xf32, #tpu.memory_space<vmem>> -> memref<1x1x208xf32, #tpu.memory_space<vmem>>
    %dma_wait3A_1285 = tpu.memref_squeeze %dma_wait3A_1284 : memref<1x1x208xf32, #tpu.memory_space<vmem>> -> memref<208xf32, #tpu.memory_space<vmem>>
    %dma_wait3A_1286 = arith.constant 0 : i32
    %dma_wait3A_1287 = tpu.memref_slice %arg6[%sub3A_1280, %dma_wait3A_1286] : memref<672x208xf32, #tpu.memory_space<hbm>> -> memref<1x208xf32, #tpu.memory_space<hbm>>
    %dma_wait3A_1288 = tpu.memref_squeeze %dma_wait3A_1287 : memref<1x208xf32, #tpu.memory_space<hbm>> -> memref<208xf32, #tpu.memory_space<hbm>>
    %dma_wait3A_1289 = arith.constant 0 : i32
    %dma_wait3A_1290 = tpu.memref_slice %arg6[%sub3A_1280, %dma_wait3A_1289] : memref<672x208xf32, #tpu.memory_space<hbm>> -> memref<1x208xf32, #tpu.memory_space<hbm>>
    %dma_wait3A_1291 = tpu.memref_squeeze %dma_wait3A_1290 : memref<1x208xf32, #tpu.memory_space<hbm>> -> memref<208xf32, #tpu.memory_space<hbm>>
    %dma_wait3A_1292 = arith.constant 0 : i32
    %dma_wait3A_1293 = tpu.memref_slice %arg12[%dma_wait3A_1281, %dma_wait3A_1282, %dma_wait3A_1292] : memref<2x2x208xf32, #tpu.memory_space<vmem>> -> memref<1x1x208xf32, #tpu.memory_space<vmem>>
    %dma_wait3A_1294 = tpu.memref_squeeze %dma_wait3A_1293 : memref<1x1x208xf32, #tpu.memory_space<vmem>> -> memref<208xf32, #tpu.memory_space<vmem>>
    tpu.wait_dma2 semaphore(%arg16 : memref<!tpu.dma_semaphore, #tpu.memory_space<semaphore_mem>>) src(%dma_wait3A_1294 : memref<208xf32, #tpu.memory_space<vmem>>) dst(%dma_wait3A_1291 : memref<208xf32, #tpu.memory_space<hbm>>)
    return
  }
}

module attributes {stable_mosaic.version = 14 : i64} {
  func.func @_tc_body(%arg0: i32, %arg1: memref<16x128xf32, #tpu.memory_space<vmem>>, %arg2: memref<16x200xf32, #tpu.memory_space<vmem>>, %arg3: memref<16x200x128xf32, #tpu.memory_space<vmem>>, %arg4: memref<16x200x128xf32, #tpu.memory_space<vmem>>, %arg5: memref<16x200x128xf32, #tpu.memory_space<vmem>>, %arg6: memref<16x200xf32, #tpu.memory_space<vmem>>, %arg7: memref<16x200xf32, #tpu.memory_space<vmem>>) attributes {dimension_semantics = [#tpu.dimension_semantics<arbitrary>], iteration_bounds = array<i64: 22>, scalar_prefetch = 0 : i64, scratch_operands = 0 : i64, tpu.core_type = #tpu.core_type<tc>, window_params = [{transform_indices = @transform_0, window_bounds = array<i64: 16, 128>}, {transform_indices = @transform_1, window_bounds = array<i64: 16, 200>}, {transform_indices = @transform_2, window_bounds = array<i64: 16, 200, 128>}, {transform_indices = @transform_3, window_bounds = array<i64: 16, 200, 128>}, {transform_indices = @transform_4, window_bounds = array<i64: 16, 200, 128>}, {transform_indices = @transform_5, window_bounds = array<i64: 16, 200>}, {transform_indices = @transform_6, window_bounds = array<i64: 16, 200>}]} {
    %get3A = arith.constant 0 : index
    %get3A_0 = arith.constant 0 : index
    %get3A_1 = vector.load %arg1[%get3A, %get3A_0] : memref<16x128xf32, #tpu.memory_space<vmem>>, vector<16x128xf32>
    %get3A_2 = arith.constant 0 : index
    %get3A_3 = arith.constant 0 : index
    %get3A_4 = vector.load %arg2[%get3A_2, %get3A_3] : memref<16x200xf32, #tpu.memory_space<vmem>>, vector<16x200xf32>
    %get3A_5 = arith.constant 0 : index
    %get3A_6 = arith.constant 0 : index
    %get3A_7 = arith.constant 0 : index
    %get3A_8 = vector.load %arg3[%get3A_5, %get3A_6, %get3A_7] : memref<16x200x128xf32, #tpu.memory_space<vmem>>, vector<16x200x128xf32>
    %broadcast_in_dim3A = vector.shape_cast %get3A_1 : vector<16x128xf32> to vector<16x1x128xf32>
    %mul3A = vector.broadcast %broadcast_in_dim3A : vector<16x1x128xf32> to vector<16x200x128xf32>
    %mul3A_9 = arith.mulf %get3A_8, %mul3A : vector<16x200x128xf32>
    %reduce_sum3A = arith.constant dense<0.000000e+00> : vector<16x200xf32>
    %reduce_sum3A_10 = vector.multi_reduction <add>, %mul3A_9, %reduce_sum3A [2] : vector<16x200x128xf32> to vector<16x200xf32>
    %mul3A_11 = arith.mulf %reduce_sum3A_10, %get3A_4 : vector<16x200xf32>
    %reduce_max3A = arith.constant dense<0xFF800000> : vector<16xf32>
    %reduce_max3A_12 = vector.multi_reduction <maximumf>, %mul3A_11, %reduce_max3A [1] : vector<16x200xf32> to vector<16xf32>
    %broadcast_in_dim3A_13 = vector.shape_cast %reduce_max3A_12 : vector<16xf32> to vector<16x1xf32>
    %sub3A = vector.broadcast %broadcast_in_dim3A_13 : vector<16x1xf32> to vector<16x200xf32>
    %sub3A_14 = arith.subf %mul3A_11, %sub3A : vector<16x200xf32>
    %exp3A = math.exp %sub3A_14 : vector<16x200xf32>
    %reduce_sum3A_15 = arith.constant dense<0.000000e+00> : vector<16xf32>
    %reduce_sum3A_16 = vector.multi_reduction <add>, %exp3A, %reduce_sum3A_15 [1] : vector<16x200xf32> to vector<16xf32>
    %broadcast_in_dim3A_17 = vector.shape_cast %reduce_sum3A_16 : vector<16xf32> to vector<16x1xf32>
    %div3A = vector.broadcast %broadcast_in_dim3A_17 : vector<16x1xf32> to vector<16x200xf32>
    %div3A_18 = arith.divf %exp3A, %div3A : vector<16x200xf32>
    %get3A_19 = arith.constant 0 : index
    %get3A_20 = arith.constant 0 : index
    %get3A_21 = arith.constant 0 : index
    %get3A_22 = vector.load %arg4[%get3A_19, %get3A_20, %get3A_21] : memref<16x200x128xf32, #tpu.memory_space<vmem>>, vector<16x200x128xf32>
    %mul3A_23 = arith.mulf %div3A_18, %get3A_4 : vector<16x200xf32>
    %broadcast_in_dim3A_24 = vector.shape_cast %mul3A_23 : vector<16x200xf32> to vector<16x200x1xf32>
    %mul3A_25 = vector.broadcast %broadcast_in_dim3A_24 : vector<16x200x1xf32> to vector<16x200x128xf32>
    %mul3A_26 = arith.mulf %get3A_22, %mul3A_25 : vector<16x200x128xf32>
    %reduce_sum3A_27 = arith.constant dense<0.000000e+00> : vector<16x128xf32>
    %reduce_sum3A_28 = vector.multi_reduction <add>, %mul3A_26, %reduce_sum3A_27 [1] : vector<16x200x128xf32> to vector<16x128xf32>
    %add3A = arith.addf %get3A_1, %reduce_sum3A_28 : vector<16x128xf32>
    %get3A_29 = arith.constant 0 : index
    %get3A_30 = arith.constant 0 : index
    %get3A_31 = arith.constant 0 : index
    %get3A_32 = vector.load %arg4[%get3A_29, %get3A_30, %get3A_31] : memref<16x200x128xf32, #tpu.memory_space<vmem>>, vector<16x200x128xf32>
    %broadcast_in_dim3A_33 = vector.shape_cast %add3A : vector<16x128xf32> to vector<16x1x128xf32>
    %mul3A_34 = vector.broadcast %broadcast_in_dim3A_33 : vector<16x1x128xf32> to vector<16x200x128xf32>
    %mul3A_35 = arith.mulf %get3A_32, %mul3A_34 : vector<16x200x128xf32>
    %reduce_sum3A_36 = arith.constant dense<0.000000e+00> : vector<16x200xf32>
    %reduce_sum3A_37 = vector.multi_reduction <add>, %mul3A_35, %reduce_sum3A_36 [2] : vector<16x200x128xf32> to vector<16x200xf32>
    %mul3A_38 = arith.mulf %reduce_sum3A_37, %get3A_4 : vector<16x200xf32>
    %reduce_max3A_39 = arith.constant dense<0xFF800000> : vector<16xf32>
    %reduce_max3A_40 = vector.multi_reduction <maximumf>, %mul3A_38, %reduce_max3A_39 [1] : vector<16x200xf32> to vector<16xf32>
    %broadcast_in_dim3A_41 = vector.shape_cast %reduce_max3A_40 : vector<16xf32> to vector<16x1xf32>
    %sub3A_42 = vector.broadcast %broadcast_in_dim3A_41 : vector<16x1xf32> to vector<16x200xf32>
    %sub3A_43 = arith.subf %mul3A_38, %sub3A_42 : vector<16x200xf32>
    %exp3A_44 = math.exp %sub3A_43 : vector<16x200xf32>
    %reduce_sum3A_45 = arith.constant dense<0.000000e+00> : vector<16xf32>
    %reduce_sum3A_46 = vector.multi_reduction <add>, %exp3A_44, %reduce_sum3A_45 [1] : vector<16x200xf32> to vector<16xf32>
    %broadcast_in_dim3A_47 = vector.shape_cast %reduce_sum3A_46 : vector<16xf32> to vector<16x1xf32>
    %div3A_48 = vector.broadcast %broadcast_in_dim3A_47 : vector<16x1xf32> to vector<16x200xf32>
    %div3A_49 = arith.divf %exp3A_44, %div3A_48 : vector<16x200xf32>
    %get3A_50 = arith.constant 0 : index
    %get3A_51 = arith.constant 0 : index
    %get3A_52 = arith.constant 0 : index
    %get3A_53 = vector.load %arg5[%get3A_50, %get3A_51, %get3A_52] : memref<16x200x128xf32, #tpu.memory_space<vmem>>, vector<16x200x128xf32>
    %mul3A_54 = arith.mulf %div3A_49, %get3A_4 : vector<16x200xf32>
    %broadcast_in_dim3A_55 = vector.shape_cast %mul3A_54 : vector<16x200xf32> to vector<16x200x1xf32>
    %mul3A_56 = vector.broadcast %broadcast_in_dim3A_55 : vector<16x200x1xf32> to vector<16x200x128xf32>
    %mul3A_57 = arith.mulf %get3A_53, %mul3A_56 : vector<16x200x128xf32>
    %reduce_sum3A_58 = arith.constant dense<0.000000e+00> : vector<16x128xf32>
    %reduce_sum3A_59 = vector.multi_reduction <add>, %mul3A_57, %reduce_sum3A_58 [1] : vector<16x200x128xf32> to vector<16x128xf32>
    %add3A_60 = arith.addf %add3A, %reduce_sum3A_59 : vector<16x128xf32>
    %get3A_61 = arith.constant 0 : index
    %get3A_62 = arith.constant 0 : index
    %get3A_63 = arith.constant 0 : index
    %get3A_64 = vector.load %arg5[%get3A_61, %get3A_62, %get3A_63] : memref<16x200x128xf32, #tpu.memory_space<vmem>>, vector<16x200x128xf32>
    %broadcast_in_dim3A_65 = vector.shape_cast %add3A_60 : vector<16x128xf32> to vector<16x1x128xf32>
    %mul3A_66 = vector.broadcast %broadcast_in_dim3A_65 : vector<16x1x128xf32> to vector<16x200x128xf32>
    %mul3A_67 = arith.mulf %get3A_64, %mul3A_66 : vector<16x200x128xf32>
    %reduce_sum3A_68 = arith.constant dense<0.000000e+00> : vector<16x200xf32>
    %reduce_sum3A_69 = vector.multi_reduction <add>, %mul3A_67, %reduce_sum3A_68 [2] : vector<16x200x128xf32> to vector<16x200xf32>
    %mul3A_70 = arith.mulf %reduce_sum3A_69, %get3A_4 : vector<16x200xf32>
    %reduce_max3A_71 = arith.constant dense<0xFF800000> : vector<16xf32>
    %reduce_max3A_72 = vector.multi_reduction <maximumf>, %mul3A_70, %reduce_max3A_71 [1] : vector<16x200xf32> to vector<16xf32>
    %broadcast_in_dim3A_73 = vector.shape_cast %reduce_max3A_72 : vector<16xf32> to vector<16x1xf32>
    %sub3A_74 = vector.broadcast %broadcast_in_dim3A_73 : vector<16x1xf32> to vector<16x200xf32>
    %sub3A_75 = arith.subf %mul3A_70, %sub3A_74 : vector<16x200xf32>
    %exp3A_76 = math.exp %sub3A_75 : vector<16x200xf32>
    %reduce_sum3A_77 = arith.constant dense<0.000000e+00> : vector<16xf32>
    %reduce_sum3A_78 = vector.multi_reduction <add>, %exp3A_76, %reduce_sum3A_77 [1] : vector<16x200xf32> to vector<16xf32>
    %broadcast_in_dim3A_79 = vector.shape_cast %reduce_sum3A_78 : vector<16xf32> to vector<16x1xf32>
    %div3A_80 = vector.broadcast %broadcast_in_dim3A_79 : vector<16x1xf32> to vector<16x200xf32>
    %div3A_81 = arith.divf %exp3A_76, %div3A_80 : vector<16x200xf32>
    %swap3A = arith.constant 0 : index
    %swap3A_82 = arith.constant 0 : index
    %swap3A_83 = vector.load %arg6[%swap3A, %swap3A_82] : memref<16x200xf32, #tpu.memory_space<vmem>>, vector<16x200xf32>
    tpu.vector_store %arg6[%swap3A, %swap3A_82], %div3A_81 {strides = array<i32>} : memref<16x200xf32, #tpu.memory_space<vmem>>, vector<16x200xf32>,
    %swap3A_84 = arith.constant 0 : index
    %swap3A_85 = arith.constant 0 : index
    %swap3A_86 = vector.load %arg7[%swap3A_84, %swap3A_85] : memref<16x200xf32, #tpu.memory_space<vmem>>, vector<16x200xf32>
    tpu.vector_store %arg7[%swap3A_84, %swap3A_85], %mul3A_70 {strides = array<i32>} : memref<16x200xf32, #tpu.memory_space<vmem>>, vector<16x200xf32>,
    return
  }
  func.func @transform_0(%arg0: i32) -> (i32, i32) {
    %c0_i32 = arith.constant 0 : i32
    %c0_i32_0 = arith.constant 0 : i32
    return %arg0, %c0_i32 : i32, i32
  }
  func.func @transform_1(%arg0: i32) -> (i32, i32) {
    %c0_i32 = arith.constant 0 : i32
    %c0_i32_0 = arith.constant 0 : i32
    return %arg0, %c0_i32 : i32, i32
  }
  func.func @transform_2(%arg0: i32) -> (i32, i32, i32) {
    %c0_i32 = arith.constant 0 : i32
    %c0_i32_0 = arith.constant 0 : i32
    %c0_i32_1 = arith.constant 0 : i32
    return %arg0, %c0_i32, %c0_i32_0 : i32, i32, i32
  }
  func.func @transform_3(%arg0: i32) -> (i32, i32, i32) {
    %c0_i32 = arith.constant 0 : i32
    %c0_i32_0 = arith.constant 0 : i32
    %c0_i32_1 = arith.constant 0 : i32
    return %arg0, %c0_i32, %c0_i32_0 : i32, i32, i32
  }
  func.func @transform_4(%arg0: i32) -> (i32, i32, i32) {
    %c0_i32 = arith.constant 0 : i32
    %c0_i32_0 = arith.constant 0 : i32
    %c0_i32_1 = arith.constant 0 : i32
    return %arg0, %c0_i32, %c0_i32_0 : i32, i32, i32
  }
  func.func @transform_5(%arg0: i32) -> (i32, i32) {
    %c0_i32 = arith.constant 0 : i32
    %c0_i32_0 = arith.constant 0 : i32
    return %arg0, %c0_i32 : i32, i32
  }
  func.func @transform_6(%arg0: i32) -> (i32, i32) {
    %c0_i32 = arith.constant 0 : i32
    %c0_i32_0 = arith.constant 0 : i32
    return %arg0, %c0_i32 : i32, i32
  }
}

</mosaic_0001>

<sc_bundles>
// kernel: _run.4.cloned.1.call-start
scs
__scs_entry_jumppad:
0x0: {  	(pc) =	sbr.rel $0x88, $3  }
0x1: {  	(tag) =	ssettag $0x0;
	lr =	simm.s32 $0x1  }
0x2: {  	[smem:$0x3F9B] =	sst lr;
	_ =	strace $0xD0000000  }
0x3: {  	_ = 	snop  }
0x4: {  	_ = 	snop  }
0x5: {  	_ = 	snop  }
0x6: {  	_ = 	snop  }
0x7: {  	_ = 	snop  }
__scs_overlays_trampoline_lowered:
0x8: {  	[smem:$0x3FAA] =	sst s0  }
0x9: {  	[smem:$0x3FAB] =	sst s1  }
0xa: {  	[smem:$0x3FAC] =	sst s2  }
0xb: {  	[smem:$0x3FAD] =	sst s3  }
0xc: {  	[smem:$0x3FAE] =	sst s4  }
0xd: {  	[smem:$0x3FAF] =	sst s5  }
0xe: {  	[smem:$0x3FB0] =	sst s6  }
0xf: {  	[smem:$0x3FB1] =	sst s7  }
0x10: {  	[smem:$0x3FB2] =	sst s8  }
0x11: {  	[smem:$0x3FB3] =	sst s9;
	s0 =	simm.s32 @!p0 $0x0  }
0x12: {  	s1 =	sld [smem:$0x3F99];
	s0 =	simm.s32 @p0 $0x1  }
0x13: {  	[smem:$0x3FB4] =	sst s0;
	s0 =	simm.s32 @!p1 $0x0  }
0x14: {  	s2 =	sld [smem:$0x3F98];
	s0 =	simm.s32 @p1 $0x1  }
0x15: {  	[smem:$0x3FB5] =	sst s0;
	s0 =	simm.s32 @!p2 $0x0  }
0x16: {  	s3 =	sld [smem:$0x3FDB];
	s0 =	simm.s32 @p2 $0x1  }
0x17: {  	s4 =	simm.s32 $0x1BF5;
	[smem:$0x3FB7] =	sst s0  }
0x18: {  	s0 =	sld [smem:$0x3F9A];
	_ =	swait.ge [sflag:s4], $0x0  }
0x19: {  	s7 =	sld [smem:$0x3F9B]  }
0x1a: {  	s8 =	sadd.s32 $0xFFFFE003, lr  }
0x1b: {  	s9 =	sadd.s32 $0xFFFFFEF7, lr;
	s5 =	simm.s32 $0xFFFFFFFF;
	p2 =	slt.u32 s8, $0xFFFFF086  }
0x1c: {  	p1 =	slt.u32 s9, $0xF7A;
	s5 =	simm.s32 @!p2 $0x0  }
0x1d: {  	s5 =	simm.s32 @p1 $0x1;
	p0 =	seq.s32 s7, s2  }
0x1e: {  	s7 =	smul.u32 @!p0 $0xF7A, s2;
	p2 =	seq.s32 @!p0 s5, $0x0  }
0x1f: {  	s9 =	smul.u32 $0xF7A, s1;
	s8 =	simm.s32 @!p0 $0x1BF5;
	p2 =	por !p2, p0  }
0x20: {  	[sflag:s8] =	ssyncset.s32 @!p0 $0xFFFFF086;
	s6 =	sadd.s32 @!p0 s3, s7;
	s7 =	simm.s32 @!p0 $0x108  }
0x21: {  	s3 =	sadd.s32 s3, s9;
	s6 =	sadd.s32 @!p0 $0x88, s6;
	s7 =	simm.s32 @p2 $0x1082  }
0x22: {  	[simem:s7], [sflag:s8] =	dma.local @!p0 [hbm:s6], $0xF7A  }
0x23: {  	s9 =	sor.u32 $0xD0000000, s2;
	s6 =	simm.s32 $0x108;
	_ =	swait.ge @!p0 [sflag:s8], $0x0  }
0x24: {  	s3 =	sadd.s32 $0x88, s3;
	s6 =	simm.s32 @!p1 $0x1082;
	[sflag:s4] =	ssyncset.s32 $0xFFFFF086  }
0x25: {  	[simem:s6], [sflag:s4] =	dma.local [hbm:s3], $0xF7A  }
0x26: {  	[smem:$0x3F9B] =	sst s1;
	(tag) =	ssettag s2;
	_ =	strace s9  }
0x27: {  	s1 =	sld [smem:$0x3FAB]  }
0x28: {  	s2 =	sld [smem:$0x3FAC]  }
0x29: {  	s4 =	sld [smem:$0x3FAE]  }
0x2a: {  	p0 =	seq.s32 s5, $0x0;
	s5 =	sld [smem:$0x3FAF]  }
0x2b: {  	s6 =	sld [smem:$0x3FB0]  }
0x2c: {  	s7 =	sld [smem:$0x3FB1]  }
0x2d: {  	s3 =	simm.s32 $0x108;
	s8 =	sld [smem:$0x3FB2]  }
0x2e: {  	s3 =	simm.s32 @!p0 $0x1082;
	s9 =	sld [smem:$0x3FB3]  }
0x2f: {  	lr =	sadd.s32 s0, s3;
	s0 =	sld [smem:$0x3FAA]  }
0x30: {  	s3 =	sld [smem:$0x3FAD]  }
0x31: {  	[smem:$0x3FB6] =	sst s10  }
0x32: {  	s10 =	sld [smem:$0x3FB4];
	_ =	sdelay $0x3  }
0x33: {  	p0 =	seq.s32 s10, $0x1;
	s10 =	sld [smem:$0x3FB6];
	_ =	sdelay $0x3  }
0x34: {  	[smem:$0x3FB6] =	sst s10  }
0x35: {  	s10 =	sld [smem:$0x3FB5];
	_ =	sdelay $0x3  }
0x36: {  	p1 =	seq.s32 s10, $0x1;
	s10 =	sld [smem:$0x3FB6];
	_ =	sdelay $0x3  }
0x37: {  	[smem:$0x3FB6] =	sst s10  }
0x38: {  	s10 =	sld [smem:$0x3FB7]  }
0x39: {  	_ = 	snop;
	(pc) =	sbr.ind lr, $3  }
0x3a: {  	_ = 	snop  }
0x3b: {  	_ = 	snop  }
0x3c: {  	p2 =	seq.s32 s10, $0x1;
	s10 =	sld [smem:$0x3FB6]  }
0x3d: {  	_ =	shalt  }
0x3e: {  	_ =	shalt  }
0x3f: {  	_ =	shalt  }
0x40: {  	_ =	shalt  }
0x41: {  	_ =	shalt  }
0x42: {  	_ =	shalt  }
0x43: {  	_ =	shalt  }
0x44: {  	_ =	shalt  }
0x45: {  	_ =	shalt  }
0x46: {  	_ =	shalt  }
0x47: {  	_ =	shalt  }
0x48: {  	_ =	shalt  }
0x49: {  	_ =	shalt  }
0x4a: {  	_ =	shalt  }
0x4b: {  	_ =	shalt  }
0x4c: {  	_ =	shalt  }
0x4d: {  	_ =	shalt  }
0x4e: {  	_ =	shalt  }
0x4f: {  	_ =	shalt  }
0x50: {  	_ =	shalt  }
0x51: {  	_ =	shalt  }
0x52: {  	_ =	shalt  }
0x53: {  	_ =	shalt  }
0x54: {  	_ =	shalt  }
0x55: {  	_ =	shalt  }
0x56: {  	_ =	shalt  }
0x57: {  	_ =	shalt  }
0x58: {  	_ =	shalt  }
0x59: {  	_ =	shalt  }
0x5a: {  	_ =	shalt  }
0x5b: {  	_ =	shalt  }
0x5c: {  	_ =	shalt  }
0x5d: {  	_ =	shalt  }
0x5e: {  	_ =	shalt  }
0x5f: {  	_ =	shalt  }
0x60: {  	_ =	shalt  }
0x61: {  	_ =	shalt  }
0x62: {  	_ =	shalt  }
0x63: {  	_ =	shalt  }
0x64: {  	_ =	shalt  }
0x65: {  	_ =	shalt  }
0x66: {  	_ =	shalt  }
0x67: {  	_ =	shalt  }
0x68: {  	_ =	shalt  }
0x69: {  	_ =	shalt  }
0x6a: {  	_ =	shalt  }
0x6b: {  	_ =	shalt  }
0x6c: {  	_ =	shalt  }
0x6d: {  	_ =	shalt  }
0x6e: {  	_ =	shalt  }
0x6f: {  	_ =	shalt  }
0x70: {  	_ =	shalt  }
0x71: {  	_ =	shalt  }
0x72: {  	_ =	shalt  }
0x73: {  	_ =	shalt  }
0x74: {  	_ =	shalt  }
0x75: {  	_ =	shalt  }
0x76: {  	_ =	shalt  }
0x77: {  	_ =	shalt  }
0x78: {  	_ =	shalt  }
0x79: {  	_ =	shalt  }
0x7a: {  	_ =	shalt  }
0x7b: {  	_ =	shalt  }
0x7c: {  	_ =	shalt  }
0x7d: {  	_ =	shalt  }
0x7e: {  	_ =	shalt  }
0x7f: {  	_ =	shalt  }
0x80: {  	_ =	shalt  }
0x81: {  	_ =	shalt  }
0x82: {  	_ =	shalt  }
0x83: {  	_ =	shalt  }
0x84: {  	_ =	shalt  }
0x85: {  	_ =	shalt  }
0x86: {  	_ =	shalt  }
0x87: {  	_ =	shalt  }
.Lfunc_end0:
.L_simem_size_0:
called_computation_lowered:
.L_overlay_start_0:
0x88: {  	s2 =	sld [smem:$0x3FD9]  }
0x89: {  	s3 =	sld [smem:$0x3FFE];
	_ =	sdelay $0x1  }
0x8a: {  	s1 =	srdreg.scid  }
0x8b: {  	s0 =	sand.u32 $0x1, s1  }
0x8c: {  	s14 =	sshll.u32 s0, $0xA;
	s2 =	sadd.s32 s3, s2  }
0x8d: {  	s2 =	sadd.s32 s2, s14  }
0x8e: {  	[smem:$0x3FC2] =	sst s2  }
0x8f: {  	_ = 	snop  }
0x90: {  	s2 =	sld [smem:$0x3FD0]  }
0x91: {  	s15 =	sld [smem:$0x3FC6]  }
0x92: {  	s4 =	sld [smem:$0x3FC5]  }
0x93: {  	s6 =	simm.s32 $0xA;
	s7 =	simm.s32 $0x10;
	s5 =	sld [smem:$0x3FC4]  }
0x94: {  	[smem:s7], [sflag:s6] =	dma.local [hbm:s2], $0x1  }
0x95: {  	_ =	swait.eq [sflag:s6], $0x1  }
0x96: {  	[sflag:s6] =	ssyncset.done $0x0  }
0x97: {  	s16 =	sld [smem:$0x10];
	[sflag:s6] =	ssyncadd.s32 $0xFFFFFFFF  }
0x98: {  	s17 =	sld [smem:$0x11];
	(tm) =	ssettm $0x1  }
0x99: {  	s18 =	sld [smem:$0x3FFB];
	_ =	sdelay $0x3  }
0x9a: {  	_ =	strace s18  }
0x9b: {  	s7 =	sld [smem:$0x3FFC];
	_ =	sdelay $0x3  }
0x9c: {  	_ =	strace s7  }
0x9d: {  	s7 =	sld [smem:$0x3FFD];
	_ =	sdelay $0x3  }
0x9e: {  	_ =	strace s7  }
0x9f: {  	_ =	strace $0x8FFFFFFF  }
0xa0: {  	s19 =	sld [smem:$0x3FDB];
	_ =	sdelay $0x1  }
0xa1: {  	s8 =	simm.s32 $_scs_section_size  }
0xa2: {  	s9 =	simm.s32 $_size__tile_overlayer_lowered;
	s10 =	simm.s32 $_tile_overlayer_lowered  }
0xa3: {  	s22 =	simm.s32 $0x1BFF;
	s21 =	sshll.u32 s10, $0x1;
	s7 =	sadd.s32 s8, s19  }
0xa4: {  	s11 =	simm.s32 $0x0;
	s20 =	sshll.u32 s9, $0x1;
	s9 =	sadd.s32 s21, s7  }
0xa5: {  	[timem:s11], [sflag:s22] =	dma.local [hbm:s9], s20  }
0xa6: {  	_ =	swait.ge [sflag:s22], s20  }
0xa7: {  	s8 =	ssub.s32 $0x0, s20;
	[sflag:s22] =	ssyncset.done $0x0  }
0xa8: {  	[sflag:s22] =	ssyncadd.s32 s8;
	_ =	sdelay $0x1  }
0xa9: {  	s23 =	simm.s32 $0x1B8B  }
0xaa: {  	_ =	swait.ge [sflag:s23], $0x1  }
0xab: {  	[sflag:s23] =	ssyncset.done $0x0  }
0xac: {  	s25 =	simm.s32 $0x1B8E;
	s24 =	sld [smem:$0x3FFE];
	[sflag:s23] =	ssyncadd.s32 $0xFFFFFFFF  }
0xad: {  	s26 =	simm.s32 $execute0_lowered;
	[smem:$0x3FD2] =	sst s25  }
0xae: {  	s9 =	sshll.u32 s26, $0x1;
	_ =	strace $0x80000046;
	[dreg:$0x1] =	wrdreg $0xFFFFFFFF  }
0xaf: {  	s28 =	simm.s32 $_size_execute0_lowered;
	s7 =	sadd.s32 s7, s9;
	[dreg:$0x0] =	wrdreg $0x0  }
0xb0: {  	s9 =	sshll.u32 s28, $0x1;
	[dreg:$0x2] =	wrdreg s7  }
0xb1: {  	[dreg:$0x3] =	wrdreg s9  }
0xb2: {  	[dreg:$0x4] =	wrdreg $0xC0  }
0xb3: {  	_ =	task [dreg:s11], $0x5FFFF  }
0xb4: {  	[dreg:$0x1] =	wrdreg $0xFFFFFFFF  }
0xb5: {  	[dreg:$0x0] =	wrdreg $0x60  }
0xb6: {  	[dreg:$0x2] =	wrdreg s24  }
0xb7: {  	[dreg:$0x3] =	wrdreg s15  }
0xb8: {  	[dreg:$0x4] =	wrdreg s4  }
0xb9: {  	[dreg:$0x5] =	wrdreg s5  }
0xba: {  	[dreg:$0x6] =	wrdreg s17  }
0xbb: {  	[dreg:$0x7] =	wrdreg s16  }
0xbc: {  	[dreg:$0x8] =	wrdreg $0x9  }
0xbd: {  	_ =	task.clear_ibuf [dreg:s11], $0x9FFFF;
	_ =	strace $0x90000046  }
0xbe: {  	s29 =	simm.s32 $0x9;
	_ =	strace $0x80000048  }
0xbf: {  	_ =	swait.ge [sflag:s29], $0x1  }
0xc0: {  	[sflag:s29] =	ssyncadd.s32 $0xFFFFFFFF  }
0xc1: {  	_ =	strace $0x90000048  }
0xc2: {  	_ =	sfence  }
0xc3: {  	s30 =	sld [smem:$0x0];
	_ =	sdelay $0x2  }
0xc4: {  	s31 =	sshll.u32 s1, $0xD;
	s1 =	sshrl.u32 s1, $0x2  }
0xc5: {  	s3 =	sand.u32 $0x4000, s31;
	s1 =	sadd.s32 s1, s30  }
0xc6: {  	s0 =	sor.u32 s3, s0;
	s1 =	sshll.u32 s1, $0x11  }
0xc7: {  	s0 =	sor.u32 s1, s0  }
0xc8: {  	s0 =	sadd.s32 $0x8F2B, s0  }
0xc9: {  	[sflag:s0] =	ssyncadd.remote.s32 $0x1  }
0xca: {  	_ =	sfence.sel $0xFFFF  }
0xcb: {  	[dreg:$0x0] =	wrdreg $0xFFFFFFFF;
	(pc) =	sbr.abs _section_cstart, $3  }
0xcc: {  	[dreg:$0x1] =	wrdreg $0xFFFFFFFF  }
0xcd: {  	_ =	task.clear_ibuf [dreg:s11], $0x2FFFF;
	_ =	strace $0x9FFFFFFF  }
0xce: {  	(tm) =	ssettm $0x7FFFFFFF  }
0xcf: {  	_ =	shalt  }
tec
execute0_lowered:
.L_overlay_start_1:
0x0: {  	(tag) =	ssettag $0x1  }
0x1: {  	s0 =	rddreg [dreg:$0x0]  }
0x2: {  	s1 =	srdreg.scid;
	s4 =	rddreg [dreg:$0x1]  }
0x3: {  	s2 =	stileid.u32;
	s25 =	rddreg [dreg:$0x2]  }
0x4: {  	s6 =	rddreg [dreg:$0x3];
	s1 =	sand.u32 $0x1, s1;
	s3 =	sshll.u32 s2, $0x1  }
0x5: {  	s9 =	simm.s32 $0x0;
	s17 =	simm.s32 $0x3000;
	s3 =	sor.u32 s1, s3  }
0x6: {  	s18 =	simm.s32 $0x9800;
	s20 =	simm.s32 $0x1;
	s5 =	smul.u32 $0x15, s3  }
0x7: {  	s21 =	simm.s32 $0x2;
	s22 =	simm.s32 $0x3;
	s1 =	ssub.s32 $0x2, s1  }
0x8: {  	[smem:$0x7FF] =	sst s9;
	s10 =	sshrl.u32 s1, $0x1;
	s8 =	sadd.s32 $0x160, s5  }
0x9: {  	s1 =	ssub.s32 s1, s10;
	s26 =	sshrl.u32 s8, $0x3;
	s11 =	smul.u32 $0xC80, s8  }
0xa: {  	vm0 =	vmmov $0x1;
	vm1 =	vmmov $0x3;
	vm2 =	vmmov $0x7;
	_ =	strace $0x80000047;
	s31 =	smax.u32 s1, $0x1;
	s3 =	smul.u32 $0x180, s26  }
.Ltmp0:
0xb: {  	vm3 =	vmmov $0xf;
	vm4 =	vmmov $0x1f;
	v0 =	vlaneseq.u32;
	[dreg:$0xb] =	wrdreg s31;
	s28 =	sadd.s32 s4, s11;
	(pc) =	sbr.rel .LBB2_1-.Ltmp0, $4  }
0xc: {  	vm5 =	vmmov $0x3f;
	vm6 =	vmmov $0x7f;
	s7 =	smov.u32 s25;
	v0 =	vmul.u32 $0xFFFFFFFF, v0;
	s29 =	sadd.s32 s25, s11;
	[dreg:$0x8] =	wrdreg s28  }
0xd: {  	vm7 =	vmmov $0xff;
	vm8 =	vmmov $0x1ff;
	vm9 =	vmmov $0x3ff;
	s30 =	sadd.s32 s6, s11;
	s0 =	sadd.s32 s3, s0;
	[dreg:$0x9] =	wrdreg s29  }
0xe: {  	vm10 =	vmmov $0x7ff;
	vm11 =	vmmov $0xfff;
	s2 =	simm.s32 $0x0;
	v2 =	vadd.s32 $0xC8, v0;
	[dreg:$0xa] =	wrdreg s30;
	s0 =	sadd.s32 $0x1000, s0  }
0xf: {  	vm12 =	vmmov $0x1fff;
	vm13 =	vmmov $0x3fff;
	vm14 =	vmmov $0x7fff;
	[tilespmem:$0x1FFF0] =	vst v2;
	s10 =	sand.u32 $0x7, s5;
	s4 =	smov.u32 s6;
	[dreg:$0x7] =	wrdreg s0  }
.LBB2_19:
0x10: {  	s1 =	simm.s32 $0x4  }
0x11: {  	_ =	swait.ge [sflag:s1], $0x100  }
0x12: {  	[sflag:s1] =	ssyncset.done $0x0  }
0x13: {  	[sflag:s1] =	ssyncadd.s32 $0xFFFFFF00  }
0x14: {  	_ =	swait.ge [sflag:s1], $0x100  }
0x15: {  	[sflag:s1] =	ssyncset.done $0x0  }
0x16: {  	[sflag:s1] =	ssyncadd.s32 $0xFFFFFF00  }
0x17: {  	_ =	swait.ge [sflag:s1], $0x100  }
0x18: {  	[sflag:s1] =	ssyncset.done $0x0  }
0x19: {  	[sflag:s1] =	ssyncadd.s32 $0xFFFFFF00  }
0x1a: {  	_ =	swait.ge [sflag:s1], $0x100  }
0x1b: {  	s2 =	rddreg [dreg:$0xc]  }
0x1c: {  	s0 =	rddreg [dreg:$0xb];
	s2 =	sadd.s32 $0x1, s2  }
0x1d: {  	p0 =	sne.s32 s2, s0  }
.Ltmp1:
0x1e: {  	_ = 	snop;
	(pc) =	sbr.rel @!p0 .LBB2_20-.Ltmp1, $3  }
0x1f: {  	_ =	sdelay $0x1  }
0x20: {  	[sflag:s1] =	ssyncset.done $0x0  }
0x21: {  	[sflag:s1] =	ssyncadd.s32 $0xFFFFFF00  }
.LBB2_1:
0x22: {  	[dreg:$0xc] =	wrdreg s2  }
0x23: {  	s0 =	rddreg [dreg:$0x7];
	s28 =	simm.s32 $0x5  }
0x24: {  	[tilespmem:s9], [sflag:$0x5] =	stream.linear.gather [hbm4b:s0+s9], $0x3000, $0x38;
	[tilespmem:$0x16E00] =	vst v63  }
0x25: {  	_ =	swait.ge [sflag:s28], $0x3000  }
0x26: {  	[sflag:s28] =	ssyncset.done $0x0  }
0x27: {  	v0 =	vimm.f32 $0.0e+00;
	[sflag:s28] =	ssyncadd.s32 $0xFFFFD000  }
0x28: {  	[tilespmem:$0x9400] =	vst v0  }
0x29: {  	[tilespmem:$0x9410] =	vst v0  }
0x2a: {  	[tilespmem:$0x9420] =	vst v0  }
0x2b: {  	[tilespmem:$0x9430] =	vst v0  }
0x2c: {  	[tilespmem:$0x9440] =	vst v0  }
0x2d: {  	[tilespmem:$0x9450] =	vst v0  }
0x2e: {  	[tilespmem:$0x9460] =	vst v0  }
0x2f: {  	[tilespmem:$0x9470] =	vst v0  }
0x30: {  	[tilespmem:$0x9480] =	vst v0  }
0x31: {  	[tilespmem:$0x9490] =	vst v0  }
0x32: {  	[tilespmem:$0x94A0] =	vst v0  }
0x33: {  	[tilespmem:$0x94B0] =	vst v0  }
0x34: {  	[tilespmem:$0x94C0] =	vst v0  }
0x35: {  	[tilespmem:$0x94D0] =	vst v0  }
0x36: {  	[tilespmem:$0x94E0] =	vst v0  }
0x37: {  	[tilespmem:$0x94F0] =	vst v0  }
0x38: {  	[tilespmem:$0x9500] =	vst v0  }
0x39: {  	[tilespmem:$0x9510] =	vst v0  }
0x3a: {  	[tilespmem:$0x9520] =	vst v0  }
0x3b: {  	[tilespmem:$0x9530] =	vst v0  }
0x3c: {  	[tilespmem:$0x9540] =	vst v0  }
0x3d: {  	[tilespmem:$0x9550] =	vst v0  }
0x3e: {  	[tilespmem:$0x9560] =	vst v0  }
0x3f: {  	[tilespmem:$0x9570] =	vst v0  }
0x40: {  	[tilespmem:$0x9580] =	vst v0  }
0x41: {  	[tilespmem:$0x9590] =	vst v0  }
0x42: {  	[tilespmem:$0x95A0] =	vst v0  }
0x43: {  	[tilespmem:$0x95B0] =	vst v0  }
0x44: {  	[tilespmem:$0x95C0] =	vst v0  }
0x45: {  	[tilespmem:$0x95D0] =	vst v0  }
0x46: {  	[tilespmem:$0x95E0] =	vst v0  }
0x47: {  	[tilespmem:$0x95F0] =	vst v0  }
0x48: {  	[tilespmem:$0x9600] =	vst v0  }
0x49: {  	[tilespmem:$0x9610] =	vst v0  }
0x4a: {  	[tilespmem:$0x9620] =	vst v0  }
0x4b: {  	[tilespmem:$0x9630] =	vst v0  }
0x4c: {  	[tilespmem:$0x9640] =	vst v0  }
0x4d: {  	[tilespmem:$0x9650] =	vst v0  }
0x4e: {  	[tilespmem:$0x9660] =	vst v0  }
0x4f: {  	[tilespmem:$0x9670] =	vst v0  }
0x50: {  	[tilespmem:$0x9680] =	vst v0  }
0x51: {  	[tilespmem:$0x9690] =	vst v0  }
0x52: {  	[tilespmem:$0x96A0] =	vst v0  }
0x53: {  	[tilespmem:$0x96B0] =	vst v0  }
0x54: {  	[tilespmem:$0x96C0] =	vst v0  }
0x55: {  	[tilespmem:$0x96D0] =	vst v0  }
0x56: {  	[tilespmem:$0x96E0] =	vst v0  }
0x57: {  	[tilespmem:$0x96F0] =	vst v0  }
0x58: {  	[tilespmem:$0x9700] =	vst v0  }
0x59: {  	[tilespmem:$0x9710] =	vst v0  }
0x5a: {  	[tilespmem:$0x9720] =	vst v0  }
0x5b: {  	[tilespmem:$0x9730] =	vst v0  }
0x5c: {  	[tilespmem:$0x9740] =	vst v0  }
0x5d: {  	[tilespmem:$0x9750] =	vst v0  }
0x5e: {  	[tilespmem:$0x9760] =	vst v0  }
0x5f: {  	[tilespmem:$0x9770] =	vst v0  }
0x60: {  	[tilespmem:$0x9780] =	vst v0  }
0x61: {  	[tilespmem:$0x9790] =	vst v0  }
0x62: {  	[tilespmem:$0x97A0] =	vst v0  }
0x63: {  	[tilespmem:$0x97B0] =	vst v0  }
0x64: {  	[tilespmem:$0x97C0] =	vst v0  }
0x65: {  	[tilespmem:$0x97D0] =	vst v0  }
0x66: {  	[tilespmem:$0x97E0] =	vst v0  }
0x67: {  	[tilespmem:$0x97F0] =	vst v0  }
0x68: {  	[tilespmem:$0xFC00] =	vst v0  }
0x69: {  	[tilespmem:$0xFC10] =	vst v0  }
0x6a: {  	[tilespmem:$0xFC20] =	vst v0  }
0x6b: {  	[tilespmem:$0xFC30] =	vst v0  }
0x6c: {  	[tilespmem:$0xFC40] =	vst v0  }
0x6d: {  	[tilespmem:$0xFC50] =	vst v0  }
0x6e: {  	[tilespmem:$0xFC60] =	vst v0  }
0x6f: {  	[tilespmem:$0xFC70] =	vst v0  }
0x70: {  	[tilespmem:$0xFC80] =	vst v0  }
0x71: {  	[tilespmem:$0xFC90] =	vst v0  }
0x72: {  	[tilespmem:$0xFCA0] =	vst v0  }
0x73: {  	[tilespmem:$0xFCB0] =	vst v0  }
0x74: {  	[tilespmem:$0xFCC0] =	vst v0  }
0x75: {  	[tilespmem:$0xFCD0] =	vst v0  }
0x76: {  	[tilespmem:$0xFCE0] =	vst v0  }
0x77: {  	[tilespmem:$0xFCF0] =	vst v0  }
0x78: {  	[tilespmem:$0xFD00] =	vst v0  }
0x79: {  	[tilespmem:$0xFD10] =	vst v0  }
0x7a: {  	[tilespmem:$0xFD20] =	vst v0  }
0x7b: {  	[tilespmem:$0xFD30] =	vst v0  }
0x7c: {  	[tilespmem:$0xFD40] =	vst v0  }
0x7d: {  	[tilespmem:$0xFD50] =	vst v0  }
0x7e: {  	[tilespmem:$0xFD60] =	vst v0  }
0x7f: {  	[tilespmem:$0xFD70] =	vst v0  }
0x80: {  	[tilespmem:$0xFD80] =	vst v0  }
0x81: {  	[tilespmem:$0xFD90] =	vst v0  }
0x82: {  	[tilespmem:$0xFDA0] =	vst v0  }
0x83: {  	[tilespmem:$0xFDB0] =	vst v0  }
0x84: {  	[tilespmem:$0xFDC0] =	vst v0  }
0x85: {  	[tilespmem:$0xFDD0] =	vst v0  }
0x86: {  	[tilespmem:$0xFDE0] =	vst v0  }
0x87: {  	[tilespmem:$0xFDF0] =	vst v0  }
0x88: {  	[tilespmem:$0xFE00] =	vst v0  }
0x89: {  	[tilespmem:$0xFE10] =	vst v0  }
0x8a: {  	[tilespmem:$0xFE20] =	vst v0  }
0x8b: {  	[tilespmem:$0xFE30] =	vst v0  }
0x8c: {  	[tilespmem:$0xFE40] =	vst v0  }
0x8d: {  	[tilespmem:$0xFE50] =	vst v0  }
0x8e: {  	[tilespmem:$0xFE60] =	vst v0  }
0x8f: {  	[tilespmem:$0xFE70] =	vst v0  }
0x90: {  	[tilespmem:$0xFE80] =	vst v0  }
0x91: {  	[tilespmem:$0xFE90] =	vst v0  }
0x92: {  	[tilespmem:$0xFEA0] =	vst v0  }
0x93: {  	[tilespmem:$0xFEB0] =	vst v0  }
0x94: {  	[tilespmem:$0xFEC0] =	vst v0  }
0x95: {  	[tilespmem:$0xFED0] =	vst v0  }
0x96: {  	[tilespmem:$0xFEE0] =	vst v0  }
0x97: {  	[tilespmem:$0xFEF0] =	vst v0  }
0x98: {  	[tilespmem:$0xFF00] =	vst v0  }
0x99: {  	[tilespmem:$0xFF10] =	vst v0  }
0x9a: {  	[tilespmem:$0xFF20] =	vst v0  }
0x9b: {  	[tilespmem:$0xFF30] =	vst v0  }
0x9c: {  	[tilespmem:$0xFF40] =	vst v0  }
0x9d: {  	[tilespmem:$0xFF50] =	vst v0  }
0x9e: {  	[tilespmem:$0xFF60] =	vst v0  }
0x9f: {  	[tilespmem:$0xFF70] =	vst v0  }
0xa0: {  	[tilespmem:$0xFF80] =	vst v0  }
0xa1: {  	[tilespmem:$0xFF90] =	vst v0  }
0xa2: {  	[tilespmem:$0xFFA0] =	vst v0  }
0xa3: {  	[tilespmem:$0xFFB0] =	vst v0  }
0xa4: {  	[tilespmem:$0xFFC0] =	vst v0  }
0xa5: {  	[tilespmem:$0xFFD0] =	vst v0  }
0xa6: {  	[tilespmem:$0xFFE0] =	vst v0  }
0xa7: {  	[tilespmem:$0xFFF0] =	vst v0  }
0xa8: {  	[tilespmem:$0x16400] =	vst v0  }
0xa9: {  	[tilespmem:$0x16410] =	vst v0  }
0xaa: {  	[tilespmem:$0x16420] =	vst v0  }
0xab: {  	[tilespmem:$0x16430] =	vst v0  }
0xac: {  	[tilespmem:$0x16440] =	vst v0  }
0xad: {  	[tilespmem:$0x16450] =	vst v0  }
0xae: {  	[tilespmem:$0x16460] =	vst v0  }
0xaf: {  	[tilespmem:$0x16470] =	vst v0  }
0xb0: {  	[tilespmem:$0x16480] =	vst v0  }
0xb1: {  	[tilespmem:$0x16490] =	vst v0  }
0xb2: {  	[tilespmem:$0x164A0] =	vst v0  }
0xb3: {  	[tilespmem:$0x164B0] =	vst v0  }
0xb4: {  	[tilespmem:$0x164C0] =	vst v0  }
0xb5: {  	[tilespmem:$0x164D0] =	vst v0  }
0xb6: {  	[tilespmem:$0x164E0] =	vst v0  }
0xb7: {  	[tilespmem:$0x164F0] =	vst v0  }
0xb8: {  	[tilespmem:$0x16500] =	vst v0  }
0xb9: {  	[tilespmem:$0x16510] =	vst v0  }
0xba: {  	[tilespmem:$0x16520] =	vst v0  }
0xbb: {  	[tilespmem:$0x16530] =	vst v0  }
0xbc: {  	[tilespmem:$0x16540] =	vst v0  }
0xbd: {  	[tilespmem:$0x16550] =	vst v0  }
0xbe: {  	[tilespmem:$0x16560] =	vst v0  }
0xbf: {  	[tilespmem:$0x16570] =	vst v0  }
0xc0: {  	[tilespmem:$0x16580] =	vst v0  }
0xc1: {  	[tilespmem:$0x16590] =	vst v0  }
0xc2: {  	[tilespmem:$0x165A0] =	vst v0  }
0xc3: {  	[tilespmem:$0x165B0] =	vst v0  }
0xc4: {  	[tilespmem:$0x165C0] =	vst v0  }
0xc5: {  	[tilespmem:$0x165D0] =	vst v0  }
0xc6: {  	[tilespmem:$0x165E0] =	vst v0  }
0xc7: {  	[tilespmem:$0x165F0] =	vst v0  }
0xc8: {  	[tilespmem:$0x16600] =	vst v0  }
0xc9: {  	[tilespmem:$0x16610] =	vst v0  }
0xca: {  	[tilespmem:$0x16620] =	vst v0  }
0xcb: {  	[tilespmem:$0x16630] =	vst v0  }
0xcc: {  	[tilespmem:$0x16640] =	vst v0  }
0xcd: {  	[tilespmem:$0x16650] =	vst v0  }
0xce: {  	[tilespmem:$0x16660] =	vst v0  }
0xcf: {  	[tilespmem:$0x16670] =	vst v0  }
0xd0: {  	[tilespmem:$0x16680] =	vst v0  }
0xd1: {  	[tilespmem:$0x16690] =	vst v0  }
0xd2: {  	[tilespmem:$0x166A0] =	vst v0  }
0xd3: {  	[tilespmem:$0x166B0] =	vst v0  }
0xd4: {  	[tilespmem:$0x166C0] =	vst v0  }
0xd5: {  	[tilespmem:$0x166D0] =	vst v0  }
0xd6: {  	[tilespmem:$0x166E0] =	vst v0  }
0xd7: {  	[tilespmem:$0x166F0] =	vst v0  }
0xd8: {  	[tilespmem:$0x16700] =	vst v0  }
0xd9: {  	[tilespmem:$0x16710] =	vst v0  }
0xda: {  	[tilespmem:$0x16720] =	vst v0  }
0xdb: {  	[tilespmem:$0x16730] =	vst v0  }
0xdc: {  	[tilespmem:$0x16740] =	vst v0  }
0xdd: {  	[tilespmem:$0x16750] =	vst v0  }
0xde: {  	[tilespmem:$0x16760] =	vst v0  }
0xdf: {  	[tilespmem:$0x16770] =	vst v0  }
0xe0: {  	[tilespmem:$0x16780] =	vst v0  }
0xe1: {  	[tilespmem:$0x16790] =	vst v0  }
0xe2: {  	[tilespmem:$0x167A0] =	vst v0  }
0xe3: {  	[tilespmem:$0x167B0] =	vst v0  }
0xe4: {  	[tilespmem:$0x167C0] =	vst v0  }
0xe5: {  	[tilespmem:$0x167D0] =	vst v0  }
0xe6: {  	[tilespmem:$0x167E0] =	vst v0  }
0xe7: {  	s29 =	rddreg [dreg:$0x8];
	[tilespmem:$0x167F0] =	vst v0  }
0xe8: {  	[tilespmem:s17], [sflag:$0x1] =	stream.linear.gather [hbm4b:s29+s9], $0x6400, $0x38;
	[tilespmem:$0x16E00] =	vst v63  }
.Ltmp2:
0xe9: {  	_ = 	snop;
	(pc) =	sbr.rel .LBB2_2-.Ltmp2, $4  }
0xea: {  	s30 =	rddreg [dreg:$0x9]  }
0xeb: {  	[tilespmem:s18], [sflag:$0x2] =	stream.linear.gather [hbm4b:s30+s9], $0x6400, $0x38;
	[tilespmem:$0x16E00] =	vst v63  }
0xec: {  	s1 =	simm.s32 $0x10000;
	s25 =	simm.s32 $0x0;
	s31 =	rddreg [dreg:$0xa]  }
0xed: {  	[tilespmem:s1], [sflag:$0x3] =	stream.linear.gather [hbm4b:s31+s9], $0x6400, $0x38;
	[tilespmem:$0x16E00] =	vst v63  }
.LBB2_18:
0xee: {  	s0 =	sshll.u32 s29, $0x5;
	s1 =	sshll.u32 s29, $0x4  }
0xef: {  	s0 =	sand.u32 $0xFFFFF00, s0;
	s1 =	sand.u32 $0x70, s1  }
0xf0: {  	s26 =	rddreg [dreg:$0x4];
	s0 =	sor.u32 s1, s0  }
0xf1: {  	s25 =	sadd.s32 $0x1, s25;
	s1 =	sadd.s32 s26, s0  }
0xf2: {  	[hbm4b:s1+s9] =	stream.linear.scatter [tilespmem:s30], [sflag:$0x4], $0x80, $0x38;
	[tilespmem:$0x16E00] =	vst v63  }
0xf3: {  	s2 =	sadd.s32 $0x16B00, s28;
	p0 =	sne.s32 s25, $0x15;
	s1 =	sadd.s32 $0x80, s1  }
0xf4: {  	[hbm4b:s1+s9] =	stream.linear.scatter [tilespmem:s2], [sflag:$0x4], $0x80, $0x38;
	[tilespmem:$0x16E00] =	vst v63  }
.Ltmp3:
0xf5: {  	s29 =	rddreg [dreg:$0x5];
	(pc) =	sbr.rel @!p0 .LBB2_19-.Ltmp3, $4  }
0xf6: {  	s0 =	sadd.s32 s29, s0;
	s30 =	sadd.s32 $0x16A80, s28  }
0xf7: {  	[hbm4b:s0+s9] =	stream.linear.scatter [tilespmem:s30], [sflag:$0x4], $0x80, $0x38;
	[tilespmem:$0x16E00] =	vst v63  }
0xf8: {  	s31 =	sadd.s32 $0x16B80, s28;
	s0 =	sadd.s32 $0x80, s0  }
0xf9: {  	[hbm4b:s0+s9] =	stream.linear.scatter [tilespmem:s31], [sflag:$0x4], $0x80, $0x38;
	[tilespmem:$0x16E00] =	vst v63  }
.LBB2_2:
0xfa: {  	s0 =	sadd.s32 s10, s25  }
0xfb: {  	s1 =	sshrl.u32 s0, $0x3  }
0xfc: {  	s1 =	smul.u32 $0x3000, s1  }
0xfd: {  	s0 =	sshll.u32 s0, $0x7  }
0xfe: {  	s14 =	sand.u32 $0x380, s0;
	s26 =	sshra.s32 s1, $0x2  }
0xff: {  	s0 =	sor.u32 s14, s26  }
0x100: {  	v3 =	vld [tilespmem:s0+$0x450]  }
0x101: {  	v60 =	vld [tilespmem:s0+$0x460]  }
0x102: {  	v4 =	vld [tilespmem:s0+$0x470]  }
0x103: {  	v5 =	vld [tilespmem:s0+$0x800]  }
0x104: {  	v6 =	vld [tilespmem:s0+$0x810]  }
0x105: {  	v7 =	vld [tilespmem:s0+$0x820]  }
0x106: {  	v8 =	vld [tilespmem:s0+$0x830]  }
0x107: {  	v9 =	vld [tilespmem:s0+$0x840];
	_ =	swait.ge [sflag:s20], $0x6400  }
0x108: {  	[sflag:s20] =	ssyncset.done $0x0  }
0x109: {  	[sflag:s20] =	ssyncadd.s32 $0xFFFF9C00  }
0x10a: {  	_ =	swait.ge [sflag:s21], $0x6400  }
0x10b: {  	[sflag:s21] =	ssyncset.done $0x0  }
0x10c: {  	[sflag:s21] =	ssyncadd.s32 $0xFFFF9C00  }
0x10d: {  	_ =	swait.ge [sflag:s22], $0x6400  }
0x10e: {  	p0 =	slt.u32 s25, $0x2;
	[sflag:s22] =	ssyncset.done $0x0  }
0x10f: {  	s24 =	sadd.s32 s8, s25;
	s0 =	simm.s32 @!p0 $0x4;
	[sflag:s22] =	ssyncadd.s32 $0xFFFF9C00  }
0x110: {  	s29 =	sadd.s32 s5, s25;
	s11 =	sshll.u32 s25, $0x9;
	_ =	swait.ge @!p0 [sflag:s0], $0x100  }
0x111: {  	s12 =	simm.s32 $0x3400;
	s13 =	simm.s32 $0x3000;
	[sflag:s0] =	ssyncset.done @!p0 $0x0  }
0x112: {  	s28 =	sand.u32 $0x200, s11;
	s1 =	smul.u32 $0x6400, s24;
	[sflag:s0] =	ssyncadd.s32 @!p0 $0xFFFFFF00  }
.Ltmp4:
0x113: {  	s11 =	simm.s32 $0x0;
	_ =	swait.ge @!p0 [sflag:s0], $0x100;
	(pc) =	sbr.rel .LBB2_3-.Ltmp4, $4  }
0x114: {  	s30 =	sadd.s32 $0x16A00, s28;
	s1 =	sshrl.u32 s1, $0x3;
	[sflag:s0] =	ssyncset.done @!p0 $0x0  }
0x115: {  	s31 =	sadd.s32 s14, s26;
	s1 =	sadd.s32 $0xC80, s1;
	[sflag:s0] =	ssyncadd.s32 @!p0 $0xFFFFFF00  }
0x116: {  	v22 =	vmov s14;
	s14 =	simm.s32 $0x0;
	s3 =	sadd.s32 s4, s1;
	s2 =	rddreg [dreg:$0x1]  }
0x117: {  	[tilespmem:$0x1FFE0] =	vst v22;
	s0 =	sadd.s32 s7, s1;
	p0 =	seq.s32 s25, $0x14;
	s19 =	sadd.s32 s2, s1  }
.LBB2_13:
0x118: {  	v24 =	vld [tilespmem:s15+$0x6940]  }
0x119: {  	v1 =	vadd.f32 v35, v47;
	v35 =	vld [tilespmem:$0x1FEC0]  }
0x11a: {  	v3 =	vadd.f32 v25, v40;
	v25 =	vld [tilespmem:s15+$0x6950]  }
0x11b: {  	v2 =	vadd.f32 v4, v39;
	v4 =	vld [tilespmem:$0x1FED0]  }
0x11c: {  	v39 =	vld [tilespmem:$0x1FE70]  }
0x11d: {  	v40 =	vld [tilespmem:$0x1FE80]  }
0x11e: {  	v0 =	vadd.f32 v34, v46;
	v46 =	vld [tilespmem:$0x1FE90]  }
0x11f: {  	v47 =	vld [tilespmem:$0x1FEA0];
	v3 =	vadd.f32 v61, v3  }
0x120: {  	v34 =	vld [tilespmem:s15+$0x6870]  }
0x121: {  	v48 =	vld [tilespmem:$0x1FE30];
	v3 =	vadd.f32 v62, v3  }
0x122: {  	v0 =	vadd.f32 v26, v0;
	v26 =	vld [tilespmem:s15+$0x68C0]  }
0x123: {  	v1 =	vadd.f32 v30, v1;
	v30 =	vld [tilespmem:s15+$0x6860];
	v3 =	vadd.f32 v40, v3  }
0x124: {  	v0 =	vadd.f32 v4, v0;
	v4 =	vld [tilespmem:$0x1FEE0]  }
0x125: {  	v3 =	vadd.f32 v49, v3;
	v49 =	vld [tilespmem:$0x1FE40]  }
0x126: {  	v62 =	vld [tilespmem:s15+$0x68E0];
	v2 =	vadd.f32 v35, v2;
	v0 =	vadd.f32 v11, v0  }
0x127: {  	v35 =	vld [tilespmem:s15+$0x68D0]  }
0x128: {  	v2 =	vadd.f32 v10, v2;
	v10 =	vld [tilespmem:s15+$0x6840];
	v0 =	vadd.f32 v46, v0  }
0x129: {  	v34 =	vmul.f32 v34, v38;
	v11 =	vld [tilespmem:s15+$0x6850];
	v1 =	vadd.f32 v4, v1  }
0x12a: {  	v2 =	vadd.f32 v39, v2;
	v39 =	vadd.f32 v49, v0;
	v0 =	vld [tilespmem:$0x1FE50]  }
0x12b: {  	v30 =	vmul.f32 v30, v38;
	v34 =	vadd.f32 v34, v52;
	v52 =	vld [tilespmem:s15+$0x6AE0];
	v1 =	vadd.f32 v63, v1  }
0x12c: {  	v46 =	vmul.f32 v62, v37;
	v62 =	vld [tilespmem:s15+$0x69F0]  }
0x12d: {  	v30 =	vadd.f32 v30, v51;
	v51 =	vmul.f32 v42, v33;
	v42 =	vld [tilespmem:s15+$0x6B70];
	v1 =	vadd.f32 v47, v1  }
0x12e: {  	v2 =	vadd.f32 v48, v2;
	v48 =	vld [tilespmem:s15+$0x6960]  }
0x12f: {  	v61 =	vadd.f32 v0, v1;
	v1 =	vld [tilespmem:$0x1FDE0]  }
0x130: {  	v63 =	vmul.f32 v11, v38;
	v11 =	vld [tilespmem:$0x1FE00]  }
0x131: {  	v0 =	vld [tilespmem:$0x1FDD0]  }
0x132: {  	v49 =	vld [tilespmem:s15+$0x6970]  }
0x133: {  	v35 =	vmul.f32 v35, v37;
	v4 =	vld [tilespmem:$0x1FEB0];
	v53 =	vadd.f32 v63, v53  }
0x134: {  	v25 =	vmul.f32 v25, v36;
	v30 =	vadd.f32 v46, v30;
	v1 =	vadd.f32 v1, v3;
	v3 =	vld [tilespmem:s15+$0x68F0]  }
0x135: {  	v46 =	vld [tilespmem:s15+$0x6A60];
	v63 =	vmul.f32 v48, v36;
	v11 =	vadd.f32 v11, v61;
	v61 =	vadd.f32 v35, v53  }
0x136: {  	v48 =	vmul.f32 v43, v33;
	v43 =	vld [tilespmem:s15+$0x6BE0];
	v0 =	vadd.f32 v0, v2;
	v2 =	vmul.f32 v10, v38  }
0x137: {  	v40 =	vmul.f32 v49, v36;
	v49 =	vld [tilespmem:s15+$0x6A70];
	v25 =	vadd.f32 v25, v61  }
0x138: {  	v26 =	vmul.f32 v26, v37;
	v30 =	vadd.f32 v63, v30;
	v2 =	vadd.f32 v2, v56;
	v56 =	vld [tilespmem:s15+$0x69E0]  }
0x139: {  	v63 =	vmul.f32 v45, v32;
	v10 =	vld [tilespmem:$0x1FDF0];
	v25 =	vadd.f32 v51, v25;
	v3 =	vmul.f32 v3, v37  }
0x13a: {  	v24 =	vmul.f32 v24, v36;
	v36 =	vmul.f32 v52, v29;
	v45 =	vld [tilespmem:s15+$0x6BF0];
	v2 =	vadd.f32 v26, v2  }
0x13b: {  	v52 =	vmul.f32 v43, v27;
	v43 =	vld [tilespmem:s15+$0x6F70];
	v25 =	vadd.f32 v63, v25;
	v3 =	vadd.f32 v3, v34  }
0x13c: {  	v61 =	vld [tilespmem:s15+$0x6AF0];
	v26 =	vmul.f32 v49, v32;
	v49 =	vmul.f32 v42, v28;
	v2 =	vadd.f32 v24, v2  }
0x13d: {  	v51 =	vld [tilespmem:s15+$0x6CE0];
	v53 =	vmul.f32 v56, v33;
	v56 =	vmul.f32 v62, v33;
	v3 =	vadd.f32 v40, v3  }
0x13e: {  	v42 =	vld [tilespmem:s15+$0x6F60];
	v10 =	vadd.f32 v10, v39;
	v62 =	vmul.f32 v44, v32;
	v44 =	vmul.f32 v41, v29  }
0x13f: {  	v2 =	vadd.f32 v48, v2;
	v40 =	vld [tilespmem:s15+$0x6B60];
	v3 =	vadd.f32 v56, v3  }
0x140: {  	v37 =	vmul.f32 v46, v32;
	v46 =	vld [tilespmem:s15+$0x6C60];
	v30 =	vadd.f32 v53, v30;
	v25 =	vadd.f32 v44, v25  }
0x141: {  	v39 =	vld [tilespmem:s15+$0x6EE0];
	v24 =	vmul.f32 v61, v29;
	v2 =	vadd.f32 v62, v2;
	v3 =	vadd.f32 v26, v3  }
0x142: {  	v48 =	vld [tilespmem:s15+$0x6C70];
	v30 =	vadd.f32 v37, v30;
	v21 =	vadd.f32 v21, v25  }
0x143: {  	v61 =	vmul.f32 v45, v27;
	v45 =	vld [tilespmem:s15+$0x6FE0];
	v2 =	vadd.f32 v31, v2;
	v3 =	vadd.f32 v24, v3  }
0x144: {  	v56 =	vld [tilespmem:s15+$0x6CF0];
	v30 =	vadd.f32 v36, v30;
	v17 =	vadd.f32 v17, v21;
	v47 =	vmul.f32 v40, v28  }
0x145: {  	v33 =	vld [tilespmem:s15+$0x6DE0];
	v2 =	vadd.f32 v20, v2;
	v3 =	vadd.f32 v49, v3  }
0x146: {  	v17 =	vadd.f32 v55, v17;
	v53 =	vadd.f32 v47, v30;
	v30 =	vld [tilespmem:s15+$0x6D70]  }
0x147: {  	v34 =	vld [tilespmem:s15+$0x6DF0];
	v32 =	vmul.f32 v48, v23;
	v3 =	vadd.f32 v61, v3  }
0x148: {  	v62 =	vld [tilespmem:s15+$0x6D60];
	v63 =	vmul.f32 v46, v23;
	v2 =	vadd.f32 v16, v2;
	v17 =	vadd.f32 v59, v17  }
0x149: {  	v37 =	vld [tilespmem:s15+$0x6E70];
	v35 =	vmul.f32 v56, v22;
	v25 =	vadd.f32 v52, v53;
	v3 =	vadd.f32 v32, v3  }
0x14a: {  	v36 =	vld [tilespmem:s15+$0x6E60];
	v20 =	vmul.f32 v51, v22;
	v2 =	vadd.f32 v60, v2;
	v17 =	vadd.f32 v54, v17  }
0x14b: {  	v48 =	vld [tilespmem:s15+$0x6FF0];
	v21 =	vadd.f32 v63, v25;
	v38 =	vmul.f32 v30, v19;
	v3 =	vadd.f32 v35, v3  }
0x14c: {  	v41 =	vmul.f32 v34, v18;
	v40 =	vld [tilespmem:s15+$0x6EF0];
	v2 =	vadd.f32 v58, v2;
	v17 =	vadd.f32 v8, v17  }
0x14d: {  	v55 =	vld [tilespmem:$0x1FE10];
	v16 =	vmul.f32 v62, v19;
	v20 =	vadd.f32 v20, v21;
	v3 =	vadd.f32 v38, v3  }
0x14e: {  	v24 =	vmul.f32 v33, v18;
	v56 =	vld [tilespmem:$0x1FE20];
	v2 =	vadd.f32 v9, v2;
	v17 =	vadd.f32 v6, v17  }
0x14f: {  	v44 =	vmul.f32 v37, v15;
	v52 =	vld [tilespmem:$0x1FE60];
	v16 =	vadd.f32 v16, v20;
	v3 =	vadd.f32 v41, v3  }
0x150: {  	v59 =	vld [tilespmem:$0x1FFD0];
	v23 =	vmul.f32 v36, v15;
	v2 =	vadd.f32 v7, v2;
	v17 =	vadd.f32 v57, v17  }
0x151: {  	v47 =	vmul.f32 v40, v14;
	v57 =	vld [tilespmem:$0x1FDB0];
	v16 =	vadd.f32 v24, v16;
	v3 =	vadd.f32 v44, v3  }
0x152: {  	v46 =	vmul.f32 v39, v14;
	v51 =	vmul.f32 v43, v13;
	v58 =	vld [tilespmem:$0x1FDC0];
	v2 =	vadd.f32 v5, v2  }
0x153: {  	v49 =	vmul.f32 v42, v13;
	v8 =	vld [tilespmem:$0x1FFA0];
	v16 =	vadd.f32 v23, v16;
	v3 =	vadd.f32 v47, v3  }
0x154: {  	v53 =	vmul.f32 v45, v12;
	v6 =	vld [tilespmem:$0x1FF80];
	v17 =	vadd.f32 v52, v17;
	v2 =	vadd.f32 v4, v2  }
0x155: {  	v54 =	vmul.f32 v48, v12;
	v5 =	vld [tilespmem:$0x1FF70];
	v16 =	vadd.f32 v46, v16;
	v3 =	vadd.f32 v51, v3  }
0x156: {  	v4 =	vld [tilespmem:$0x1FF60];
	v15 =	vadd.f32 v56, v17;
	v2 =	vadd.f32 v50, v2;
	v0 =	vmul.f32 v0, v57  }
0x157: {  	v7 =	vld [tilespmem:$0x1FF90];
	v1 =	vmul.f32 v1, v57;
	v14 =	vadd.f32 v49, v16;
	v3 =	vadd.f32 v54, v3  }
0x158: {  	v9 =	vld [tilespmem:$0x1FFB0];
	v10 =	vmul.f32 v10, v57;
	v2 =	vadd.f32 v55, v2;
	v12 =	vadd.f32 v0, v58  }
0x159: {  	v0 =	vmul.f32 v11, v57;
	v13 =	vadd.f32 v53, v14;
	v3 =	vmul.f32 v3, v57  }
0x15a: {  	v60 =	vadd.f32 v1, v59;
	v1 =	vmul.f32 v2, v57;
	v2 =	vmul.f32 v15, v57  }
0x15b: {  	v4 =	vadd.f32 v10, v4;
	v5 =	vadd.f32 v0, v5;
	v0 =	vmul.f32 v13, v57  }
0x15c: {  	v6 =	vadd.f32 v1, v6;
	v7 =	vadd.f32 v2, v7  }
0x15d: {  	v2 =	vld [tilespmem:$0x1FFF0];
	v8 =	vadd.f32 v0, v8;
	v9 =	vadd.f32 v3, v9;
	v3 =	vmov v12  }
.LBB2_17:
0x15e: {  	s14 =	sadd.s32 $0x1, s14  }
0x15f: {  	p1 =	sne.s32 s14, $0x3  }
.Ltmp5:
0x160: {  	_ = 	snop;
	(pc) =	sbr.rel @!p1 .LBB2_18-.Ltmp5, $2  }
0x161: {  	_ =	sdelay $0x2  }
0x162: {  	s12 =	sadd.s32 $0x6800, s12;
	s13 =	sadd.s32 $0x6800, s13  }
.LBB2_3:
0x163: {  	v1 =	vld [tilespmem:s12+$0x380]  }
0x164: {  	v12 =	vld [tilespmem:s12+$0x390]  }
0x165: {  	v0 =	vld [tilespmem:s12+$0x3B0]  }
0x166: {  	v13 =	vld [tilespmem:s12+$0x300]  }
0x167: {  	v15 =	vld [tilespmem:s12+$0x310]  }
0x168: {  	v16 =	vld [tilespmem:s12+$0x320]  }
0x169: {  	v17 =	vld [tilespmem:s12+$0x330]  }
0x16a: {  	v18 =	vld [tilespmem:s12+$0x340]  }
0x16b: {  	v19 =	vld [tilespmem:s12+$0x350]  }
0x16c: {  	v20 =	vld [tilespmem:s12+$0x360]  }
0x16d: {  	v21 =	vld [tilespmem:s12+$0x370]  }
0x16e: {  	v22 =	vld [tilespmem:s12+$0x280]  }
0x16f: {  	v23 =	vld [tilespmem:s12+$0x290]  }
0x170: {  	v24 =	vld [tilespmem:s12+$0x2A0]  }
0x171: {  	v25 =	vld [tilespmem:s12+$0x2B0]  }
0x172: {  	v26 =	vld [tilespmem:s12+$0x200]  }
0x173: {  	v27 =	vld [tilespmem:s12+$0x210]  }
0x174: {  	v28 =	vld [tilespmem:s12+$0x220]  }
0x175: {  	v29 =	vld [tilespmem:s12+$0x230]  }
0x176: {  	v30 =	vld [tilespmem:s12+$0x240]  }
0x177: {  	v31 =	vld [tilespmem:s12+$0x250]  }
0x178: {  	v32 =	vld [tilespmem:s12+$0x260]  }
0x179: {  	v33 =	vld [tilespmem:s12+$0x270]  }
0x17a: {  	v34 =	vld [tilespmem:s12+$0x180]  }
0x17b: {  	v35 =	vld [tilespmem:s12+$0x190]  }
0x17c: {  	v36 =	vld [tilespmem:s12+$0x1A0]  }
0x17d: {  	v37 =	vld [tilespmem:s12+$0x1B0]  }
0x17e: {  	v38 =	vld [tilespmem:s12+$0x1C0]  }
0x17f: {  	v39 =	vld [tilespmem:s12+$0x1D0]  }
0x180: {  	v40 =	vld [tilespmem:s12+$0x1E0]  }
0x181: {  	v41 =	vld [tilespmem:s12+$0x1F0]  }
0x182: {  	v42 =	vld [tilespmem:s12+$0x100]  }
0x183: {  	v43 =	vld [tilespmem:s12+$0x110]  }
0x184: {  	v44 =	vld [tilespmem:s12+$0x120]  }
0x185: {  	v45 =	vld [tilespmem:s12+$0x130]  }
0x186: {  	v10 =	vld [tilespmem:s12+$0x140]  }
0x187: {  	v46 =	vld [tilespmem:s12+$0x80]  }
0x188: {  	v47 =	vld [tilespmem:s12+$0x90]  }
0x189: {  	v48 =	vld [tilespmem:s12+$0xA0]  }
0x18a: {  	v49 =	vld [tilespmem:s12+$0xB0]  }
0x18b: {  	v50 =	vld [tilespmem:s12+$0xC0]  }
0x18c: {  	v51 =	vld [tilespmem:s12+$0xD0]  }
0x18d: {  	v52 =	vld [tilespmem:s12+$0xE0]  }
0x18e: {  	v53 =	vld [tilespmem:s12+$0xF0]  }
0x18f: {  	v54 =	vld [tilespmem:s12+$0x0]  }
0x190: {  	v55 =	vld [tilespmem:s12+$0x10]  }
0x191: {  	v56 =	vld [tilespmem:s12+$0x20]  }
0x192: {  	v57 =	vld [tilespmem:s12+$0x30]  }
0x193: {  	v58 =	vld [tilespmem:s12+$0x40]  }
0x194: {  	v59 =	vld [tilespmem:s12+$0x50]  }
0x195: {  	[tilespmem:$0x1FFD0] =	vst v60;
	v61 =	vld [tilespmem:s12+$0x70]  }
0x196: {  	[tilespmem:$0x1FFC0] =	vst v0;
	v13 =	vmul.f32 v13, v3;
	v15 =	vmul.f32 v15, v60;
	v0 =	vld [tilespmem:$0x1FFD0]  }
0x197: {  	v62 =	vld [tilespmem:s12+$0xFFFFFF80];
	v16 =	vmul.f32 v16, v4;
	v17 =	vmul.f32 v17, v5  }
0x198: {  	v63 =	vld [tilespmem:s12+$0xFFFFFFB0];
	v18 =	vmul.f32 v18, v6;
	v19 =	vmul.f32 v19, v7  }
0x199: {  	v60 =	vld [tilespmem:s12+$0x60];
	v20 =	vmul.f32 v20, v8;
	v21 =	vmul.f32 v21, v9;
	v13 =	vadd.f32 v15, v13  }
0x19a: {  	v15 =	vadd.f32 v17, v16;
	v16 =	vadd.f32 v19, v18;
	v19 =	vld [tilespmem:s12+$0xFFFFFF90]  }
0x19b: {  	v1 =	vmul.f32 v1, v3;
	v17 =	vadd.f32 v21, v20;
	v12 =	vmul.f32 v12, v0;
	v0 =	vld [tilespmem:$0x1FFD0]  }
0x19c: {  	v21 =	vld [tilespmem:s12+$0xFFFFFFA0];
	v13 =	vadd.f32 v15, v13  }
0x19d: {  	v16 =	vadd.f32 v17, v16;
	v1 =	vadd.f32 v12, v1;
	v12 =	vld [tilespmem:$0x1FFD0]  }
0x19e: {  	v15 =	vld [tilespmem:s12+$0xFFFFFFC0]  }
0x19f: {  	v18 =	vadd.f32 v16, v13;
	v16 =	vmul.f32 v26, v3;
	v26 =	vld [tilespmem:s12+$0xFFFFFF10]  }
0x1a0: {  	v17 =	vmul.f32 v22, v3;
	v20 =	vmul.f32 v23, v0;
	v0 =	vld [tilespmem:s12+$0xFFFFFF00]  }
0x1a1: {  	v23 =	vmul.f32 v25, v5;
	v25 =	vmul.f32 v33, v9;
	v33 =	vld [tilespmem:s12+$0xFFFFFF60]  }
0x1a2: {  	v22 =	vmul.f32 v24, v4;
	v24 =	vmul.f32 v27, v12;
	v27 =	vld [tilespmem:s12+$0xFFFFFF20]  }
0x1a3: {  	v12 =	vadd.f32 v20, v17;
	v17 =	vmul.f32 v28, v4;
	v28 =	vld [tilespmem:s12+$0xFFFFFF30]  }
0x1a4: {  	v20 =	vmul.f32 v29, v5;
	v29 =	vld [tilespmem:s12+$0xFFFFFF40]  }
0x1a5: {  	v13 =	vadd.f32 v23, v22;
	v22 =	vmul.f32 v30, v6;
	v30 =	vld [tilespmem:$0x1FFD0]  }
0x1a6: {  	v23 =	vmul.f32 v31, v7;
	v31 =	vld [tilespmem:s12+$0xFFFFFF50]  }
0x1a7: {  	v16 =	vadd.f32 v24, v16;
	v24 =	vmul.f32 v32, v8;
	v32 =	vmul.f32 v37, v5;
	v37 =	vld [tilespmem:s12+$0xFFFFFE80]  }
0x1a8: {  	v41 =	vmul.f32 v41, v9;
	v22 =	vadd.f32 v23, v22;
	v23 =	vmul.f32 v36, v4;
	v36 =	vld [tilespmem:s12+$0xFFFFFEB0]  }
0x1a9: {  	v17 =	vadd.f32 v20, v17;
	v20 =	vmul.f32 v34, v3;
	v34 =	vmul.f32 v39, v7;
	v39 =	vld [tilespmem:s12+$0xFFFFFEC0]  }
0x1aa: {  	v24 =	vadd.f32 v25, v24;
	v25 =	vmul.f32 v38, v6;
	v23 =	vadd.f32 v32, v23;
	v32 =	vld [tilespmem:s12+$0xFFFFFEA0]  }
0x1ab: {  	v16 =	vadd.f32 v17, v16;
	v17 =	vmul.f32 v40, v8;
	v30 =	vmul.f32 v35, v30;
	v35 =	vld [tilespmem:s12+$0xFFFFFF70]  }
0x1ac: {  	v22 =	vadd.f32 v24, v22;
	v24 =	vadd.f32 v34, v25;
	v25 =	vmul.f32 v42, v3;
	v42 =	vld [tilespmem:$0x1FFD0]  }
0x1ad: {  	v27 =	vmul.f32 v27, v4;
	v28 =	vmul.f32 v28, v5;
	v17 =	vadd.f32 v41, v17;
	v41 =	vld [tilespmem:s12+$0xFFFFFED0]  }
0x1ae: {  	v29 =	vmul.f32 v29, v6;
	v31 =	vmul.f32 v31, v7;
	v20 =	vadd.f32 v30, v20;
	v30 =	vld [tilespmem:s12+$0xFFFFFE90]  }
0x1af: {  	v27 =	vadd.f32 v28, v27;
	v28 =	vld [tilespmem:s12+$0xFFFFFD10]  }
0x1b0: {  	v38 =	vmul.f32 v45, v5;
	v29 =	vadd.f32 v31, v29;
	v31 =	vld [tilespmem:s12+$0xFFFFFD20];
	v17 =	vadd.f32 v17, v24  }
0x1b1: {  	v24 =	vmul.f32 v46, v3;
	v46 =	vld [tilespmem:$0x1FFD0];
	v20 =	vadd.f32 v23, v20;
	v23 =	vmul.f32 v44, v4  }
0x1b2: {  	v36 =	vmul.f32 v36, v5;
	v44 =	vld [tilespmem:s12+$0xFFFFFEE0]  }
0x1b3: {  	v32 =	vmul.f32 v32, v4;
	v20 =	vadd.f32 v17, v20;
	v17 =	vadd.f32 v38, v23;
	v38 =	vld [tilespmem:s12+$0xFFFFFE00]  }
0x1b4: {  	v33 =	vmul.f32 v33, v8;
	v35 =	vmul.f32 v35, v9;
	v23 =	vld [tilespmem:$0x1FFD0]  }
0x1b5: {  	v34 =	vmul.f32 v43, v42;
	v42 =	vmul.f32 v48, v4;
	v32 =	vadd.f32 v36, v32;
	v36 =	vld [tilespmem:s12+$0xFFFFFD60]  }
0x1b6: {  	v22 =	vadd.f32 v22, v16;
	v43 =	vmul.f32 v49, v5;
	v48 =	vmul.f32 v54, v3;
	v54 =	vld [tilespmem:s12+$0xFFFFFC60]  }
0x1b7: {  	v45 =	vmul.f32 v50, v6;
	v33 =	vadd.f32 v35, v33;
	v16 =	vadd.f32 v34, v25;
	v34 =	vld [tilespmem:s12+$0xFFFFFEF0]  }
0x1b8: {  	v40 =	vmul.f32 v47, v46;
	v46 =	vmul.f32 v51, v7;
	v42 =	vadd.f32 v43, v42;
	v43 =	vld [tilespmem:s12+$0xFFFFFE20]  }
0x1b9: {  	v25 =	vmul.f32 v52, v8;
	v47 =	vmul.f32 v53, v9;
	v29 =	vadd.f32 v33, v29;
	v33 =	vld [tilespmem:s12+$0xFFFFFD50]  }
0x1ba: {  	v52 =	vmul.f32 v58, v6;
	v53 =	vmul.f32 v59, v7;
	v24 =	vadd.f32 v40, v24;
	v40 =	vld [tilespmem:s12+$0xFFFFFE10]  }
0x1bb: {  	v50 =	vmul.f32 v56, v4;
	v51 =	vmul.f32 v57, v5;
	v45 =	vadd.f32 v46, v45;
	v46 =	vld [tilespmem:s12+$0xFFFFFE30]  }
0x1bc: {  	v58 =	vmul.f32 v61, v9;
	v61 =	vadd.f32 v53, v52;
	v52 =	vld [tilespmem:s12+$0xFFFFFD90]  }
0x1bd: {  	v57 =	vmul.f32 v60, v8;
	v60 =	vadd.f32 v51, v50;
	v51 =	vld [tilespmem:s12+$0xFFFFFDC0]  }
0x1be: {  	v25 =	vadd.f32 v47, v25;
	v47 =	vld [tilespmem:s12+$0xFFFFFDE0]  }
0x1bf: {  	v50 =	vld [tilespmem:s12+$0xFFFFFDF0]  }
0x1c0: {  	v49 =	vmul.f32 v55, v23;
	v23 =	vld [tilespmem:s12+$0xFFFFFE40]  }
0x1c1: {  	v55 =	vld [tilespmem:s12+$0xFFFFFD30]  }
0x1c2: {  	v56 =	vadd.f32 v58, v57;
	v24 =	vadd.f32 v42, v24;
	v42 =	vld [tilespmem:s12+$0xFFFFFDA0]  }
0x1c3: {  	v39 =	vmul.f32 v39, v6;
	v41 =	vmul.f32 v41, v7;
	v25 =	vadd.f32 v25, v45;
	v45 =	vld [tilespmem:s12+$0xFFFFFDD0]  }
0x1c4: {  	v58 =	vadd.f32 v56, v61;
	v61 =	vmul.f32 v63, v5;
	v63 =	vld [tilespmem:$0x1FFD0]  }
0x1c5: {  	v56 =	vadd.f32 v41, v39;
	v39 =	vld [tilespmem:s12+$0xFFFFFD70]  }
0x1c6: {  	v21 =	vmul.f32 v21, v4;
	v59 =	vadd.f32 v49, v48;
	v49 =	vld [tilespmem:s12+$0xFFFFFD80]  }
0x1c7: {  	v48 =	vld [tilespmem:s12+$0xFFFFFDB0]  }
0x1c8: {  	v21 =	vadd.f32 v61, v21;
	v61 =	vld [tilespmem:$0x1FFD0]  }
0x1c9: {  	v0 =	vmul.f32 v0, v3;
	v57 =	vadd.f32 v60, v59;
	v60 =	vld [tilespmem:$0x1FFD0]  }
0x1ca: {  	v44 =	vmul.f32 v44, v8;
	v59 =	vmul.f32 v62, v3;
	v62 =	vld [tilespmem:$0x1FFD0]  }
0x1cb: {  	v34 =	vmul.f32 v34, v9;
	v35 =	vmul.f32 v55, v5;
	v55 =	vld [tilespmem:s12+$0xFFFFFC70]  }
0x1cc: {  	v37 =	vmul.f32 v37, v3;
	v25 =	vadd.f32 v25, v24;
	v24 =	vadd.f32 v58, v57;
	v57 =	vld [tilespmem:$0x1FFD0]  }
0x1cd: {  	v34 =	vadd.f32 v34, v44;
	v47 =	vmul.f32 v47, v8;
	v58 =	vmul.f32 v43, v4;
	v43 =	vld [tilespmem:s12+$0xFFFFFC50]  }
0x1ce: {  	v50 =	vmul.f32 v50, v9;
	v30 =	vmul.f32 v30, v63;
	v63 =	vld [tilespmem:$0x1FFD0]  }
0x1cf: {  	v31 =	vmul.f32 v31, v4;
	v38 =	vmul.f32 v38, v3;
	v34 =	vadd.f32 v34, v56;
	v56 =	vld [tilespmem:s12+$0xFFFFFC80]  }
0x1d0: {  	v36 =	vmul.f32 v36, v8;
	v47 =	vadd.f32 v50, v47;
	v50 =	vld [tilespmem:s12+$0xFFFFFC90];
	v30 =	vadd.f32 v30, v37  }
0x1d1: {  	v53 =	vmul.f32 v54, v8;
	v37 =	vld [tilespmem:s12+$0xFFFFFC10];
	v26 =	vmul.f32 v26, v62  }
0x1d2: {  	v33 =	vmul.f32 v33, v7;
	v19 =	vmul.f32 v19, v60;
	v30 =	vadd.f32 v32, v30;
	v32 =	vld [tilespmem:s12+$0xFFFFFC00]  }
0x1d3: {  	v45 =	vmul.f32 v45, v7;
	v62 =	vmul.f32 v51, v6;
	v0 =	vadd.f32 v26, v0;
	v26 =	vld [tilespmem:s12+$0xFFFFFD00]  }
0x1d4: {  	v19 =	vadd.f32 v19, v59;
	v59 =	vmul.f32 v46, v5;
	v46 =	vmul.f32 v52, v61;
	v61 =	vld [tilespmem:$0x1FFD0]  }
0x1d5: {  	v42 =	vmul.f32 v42, v4;
	v39 =	vmul.f32 v39, v9;
	v0 =	vadd.f32 v27, v0;
	v27 =	vld [tilespmem:s12+$0xFFFFFD40]  }
0x1d6: {  	v48 =	vmul.f32 v48, v5;
	v60 =	vmul.f32 v49, v3;
	v45 =	vadd.f32 v45, v62;
	v62 =	vld [tilespmem:s12+$0xFFFFFCD0]  }
0x1d7: {  	v40 =	vmul.f32 v40, v57;
	v28 =	vmul.f32 v28, v63;
	v63 =	vld [tilespmem:s12+$0xFFFFFCE0]  }
0x1d8: {  	v42 =	vadd.f32 v48, v42;
	v54 =	vmul.f32 v55, v9;
	v30 =	vadd.f32 v34, v30;
	v34 =	vld [tilespmem:s12+$0xFFFFFC30]  }
0x1d9: {  	v57 =	vadd.f32 v39, v36;
	v52 =	vld [tilespmem:s12+$0xFFFFFCF0];
	v38 =	vadd.f32 v40, v38;
	v26 =	vmul.f32 v26, v3  }
0x1da: {  	v41 =	vadd.f32 v59, v58;
	v0 =	vadd.f32 v29, v0;
	v29 =	vld [tilespmem:s12+$0xFFFFFC20];
	v27 =	vmul.f32 v27, v6  }
0x1db: {  	v51 =	vmul.f32 v43, v7;
	v40 =	vld [tilespmem:s12+$0xFFFFFC40];
	v44 =	vadd.f32 v46, v60;
	v26 =	vadd.f32 v28, v26  }
0x1dc: {  	v56 =	vmul.f32 v56, v3;
	v28 =	vadd.f32 v35, v31;
	v31 =	vld [tilespmem:s12+$0xFFFFFCA0];
	v27 =	vadd.f32 v33, v27  }
0x1dd: {  	v59 =	vadd.f32 v47, v45;
	v58 =	vadd.f32 v42, v44;
	v34 =	vmul.f32 v34, v5;
	v35 =	vld [tilespmem:s12+$0xFFFFFCB0]  }
0x1de: {  	v60 =	vld [tilespmem:s12+$0xFFFFFCC0];
	v26 =	vadd.f32 v28, v26;
	v28 =	vmul.f32 v32, v3;
	v27 =	vadd.f32 v57, v27  }
0x1df: {  	(xrf2) =	vadd.scan.msk.f32 $0xffff, v18;
	v18 =	vadd.f32 v54, v53;
	v32 =	vmul.f32 v37, v61;
	v29 =	vmul.f32 v29, v4;
	v57 =	vld [tilespmem:$0x1FFD0]  }
0x1e0: {  	(xrf2) =	vadd.scan.msk.f32 $0xffff, v22;
	v55 =	vld [tilespmem:s12+$0xFFFFFE50];
	v36 =	vadd.f32 v59, v58;
	v26 =	vadd.f32 v27, v26;
	v27 =	vmul.f32 v40, v6  }
0x1e1: {  	(xrf2) =	vadd.scan.msk.f32 $0xffff, v20;
	v20 =	vmul.f32 v63, v8;
	v58 =	vld [tilespmem:s12+$0xFFFFFE60];
	v28 =	vadd.f32 v32, v28;
	v29 =	vadd.f32 v34, v29  }
0x1e2: {  	v59 =	vld [tilespmem:s12+$0xFFFFFE70];
	v31 =	vmul.f32 v31, v4;
	v35 =	vmul.f32 v35, v5;
	v27 =	vadd.f32 v51, v27  }
0x1e3: {  	v61 =	vld [tilespmem:s12+$0xFFFFFFE0];
	v22 =	vadd.f32 v29, v28;
	v28 =	vmul.f32 v60, v6;
	v29 =	vmul.f32 v62, v7  }
0x1e4: {  	(xrf2) =	vadd.scan.msk.f32 $0xffff, v25;
	v62 =	vld [tilespmem:s12+$0xFFFFFFF0];
	v44 =	vmul.f32 v50, v57;
	v18 =	vadd.f32 v18, v27;
	v27 =	vmul.f32 v52, v9  }
0x1e5: {  	v23 =	vmul.f32 v23, v6;
	(xrf2) =	vadd.scan.msk.f32 $0xffff, v24;
	v60 =	vld [tilespmem:s12+$0xFFFFFFD0];
	v31 =	vadd.f32 v35, v31;
	v24 =	vadd.f32 v29, v28  }
0x1e6: {  	(xrf2) =	vadd.scan.msk.f32 $0xffff, v0;
	v28 =	vld [tilespmem:s12+$0x150];
	v25 =	vadd.f32 v44, v56;
	v20 =	vadd.f32 v27, v20;
	v27 =	vmul.f32 v55, v7  }
0x1e7: {  	(xrf2) =	vadd.scan.msk.f32 $0xffff, v30;
	v29 =	vld [tilespmem:s12+$0x160];
	v0 =	vadd.f32 v18, v22;
	v18 =	vmul.f32 v58, v8;
	v22 =	vmul.f32 v59, v9  }
0x1e8: {  	v15 =	vmul.f32 v15, v6;
	(xrf2) =	vadd.scan.msk.f32 $0xffff, v36;
	v25 =	vadd.f32 v31, v25;
	v20 =	vadd.f32 v20, v24;
	v24 =	vld [tilespmem:s12+$0x170]  }
0x1e9: {  	v11 =	vld [tilespmem:s12+$0x2C0];
	(xrf2) =	vadd.scan.msk.f32 $0xffff, v26;
	v26 =	vmul.f32 v62, v9;
	v23 =	vadd.f32 v27, v23;
	v18 =	vadd.f32 v22, v18  }
0x1ea: {  	v30 =	vld [tilespmem:s12+$0x2E0];
	v22 =	vmul.f32 v60, v7;
	v20 =	vadd.f32 v20, v25;
	v25 =	vmul.f32 v61, v8  }
0x1eb: {  	v10 =	vmul.f32 v10, v6;
	(xrf2) =	vadd.scan.msk.f32 $0xffff, v0;
	v0 =	vadd.f32 v41, v38;
	v18 =	vadd.f32 v18, v23;
	v23 =	vld [tilespmem:s12+$0x2F0]  }
0x1ec: {  	v27 =	vld [tilespmem:s12+$0x2D0];
	v15 =	vadd.f32 v22, v15;
	v22 =	vadd.f32 v26, v25;
	v25 =	vmul.f32 v28, v7  }
0x1ed: {  	v31, _, _ =	vpop (xrf2);
	v0 =	vadd.f32 v18, v0;
	v18 =	vmul.f32 v29, v8;
	v24 =	vmul.f32 v24, v9  }
0x1ee: {  	v19 =	vadd.f32 v21, v19;
	(xrf2) =	vadd.scan.msk.f32 $0xffff, v20;
	v20, _, _ =	vpop (xrf2);
	v15 =	vadd.f32 v22, v15  }
0x1ef: {  	v21 =	vld [tilespmem:s12+$0x3E0];
	v10 =	vadd.f32 v25, v10;
	v29, _, _ =	vpop (xrf2);
	v18 =	vadd.f32 v24, v18  }
0x1f0: {  	v25 =	vld [tilespmem:s12+$0x3F0];
	v23 =	vmul.f32 v23, v9;
	v22, _, _ =	vpop (xrf2);
	v15 =	vadd.f32 v15, v19;
	v19 =	vmul.f32 v30, v8  }
0x1f1: {  	v14 =	vld [tilespmem:s12+$0x3A0];
	v11 =	vmul.f32 v11, v6;
	(xrf2) =	vadd.scan.msk.f32 $0xffff, v0;
	v24 =	vmul.f32 v27, v7;
	v0, _, _ =	vpop (xrf2)  }
0x1f2: {  	v16 =	vadd.f32 v17, v16;
	v17 =	vld [tilespmem:$0x1FFC0];
	v27, _, _ =	vpop (xrf2);
	v19 =	vadd.f32 v23, v19  }
0x1f3: {  	v26 =	vld [tilespmem:s12+$0x3C0];
	v10 =	vadd.f32 v18, v10;
	v11 =	vadd.f32 v24, v11;
	v18, _, _ =	vpop (xrf2)  }
0x1f4: {  	v12 =	vadd.f32 v13, v12;
	v21 =	vmul.f32 v21, v8;
	v28 =	vld [tilespmem:s12+$0x3D0];
	(xrf2) =	vadd.scan.msk.f32 $0xffff, v15;
	v15, _, _ =	vpop (xrf2)  }
0x1f5: {  	v10 =	vadd.f32 v10, v16;
	v13 =	vmul.f32 v25, v9;
	v11 =	vadd.f32 v19, v11;
	v24, _, _ =	vpop (xrf2)  }
0x1f6: {  	v14 =	vmul.f32 v14, v4;
	v19, _, _ =	vpop (xrf2)  }
0x1f7: {  	(xrf2) =	vadd.scan.msk.f32 $0xffff, v10;
	v10 =	vadd.f32 v11, v12;
	v11 =	vadd.f32 v13, v21;
	v13 =	vbroadcast v19, $0xF  }
0x1f8: {  	v17 =	vmul.f32 v17, v5;
	v23 =	vmul.f32 v26, v6;
	v12, _, _ =	vpop (xrf2)  }
0x1f9: {  	v16 =	vmul.f32 v28, v7;
	v12 =	vbroadcast v12, $0xF;
	_ =	sdelay $0x1  }
0x1fa: {  	v14 =	vadd.f32 v17, v14;
	v16 =	vadd.f32 v16, v23;
	(xrf2) =	vadd.scan.msk.f32 $0xffff, v10;
	v10 =	vsel vm0, v13, v12;
	v13, _, _ =	vpop (xrf2)  }
0x1fb: {  	v17 =	vbroadcast v24, $0xF;
	v13 =	vbroadcast v13, $0xF  }
0x1fc: {  	v1 =	vadd.f32 v14, v1;
	v11 =	vadd.f32 v11, v16;
	v12 =	vbroadcast v15, $0xF  }
0x1fd: {  	v10 =	vsel vm1, v10, v17  }
0x1fe: {  	v1 =	vadd.f32 v11, v1;
	v11 =	vbroadcast v18, $0xF;
	v10 =	vsel vm2, v10, v12  }
0x1ff: {  	v12 =	vbroadcast v27, $0xF;
	v10 =	vsel vm3, v10, v13;
	v13, _, _ =	vpop (xrf2)  }
0x200: {  	(xrf2) =	vadd.scan.msk.f32 $0xffff, v1;
	v1 =	vsel vm4, v10, v11;
	v10 =	vbroadcast v13, $0xF  }
0x201: {  	v0 =	vbroadcast v0, $0xF;
	v1 =	vsel vm5, v1, v12  }
0x202: {  	v11, _, _ =	vpop (xrf2);
	v1 =	vsel vm6, v1, v10;
	v10 =	vbroadcast v22, $0xF  }
0x203: {  	v0 =	vsel vm7, v1, v0;
	v1 =	vbroadcast v11, $0xF  }
0x204: {  	s1 =	sand.u32 $0x1000, s11;
	v0 =	vsel vm8, v0, v10;
	v10 =	vbroadcast v29, $0xF  }
0x205: {  	s1 =	sshrl.u32 s1, $0x2;
	v0 =	vsel vm9, v0, v1;
	v1 =	vbroadcast v20, $0xF  }
0x206: {  	s15 =	sand.u32 $0x70, s11;
	s1 =	sadd.s32 s1, s31;
	v0 =	vsel vm10, v0, v10  }
0x207: {  	s1 =	sadd.s32 s15, s1;
	v11, _, _ =	vpop (xrf2);
	v0 =	vsel vm11, v0, v1;
	v1 =	vbroadcast v31, $0xF  }
0x208: {  	v10 =	vbroadcast v11, $0xF;
	v11 =	vld [tilespmem:s1+$0x0];
	_ =	sdelay $0x1  }
0x209: {  	v0 =	vsel vm12, v0, v10  }
0x20a: {  	v0 =	vsel vm13, v0, v1;
	v1, _, _ =	vpop (xrf2)  }
0x20b: {  	v0 =	vsel vm14, v0, v1  }
0x20c: {  	v1 =	vmov s11;
	v0 =	vmul.f32 v0, v11  }
0x20d: {  	vm15 =	vlt.u32 v1, v2  }
0x20e: {  	s15 =	simm.s32 $0x16800;
	v0 =	vnsel vm15, $0xF149F2CA, v0  }
0x20f: {  	s16 =	sadd.s32 $0x800, s12;
	v63 =	vld [tilespmem:$0x1FFD0];
	[tilespmem:s15+$0x0] =	vst v0  }
0x210: {  	v1 =	vld [tilespmem:s16+$0x380]  }
0x211: {  	v10 =	vld [tilespmem:s16+$0x390]  }
0x212: {  	v0 =	vld [tilespmem:s16+$0x3A0]  }
0x213: {  	v11 =	vld [tilespmem:s16+$0x3B0]  }
0x214: {  	v13 =	vld [tilespmem:s16+$0x300]  }
0x215: {  	v15 =	vld [tilespmem:s16+$0x310]  }
0x216: {  	v16 =	vld [tilespmem:s16+$0x320]  }
0x217: {  	v17 =	vld [tilespmem:s16+$0x330]  }
0x218: {  	v18 =	vld [tilespmem:s16+$0x340]  }
0x219: {  	v19 =	vld [tilespmem:s16+$0x350]  }
0x21a: {  	v20 =	vld [tilespmem:s16+$0x360]  }
0x21b: {  	v21 =	vld [tilespmem:s16+$0x370]  }
0x21c: {  	v22 =	vld [tilespmem:s16+$0x280]  }
0x21d: {  	v23 =	vld [tilespmem:s16+$0x290]  }
0x21e: {  	v24 =	vld [tilespmem:s16+$0x2A0]  }
0x21f: {  	v25 =	vld [tilespmem:s16+$0x2B0]  }
0x220: {  	v12 =	vld [tilespmem:s16+$0x2C0]  }
0x221: {  	v26 =	vld [tilespmem:s16+$0x200]  }
0x222: {  	v27 =	vld [tilespmem:s16+$0x210]  }
0x223: {  	v28 =	vld [tilespmem:s16+$0x220]  }
0x224: {  	v29 =	vld [tilespmem:s16+$0x230]  }
0x225: {  	v30 =	vld [tilespmem:s16+$0x240]  }
0x226: {  	v31 =	vld [tilespmem:s16+$0x250]  }
0x227: {  	v32 =	vld [tilespmem:s16+$0x260]  }
0x228: {  	v33 =	vld [tilespmem:s16+$0x270]  }
0x229: {  	v34 =	vld [tilespmem:s16+$0x180]  }
0x22a: {  	v35 =	vld [tilespmem:s16+$0x190]  }
0x22b: {  	v36 =	vld [tilespmem:s16+$0x1A0]  }
0x22c: {  	v37 =	vld [tilespmem:s16+$0x1B0]  }
0x22d: {  	v38 =	vld [tilespmem:s16+$0x1C0]  }
0x22e: {  	v39 =	vld [tilespmem:s16+$0x1D0]  }
0x22f: {  	v40 =	vld [tilespmem:s16+$0x1E0]  }
0x230: {  	v41 =	vld [tilespmem:s16+$0x1F0]  }
0x231: {  	v42 =	vld [tilespmem:s16+$0x100]  }
0x232: {  	v43 =	vld [tilespmem:s16+$0x110]  }
0x233: {  	v44 =	vld [tilespmem:s16+$0x120]  }
0x234: {  	v45 =	vld [tilespmem:s16+$0x130]  }
0x235: {  	v14 =	vld [tilespmem:s16+$0x140]  }
0x236: {  	v46 =	vld [tilespmem:s16+$0x80]  }
0x237: {  	v47 =	vld [tilespmem:s16+$0x90]  }
0x238: {  	v48 =	vld [tilespmem:s16+$0xA0]  }
0x239: {  	v49 =	vld [tilespmem:s16+$0xB0]  }
0x23a: {  	v50 =	vld [tilespmem:s16+$0xC0]  }
0x23b: {  	v51 =	vld [tilespmem:s16+$0xD0]  }
0x23c: {  	v52 =	vld [tilespmem:s16+$0xE0]  }
0x23d: {  	v53 =	vld [tilespmem:s16+$0xF0]  }
0x23e: {  	v54 =	vld [tilespmem:s16+$0x0]  }
0x23f: {  	v55 =	vld [tilespmem:s16+$0x10]  }
0x240: {  	v56 =	vld [tilespmem:s16+$0x20]  }
0x241: {  	v57 =	vld [tilespmem:s16+$0x30];
	v13 =	vmul.f32 v13, v3;
	v15 =	vmul.f32 v15, v63  }
0x242: {  	v58 =	vld [tilespmem:s16+$0x40];
	v16 =	vmul.f32 v16, v4;
	v17 =	vmul.f32 v17, v5  }
0x243: {  	v59 =	vld [tilespmem:s16+$0x50];
	v18 =	vmul.f32 v18, v6;
	v19 =	vmul.f32 v19, v7  }
0x244: {  	v60 =	vld [tilespmem:s16+$0x60];
	v13 =	vadd.f32 v15, v13  }
0x245: {  	v15 =	vadd.f32 v17, v16;
	v16 =	vadd.f32 v19, v18;
	v18 =	vld [tilespmem:$0x1FFD0]  }
0x246: {  	v61 =	vld [tilespmem:s16+$0x70];
	v20 =	vmul.f32 v20, v8;
	v21 =	vmul.f32 v21, v9  }
0x247: {  	v15 =	vadd.f32 v15, v13;
	v13 =	vld [tilespmem:$0x1FFD0]  }
0x248: {  	v62 =	vld [tilespmem:s16+$0xFFFFFF80];
	v17 =	vadd.f32 v21, v20  }
0x249: {  	v63 =	vld [tilespmem:s16+$0xFFFFFFB0]  }
0x24a: {  	v1 =	vmul.f32 v1, v3;
	v20 =	vld [tilespmem:s16+$0xFFFFFF90];
	v16 =	vadd.f32 v17, v16;
	v10 =	vmul.f32 v10, v18  }
0x24b: {  	v21 =	vld [tilespmem:s16+$0xFFFFFFA0]  }
0x24c: {  	v19 =	vmul.f32 v23, v13;
	v13 =	vadd.f32 v10, v1;
	v1 =	vadd.f32 v16, v15;
	v15 =	vld [tilespmem:$0x1FFD0]  }
0x24d: {  	v17 =	vld [tilespmem:s16+$0xFFFFFFC0];
	v18 =	vmul.f32 v22, v3  }
0x24e: {  	v22 =	vmul.f32 v25, v5;
	v10 =	vmul.f32 v24, v4;
	v23 =	vld [tilespmem:s16+$0xFFFFFF00]  }
0x24f: {  	v24 =	vmul.f32 v26, v3;
	v26 =	vld [tilespmem:s16+$0xFFFFFF10]  }
0x250: {  	v16 =	vadd.f32 v22, v10;
	v10 =	vld [tilespmem:s16+$0xFFFFFF20]  }
0x251: {  	v22 =	vmul.f32 v30, v6;
	v30 =	vld [tilespmem:s16+$0xFFFFFF40];
	v25 =	vmul.f32 v27, v15  }
0x252: {  	(xrf2) =	vadd.scan.msk.f32 $0xffff, v1;
	v1 =	vld [tilespmem:s16+$0xFFFFFC30];
	v15 =	vadd.f32 v19, v18;
	v18 =	vmul.f32 v28, v4;
	v19 =	vmul.f32 v29, v5  }
0x253: {  	v27 =	vmul.f32 v31, v7;
	v28 =	vmul.f32 v32, v8;
	v31 =	vld [tilespmem:$0x1FFD0]  }
0x254: {  	v29 =	vmul.f32 v33, v9;
	v32 =	vmul.f32 v36, v4;
	v36 =	vld [tilespmem:s16+$0xFFFFFF70]  }
0x255: {  	v24 =	vadd.f32 v25, v24;
	v25 =	vld [tilespmem:s16+$0xFFFFFF30];
	v18 =	vadd.f32 v19, v18  }
0x256: {  	v33 =	vmul.f32 v37, v5;
	v22 =	vadd.f32 v27, v22;
	v27 =	vld [tilespmem:s16+$0xFFFFFF50];
	v28 =	vadd.f32 v29, v28  }
0x257: {  	v19 =	vmul.f32 v34, v3;
	v29 =	vld [tilespmem:s16+$0xFFFFFF60];
	v34 =	vmul.f32 v38, v6;
	v18 =	vadd.f32 v18, v24  }
0x258: {  	v24 =	vmul.f32 v40, v8;
	v22 =	vadd.f32 v28, v22;
	v28 =	vld [tilespmem:s16+$0xFFFFFE80];
	v31 =	vmul.f32 v35, v31  }
0x259: {  	v40 =	vmul.f32 v46, v3;
	v46 =	vld [tilespmem:$0x1FFD0];
	v35 =	vmul.f32 v39, v7  }
0x25a: {  	v41 =	vmul.f32 v41, v9;
	v19 =	vadd.f32 v31, v19;
	v31 =	vadd.f32 v33, v32;
	v32 =	vld [tilespmem:s16+$0xFFFFFE90]  }
0x25b: {  	v33 =	vadd.f32 v35, v34;
	v34 =	vld [tilespmem:s16+$0xFFFFFEA0]  }
0x25c: {  	v24 =	vadd.f32 v41, v24;
	v35 =	vmul.f32 v42, v3;
	v42 =	vld [tilespmem:$0x1FFD0]  }
0x25d: {  	v38 =	vmul.f32 v44, v4;
	v19 =	vadd.f32 v31, v19;
	v31 =	vld [tilespmem:s16+$0xFFFFFEB0]  }
0x25e: {  	v30 =	vmul.f32 v30, v6;
	v27 =	vmul.f32 v27, v7;
	v24 =	vadd.f32 v24, v33;
	v33 =	vld [tilespmem:s16+$0xFFFFFEC0]  }
0x25f: {  	v39 =	vmul.f32 v45, v5;
	v41 =	vmul.f32 v47, v46;
	v46 =	vld [tilespmem:s16+$0xFFFFFEE0]  }
0x260: {  	v27 =	vadd.f32 v27, v30;
	v30 =	vld [tilespmem:s16+$0xFFFFFD20]  }
0x261: {  	v45 =	vadd.f32 v24, v19;
	v19 =	vadd.f32 v39, v38;
	v38 =	vld [tilespmem:s16+$0xFFFFFE00]  }
0x262: {  	v47 =	vmul.f32 v51, v7;
	v39 =	vmul.f32 v54, v3;
	v54 =	vld [tilespmem:$0x1FFD0]  }
0x263: {  	v51 =	vmul.f32 v57, v5;
	v24 =	vmul.f32 v50, v6;
	v40 =	vadd.f32 v41, v40;
	v41 =	vld [tilespmem:s16+$0xFFFFFE10]  }
0x264: {  	v50 =	vmul.f32 v56, v4;
	v37 =	vmul.f32 v43, v42;
	v42 =	vld [tilespmem:s16+$0xFFFFFED0]  }
0x265: {  	v61 =	vmul.f32 v61, v9;
	v63 =	vmul.f32 v63, v5;
	v47 =	vadd.f32 v47, v24;
	v24 =	vld [tilespmem:s16+$0xFFFFFE40]  }
0x266: {  	v21 =	vmul.f32 v21, v4;
	v44 =	vmul.f32 v49, v5;
	v57 =	vadd.f32 v51, v50;
	v50 =	vld [tilespmem:s16+$0xFFFFFDE0]  }
0x267: {  	v10 =	vmul.f32 v10, v4;
	v43 =	vmul.f32 v48, v4;
	v51 =	vld [tilespmem:s16+$0xFFFFFDF0]  }
0x268: {  	v22 =	vadd.f32 v22, v18;
	v48 =	vmul.f32 v53, v9;
	v18 =	vadd.f32 v37, v35;
	v35 =	vld [tilespmem:s16+$0xFFFFFEF0]  }
0x269: {  	v53 =	vmul.f32 v59, v7;
	v37 =	vmul.f32 v52, v8;
	v43 =	vadd.f32 v44, v43;
	v44 =	vld [tilespmem:s16+$0xFFFFFE20]  }
0x26a: {  	v52 =	vmul.f32 v58, v6;
	v49 =	vmul.f32 v55, v54;
	v54 =	vld [tilespmem:s16+$0xFFFFFE30]  }
0x26b: {  	v25 =	vmul.f32 v25, v5;
	v55 =	vmul.f32 v60, v8;
	v60 =	vld [tilespmem:$0x1FFD0]  }
0x26c: {  	v62 =	vmul.f32 v62, v3;
	v21 =	vadd.f32 v63, v21;
	v58 =	vadd.f32 v53, v52;
	v52 =	vld [tilespmem:s16+$0xFFFFFD90]  }
0x26d: {  	v23 =	vmul.f32 v23, v3;
	v10 =	vadd.f32 v25, v10;
	v40 =	vadd.f32 v43, v40;
	v43 =	vld [tilespmem:s16+$0xFFFFFDA0]  }
0x26e: {  	v25 =	vmul.f32 v28, v3;
	v31 =	vmul.f32 v31, v5;
	v37 =	vadd.f32 v48, v37;
	v48 =	vld [tilespmem:s16+$0xFFFFFDB0]  }
0x26f: {  	v33 =	vmul.f32 v33, v6;
	v53 =	vld [tilespmem:s16+$0xFFFFFD00];
	v56 =	vmul.f32 v42, v7;
	v39 =	vadd.f32 v49, v39  }
0x270: {  	(xrf2) =	vadd.scan.msk.f32 $0xffff, v22;
	v49 =	vld [tilespmem:s16+$0xFFFFFD80];
	v59 =	vadd.f32 v61, v55;
	v55 =	vmul.f32 v34, v4;
	v22 =	vmul.f32 v50, v8  }
0x271: {  	v37 =	vadd.f32 v37, v47;
	v47 =	vld [tilespmem:s16+$0xFFFFFDD0];
	v51 =	vmul.f32 v51, v9;
	v35 =	vmul.f32 v35, v9  }
0x272: {  	v34 =	vld [tilespmem:s16+$0xFFFFFC90];
	v39 =	vadd.f32 v57, v39;
	v61 =	vadd.f32 v59, v58;
	v57 =	vmul.f32 v46, v8  }
0x273: {  	v37 =	vadd.f32 v37, v40;
	v40 =	vld [tilespmem:s16+$0xFFFFFDC0];
	v58 =	vmul.f32 v38, v3;
	v20 =	vmul.f32 v20, v60  }
0x274: {  	v46 =	vld [tilespmem:s16+$0xFFFFFD50];
	v22 =	vadd.f32 v51, v22;
	v26 =	vmul.f32 v26, v60;
	v28 =	vmul.f32 v32, v60  }
0x275: {  	v32 =	vld [tilespmem:s16+$0xFFFFFD60];
	v59 =	vmul.f32 v41, v60;
	v63 =	vmul.f32 v48, v5;
	v39 =	vadd.f32 v61, v39  }
0x276: {  	v38 =	vld [tilespmem:s16+$0xFFFFFC00];
	v23 =	vadd.f32 v26, v23;
	v26 =	vmul.f32 v29, v8;
	v29 =	vmul.f32 v36, v9  }
0x277: {  	v61 =	vmul.f32 v44, v4;
	v20 =	vadd.f32 v20, v62;
	v36 =	vld [tilespmem:s16+$0xFFFFFD10];
	v25 =	vadd.f32 v28, v25  }
0x278: {  	v48 =	vld [tilespmem:s16+$0xFFFFFC40];
	v28 =	vadd.f32 v56, v33;
	v62 =	vmul.f32 v54, v5;
	v26 =	vadd.f32 v29, v26  }
0x279: {  	v44 =	vld [tilespmem:s16+$0xFFFFFC10];
	v47 =	vmul.f32 v47, v7;
	v10 =	vadd.f32 v10, v23;
	v40 =	vmul.f32 v40, v6  }
0x27a: {  	v29 =	vld [tilespmem:s16+$0xFFFFFD30];
	v32 =	vmul.f32 v32, v8;
	v26 =	vadd.f32 v26, v27;
	v27 =	vadd.f32 v31, v55  }
0x27b: {  	v23 =	vld [tilespmem:s16+$0xFFFFFD40];
	v31 =	vadd.f32 v35, v57;
	v55 =	vmul.f32 v53, v3;
	v57 =	vmul.f32 v30, v4  }
0x27c: {  	(xrf2) =	vadd.scan.msk.f32 $0xffff, v45;
	v33 =	vld [tilespmem:s16+$0xFFFFFD70];
	v40 =	vadd.f32 v47, v40;
	v36 =	vmul.f32 v36, v60;
	v25 =	vadd.f32 v27, v25  }
0x27d: {  	(xrf2) =	vadd.scan.msk.f32 $0xffff, v37;
	v37 =	vld [tilespmem:s16+$0xFFFFFCD0];
	v27 =	vadd.f32 v31, v28;
	v28 =	vmul.f32 v49, v3;
	v31 =	vmul.f32 v52, v60  }
0x27e: {  	v54 =	vld [tilespmem:s16+$0xFFFFFC50];
	v49 =	vadd.f32 v26, v10;
	v10 =	vmul.f32 v43, v4;
	v26 =	vadd.f32 v62, v61  }
0x27f: {  	v30 =	vld [tilespmem:s16+$0xFFFFFC70];
	v40 =	vadd.f32 v22, v40;
	v29 =	vmul.f32 v29, v5;
	v61 =	vadd.f32 v36, v55  }
0x280: {  	v35 =	vld [tilespmem:s16+$0xFFFFFCB0];
	v23 =	vmul.f32 v23, v6;
	v27 =	vadd.f32 v27, v25;
	v25 =	vadd.f32 v59, v58  }
0x281: {  	v52 =	vld [tilespmem:s16+$0xFFFFFC20];
	v56 =	vadd.f32 v31, v28;
	v58 =	vmul.f32 v46, v7;
	v59 =	vmul.f32 v33, v9  }
0x282: {  	v22, _, _ =	vpop (xrf2);
	(xrf2) =	vadd.scan.msk.f32 $0xffff, v39;
	v39 =	vld [tilespmem:s16+$0xFFFFFCF0];
	v10 =	vadd.f32 v63, v10;
	v29 =	vadd.f32 v29, v57  }
0x283: {  	v42 =	vmul.f32 v48, v6;
	v36 =	vld [tilespmem:s16+$0xFFFFFCC0];
	v23 =	vadd.f32 v58, v23;
	v32 =	vadd.f32 v59, v32  }
0x284: {  	v44 =	vmul.f32 v44, v60;
	v43 =	vmul.f32 v54, v7;
	v28 =	vld [tilespmem:s16+$0xFFFFFC60];
	v41 =	vadd.f32 v10, v56  }
0x285: {  	v31 =	vld [tilespmem:s16+$0xFFFFFC80];
	v63 =	vmul.f32 v38, v3;
	v29 =	vadd.f32 v29, v61;
	v62 =	vadd.f32 v32, v23  }
0x286: {  	v33 =	vld [tilespmem:s16+$0xFFFFFCA0];
	v10 =	vmul.f32 v0, v4;
	v0, _, _ =	vpop (xrf2);
	v32 =	vadd.f32 v40, v41;
	v23 =	vmul.f32 v52, v4  }
0x287: {  	s23 =	simm.s32 $0x10;
	s24 =	simm.s32 $0x0;
	s1 =	simm.s32 $0x20;
	v38 =	vld [tilespmem:s16+$0xFFFFFCE0];
	(xrf2) =	vadd.scan.msk.f32 $0xffff, v49;
	v41 =	vmul.f32 v1, v5;
	v1, _, _ =	vpop (xrf2);
	v40 =	vadd.f32 v44, v63;
	v29 =	vadd.f32 v62, v29  }
.LBB2_4:
0x288: {  	_ = 	snop  }
0x289: {  	v25 =	vadd.f32 v26, v25  }
0x28a: {  	v44 =	vld [tilespmem:s16+$0xFFFFFE50];
	v41 =	vadd.f32 v41, v23;
	v28 =	vmul.f32 v28, v8;
	v30 =	vmul.f32 v30, v9  }
0x28b: {  	v63 =	vld [tilespmem:s16+$0xFFFFFE60];
	(xrf2) =	vadd.scan.msk.f32 $0xffff, v27;
	v27 =	vadd.f32 v43, v42;
	v31 =	vmul.f32 v31, v3;
	v34 =	vmul.f32 v34, v60  }
0x28c: {  	v46 =	vld [tilespmem:s16+$0xFFFFFE70];
	v45 =	vmul.f32 v35, v5;
	v36 =	vmul.f32 v36, v6;
	v28 =	vadd.f32 v30, v28  }
0x28d: {  	v47 =	vld [tilespmem:s16+$0xFFFFFFD0];
	v40 =	vadd.f32 v41, v40;
	v37 =	vmul.f32 v37, v7;
	v48 =	vmul.f32 v39, v9  }
0x28e: {  	v49 =	vld [tilespmem:s16+$0xFFFFFFE0];
	v30 =	vmul.f32 v33, v4;
	v27 =	vadd.f32 v28, v27;
	v28 =	vmul.f32 v38, v8  }
0x28f: {  	v51 =	vld [tilespmem:s16+$0xFFFFFFF0];
	v24 =	vmul.f32 v24, v6;
	v31 =	vadd.f32 v34, v31;
	v52 =	vadd.f32 v37, v36;
	v23, _, _ =	vpop (xrf2);
	(xrf2) =	vadd.scan.msk.f32 $0xffff, v32  }
0x290: {  	v54 =	vld [tilespmem:s16+$0x150];
	v53 =	vmul.f32 v44, v7;
	v30 =	vadd.f32 v45, v30;
	v28 =	vadd.f32 v48, v28  }
0x291: {  	v56 =	vld [tilespmem:s16+$0x160];
	v55 =	vmul.f32 v46, v9;
	v50, _, _ =	vpop (xrf2);
	(xrf2) =	vadd.scan.msk.f32 $0xffff, v29;
	v29 =	vmul.f32 v63, v8;
	v27 =	vadd.f32 v27, v40  }
0x292: {  	v17 =	vmul.f32 v17, v6;
	v30 =	vadd.f32 v30, v31;
	v31 =	vld [tilespmem:s16+$0x170];
	v28 =	vadd.f32 v28, v52  }
0x293: {  	v59 =	vld [tilespmem:s16+$0x2D0];
	v58 =	vmul.f32 v47, v7;
	v24 =	vadd.f32 v53, v24;
	v29 =	vadd.f32 v55, v29  }
0x294: {  	v26 =	vld [tilespmem:s16+$0x2F0];
	v57, _, _ =	vpop (xrf2);
	(xrf2) =	vadd.scan.msk.f32 $0xffff, v27;
	v27 =	vadd.f32 v28, v30;
	v28 =	vmul.f32 v49, v8;
	v30 =	vmul.f32 v51, v9  }
0x295: {  	v61 =	vld [tilespmem:s16+$0x2E0];
	v20 =	vadd.f32 v21, v20;
	v14 =	vmul.f32 v14, v6;
	v24 =	vadd.f32 v29, v24  }
0x296: {  	v21 =	vld [tilespmem:s16+$0x3E0];
	v17 =	vadd.f32 v58, v17;
	v62, _, _ =	vpop (xrf2);
	v29 =	vmul.f32 v54, v7;
	v28 =	vadd.f32 v30, v28;
	(xrf2) =	vadd.scan.msk.f32 $0xffff, v27  }
0x297: {  	v24 =	vadd.f32 v24, v25;
	v25 =	vmul.f32 v56, v8;
	v30 =	vld [tilespmem:s16+$0x3C0];
	v27 =	vmul.f32 v31, v9  }
0x298: {  	v12 =	vmul.f32 v12, v6;
	v31 =	vld [tilespmem:s16+$0x3D0];
	v17 =	vadd.f32 v28, v17  }
0x299: {  	v14 =	vadd.f32 v29, v14;
	v63, _, _ =	vpop (xrf2);
	(xrf2) =	vadd.scan.msk.f32 $0xffff, v24;
	v24 =	vmul.f32 v26, v9;
	v25 =	vadd.f32 v27, v25;
	v28 =	vld [tilespmem:s16+$0x3F0]  }
0x29a: {  	v27 =	vmul.f32 v59, v7;
	v17 =	vadd.f32 v17, v20;
	v20 =	vmul.f32 v61, v8  }
0x29b: {  	v18 =	vadd.f32 v19, v18;
	v11 =	vmul.f32 v11, v5;
	v14 =	vadd.f32 v25, v14  }
0x29c: {  	v26, _, _ =	vpop (xrf2);
	v12 =	vadd.f32 v27, v12;
	v19 =	vadd.f32 v24, v20;
	v20 =	vmul.f32 v30, v6;
	(xrf2) =	vadd.scan.msk.f32 $0xffff, v17  }
0x29d: {  	v14 =	vadd.f32 v14, v18;
	v17 =	vmul.f32 v31, v7;
	v18 =	vmul.f32 v21, v8  }
0x29e: {  	v24 =	vadd.f32 v16, v15;
	v16 =	vmul.f32 v28, v9;
	v12 =	vadd.f32 v19, v12  }
0x29f: {  	v10 =	vadd.f32 v11, v10;
	v21, _, _ =	vpop (xrf2);
	v11 =	vadd.f32 v17, v20;
	(xrf2) =	vadd.scan.msk.f32 $0xffff, v14  }
0x2a0: {  	v18 =	vadd.f32 v16, v18;
	v12 =	vadd.f32 v12, v24;
	v15, _, _ =	vpop (xrf2)  }
0x2a1: {  	v16 =	vbroadcast v21, $0xF;
	v15 =	vbroadcast v15, $0xF  }
0x2a2: {  	v10 =	vadd.f32 v10, v13;
	v17 =	vbroadcast v26, $0xF;
	v11 =	vadd.f32 v18, v11;
	(xrf2) =	vadd.scan.msk.f32 $0xffff, v12  }
0x2a3: {  	v13 =	vbroadcast v63, $0xF;
	v14, _, _ =	vpop (xrf2);
	v12 =	vsel vm0, v16, v15  }
0x2a4: {  	v15 =	vbroadcast v14, $0xF;
	v10 =	vadd.f32 v11, v10;
	v12 =	vsel vm1, v12, v17  }
0x2a5: {  	v11 =	vsel vm2, v12, v13;
	v12 =	vbroadcast v62, $0xF  }
0x2a6: {  	v11 =	vsel vm3, v11, v15;
	v15 =	vbroadcast v57, $0xF;
	v14, _, _ =	vpop (xrf2);
	(xrf2) =	vadd.scan.msk.f32 $0xffff, v10  }
0x2a7: {  	v10 =	vsel vm4, v11, v12;
	v11 =	vbroadcast v14, $0xF  }
0x2a8: {  	s24 =	sadd.s32 $0x200, s24;
	v12 =	vbroadcast v50, $0xF;
	v10 =	vsel vm5, v10, v15  }
0x2a9: {  	s2 =	sand.u32 $0x1000, s24;
	v14 =	vbroadcast v23, $0xF;
	v13, _, _ =	vpop (xrf2);
	v10 =	vsel vm6, v10, v11  }
0x2aa: {  	s2 =	sshrl.u32 s2, $0x2;
	v10 =	vsel vm7, v10, v12;
	v12 =	vbroadcast v13, $0xF  }
0x2ab: {  	v1 =	vbroadcast v1, $0xF;
	s6 =	sand.u32 $0x70, s23;
	s2 =	sadd.s32 s2, s31;
	v10 =	vsel vm8, v10, v14  }
0x2ac: {  	v0 =	vbroadcast v0, $0xF;
	s2 =	sadd.s32 s6, s2;
	v10 =	vsel vm9, v10, v12;
	v11, _, _ =	vpop (xrf2)  }
0x2ad: {  	v1 =	vsel vm10, v10, v1;
	v10 =	vbroadcast v11, $0xF;
	v11 =	vld [tilespmem:s2+$0x0]  }
0x2ae: {  	v12 =	vbroadcast v22, $0xF;
	v0 =	vsel vm11, v1, v0  }
0x2af: {  	v0 =	vsel vm12, v0, v10  }
0x2b0: {  	v0 =	vsel vm13, v0, v12;
	v1, _, _ =	vpop (xrf2)  }
0x2b1: {  	v0 =	vsel vm14, v0, v1  }
0x2b2: {  	v1 =	vmov s23;
	v0 =	vmul.f32 v0, v11  }
0x2b3: {  	vm15 =	vlt.u32 v1, v2  }
0x2b4: {  	s15 =	sadd.s32 $0x10, s15;
	v0 =	vnsel vm15, $0xF149F2CA, v0  }
0x2b5: {  	s16 =	sadd.s32 $0x800, s16;
	[tilespmem:s15+$0x0] =	vst v0  }
0x2b6: {  	v0 =	vld [tilespmem:s16+$0x380]  }
0x2b7: {  	v10 =	vld [tilespmem:s16+$0x390]  }
0x2b8: {  	v23 =	vld [tilespmem:s16+$0x3A0]  }
0x2b9: {  	v11 =	vld [tilespmem:s16+$0x3B0]  }
0x2ba: {  	v1 =	vld [tilespmem:s16+$0x300]  }
0x2bb: {  	v13 =	vld [tilespmem:s16+$0x310]  }
0x2bc: {  	v15 =	vld [tilespmem:s16+$0x320]  }
0x2bd: {  	v16 =	vld [tilespmem:s16+$0x330]  }
0x2be: {  	v17 =	vld [tilespmem:s16+$0x340]  }
0x2bf: {  	v18 =	vld [tilespmem:s16+$0x350]  }
0x2c0: {  	v19 =	vld [tilespmem:s16+$0x360]  }
0x2c1: {  	v20 =	vld [tilespmem:s16+$0x370]  }
0x2c2: {  	v24 =	vld [tilespmem:s16+$0x280]  }
0x2c3: {  	v25 =	vld [tilespmem:s16+$0x290]  }
0x2c4: {  	v26 =	vld [tilespmem:s16+$0x2A0]  }
0x2c5: {  	v27 =	vld [tilespmem:s16+$0x2B0]  }
0x2c6: {  	v12 =	vld [tilespmem:s16+$0x2C0]  }
0x2c7: {  	v28 =	vld [tilespmem:s16+$0x200]  }
0x2c8: {  	v29 =	vld [tilespmem:s16+$0x210]  }
0x2c9: {  	v30 =	vld [tilespmem:s16+$0x220]  }
0x2ca: {  	v31 =	vld [tilespmem:s16+$0x230]  }
0x2cb: {  	v32 =	vld [tilespmem:s16+$0x240]  }
0x2cc: {  	v33 =	vld [tilespmem:s16+$0x250]  }
0x2cd: {  	v34 =	vld [tilespmem:s16+$0x260]  }
0x2ce: {  	v35 =	vld [tilespmem:s16+$0x270]  }
0x2cf: {  	v36 =	vld [tilespmem:s16+$0x180]  }
0x2d0: {  	v37 =	vld [tilespmem:s16+$0x190]  }
0x2d1: {  	v38 =	vld [tilespmem:s16+$0x1A0]  }
0x2d2: {  	v39 =	vld [tilespmem:s16+$0x1B0]  }
0x2d3: {  	v40 =	vld [tilespmem:s16+$0x1C0]  }
0x2d4: {  	v41 =	vld [tilespmem:s16+$0x1D0]  }
0x2d5: {  	v42 =	vld [tilespmem:s16+$0x1E0]  }
0x2d6: {  	v43 =	vld [tilespmem:s16+$0x1F0]  }
0x2d7: {  	v44 =	vld [tilespmem:s16+$0x100]  }
0x2d8: {  	v45 =	vld [tilespmem:s16+$0x110]  }
0x2d9: {  	v46 =	vld [tilespmem:s16+$0x120]  }
0x2da: {  	v47 =	vld [tilespmem:s16+$0x130]  }
0x2db: {  	v14 =	vld [tilespmem:s16+$0x140]  }
0x2dc: {  	v48 =	vld [tilespmem:s16+$0x80]  }
0x2dd: {  	v49 =	vld [tilespmem:s16+$0x90]  }
0x2de: {  	v50 =	vld [tilespmem:s16+$0xA0]  }
0x2df: {  	v51 =	vld [tilespmem:s16+$0xB0]  }
0x2e0: {  	v52 =	vld [tilespmem:s16+$0xC0]  }
0x2e1: {  	v53 =	vld [tilespmem:s16+$0xD0]  }
0x2e2: {  	v54 =	vld [tilespmem:s16+$0xE0]  }
0x2e3: {  	v55 =	vld [tilespmem:s16+$0xF0]  }
0x2e4: {  	v56 =	vld [tilespmem:s16+$0x0]  }
0x2e5: {  	v57 =	vld [tilespmem:s16+$0x10]  }
0x2e6: {  	v58 =	vld [tilespmem:s16+$0x20]  }
0x2e7: {  	v59 =	vld [tilespmem:s16+$0x30]  }
0x2e8: {  	v61 =	vld [tilespmem:s16+$0x50]  }
0x2e9: {  	v62 =	vld [tilespmem:s16+$0x60]  }
0x2ea: {  	v21 =	vld [tilespmem:s16+$0xFFFFFFA0];
	v1 =	vmul.f32 v1, v3;
	v13 =	vmul.f32 v13, v60  }
0x2eb: {  	v22 =	vld [tilespmem:s16+$0xFFFFFFB0];
	v15 =	vmul.f32 v15, v4;
	v16 =	vmul.f32 v16, v5  }
0x2ec: {  	v63 =	vld [tilespmem:s16+$0x70];
	v17 =	vmul.f32 v17, v6;
	v18 =	vmul.f32 v18, v7  }
0x2ed: {  	v60 =	vld [tilespmem:s16+$0x40];
	v13 =	vadd.f32 v13, v1;
	v15 =	vadd.f32 v16, v15  }
0x2ee: {  	v16 =	vadd.f32 v18, v17;
	v18 =	vld [tilespmem:$0x1FFD0]  }
0x2ef: {  	v19 =	vmul.f32 v19, v8;
	v20 =	vmul.f32 v20, v9;
	v15 =	vadd.f32 v15, v13;
	v13 =	vld [tilespmem:$0x1FFD0]  }
0x2f0: {  	v21 =	vmul.f32 v21, v4;
	v22 =	vmul.f32 v22, v5;
	v1 =	vld [tilespmem:s16+$0xFFFFFF80]  }
0x2f1: {  	v17 =	vadd.f32 v20, v19;
	v20 =	vld [tilespmem:s16+$0xFFFFFF90]  }
0x2f2: {  	v0 =	vmul.f32 v0, v3;
	v21 =	vadd.f32 v22, v21;
	v22 =	vld [tilespmem:s16+$0xFFFFFDF0]  }
0x2f3: {  	v16 =	vadd.f32 v17, v16;
	v17 =	vld [tilespmem:s16+$0xFFFFFFC0];
	v10 =	vmul.f32 v10, v18;
	v18 =	vmul.f32 v24, v3  }
0x2f4: {  	v24 =	vmul.f32 v27, v5;
	v19 =	vmul.f32 v25, v13;
	v25 =	vld [tilespmem:s16+$0xFFFFFF00]  }
0x2f5: {  	v13 =	vadd.f32 v10, v0;
	v10 =	vmul.f32 v26, v4;
	v0 =	vadd.f32 v16, v15;
	v15 =	vld [tilespmem:$0x1FFD0]  }
0x2f6: {  	v26 =	vmul.f32 v28, v3;
	v28 =	vld [tilespmem:s16+$0xFFFFFF10]  }
0x2f7: {  	v16 =	vadd.f32 v24, v10;
	v10 =	vmul.f32 v32, v6;
	v24 =	vmul.f32 v33, v7;
	v32 =	vld [tilespmem:s16+$0xFFFFFF40]  }
0x2f8: {  	(xrf2) =	vadd.scan.msk.f32 $0xffff, v0;
	v0 =	vld [tilespmem:s16+$0xFFFFFD70]  }
0x2f9: {  	v10 =	vadd.f32 v24, v10;
	v24 =	vmul.f32 v38, v4;
	v38 =	vmul.f32 v44, v3;
	v44 =	vld [tilespmem:$0x1FFD0]  }
0x2fa: {  	v27 =	vmul.f32 v29, v15;
	v15 =	vadd.f32 v19, v18;
	v18 =	vmul.f32 v30, v4;
	v29 =	vld [tilespmem:s16+$0xFFFFFF20]  }
0x2fb: {  	v19 =	vmul.f32 v31, v5;
	v30 =	vmul.f32 v34, v8;
	v34 =	vld [tilespmem:s16+$0xFFFFFF50]  }
0x2fc: {  	v31 =	vmul.f32 v35, v9;
	v26 =	vadd.f32 v27, v26;
	v27 =	vld [tilespmem:s16+$0xFFFFFF30]  }
0x2fd: {  	v18 =	vadd.f32 v19, v18;
	v19 =	vmul.f32 v36, v3;
	v36 =	vld [tilespmem:$0x1FFD0]  }
0x2fe: {  	v30 =	vadd.f32 v31, v30;
	v31 =	vld [tilespmem:s16+$0xFFFFFF60]  }
0x2ff: {  	v18 =	vadd.f32 v18, v26;
	v26 =	vld [tilespmem:s16+$0xFFFFFF70]  }
0x300: {  	v35 =	vmul.f32 v39, v5;
	v10 =	vadd.f32 v30, v10;
	v30 =	vld [tilespmem:s16+$0xFFFFFE80];
	v39 =	vmul.f32 v45, v44  }
0x301: {  	v32 =	vmul.f32 v32, v6;
	v45 =	vld [tilespmem:s16+$0xFFFFFED0]  }
0x302: {  	v34 =	vmul.f32 v34, v7;
	v44 =	vadd.f32 v10, v18;
	v18 =	vadd.f32 v39, v38;
	v38 =	vld [tilespmem:s16+$0xFFFFFEF0]  }
0x303: {  	v33 =	vmul.f32 v37, v36;
	v36 =	vmul.f32 v40, v6;
	v40 =	vld [tilespmem:s16+$0xFFFFFEB0]  }
0x304: {  	v32 =	vadd.f32 v34, v32;
	v34 =	vld [tilespmem:s16+$0xFFFFFD20]  }
0x305: {  	v42 =	vmul.f32 v42, v8;
	v37 =	vmul.f32 v41, v7;
	(xrf2) =	vadd.scan.msk.f32 $0xffff, v44;
	v44 =	vld [tilespmem:s16+$0xFFFFFC20]  }
0x306: {  	v43 =	vmul.f32 v43, v9;
	v24 =	vadd.f32 v35, v24;
	v19 =	vadd.f32 v33, v19;
	v33 =	vld [tilespmem:s16+$0xFFFFFE90]  }
0x307: {  	v29 =	vmul.f32 v29, v4;
	v27 =	vmul.f32 v27, v5;
	v35 =	vadd.f32 v37, v36;
	v37 =	vld [tilespmem:s16+$0xFFFFFEA0]  }
0x308: {  	v31 =	vmul.f32 v31, v8;
	v36 =	vadd.f32 v43, v42;
	v42 =	vmul.f32 v48, v3;
	v48 =	vld [tilespmem:$0x1FFD0]  }
0x309: {  	v26 =	vmul.f32 v26, v9;
	v27 =	vadd.f32 v27, v29;
	v29 =	vld [tilespmem:s16+$0xFFFFFD10];
	v19 =	vadd.f32 v24, v19  }
0x30a: {  	v24 =	vmul.f32 v46, v4;
	v35 =	vadd.f32 v36, v35;
	v36 =	vld [tilespmem:s16+$0xFFFFFEC0];
	v46 =	vmul.f32 v50, v4  }
0x30b: {  	v50 =	vmul.f32 v55, v9;
	v55 =	vmul.f32 v60, v6;
	v60 =	vld [tilespmem:$0x1FFD0]  }
0x30c: {  	v41 =	vmul.f32 v47, v5;
	v26 =	vadd.f32 v26, v31;
	v31 =	vld [tilespmem:s16+$0xFFFFFD30]  }
0x30d: {  	v1 =	vmul.f32 v1, v3;
	v10 =	vadd.f32 v35, v19;
	v35 =	vld [tilespmem:s16+$0xFFFFFEE0]  }
0x30e: {  	v22 =	vmul.f32 v22, v9;
	v47 =	vmul.f32 v51, v5;
	v19 =	vadd.f32 v41, v24;
	v41 =	vld [tilespmem:s16+$0xFFFFFE00]  }
0x30f: {  	v25 =	vmul.f32 v25, v3;
	v39 =	vmul.f32 v54, v8;
	v24 =	vld [tilespmem:$0x1FFD0]  }
0x310: {  	v54 =	vmul.f32 v59, v5;
	v51 =	vmul.f32 v56, v3;
	v46 =	vadd.f32 v47, v46;
	v47 =	vld [tilespmem:s16+$0xFFFFFE20]  }
0x311: {  	v56 =	vmul.f32 v61, v7;
	v39 =	vadd.f32 v50, v39;
	v50 =	vld [tilespmem:s16+$0xFFFFFDD0];
	v43 =	vmul.f32 v49, v48  }
0x312: {  	v26 =	vadd.f32 v26, v32;
	v32 =	vld [tilespmem:s16+$0xFFFFFD50];
	v48 =	vmul.f32 v52, v6;
	v49 =	vmul.f32 v53, v7  }
0x313: {  	v53 =	vmul.f32 v58, v4;
	v58 =	vmul.f32 v63, v9;
	v63 =	vadd.f32 v56, v55;
	v55 =	vld [tilespmem:s16+$0xFFFFFD90]  }
0x314: {  	v30 =	vmul.f32 v30, v3;
	v45 =	vmul.f32 v45, v7;
	v42 =	vadd.f32 v43, v42;
	v43 =	vld [tilespmem:s16+$0xFFFFFE10]  }
0x315: {  	v40 =	vmul.f32 v40, v5;
	v37 =	vmul.f32 v37, v4;
	v48 =	vadd.f32 v49, v48;
	v49 =	vld [tilespmem:s16+$0xFFFFFE30]  }
0x316: {  	v20 =	vmul.f32 v20, v60;
	v52 =	vmul.f32 v57, v24;
	v24 =	vld [tilespmem:s16+$0xFFFFFE40]  }
0x317: {  	v28 =	vmul.f32 v28, v60;
	v33 =	vmul.f32 v33, v60;
	v42 =	vadd.f32 v46, v42;
	v46 =	vld [tilespmem:s16+$0xFFFFFDA0]  }
0x318: {  	v57 =	vmul.f32 v62, v8;
	v62 =	vadd.f32 v54, v53;
	v20 =	vadd.f32 v20, v1;
	v1 =	vld [tilespmem:s16+$0xFFFFFDE0]  }
0x319: {  	v36 =	vmul.f32 v36, v6;
	v39 =	vadd.f32 v39, v48;
	v25 =	vadd.f32 v28, v25;
	v28 =	vld [tilespmem:s16+$0xFFFFFD00]  }
0x31a: {  	v29 =	vmul.f32 v29, v60;
	v53 =	vld [tilespmem:s16+$0xFFFFFD40];
	v30 =	vadd.f32 v33, v30;
	v54 =	vadd.f32 v40, v37  }
0x31b: {  	v37 =	vld [tilespmem:s16+$0xFFFFFD60];
	v36 =	vadd.f32 v45, v36;
	v56 =	vmul.f32 v41, v3;
	v50 =	vmul.f32 v50, v7  }
0x31c: {  	v40 =	vld [tilespmem:s16+$0xFFFFFC00];
	v32 =	vmul.f32 v32, v7;
	v61 =	vadd.f32 v52, v51;
	v59 =	vadd.f32 v58, v57  }
0x31d: {  	v33 =	vld [tilespmem:s16+$0xFFFFFCA0];
	v39 =	vadd.f32 v39, v42;
	v25 =	vadd.f32 v27, v25;
	v27 =	vmul.f32 v35, v8  }
0x31e: {  	v52 =	vld [tilespmem:s16+$0xFFFFFD80];
	v30 =	vadd.f32 v54, v30;
	v58 =	vmul.f32 v47, v4;
	v57 =	vmul.f32 v43, v60  }
0x31f: {  	v51 =	vld [tilespmem:s16+$0xFFFFFDB0];
	v61 =	vadd.f32 v62, v61;
	v62 =	vadd.f32 v59, v63;
	v63 =	vmul.f32 v38, v9  }
0x320: {  	v42 =	vld [tilespmem:s16+$0xFFFFFDC0];
	v59 =	vmul.f32 v49, v5;
	v47 =	vadd.f32 v26, v25;
	v46 =	vmul.f32 v46, v4  }
0x321: {  	(xrf2) =	vadd.scan.msk.f32 $0xffff, v10;
	v54 =	vld [tilespmem:s16+$0xFFFFFC50];
	v25 =	vadd.f32 v57, v56;
	v1 =	vmul.f32 v1, v8;
	v10 =	vmul.f32 v28, v3  }
0x322: {  	v35 =	vld [tilespmem:s16+$0xFFFFFCB0];
	v57 =	vmul.f32 v34, v4;
	v37 =	vmul.f32 v37, v8;
	v48 =	vadd.f32 v62, v61  }
0x323: {  	v43 =	vld [tilespmem:s16+$0xFFFFFC10];
	v27 =	vadd.f32 v63, v27;
	v62 =	vmul.f32 v55, v60;
	v26 =	vadd.f32 v59, v58  }
0x324: {  	v28 =	vld [tilespmem:s16+$0xFFFFFC60];
	v58 =	vmul.f32 v31, v5;
	v61 =	vmul.f32 v52, v3;
	v1 =	vadd.f32 v22, v1  }
0x325: {  	v34 =	vld [tilespmem:s16+$0xFFFFFC90];
	v63 =	vmul.f32 v51, v5;
	v10 =	vadd.f32 v29, v10;
	v27 =	vadd.f32 v27, v36  }
0x326: {  	v31 =	vld [tilespmem:s16+$0xFFFFFC80];
	v42 =	vmul.f32 v42, v6;
	v29 =	vadd.f32 v58, v57;
	v36 =	vadd.f32 v62, v61  }
0x327: {  	v51 =	vld [tilespmem:s16+$0xFFFFFC30];
	v59 =	vadd.f32 v63, v46;
	v61 =	vmul.f32 v53, v6;
	v62 =	vmul.f32 v0, v9  }
0x328: {  	p1 =	sne.s32 s1, $0xC0;
	v40 =	vmul.f32 v40, v3;
	v52 =	vld [tilespmem:s16+$0xFFFFFC40];
	v42 =	vadd.f32 v50, v42;
	v27 =	vadd.f32 v27, v30  }
.Ltmp6:
0x329: {  	v63 =	vmul.f32 v43, v60;
	v30 =	vld [tilespmem:s16+$0xFFFFFC70];
	v32 =	vadd.f32 v32, v61;
	v37 =	vadd.f32 v62, v37;
	(pc) =	sbr.rel @p1 .LBB2_4-.Ltmp6, $4  }
0x32a: {  	v43 =	vmul.f32 v54, v7;
	v38 =	vadd.f32 v59, v36;
	v42 =	vadd.f32 v1, v42;
	v36 =	vld [tilespmem:s16+$0xFFFFFCC0]  }
0x32b: {  	(xrf2) =	vadd.scan.msk.f32 $0xffff, v39;
	v22, _, _ =	vpop (xrf2);
	v29 =	vadd.f32 v29, v10;
	v10 =	vmul.f32 v23, v4;
	v39 =	vadd.f32 v37, v32;
	v37 =	vld [tilespmem:s16+$0xFFFFFCD0]  }
0x32c: {  	(xrf2) =	vadd.scan.msk.f32 $0xffff, v48;
	v0, _, _ =	vpop (xrf2);
	v23 =	vmul.f32 v44, v4;
	v40 =	vadd.f32 v63, v40;
	v32 =	vadd.f32 v42, v38;
	v38 =	vld [tilespmem:s16+$0xFFFFFCE0]  }
0x32d: {  	s23 =	smov.u32 s1;
	s1 =	sadd.s32 $0x10, s1;
	(xrf2) =	vadd.scan.msk.f32 $0xffff, v47;
	v1, _, _ =	vpop (xrf2);
	v41 =	vmul.f32 v51, v5;
	v42 =	vmul.f32 v52, v6;
	v29 =	vadd.f32 v39, v29;
	v39 =	vld [tilespmem:s16+$0xFFFFFCF0]  }
0x32e: {  	v28 =	vmul.f32 v28, v8;
	v30 =	vmul.f32 v30, v9  }
0x32f: {  	v49 =	vld [tilespmem:s16+$0xFFFFFE50];
	v31 =	vmul.f32 v31, v3;
	v34 =	vmul.f32 v34, v60  }
0x330: {  	v50 =	vld [tilespmem:s16+$0xFFFFFE60];
	v51 =	vmul.f32 v33, v4;
	v52 =	vmul.f32 v35, v5  }
0x331: {  	v53 =	vld [tilespmem:s16+$0xFFFFFE70];
	v23 =	vadd.f32 v41, v23;
	v42 =	vadd.f32 v43, v42;
	v36 =	vmul.f32 v36, v6  }
0x332: {  	v54 =	vld [tilespmem:s16+$0xFFFFFFD0];
	v28 =	vadd.f32 v30, v28;
	v37 =	vmul.f32 v37, v7;
	v31 =	vadd.f32 v34, v31  }
0x333: {  	v55 =	vld [tilespmem:s16+$0xFFFFFFE0];
	v30 =	vadd.f32 v52, v51;
	v38 =	vmul.f32 v38, v8;
	v39 =	vmul.f32 v39, v9  }
0x334: {  	v24 =	vmul.f32 v24, v6;
	v56 =	vld [tilespmem:s16+$0xFFFFFFF0];
	v23 =	vadd.f32 v23, v40;
	v28 =	vadd.f32 v28, v42  }
0x335: {  	v61 =	vld [tilespmem:s16+$0x150];
	v57 =	vadd.f32 v37, v36;
	v59 =	vmul.f32 v49, v7;
	v58 =	vadd.f32 v39, v38  }
0x336: {  	v63 =	vld [tilespmem:s16+$0x160];
	v41 =	vadd.f32 v30, v31;
	v62 =	vmul.f32 v50, v8;
	v35 =	vmul.f32 v53, v9  }
0x337: {  	(xrf2) =	vadd.scan.msk.f32 $0xffff, v27;
	v17 =	vmul.f32 v17, v6;
	v44 =	vld [tilespmem:s16+$0x170];
	v23 =	vadd.f32 v28, v23;
	v43 =	vadd.f32 v58, v57  }
0x338: {  	(xrf2) =	vadd.scan.msk.f32 $0xffff, v32;
	v45 =	vmul.f32 v54, v7;
	v24 =	vadd.f32 v59, v24;
	v28 =	vadd.f32 v35, v62  }
0x339: {  	v46 =	vld [tilespmem:s16+$0x2D0];
	(xrf2) =	vadd.scan.msk.f32 $0xffff, v29;
	v47 =	vmul.f32 v55, v8;
	v48 =	vmul.f32 v56, v9;
	v27 =	vadd.f32 v43, v41  }
0x33a: {  	v14 =	vmul.f32 v14, v6;
	v51 =	vld [tilespmem:s16+$0x2F0];
	v50 =	vadd.f32 v26, v25;
	(xrf2) =	vadd.scan.msk.f32 $0xffff, v23;
	v24 =	vadd.f32 v28, v24  }
0x33b: {  	v49 =	vld [tilespmem:s16+$0x2E0];
	v53 =	vmul.f32 v61, v7;
	v17 =	vadd.f32 v45, v17;
	v52 =	vadd.f32 v48, v47;
	(xrf2) =	vadd.scan.msk.f32 $0xffff, v27  }
0x33c: {  	v55 =	vmul.f32 v63, v8;
	v56 =	vmul.f32 v44, v9;
	v23 =	vadd.f32 v24, v50  }
0x33d: {  	v20 =	vadd.f32 v21, v20;
	v54 =	vld [tilespmem:s16+$0x3C0];
	v17 =	vadd.f32 v52, v17  }
0x33e: {  	v12 =	vmul.f32 v12, v6;
	v14 =	vadd.f32 v53, v14;
	v62 =	vld [tilespmem:s16+$0x3F0];
	v59, _, _ =	vpop (xrf2);
	v24 =	vadd.f32 v56, v55;
	(xrf2) =	vadd.scan.msk.f32 $0xffff, v23  }
0x33f: {  	v18 =	vadd.f32 v19, v18;
	v61 =	vmul.f32 v46, v7;
	v57 =	vld [tilespmem:s16+$0x3D0];
	v63, _, _ =	vpop (xrf2);
	v17 =	vadd.f32 v17, v20  }
0x340: {  	v25 =	vmul.f32 v51, v9;
	v58 =	vld [tilespmem:s16+$0x3E0];
	v33 =	vmul.f32 v49, v8;
	v34, _, _ =	vpop (xrf2);
	v14 =	vadd.f32 v24, v14  }
0x341: {  	v12 =	vadd.f32 v61, v12;
	v35, _, _ =	vpop (xrf2);
	(xrf2) =	vadd.scan.msk.f32 $0xffff, v17  }
0x342: {  	v20 =	vadd.f32 v25, v33;
	v37, _, _ =	vpop (xrf2);
	v14 =	vadd.f32 v14, v18  }
0x343: {  	v11 =	vmul.f32 v11, v5;
	v15 =	vadd.f32 v16, v15;
	v39, _, _ =	vpop (xrf2)  }
0x344: {  	v36 =	vmul.f32 v54, v6;
	v40 =	vmul.f32 v62, v9;
	v12 =	vadd.f32 v20, v12;
	(xrf2) =	vadd.scan.msk.f32 $0xffff, v14;
	v41, _, _ =	vpop (xrf2)  }
0x345: {  	v10 =	vadd.f32 v11, v10;
	v38 =	vmul.f32 v57, v7;
	v21 =	vmul.f32 v58, v8;
	v44, _, _ =	vpop (xrf2)  }
0x346: {  	v12 =	vadd.f32 v12, v15;
	v45 =	vbroadcast v41, $0xF;
	v15 =	vbroadcast v44, $0xF  }
0x347: {  	v42 =	vadd.f32 v38, v36;
	v43 =	vadd.f32 v40, v21;
	v46 =	vbroadcast v39, $0xF  }
0x348: {  	v10 =	vadd.f32 v10, v13;
	v48 =	vbroadcast v37, $0xF;
	v49, _, _ =	vpop (xrf2);
	v47 =	vsel vm0, v45, v15  }
0x349: {  	v11 =	vadd.f32 v43, v42;
	(xrf2) =	vadd.scan.msk.f32 $0xffff, v12;
	v14 =	vbroadcast v49, $0xF;
	v12 =	vsel vm1, v47, v46  }
0x34a: {  	v51 =	vbroadcast v35, $0xF;
	v50 =	vsel vm2, v12, v48  }
0x34b: {  	v52 =	vbroadcast v34, $0xF;
	v10 =	vadd.f32 v11, v10;
	v53, _, _ =	vpop (xrf2);
	v11 =	vsel vm3, v50, v14  }
0x34c: {  	v55 =	vbroadcast v53, $0xF;
	v54 =	vsel vm4, v11, v51  }
0x34d: {  	v56 =	vbroadcast v63, $0xF;
	(xrf2) =	vadd.scan.msk.f32 $0xffff, v10;
	v10 =	vsel vm5, v54, v52  }
0x34e: {  	v57 =	vbroadcast v59, $0xF;
	v58, _, _ =	vpop (xrf2);
	v10 =	vsel vm6, v10, v55  }
0x34f: {  	s1 =	sadd.s32 $0x200, s24;
	v59 =	vbroadcast v58, $0xF;
	v10 =	vsel vm7, v10, v56  }
0x350: {  	v1 =	vbroadcast v1, $0xF;
	s1 =	sand.u32 $0x1000, s1;
	v10 =	vsel vm8, v10, v57  }
0x351: {  	v0 =	vbroadcast v0, $0xF;
	s1 =	sshrl.u32 s1, $0x2;
	v10 =	vsel vm9, v10, v59  }
0x352: {  	s2 =	sand.u32 $0x70, s23;
	s1 =	sadd.s32 s1, s31;
	v1 =	vsel vm10, v10, v1  }
0x353: {  	s1 =	sadd.s32 s2, s1;
	v61, _, _ =	vpop (xrf2);
	v0 =	vsel vm11, v1, v0;
	v1 =	vbroadcast v22, $0xF  }
0x354: {  	v63 =	vld [tilespmem:s1+$0x0];
	v62 =	vbroadcast v61, $0xF;
	_ =	sdelay $0x1  }
0x355: {  	p1 =	sne.s32 @!p0 s14, $0x0;
	[tilespmem:$0x1FF60] =	vst v4;
	v0 =	vsel vm12, v0, v62  }
0x356: {  	[tilespmem:$0x1FF70] =	vst v5;
	p1 =	por p0, p1;
	v0 =	vsel vm13, v0, v1;
	v1, _, _ =	vpop (xrf2)  }
.Ltmp7:
0x357: {  	[tilespmem:$0x1FF80] =	vst v6;
	v0 =	vsel vm14, v0, v1;
	(pc) =	sbr.rel @p1 .LBB2_7-.Ltmp7, $4  }
0x358: {  	[tilespmem:$0x1FF90] =	vst v7;
	v1 =	vmov s23;
	v0 =	vmul.f32 v0, v63  }
0x359: {  	[tilespmem:$0x1FFA0] =	vst v8;
	vm15 =	vlt.u32 v1, v2  }
0x35a: {  	s24 =	sadd.s32 $0x10, s15;
	[tilespmem:$0x1FFB0] =	vst v9;
	v0 =	vnsel vm15, $0xF149F2CA, v0  }
0x35b: {  	[tilespmem:s24+$0x0] =	vst v0  }
.Ltmp8:
0x35c: {  	(pc) =	sbr.rel .LBB2_10-.Ltmp8, $3  }
0x35d: {  	_ =	sdelay $0x1  }
0x35e: {  	[tilespmem:s17], [sflag:$0x1] =	stream.linear.gather [hbm4b:s19+s9], $0x6400, $0x38;
	[tilespmem:$0x16E00] =	vst v63  }
0x35f: {  	p1 =	por $0x0, $0x0;
	v22 =	vld [tilespmem:$0x1FFE0]  }
.LBB2_7:
0x360: {  	p1 =	sne.s32 @!p0 s14, $0x1  }
0x361: {  	p1 =	por p0, p1  }
.Ltmp9:
0x362: {  	_ = 	snop;
	(pc) =	sbr.rel @p1 .LBB2_9-.Ltmp9, $2  }
0x363: {  	_ =	sdelay $0x2  }
0x364: {  	v22 =	vld [tilespmem:$0x1FFE0]  }
.Ltmp10:
0x365: {  	(pc) =	sbr.rel .LBB2_10-.Ltmp10, $3  }
0x366: {  	_ =	sdelay $0x1  }
0x367: {  	[tilespmem:s18], [sflag:$0x2] =	stream.linear.gather [hbm4b:s0+s9], $0x6400, $0x38;
	[tilespmem:$0x16E00] =	vst v63  }
0x368: {  	p1 =	por $0x0, $0x0  }
.LBB2_9:
0x369: {  	p2 =	sne.s32 @!p0 s14, $0x2  }
0x36a: {  	p3 =	por p2, p0  }
0x36b: {  	s1 =	simm.s32 @!p3 $0x0;
	s2 =	simm.s32 @!p3 $0x10000  }
0x36c: {  	[tilespmem:s2], [sflag:$0x3] =	stream.linear.gather @!p3 [hbm4b:s3+s1], $0x6400, $0x38;
	[tilespmem:$0x16E00] =	vst v63  }
0x36d: {  	p1 =	seq.s32 s14, $0x2;
	p2 =	por !p2, p0;
	p3 =	por @!p3 $0x1, $0x1  }
0x36e: {  	p3 =	por @!p2 p1, p1  }
0x36f: {  	p1 =	por @!p0 p3, p3  }
.LBB2_10:
0x370: {  	v0 =	vld [tilespmem:$0x16800]  }
0x371: {  	v1 =	vld [tilespmem:$0x16810]  }
0x372: {  	v10 =	vld [tilespmem:$0x16820]  }
0x373: {  	v11 =	vld [tilespmem:$0x16830]  }
0x374: {  	v12 =	vld [tilespmem:$0x16840]  }
0x375: {  	v14 =	vld [tilespmem:$0x16850];
	v13 =	vmax.f32 v0, $-1.000000020e+30  }
0x376: {  	v32 =	vld [tilespmem:$0x16860];
	v1 =	vmax.f32 v13, v1  }
0x377: {  	v33 =	vld [tilespmem:$0x16870];
	v1 =	vmax.f32 v1, v10  }
0x378: {  	v34 =	vld [tilespmem:$0x16880];
	v1 =	vmax.f32 v1, v11  }
0x379: {  	v35 =	vld [tilespmem:$0x16890];
	v1 =	vmax.f32 v1, v12  }
0x37a: {  	v36 =	vld [tilespmem:$0x168A0];
	v1 =	vmax.f32 v1, v14  }
0x37b: {  	v37 =	vld [tilespmem:$0x168B0];
	v1 =	vmax.f32 v1, v32  }
0x37c: {  	v38 =	vld [tilespmem:$0x168C0];
	v1 =	vmax.f32 v1, v33  }
0x37d: {  	v1 =	vmax.f32 v1, v34  }
0x37e: {  	v1 =	vmax.f32 v1, v35  }
0x37f: {  	v1 =	vmax.f32 v1, v36  }
0x380: {  	v1 =	vmax.f32 v1, v37  }
0x381: {  	v1 =	vmax.f32 v1, v38  }
0x382: {  	(xrf0) =	vmax.scan.msk.f32 $0xffff, v1;
	_ =	sdelay $0x5  }
0x383: {  	v39 =	vld [tilespmem:$0x16810];
	v1, _, _ =	vpop (xrf0)  }
0x384: {  	v1 =	vbroadcast v1, $0xF  }
0x385: {  	v40 =	vld [tilespmem:$0x16820]  }
0x386: {  	v0 =	vsub.f32 v0, v1  }
0x387: {  	v41 =	vld [tilespmem:$0x16830]  }
0x388: {  	v10 =	vsub.f32 v39, v1;
	v0 =	vmul.f32 $1.442695020e+00, v0  }
0x389: {  	v42 =	vld [tilespmem:$0x16840]  }
0x38a: {  	v43 =	vsub.f32 v40, v1;
	(erf) = vpow2.f32 v0;
	v0 =	vmul.f32 $1.442695020e+00, v10  }
0x38b: {  	v44 =	vld [tilespmem:$0x16850]  }
0x38c: {  	v45 =	vsub.f32 v41, v1;
	(erf) = vpow2.f32 v0;
	v0 =	vmul.f32 $1.442695020e+00, v43;
	_ =	sdelay $0x1  }
0x38d: {  	v46 =	vsub.f32 v42, v1;
	(erf) = vpow2.f32 v0;
	v0 =	vmul.f32 $1.442695020e+00, v45  }
0x38e: {  	v47 =	vld [tilespmem:$0x16860]  }
0x38f: {  	v49 =	vld [tilespmem:$0x16870];
	v48 =	vsub.f32 v44, v1;
	(erf) = vpow2.f32 v0;
	v0 =	vmul.f32 $1.442695020e+00, v46;
	_ =	sdelay $0x1  }
0x390: {  	(erf) = vpow2.f32 v0;
	v0 =	vmul.f32 $1.442695020e+00, v48  }
0x391: {  	v50 =	vld [tilespmem:$0x16880]  }
0x392: {  	v12 =	vsub.f32 v47, v1;
	v51 =	vpop (erf);
	(erf) = vpow2.f32 v0;
	v0 =	vld [tilespmem:$0x16890]  }
0x393: {  	v11 =	vsub.f32 v49, v1  }
0x394: {  	v16 =	vld [tilespmem:$0x168A0];
	v12 =	vmul.f32 $1.442695020e+00, v12;
	v52 =	vadd.f32 $0.0e+00, v51  }
0x395: {  	v11 =	vmul.f32 $1.442695020e+00, v11;
	v15 =	vpop (erf)  }
0x396: {  	v54 =	vld [tilespmem:$0x168B0];
	v10 =	vsub.f32 v50, v1;
	(erf) = vpow2.f32 v12;
	v14 =	vadd.f32 v15, v52  }
0x397: {  	v17 =	vpop (erf);
	v0 =	vsub.f32 v0, v1  }
0x398: {  	v56 =	vld [tilespmem:$0x168C0];
	v10 =	vmul.f32 $1.442695020e+00, v10;
	(erf) = vpow2.f32 v11;
	v53 =	vadd.f32 v17, v14  }
0x399: {  	v57 =	vsub.f32 v16, v1;
	v18 =	vpop (erf);
	v0 =	vmul.f32 $1.442695020e+00, v0  }
0x39a: {  	(erf) = vpow2.f32 v10;
	v55 =	vadd.f32 v18, v53;
	v19 =	vpop (erf)  }
0x39b: {  	v59 =	vsub.f32 v54, v1;
	v58 =	vpop (erf);
	(erf) = vpow2.f32 v0;
	v0 =	vmul.f32 $1.442695020e+00, v57  }
0x39c: {  	v11 =	vadd.f32 v19, v55  }
0x39d: {  	v1 =	vsub.f32 v56, v1;
	(erf) = vpow2.f32 v0;
	v0 =	vmul.f32 $1.442695020e+00, v59  }
0x39e: {  	v11 =	vadd.f32 v58, v11  }
0x39f: {  	v61 =	vpop (erf);
	(erf) = vpow2.f32 v0;
	v0 =	vmul.f32 $1.442695020e+00, v1  }
0x3a0: {  	v11 =	vadd.f32 v61, v11  }
0x3a1: {  	v1 =	vpop (erf)  }
0x3a2: {  	v11 =	vadd.f32 v1, v11;
	(erf) = vpow2.f32 v0  }
0x3a3: {  	v0 =	vpop (erf)  }
0x3a4: {  	v11 =	vadd.f32 v0, v11  }
0x3a5: {  	v62 =	vpop (erf)  }
0x3a6: {  	v11 =	vadd.f32 v62, v11  }
0x3a7: {  	v63 =	vpop (erf)  }
0x3a8: {  	v11 =	vadd.f32 v63, v11  }
0x3a9: {  	v20 =	vpop (erf)  }
0x3aa: {  	v11 =	vadd.f32 v20, v11  }
0x3ab: {  	v21 =	vpop (erf)  }
0x3ac: {  	v11 =	vadd.f32 v21, v11;
	_ =	sdelay $0x1  }
0x3ad: {  	(xrf2) =	vadd.scan.msk.f32 $0xffff, v11;
	_ =	sdelay $0x9  }
0x3ae: {  	[tilespmem:$0x16900] =	vst v51;
	v11, _, _ =	vpop (xrf2)  }
0x3af: {  	[tilespmem:$0x16910] =	vst v15;
	v11 =	vbroadcast v11, $0xF  }
0x3b0: {  	[tilespmem:$0x16920] =	vst v17  }
0x3b1: {  	[tilespmem:$0x16930] =	vst v18;
	(erf) = vrcp.f32 v11  }
0x3b2: {  	[tilespmem:$0x16940] =	vst v19  }
0x3b3: {  	[tilespmem:$0x16950] =	vst v58  }
0x3b4: {  	[tilespmem:$0x16960] =	vst v61  }
0x3b5: {  	[tilespmem:$0x16970] =	vst v1  }
.Ltmp11:
0x3b6: {  	[tilespmem:$0x16980] =	vst v0;
	(pc) =	sbr.rel @!p1 .LBB2_11-.Ltmp11, $4  }
0x3b7: {  	[tilespmem:$0x16990] =	vst v62  }
0x3b8: {  	[tilespmem:$0x169A0] =	vst v63  }
0x3b9: {  	[tilespmem:$0x169B0] =	vst v20  }
0x3ba: {  	s16 =	simm.s32 $0x0;
	s23 =	simm.s32 $0x16900;
	s1 =	simm.s32 $0x16800;
	[tilespmem:$0x169C0] =	vst v21;
	v1 =	vpop (erf)  }
0x3bb: {  	v0 =	vld [tilespmem:s23+$0x0];
	_ =	sdelay $0x3  }
0x3bc: {  	s2 =	sand.u32 $0x100, s16  }
0x3bd: {  	s6 =	sand.u32 $0x70, s16;
	s2 =	sadd.s32 s2, s30;
	v0 =	vmul.f32 v0, v1  }
0x3be: {  	s2 =	sadd.s32 s6, s2  }
0x3bf: {  	[tilespmem:s2+$0x0] =	vst v0  }
0x3c0: {  	v0 =	vld [tilespmem:s1+$0x0];
	_ =	sdelay $0x4  }
0x3c1: {  	s15 =	simm.s32 $0x16910;
	[tilespmem:s2+$0x80] =	vst v0  }
0x3c2: {  	s23 =	simm.s32 $0x10;
	s24 =	simm.s32 $0x20;
	v0 =	vld [tilespmem:s15+$0x0]  }
.LBB2_15:
0x3c3: {  	p1 =	sne.s32 s24, $0xC0;
	_ =	sdelay $0x1  }
0x3c4: {  	s16 =	sadd.s32 $0x20, s16  }
0x3c5: {  	s2 =	sand.u32 $0x100, s16  }
0x3c6: {  	s6 =	sand.u32 $0x70, s23;
	s23 =	smov.u32 s24;
	s2 =	sadd.s32 s2, s30;
	v0 =	vmul.f32 v0, v1  }
0x3c7: {  	s2 =	sadd.s32 s6, s2  }
0x3c8: {  	s1 =	sadd.s32 $0x10, s1;
	[tilespmem:s2+$0x0] =	vst v0  }
0x3c9: {  	v0 =	vld [tilespmem:s1+$0x0];
	_ =	sdelay $0x1  }
.Ltmp12:
0x3ca: {  	(pc) =	sbr.rel @p1 .LBB2_15-.Ltmp12, $3  }
0x3cb: {  	_ =	sdelay $0x1  }
0x3cc: {  	s15 =	sadd.s32 $0x10, s15;
	[tilespmem:s2+$0x80] =	vst v0  }
0x3cd: {  	s24 =	sadd.s32 $0x10, s24;
	v0 =	vld [tilespmem:s15+$0x0]  }
0x3ce: {  	_ =	sdelay $0x1  }
0x3cf: {  	s2 =	sadd.s32 $0x20, s16  }
0x3d0: {  	s2 =	sand.u32 $0x100, s2  }
0x3d1: {  	s6 =	sand.u32 $0x70, s23;
	s2 =	sadd.s32 s2, s30;
	v0 =	vmul.f32 v0, v1  }
0x3d2: {  	s2 =	sadd.s32 s6, s2  }
0x3d3: {  	s1 =	sadd.s32 $0x10, s1;
	v4 =	vld [tilespmem:$0x1FF60];
	[tilespmem:s2+$0x0] =	vst v0  }
0x3d4: {  	v0 =	vld [tilespmem:s1+$0x0]  }
.Ltmp13:
0x3d5: {  	v5 =	vld [tilespmem:$0x1FF70];
	(pc) =	sbr.rel .LBB2_17-.Ltmp13, $4  }
0x3d6: {  	v8 =	vld [tilespmem:$0x1FFA0]  }
0x3d7: {  	v9 =	vld [tilespmem:$0x1FFB0]  }
0x3d8: {  	v6 =	vld [tilespmem:$0x1FF80]  }
0x3d9: {  	v7 =	vld [tilespmem:$0x1FF90];
	[tilespmem:s2+$0x80] =	vst v0  }
.LBB2_11:
0x3da: {  	s1 =	sshra.s32 s16, $0x2  }
0x3db: {  	v0 =	vld [tilespmem:s23+$0x0];
	s15 =	sadd.s32 s1, s13  }
0x3dc: {  	v11 =	vld [tilespmem:s15+$0x6F80]  }
0x3dd: {  	v16 =	vld [tilespmem:s15+$0x6F90]  }
0x3de: {  	v17 =	vld [tilespmem:s15+$0x6FA0]  }
0x3df: {  	v43 =	vld [tilespmem:s15+$0x6FB0]  }
0x3e0: {  	v44 =	vld [tilespmem:s15+$0x6FC0]  }
0x3e1: {  	v47 =	vld [tilespmem:s15+$0x6FD0]  }
0x3e2: {  	v48 =	vld [tilespmem:s15+$0x6F00]  }
0x3e3: {  	v49 =	vld [tilespmem:s15+$0x6F10]  }
0x3e4: {  	v50 =	vld [tilespmem:s15+$0x6F20]  }
0x3e5: {  	v53 =	vld [tilespmem:s15+$0x6F30]  }
0x3e6: {  	v54 =	vld [tilespmem:s15+$0x6F40]  }
0x3e7: {  	v55 =	vld [tilespmem:s15+$0x6F50]  }
0x3e8: {  	v56 =	vld [tilespmem:s15+$0x6E80]  }
0x3e9: {  	v57 =	vld [tilespmem:s15+$0x6E90]  }
0x3ea: {  	v58 =	vld [tilespmem:s15+$0x6EA0]  }
0x3eb: {  	v59 =	vld [tilespmem:s15+$0x6EB0]  }
0x3ec: {  	v60 =	vld [tilespmem:s15+$0x6EC0]  }
0x3ed: {  	v61 =	vld [tilespmem:s15+$0x6ED0]  }
0x3ee: {  	v62 =	vld [tilespmem:s15+$0x6E00]  }
0x3ef: {  	v63 =	vld [tilespmem:s15+$0x6E10]  }
0x3f0: {  	v20 =	vld [tilespmem:s15+$0x6E20]  }
0x3f1: {  	v21 =	vld [tilespmem:s15+$0x6E30]  }
0x3f2: {  	v24 =	vld [tilespmem:s15+$0x6E40]  }
0x3f3: {  	v25 =	vld [tilespmem:s15+$0x6E50]  }
0x3f4: {  	v26 =	vld [tilespmem:s15+$0x6D80]  }
0x3f5: {  	v30 =	vld [tilespmem:s15+$0x6D90]  }
0x3f6: {  	v42 =	vld [tilespmem:s15+$0x6DA0]  }
0x3f7: {  	v52 =	vld [tilespmem:s15+$0x6DB0]  }
0x3f8: {  	v41 =	vld [tilespmem:s15+$0x6DC0]  }
0x3f9: {  	v51 =	vld [tilespmem:s15+$0x6DD0]  }
0x3fa: {  	s24 =	sand.u32 $0x400, s16;
	v31 =	vld [tilespmem:s15+$0x6D00]  }
0x3fb: {  	s2 =	sand.u32 $0x70, s16;
	s1 =	sadd.s32 s24, s26;
	v34 =	vld [tilespmem:s15+$0x6D10]  }
0x3fc: {  	s1 =	sadd.s32 s2, s1;
	v35 =	vld [tilespmem:s15+$0x6D20]  }
0x3fd: {  	v12 =	vld.idx.msk [tilespmem:v22+s1+$0x0 ss:$0x1], $0xffff  }
0x3fe: {  	v39 =	vld [tilespmem:s15+$0x6D30]  }
0x3ff: {  	v9 =	vld [tilespmem:s15+$0x6D40]  }
0x400: {  	v46 =	vld [tilespmem:s15+$0x6D50]  }
0x401: {  	v32 =	vld [tilespmem:s15+$0x6C80]  }
0x402: {  	v33 =	vld [tilespmem:s15+$0x6C90];
	v0 =	vmul.f32 v12, v0  }
0x403: {  	v36 =	vld [tilespmem:s15+$0x6CA0]  }
0x404: {  	v37 =	vld [tilespmem:s15+$0x6CB0];
	v13 =	vbroadcast v0, $0xE  }
0x405: {  	[tilespmem:$0x1FDB0] =	vst v1;
	v38 =	vld [tilespmem:s15+$0x6CC0];
	v12 =	vbroadcast v0, $0xF;
	v15 =	vbroadcast v0, $0xC  }
0x406: {  	v40 =	vld [tilespmem:s15+$0x6CD0];
	[tilespmem:$0x1FEF0] =	vst v46;
	v14 =	vbroadcast v0, $0xD;
	v19 =	vbroadcast v0, $0xA  }
0x407: {  	v45 =	vld [tilespmem:s15+$0x6C20];
	[tilespmem:$0x1FF00] =	vst v32;
	v18 =	vbroadcast v0, $0xB;
	v23 =	vbroadcast v0, $0x8  }
0x408: {  	v1 =	vld [tilespmem:s15+$0x6800];
	[tilespmem:$0x1FF10] =	vst v33;
	v22 =	vbroadcast v0, $0x9;
	v28 =	vbroadcast v0, $0x6  }
0x409: {  	v10 =	vld [tilespmem:s15+$0x6810];
	[tilespmem:$0x1FF20] =	vst v36;
	v27 =	vbroadcast v0, $0x7;
	v32 =	vbroadcast v0, $0x4  }
0x40a: {  	[tilespmem:$0x1FF40] =	vst v38;
	v46 =	vld [tilespmem:s15+$0x6C00];
	v29 =	vbroadcast v0, $0x5;
	v36 =	vbroadcast v0, $0x2  }
0x40b: {  	[tilespmem:$0x1FF50] =	vst v40;
	v40 =	vld [tilespmem:s15+$0x6C10];
	v33 =	vbroadcast v0, $0x3;
	v38 =	vbroadcast v0, $0x0  }
0x40c: {  	[tilespmem:$0x1FF30] =	vst v37;
	v37 =	vbroadcast v0, $0x1;
	v0 =	vmul.f32 v11, v12;
	v11 =	vld [tilespmem:s15+$0x6890]  }
0x40d: {  	[tilespmem:$0x1FDC0] =	vst v3;
	v2 =	vmul.f32 v16, v12;
	v16 =	vld [tilespmem:s15+$0x6820]  }
0x40e: {  	v43 =	vmul.f32 v43, v12;
	v4 =	vmul.f32 v31, v19;
	v31 =	vld [tilespmem:s15+$0x6BA0];
	[tilespmem:$0x1FDD0] =	vst v0  }
0x40f: {  	v60 =	vmul.f32 v60, v14;
	v7 =	vmul.f32 v41, v18;
	v41 =	vld [tilespmem:s15+$0x6C40];
	[tilespmem:$0x1FDE0] =	vst v2  }
0x410: {  	v0 =	vld [tilespmem:s15+$0x6880];
	v2 =	vmul.f32 v17, v12;
	[tilespmem:$0x1FE00] =	vst v43  }
0x411: {  	v43 =	vmul.f32 v44, v12;
	v17 =	vld [tilespmem:s15+$0x6830];
	[tilespmem:$0x1FEB0] =	vst v60  }
0x412: {  	v44 =	vmul.f32 v47, v12;
	v60 =	vmul.f32 v26, v18;
	v26 =	vld [tilespmem:s15+$0x6B00];
	[tilespmem:$0x1FDF0] =	vst v2  }
0x413: {  	v47 =	vmul.f32 v48, v13;
	[tilespmem:$0x1FE10] =	vst v43;
	v43 =	vld [tilespmem:s15+$0x68A0]  }
0x414: {  	v48 =	vmul.f32 v50, v13;
	v50 =	vmul.f32 v53, v13;
	[tilespmem:$0x1FE20] =	vst v44;
	v44 =	vld [tilespmem:s15+$0x68B0]  }
0x415: {  	v1 =	vmul.f32 v38, v1;
	v10 =	vmul.f32 v10, v38;
	[tilespmem:$0x1FE30] =	vst v47;
	v47 =	vld [tilespmem:s15+$0x6900]  }
0x416: {  	v49 =	vmul.f32 v49, v13;
	[tilespmem:$0x1FE50] =	vst v50;
	v50 =	vmul.f32 v54, v13;
	v54 =	vld [tilespmem:s15+$0x6980]  }
0x417: {  	v55 =	vmul.f32 v55, v13;
	v56 =	vmul.f32 v56, v14;
	[tilespmem:$0x1FE40] =	vst v48;
	v2 =	vld [tilespmem:s15+$0x6A20]  }
0x418: {  	v3 =	vimm.f32 $0.0e+00;
	v48 =	vmul.f32 v57, v14;
	v57 =	vmul.f32 v58, v14;
	[tilespmem:$0x1FEC0] =	vst v60;
	v60 =	vld [tilespmem:s15+$0x6BB0]  }
0x419: {  	v10 =	vadd.f32 v10, v3;
	v11 =	vmul.f32 v11, v37;
	v53 =	vmul.f32 v16, v38;
	v16 =	vld [tilespmem:s15+$0x6910]  }
0x41a: {  	v1 =	vadd.f32 v1, v3;
	[tilespmem:$0x1FE90] =	vst v57;
	v57 =	vmul.f32 v61, v14;
	v61 =	vld [tilespmem:s15+$0x6A30];
	v0 =	vmul.f32 v0, v37  }
0x41b: {  	[tilespmem:$0x1FE70] =	vst v56;
	v56 =	vimm.f32 $0.0e+00;
	v10 =	vadd.f32 v11, v10;
	v11 =	vmul.f32 v17, v38;
	v17 =	vld [tilespmem:s15+$0x6920]  }
0x41c: {  	v58 =	vmul.f32 v59, v14;
	v0 =	vadd.f32 v0, v1;
	v1 =	vadd.f32 v53, v3;
	v53 =	vld [tilespmem:s15+$0x6930]  }
0x41d: {  	[tilespmem:$0x1FE60] =	vst v55;
	v11 =	vadd.f32 v11, v56;
	v44 =	vmul.f32 v44, v37;
	v55 =	vmul.f32 v47, v36;
	v47 =	vld [tilespmem:s15+$0x6990]  }
0x41e: {  	[tilespmem:$0x1FEA0] =	vst v58;
	v43 =	vmul.f32 v43, v37;
	v58 =	vmul.f32 v54, v33;
	v54 =	vld [tilespmem:$0x1FEF0]  }
0x41f: {  	v5 =	vmul.f32 v24, v15;
	v16 =	vmul.f32 v16, v36;
	v11 =	vadd.f32 v44, v11;
	v44 =	vld [tilespmem:s15+$0x69A0]  }
0x420: {  	v1 =	vadd.f32 v43, v1;
	v43 =	vadd.f32 v55, v0;
	v55 =	vld [tilespmem:s15+$0x6B30];
	v59 =	vmul.f32 v17, v36  }
0x421: {  	v6 =	vmul.f32 v25, v15;
	v17 =	vld [tilespmem:s15+$0x69B0];
	v16 =	vadd.f32 v16, v10;
	v10 =	vmul.f32 v53, v36  }
0x422: {  	v8 =	vmul.f32 v51, v18;
	v9 =	vmul.f32 v9, v19;
	[tilespmem:$0x1FE80] =	vst v48;
	v48 =	vadd.f32 v59, v1;
	v59 =	vld [tilespmem:s15+$0x6A10]  }
0x423: {  	v25 =	vmul.f32 v2, v32;
	v53 =	vld [tilespmem:s15+$0x6A00];
	v0 =	vadd.f32 v10, v11;
	v11 =	vmul.f32 v47, v33  }
0x424: {  	v43 =	vadd.f32 v58, v43;
	v58 =	vld [tilespmem:s15+$0x6AA0];
	v10 =	vmul.f32 v62, v15;
	v44 =	vmul.f32 v44, v33  }
0x425: {  	v62 =	vmul.f32 v63, v15;
	v16 =	vadd.f32 v11, v16;
	v11 =	vmul.f32 v20, v15;
	v20 =	vld [tilespmem:s15+$0x6A80]  }
0x426: {  	v63 =	vmul.f32 v21, v15;
	v2 =	vmul.f32 v55, v28;
	v44 =	vadd.f32 v44, v48;
	v48 =	vld [tilespmem:s15+$0x6A90]  }
0x427: {  	v55 =	vld [tilespmem:s15+$0x6C50];
	v17 =	vmul.f32 v17, v33;
	v24 =	vmul.f32 v59, v32  }
0x428: {  	v47 =	vmul.f32 v42, v18;
	v21 =	vmul.f32 v53, v32;
	v59 =	vld [tilespmem:s15+$0x6AB0]  }
0x429: {  	v42 =	vld [tilespmem:s15+$0x6B50];
	v17 =	vadd.f32 v17, v0;
	v16 =	vadd.f32 v24, v16;
	v24 =	vmul.f32 v61, v32  }
0x42a: {  	v40 =	vmul.f32 v40, v23;
	[tilespmem:$0x1FED0] =	vst v47;
	v47 =	vld [tilespmem:$0x1FF30];
	v21 =	vadd.f32 v21, v43;
	v20 =	vmul.f32 v20, v29  }
0x42b: {  	v61 =	vmul.f32 v30, v18;
	v30 =	vld [tilespmem:s15+$0x6B10];
	v17 =	vadd.f32 v24, v17;
	v24 =	vmul.f32 v48, v29  }
0x42c: {  	v45 =	vmul.f32 v45, v23;
	v25 =	vadd.f32 v25, v44;
	v48 =	vld [tilespmem:s15+$0x6B20];
	v20 =	vadd.f32 v20, v21  }
0x42d: {  	v21 =	vmul.f32 v58, v29;
	v16 =	vadd.f32 v24, v16;
	v24 =	vmul.f32 v59, v29;
	v59 =	vld [tilespmem:s15+$0x6B90]  }
0x42e: {  	v31 =	vmul.f32 v31, v27;
	v53 =	vmul.f32 v52, v18;
	v52 =	vld [tilespmem:s15+$0x6BD0]  }
0x42f: {  	v54 =	vmul.f32 v54, v19;
	v58 =	vld [tilespmem:s15+$0x6B80];
	v21 =	vadd.f32 v21, v25;
	v25 =	vmul.f32 v26, v28  }
0x430: {  	v44 =	vld [tilespmem:s15+$0x6C30];
	v55 =	vmul.f32 v55, v23;
	v26 =	vmul.f32 v30, v28  }
0x431: {  	[tilespmem:$0x1FEE0] =	vst v53;
	v53 =	vld [tilespmem:s15+$0x6B40];
	v17 =	vadd.f32 v24, v17;
	v30 =	vmul.f32 v48, v28;
	v20 =	vadd.f32 v25, v20  }
0x432: {  	v25 =	vmul.f32 v34, v19;
	v16 =	vadd.f32 v26, v16;
	v51 =	vmul.f32 v59, v27;
	v59 =	vld [tilespmem:$0x1FF10]  }
0x433: {  	v17 =	vadd.f32 v2, v17;
	v34 =	vmul.f32 v60, v27;
	v60 =	vmul.f32 v46, v23;
	v46 =	vld [tilespmem:$0x1FF20]  }
0x434: {  	v26 =	vmul.f32 v35, v19;
	v21 =	vadd.f32 v30, v21;
	v48 =	vmul.f32 v58, v27;
	v58 =	vld [tilespmem:$0x1FF00]  }
0x435: {  	v30 =	vmul.f32 v39, v19;
	v39 =	vld [tilespmem:s15+$0x6BC0];
	v17 =	vadd.f32 v34, v17;
	v16 =	vadd.f32 v51, v16  }
0x436: {  	v35 =	vmul.f32 v47, v22;
	v20 =	vadd.f32 v48, v20;
	v21 =	vadd.f32 v31, v21;
	v48 =	vld [tilespmem:s15+$0x6AC0]  }
0x437: {  	v40 =	vadd.f32 v40, v16;
	v16 =	vmul.f32 v44, v23;
	v31 =	vmul.f32 v59, v22;
	v59 =	vld [tilespmem:$0x1FF40]  }
0x438: {  	v34 =	vmul.f32 v46, v22;
	v20 =	vadd.f32 v60, v20;
	v46 =	vadd.f32 v45, v21;
	v60 =	vld [tilespmem:$0x1FF50]  }
0x439: {  	v43 =	vld [tilespmem:s15+$0x69C0];
	v21 =	vmul.f32 v42, v28;
	v51 =	vmul.f32 v58, v22;
	v47 =	vadd.f32 v16, v17  }
0x43a: {  	v44 =	vld [tilespmem:s15+$0x6A40];
	v16 =	vmul.f32 v39, v27;
	v17 =	vmul.f32 v52, v27;
	v52 =	vimm.f32 $0.0e+00  }
0x43b: {  	v45 =	vld [tilespmem:s15+$0x6A50];
	v39 =	vadd.f32 v51, v20;
	v20 =	vmul.f32 v53, v28;
	v40 =	vadd.f32 v31, v40  }
0x43c: {  	v42 =	vld [tilespmem:s15+$0x69D0];
	v31 =	vmul.f32 v48, v29;
	v53 =	vimm.f32 $0.0e+00;
	v58 =	vmul.f32 v59, v22  }
0x43d: {  	s24 =	simm.s32 $0x0;
	s1 =	sadd.s32 $0x2000, s16;
	v51 =	vimm.f32 $0.0e+00;
	v59 =	vmul.f32 v60, v22;
	v60 =	vmul.f32 v41, v23;
	v41 =	vld [tilespmem:s15+$0x6AD0]  }
.LBB2_12:
0x43e: {  	v48 =	vld [tilespmem:s15+$0x6940]  }
0x43f: {  	v34 =	vadd.f32 v34, v46;
	v46 =	vld [tilespmem:s15+$0x6950]  }
0x440: {  	v24 =	vadd.f32 v4, v39;
	v39 =	vld [tilespmem:s15+$0x68C0]  }
0x441: {  	v0 =	vld [tilespmem:$0x1FEC0]  }
0x442: {  	v25 =	vadd.f32 v25, v40;
	v40 =	vmul.f32 v45, v32;
	v45 =	vld [tilespmem:$0x1FED0]  }
0x443: {  	v35 =	vadd.f32 v35, v47;
	v47 =	vld [tilespmem:$0x1FEE0]  }
0x444: {  	v2 =	vld [tilespmem:$0x1FE70]  }
0x445: {  	v26 =	vadd.f32 v26, v34;
	v34 =	vld [tilespmem:s15+$0x68D0]  }
0x446: {  	v30 =	vadd.f32 v30, v35;
	v35 =	vmul.f32 v43, v33;
	v43 =	vld [tilespmem:s15+$0x6840]  }
0x447: {  	v24 =	vadd.f32 v0, v24;
	v26 =	vadd.f32 v45, v26;
	v45 =	vld [tilespmem:s15+$0x6850]  }
0x448: {  	v30 =	vadd.f32 v47, v30;
	v47 =	vmul.f32 v48, v36;
	v48 =	vld [tilespmem:$0x1FE30]  }
0x449: {  	v25 =	vadd.f32 v61, v25;
	v61 =	vadd.f32 v10, v24;
	v24 =	vld [tilespmem:s15+$0x6860]  }
0x44a: {  	v1 =	vadd.f32 v11, v26;
	v26 =	vld [tilespmem:s15+$0x6870]  }
0x44b: {  	v10 =	vadd.f32 v62, v25;
	v62 =	vld [tilespmem:$0x1FE80]  }
0x44c: {  	v11 =	vadd.f32 v63, v30;
	v30 =	vmul.f32 v39, v37;
	v39 =	vld [tilespmem:s15+$0x68E0]  }
0x44d: {  	v25 =	vmul.f32 v46, v36;
	v46 =	vld [tilespmem:$0x1FEA0]  }
0x44e: {  	v63 =	vld [tilespmem:$0x1FE90];
	v0 =	vadd.f32 v2, v61  }
0x44f: {  	v61 =	vld [tilespmem:$0x1FE50]  }
0x450: {  	v0 =	vadd.f32 v48, v0;
	v48 =	vld [tilespmem:s15+$0x6960];
	v10 =	vadd.f32 v62, v10  }
0x451: {  	v62 =	vld [tilespmem:$0x1FDD0]  }
0x452: {  	v11 =	vadd.f32 v46, v11;
	v10 =	vadd.f32 v49, v10;
	v49 =	vld [tilespmem:$0x1FE40]  }
0x453: {  	v1 =	vadd.f32 v63, v1;
	v63 =	vld [tilespmem:$0x1FDE0]  }
0x454: {  	v11 =	vadd.f32 v61, v11;
	v61 =	vld [tilespmem:$0x1FDF0]  }
0x455: {  	v46 =	vld [tilespmem:s15+$0x68F0]  }
0x456: {  	v0 =	vadd.f32 v62, v0;
	v62 =	vld [tilespmem:$0x1FE00]  }
0x457: {  	v41 =	vmul.f32 v41, v29;
	v43 =	vmul.f32 v43, v38;
	v1 =	vadd.f32 v49, v1;
	v49 =	vld [tilespmem:s15+$0x6970]  }
0x458: {  	v44 =	vmul.f32 v44, v32;
	v24 =	vmul.f32 v24, v38;
	[tilespmem:$0x1FCC0] =	vst v0;
	v0 =	vadd.f32 v63, v10;
	v10 =	vld [tilespmem:s15+$0x69E0]  }
0x459: {  	v45 =	vmul.f32 v45, v38;
	v63 =	vadd.f32 v43, v56;
	v43 =	vld [tilespmem:s15+$0x69F0];
	v1 =	vadd.f32 v61, v1  }
0x45a: {  	v42 =	vmul.f32 v42, v33;
	v24 =	vadd.f32 v24, v51;
	v56 =	vld [tilespmem:s15+$0x6BF0];
	[tilespmem:$0x1FCD0] =	vst v0;
	v0 =	vmul.f32 v26, v38  }
0x45b: {  	v34 =	vmul.f32 v34, v37;
	v61 =	vld [tilespmem:$0x1FE20];
	[tilespmem:$0x1FCE0] =	vst v1;
	v1 =	vadd.f32 v62, v11;
	v11 =	vadd.f32 v45, v53  }
0x45c: {  	v26 =	vmul.f32 v39, v37;
	v0 =	vadd.f32 v0, v52;
	v45 =	vmul.f32 v46, v37;
	v46 =	vld [tilespmem:s15+$0x6A60]  }
0x45d: {  	[tilespmem:$0x1FCF0] =	vst v1;
	v1 =	vadd.f32 v30, v63;
	v11 =	vadd.f32 v34, v11;
	v30 =	vmul.f32 v48, v36;
	v48 =	vld [tilespmem:s15+$0x6A70]  }
0x45e: {  	v24 =	vadd.f32 v26, v24;
	v26 =	vmul.f32 v49, v36;
	v49 =	vld [tilespmem:s15+$0x6AE0];
	v0 =	vadd.f32 v45, v0  }
0x45f: {  	v10 =	vmul.f32 v10, v33;
	v1 =	vadd.f32 v47, v1;
	v11 =	vadd.f32 v25, v11;
	v25 =	vld [tilespmem:s15+$0x6AF0]  }
0x460: {  	v24 =	vadd.f32 v30, v24;
	v0 =	vadd.f32 v26, v0;
	v26 =	vmul.f32 v43, v33;
	v30 =	vld [tilespmem:s15+$0x6B60]  }
0x461: {  	v52 =	vld [tilespmem:s15+$0x6B70];
	v51 =	vmul.f32 v46, v32;
	v1 =	vadd.f32 v35, v1;
	v11 =	vadd.f32 v42, v11  }
0x462: {  	v63 =	vld [tilespmem:$0x1FFE0];
	v10 =	vadd.f32 v10, v24;
	v0 =	vadd.f32 v26, v0;
	v24 =	vmul.f32 v48, v32  }
0x463: {  	v26 =	vld [tilespmem:s15+$0x6BE0];
	v53 =	vmul.f32 v49, v29;
	v1 =	vadd.f32 v44, v1;
	v11 =	vadd.f32 v40, v11  }
0x464: {  	v10 =	vadd.f32 v51, v10;
	v0 =	vadd.f32 v24, v0;
	v24 =	vmul.f32 v25, v29;
	v25 =	vld [tilespmem:s15+$0x6C60]  }
0x465: {  	v29 =	vmul.f32 v30, v28;
	v30 =	vld [tilespmem:s15+$0x6C70];
	v1 =	vadd.f32 v31, v1;
	v11 =	vadd.f32 v41, v11  }
0x466: {  	v10 =	vadd.f32 v53, v10;
	v0 =	vadd.f32 v24, v0;
	v24 =	vmul.f32 v52, v28;
	v28 =	vld [tilespmem:s15+$0x6CE0]  }
0x467: {  	v1 =	vadd.f32 v20, v1;
	v11 =	vadd.f32 v21, v11;
	v21 =	vld [tilespmem:s15+$0x6CF0]  }
0x468: {  	v20 =	vmul.f32 v26, v27;
	v10 =	vadd.f32 v29, v10;
	v26 =	vld [tilespmem:s15+$0x6D60];
	v0 =	vadd.f32 v24, v0  }
0x469: {  	v24 =	vmul.f32 v56, v27;
	v1 =	vadd.f32 v16, v1;
	v11 =	vadd.f32 v17, v11;
	v17 =	vld [tilespmem:s15+$0x6D70]  }
0x46a: {  	v16 =	vmul.f32 v25, v23;
	v10 =	vadd.f32 v20, v10;
	v20 =	vmul.f32 v30, v23;
	v23 =	vld [tilespmem:s15+$0x6DE0]  }
0x46b: {  	v25 =	vld [tilespmem:s15+$0x6DF0];
	v0 =	vadd.f32 v24, v0  }
0x46c: {  	v1 =	vadd.f32 v60, v1;
	v60 =	vld [tilespmem:$0x1FE10]  }
0x46d: {  	v11 =	vadd.f32 v55, v11;
	v0 =	vadd.f32 v20, v0;
	v20 =	vld [tilespmem:s15+$0x6E60]  }
0x46e: {  	v24 =	vmul.f32 v28, v22;
	v10 =	vadd.f32 v16, v10;
	v16 =	vmul.f32 v21, v22;
	v22 =	vld [tilespmem:s15+$0x6E70]  }
0x46f: {  	v1 =	vadd.f32 v58, v1;
	v58 =	vld [tilespmem:$0x1FEB0]  }
0x470: {  	v21 =	vmul.f32 v26, v19;
	v11 =	vadd.f32 v59, v11;
	v59 =	vld [tilespmem:$0x1FE60]  }
0x471: {  	v10 =	vadd.f32 v24, v10;
	v0 =	vadd.f32 v16, v0;
	v16 =	vmul.f32 v17, v19;
	v17 =	vld [tilespmem:s15+$0x6EE0]  }
0x472: {  	v19 =	vmul.f32 v23, v18;
	v23 =	vld [tilespmem:s15+$0x6EF0]  }
0x473: {  	v10 =	vadd.f32 v21, v10;
	v21 =	vld [tilespmem:s15+$0x6F70]  }
0x474: {  	v0 =	vadd.f32 v16, v0;
	v16 =	vmul.f32 v25, v18;
	v18 =	vld [tilespmem:s15+$0x6F60]  }
0x475: {  	s23 =	sadd.s32 $0x10, s23;
	v10 =	vadd.f32 v19, v10;
	v19 =	vld [tilespmem:s15+$0x6FF0]  }
0x476: {  	s2 =	sshra.s32 s1, $0x2;
	v20 =	vmul.f32 v20, v15;
	v15 =	vmul.f32 v22, v15;
	v22 =	vld [tilespmem:s23+$0x0]  }
0x477: {  	v0 =	vadd.f32 v16, v0;
	v16 =	vld [tilespmem:s15+$0x6FE0];
	s15 =	sadd.s32 s2, s13  }
0x478: {  	v10 =	vadd.f32 v20, v10;
	v20 =	vld [tilespmem:s15+$0x6F80]  }
0x479: {  	v24 =	vld [tilespmem:s15+$0x6F90]  }
0x47a: {  	v25 =	vld [tilespmem:s15+$0x6F30]  }
0x47b: {  	v26 =	vld [tilespmem:s15+$0x6F40]  }
0x47c: {  	v30 =	vld [tilespmem:s15+$0x6F50]  }
0x47d: {  	v31 =	vld [tilespmem:s15+$0x6E80]  }
0x47e: {  	v34 =	vld [tilespmem:s15+$0x6E90]  }
0x47f: {  	v35 =	vld [tilespmem:s15+$0x6EA0]  }
0x480: {  	v39 =	vld [tilespmem:s15+$0x6EB0]  }
0x481: {  	v40 =	vld [tilespmem:s15+$0x6EC0]  }
0x482: {  	v41 =	vld [tilespmem:s15+$0x6ED0]  }
0x483: {  	v42 =	vld [tilespmem:s15+$0x6E00]  }
0x484: {  	v43 =	vld [tilespmem:s15+$0x6E10]  }
0x485: {  	v44 =	vld [tilespmem:s15+$0x6E20]  }
0x486: {  	v45 =	vld [tilespmem:s15+$0x6E30]  }
0x487: {  	v46 =	vld [tilespmem:s15+$0x6E40]  }
0x488: {  	v47 =	vld [tilespmem:s15+$0x6E50]  }
0x489: {  	v48 =	vld [tilespmem:s15+$0x6D80]  }
0x48a: {  	v11 =	vadd.f32 v54, v11;
	v54 =	vld [tilespmem:s15+$0x6D90]  }
0x48b: {  	v17 =	vmul.f32 v17, v14;
	v14 =	vmul.f32 v23, v14;
	v55 =	vld [tilespmem:s15+$0x6DA0];
	v0 =	vadd.f32 v15, v0  }
0x48c: {  	v49 =	vld [tilespmem:s15+$0x6DC0]  }
0x48d: {  	s16 =	sadd.s32 $0x80, s16;
	v51 =	vld [tilespmem:s15+$0x6D00];
	v15 =	vmul.f32 v18, v13;
	v13 =	vmul.f32 v21, v13;
	v0 =	vadd.f32 v14, v0  }
0x48e: {  	s24 =	sadd.s32 $0x10, s24;
	v1 =	vadd.f32 v9, v1;
	s2 =	sand.u32 $0x400, s16;
	v52 =	vld [tilespmem:s15+$0x6D10]  }
0x48f: {  	s6 =	sand.u32 $0x70, s24;
	s2 =	sadd.s32 s2, s26;
	v53 =	vld [tilespmem:s15+$0x6D20];
	v14 =	vmul.f32 v16, v12;
	v12 =	vmul.f32 v19, v12;
	v0 =	vadd.f32 v13, v0  }
0x490: {  	v1 =	vadd.f32 v7, v1;
	v56 =	vld [tilespmem:s15+$0x6D30];
	s2 =	sadd.s32 s6, s2  }
0x491: {  	v11 =	vadd.f32 v8, v11;
	v0 =	vadd.f32 v12, v0;
	v12 =	vld.idx.msk [tilespmem:v63+s2+$0x0 ss:$0x1], $0xffff  }
0x492: {  	v1 =	vadd.f32 v5, v1;
	v3 =	vld [tilespmem:s15+$0x6CA0]  }
0x493: {  	v11 =	vadd.f32 v6, v11;
	v10 =	vadd.f32 v17, v10;
	v17 =	vld [tilespmem:s15+$0x6FA0]  }
0x494: {  	v1 =	vadd.f32 v58, v1;
	v21 =	vld [tilespmem:s15+$0x6FC0]  }
0x495: {  	v11 =	vadd.f32 v57, v11;
	v57 =	vld [tilespmem:s15+$0x6D40]  }
0x496: {  	v58 =	vld [tilespmem:s15+$0x6D50];
	v1 =	vadd.f32 v50, v1;
	v2 =	vmul.f32 v12, v22  }
0x497: {  	v11 =	vadd.f32 v59, v11;
	v16 =	vld [tilespmem:s15+$0x6FB0];
	v10 =	vadd.f32 v15, v10  }
0x498: {  	v50 =	vld [tilespmem:s15+$0x6DD0];
	v1 =	vadd.f32 v60, v1;
	v13 =	vbroadcast v2, $0xE;
	v12 =	vbroadcast v2, $0xF  }
0x499: {  	v59 =	vld [tilespmem:s15+$0x6C80];
	v62 =	vadd.f32 v14, v10;
	v15 =	vbroadcast v2, $0xC;
	v14 =	vbroadcast v2, $0xD  }
0x49a: {  	v10 =	vld [tilespmem:s15+$0x6F10];
	[tilespmem:$0x1FD00] =	vst v1;
	v1 =	vadd.f32 v61, v11;
	v19 =	vbroadcast v2, $0xA;
	v18 =	vbroadcast v2, $0xB  }
0x49b: {  	v11 =	vld [tilespmem:s15+$0x6F20];
	v23 =	vbroadcast v2, $0x8;
	v22 =	vbroadcast v2, $0x9  }
0x49c: {  	[tilespmem:$0x1FD10] =	vst v1;
	v1 =	vld [tilespmem:s15+$0x6FD0];
	v28 =	vbroadcast v2, $0x6;
	v27 =	vbroadcast v2, $0x7  }
0x49d: {  	[tilespmem:$0x1FD30] =	vst v0;
	v0 =	vld [tilespmem:s15+$0x6F00];
	v32 =	vbroadcast v2, $0x4;
	v29 =	vbroadcast v2, $0x5  }
0x49e: {  	v63 =	vld [tilespmem:s15+$0x6DB0];
	v36 =	vbroadcast v2, $0x2;
	v33 =	vbroadcast v2, $0x3  }
0x49f: {  	v38 =	vbroadcast v2, $0x0;
	v37 =	vbroadcast v2, $0x1;
	v2 =	vld [tilespmem:s15+$0x6C90]  }
0x4a0: {  	v4 =	vmul.f32 v20, v12;
	v20 =	vld [tilespmem:s15+$0x6CB0]  }
0x4a1: {  	[tilespmem:$0x1FD20] =	vst v62;
	v1 =	vmul.f32 v1, v12;
	v60 =	vmul.f32 v10, v13;
	v10 =	vld [tilespmem:s15+$0x6C20]  }
0x4a2: {  	v0 =	vmul.f32 v0, v13;
	v61 =	vmul.f32 v11, v13;
	v11 =	vld [tilespmem:s15+$0x6C40];
	[tilespmem:$0x1FDD0] =	vst v4  }
0x4a3: {  	v5 =	vmul.f32 v46, v15;
	v46 =	vld [tilespmem:s15+$0x6B10];
	[tilespmem:$0x1FE20] =	vst v1  }
0x4a4: {  	v6 =	vmul.f32 v47, v15;
	v47 =	vld [tilespmem:s15+$0x6A80];
	v4 =	vmul.f32 v24, v12;
	[tilespmem:$0x1FE30] =	vst v0  }
0x4a5: {  	v62 =	vmul.f32 v25, v13;
	v8 =	vmul.f32 v50, v18;
	v50 =	vld [tilespmem:s15+$0x6A00];
	[tilespmem:$0x1FD40] =	vst v60  }
0x4a6: {  	v25 =	vmul.f32 v52, v19;
	v52 =	vld [tilespmem:s15+$0x6980];
	[tilespmem:$0x1FDE0] =	vst v4;
	v4 =	vmul.f32 v17, v12  }
0x4a7: {  	v34 =	vmul.f32 v34, v14;
	v9 =	vmul.f32 v57, v19;
	v57 =	vld [tilespmem:s15+$0x6880];
	[tilespmem:$0x1FE50] =	vst v62  }
0x4a8: {  	v0 =	vld [tilespmem:s15+$0x6C10];
	[tilespmem:$0x1FDF0] =	vst v4;
	v4 =	vmul.f32 v16, v12  }
0x4a9: {  	v7 =	vmul.f32 v48, v18;
	v62 =	vmul.f32 v31, v14;
	[tilespmem:$0x1FE80] =	vst v34;
	v1 =	vld [tilespmem:s15+$0x6C30]  }
0x4aa: {  	v31 =	vmul.f32 v41, v14;
	v41 =	vld [tilespmem:s15+$0x6C50];
	[tilespmem:$0x1FE00] =	vst v4;
	v4 =	vmul.f32 v35, v14  }
0x4ab: {  	v60 =	vmul.f32 v26, v13;
	[tilespmem:$0x1FEC0] =	vst v7;
	v7 =	vmul.f32 v49, v18;
	v49 =	vld [tilespmem:s15+$0x6A90]  }
0x4ac: {  	v34 =	vmul.f32 v3, v22;
	v3 =	vld [tilespmem:s15+$0x6900];
	[tilespmem:$0x1FE90] =	vst v4;
	v4 =	vmul.f32 v39, v14  }
0x4ad: {  	[tilespmem:$0x1FE40] =	vst v61;
	v61 =	vmul.f32 v30, v13;
	v26 =	vmul.f32 v53, v19;
	v53 =	vld [tilespmem:s15+$0x68B0]  }
0x4ae: {  	v30 =	vmul.f32 v56, v19;
	v56 =	vld [tilespmem:s15+$0x6920];
	[tilespmem:$0x1FEA0] =	vst v4;
	v4 =	vmul.f32 v40, v14  }
0x4af: {  	v24 =	vmul.f32 v54, v18;
	v54 =	vld [tilespmem:$0x1FCE0]  }
0x4b0: {  	v17 =	vmul.f32 v21, v12;
	v21 =	vld [tilespmem:s15+$0x6C00];
	[tilespmem:$0x1FEB0] =	vst v4;
	v4 =	vmul.f32 v42, v15  }
0x4b1: {  	v48 =	vmul.f32 v10, v23;
	v10 =	vld [tilespmem:s15+$0x6800]  }
0x4b2: {  	v16 =	vld [tilespmem:s15+$0x6CC0];
	[tilespmem:$0x1FD60] =	vst v4;
	v4 =	vmul.f32 v44, v15  }
0x4b3: {  	[tilespmem:$0x1FE10] =	vst v17;
	v17 =	vld [tilespmem:s15+$0x6CD0]  }
0x4b4: {  	v44 =	vld [tilespmem:s15+$0x6B90];
	[tilespmem:$0x1FD50] =	vst v4;
	v4 =	vmul.f32 v55, v18  }
0x4b5: {  	v2 =	vmul.f32 v2, v22;
	[tilespmem:$0x1FD80] =	vst v60;
	v60 =	vmul.f32 v11, v23;
	v39 =	vld [tilespmem:s15+$0x6B80]  }
0x4b6: {  	v40 =	vmul.f32 v45, v15;
	v45 =	vld [tilespmem:s15+$0x6B00];
	[tilespmem:$0x1FED0] =	vst v4;
	v4 =	vmul.f32 v63, v18  }
0x4b7: {  	v63 =	vmul.f32 v58, v19;
	v58 =	vmul.f32 v59, v22;
	v59 =	vld [tilespmem:s15+$0x6990]  }
0x4b8: {  	[tilespmem:$0x1FE60] =	vst v61;
	v35 =	vmul.f32 v20, v22;
	v20 =	vld [tilespmem:s15+$0x6810];
	v10 =	vmul.f32 v38, v10  }
0x4b9: {  	[tilespmem:$0x1FE70] =	vst v62;
	v62 =	vmul.f32 v17, v22;
	v17 =	vmul.f32 v44, v27;
	v44 =	vld [tilespmem:s15+$0x6820]  }
0x4ba: {  	v61 =	vmul.f32 v16, v22;
	[tilespmem:$0x1FEE0] =	vst v4;
	v4 =	vmul.f32 v51, v19;
	v51 =	vld [tilespmem:s15+$0x6A10]  }
0x4bb: {  	v16 =	vld [tilespmem:s15+$0x6910];
	v11 =	vmul.f32 v39, v27;
	v39 =	vmul.f32 v45, v28  }
0x4bc: {  	[tilespmem:$0x1FDA0] =	vst v2;
	v45 =	vmul.f32 v47, v29;
	v2 =	vmul.f32 v59, v33;
	v59 =	vld [tilespmem:$0x1FCC0]  }
0x4bd: {  	v47 =	vld [tilespmem:s15+$0x6830];
	v55 =	vmul.f32 v41, v23;
	v41 =	vmul.f32 v46, v28  }
0x4be: {  	v46 =	vmul.f32 v49, v29;
	[tilespmem:$0x1FD90] =	vst v58;
	v58 =	vld [tilespmem:s15+$0x6890];
	v44 =	vmul.f32 v44, v38  }
0x4bf: {  	v49 =	vmul.f32 v50, v32;
	v50 =	vmul.f32 v51, v32;
	v51 =	vld [tilespmem:s15+$0x68A0]  }
0x4c0: {  	v1 =	vmul.f32 v1, v23;
	v44 =	vadd.f32 v44, v54;
	v54 =	vld [tilespmem:$0x1FCF0]  }
0x4c1: {  	v3 =	vmul.f32 v3, v36;
	v42 =	vmul.f32 v43, v15;
	v10 =	vadd.f32 v10, v59;
	v59 =	vld [tilespmem:$0x1FCD0]  }
0x4c2: {  	v43 =	vmul.f32 v0, v23;
	v0 =	vmul.f32 v57, v37;
	v57 =	vld [tilespmem:s15+$0x6930]  }
0x4c3: {  	[tilespmem:$0x1FD70] =	vst v1;
	v47 =	vmul.f32 v47, v38;
	v1 =	vmul.f32 v58, v37;
	v58 =	vld [tilespmem:s15+$0x69A0]  }
0x4c4: {  	v20 =	vmul.f32 v20, v38;
	v0 =	vadd.f32 v0, v10;
	v10 =	vmul.f32 v56, v36;
	v56 =	vld [tilespmem:$0x1FD00]  }
0x4c5: {  	v52 =	vmul.f32 v52, v33;
	v53 =	vmul.f32 v53, v37;
	v47 =	vadd.f32 v47, v54;
	v54 =	vld [tilespmem:s15+$0x6A20]  }
0x4c6: {  	v51 =	vmul.f32 v51, v37;
	v0 =	vadd.f32 v3, v0;
	v20 =	vadd.f32 v20, v59;
	v59 =	vld [tilespmem:s15+$0x69B0]  }
0x4c7: {  	v47 =	vadd.f32 v53, v47;
	v53 =	vld [tilespmem:s15+$0x6AA0]  }
0x4c8: {  	v44 =	vadd.f32 v51, v44;
	v51 =	vmul.f32 v57, v36;
	v0 =	vadd.f32 v52, v0;
	v52 =	vld [tilespmem:s15+$0x6B30]  }
0x4c9: {  	v1 =	vadd.f32 v1, v20;
	v20 =	vld [tilespmem:s15+$0x6A30]  }
0x4ca: {  	v16 =	vmul.f32 v16, v36;
	v10 =	vadd.f32 v10, v44;
	v44 =	vadd.f32 v51, v47;
	v51 =	vld [tilespmem:s15+$0x6B20]  }
0x4cb: {  	v0 =	vadd.f32 v49, v0;
	v49 =	vld [tilespmem:$0x1FD40]  }
0x4cc: {  	v1 =	vadd.f32 v16, v1;
	v16 =	vld [tilespmem:s15+$0x6AB0]  }
0x4cd: {  	v47 =	vmul.f32 v59, v33;
	v59 =	vmov v62;
	v62 =	vmov v42;
	v42 =	vld [tilespmem:s15+$0x6BB0]  }
0x4ce: {  	v3 =	vmul.f32 v58, v33;
	v0 =	vadd.f32 v45, v0;
	v45 =	vld [tilespmem:s15+$0x6BD0];
	v1 =	vadd.f32 v2, v1  }
0x4cf: {  	v2 =	vmul.f32 v54, v32;
	v54 =	vmovc v63;
	v63 =	vmov v40;
	v40 =	vmul.f32 v53, v29;
	v53 =	vld [tilespmem:$0x1FD10]  }
0x4d0: {  	v3 =	vadd.f32 v3, v10;
	v10 =	vadd.f32 v47, v44;
	v44 =	vld [tilespmem:s15+$0x6BA0]  }
0x4d1: {  	v20 =	vmul.f32 v20, v32;
	v0 =	vadd.f32 v39, v0;
	v39 =	vld [tilespmem:s15+$0x6B50]  }
0x4d2: {  	v1 =	vadd.f32 v50, v1;
	v50 =	vld [tilespmem:s15+$0x6AC0]  }
0x4d3: {  	v2 =	vadd.f32 v2, v3;
	v3 =	vadd.f32 v20, v10;
	v10 =	vmul.f32 v16, v29;
	v16 =	vld [tilespmem:s15+$0x6BC0]  }
0x4d4: {  	v20 =	vmul.f32 v51, v28;
	v51 =	vld [tilespmem:$0x1FD20]  }
0x4d5: {  	v0 =	vadd.f32 v11, v0;
	v11 =	vld [tilespmem:$0x1FD50]  }
0x4d6: {  	v1 =	vadd.f32 v46, v1;
	v2 =	vadd.f32 v40, v2;
	v46 =	vld [tilespmem:s15+$0x6B40]  }
0x4d7: {  	v40 =	vld [tilespmem:$0x1FD90];
	v3 =	vadd.f32 v10, v3  }
0x4d8: {  	v10 =	vmul.f32 v52, v28;
	v52 =	vld [tilespmem:$0x1FD30];
	v47 =	vmul.f32 v44, v27;
	v2 =	vadd.f32 v20, v2  }
0x4d9: {  	v21 =	vmul.f32 v21, v23;
	v1 =	vadd.f32 v41, v1;
	v41 =	vld [tilespmem:s15+$0x6AD0]  }
0x4da: {  	v44 =	vld [tilespmem:s15+$0x6A40];
	v2 =	vadd.f32 v47, v2  }
0x4db: {  	v0 =	vadd.f32 v21, v0;
	v21 =	vmul.f32 v39, v28;
	v39 =	vld [tilespmem:$0x1FD70];
	v3 =	vadd.f32 v10, v3  }
0x4dc: {  	p1 =	sne.s32 s1, $0x18000;
	v10 =	vmul.f32 v42, v27;
	v20 =	vmul.f32 v46, v28;
	v46 =	vadd.f32 v48, v2;
	v48 =	vld [tilespmem:$0x1FDA0]  }
.Ltmp14:
0x4dd: {  	v42 =	vld [tilespmem:s15+$0x69D0];
	v1 =	vadd.f32 v17, v1;
	(pc) =	sbr.rel @p1 .LBB2_12-.Ltmp14, $4  }
0x4de: {  	v57 =	vmov v31;
	v31 =	vmul.f32 v50, v29;
	v50 =	vld [tilespmem:$0x1FD80];
	v3 =	vadd.f32 v10, v3  }
0x4df: {  	v17 =	vmul.f32 v45, v27;
	v45 =	vld [tilespmem:s15+$0x6A50];
	v1 =	vadd.f32 v43, v1  }
0x4e0: {  	v58 =	vmov v61;
	v10 =	vld [tilespmem:$0x1FD60];
	v47 =	vadd.f32 v39, v3  }
0x4e1: {  	s1 =	sadd.s32 $0x2000, s1;
	v61 =	vmovc v24;
	v16 =	vmul.f32 v16, v27;
	v43 =	vld [tilespmem:s15+$0x69C0];
	v39 =	vadd.f32 v40, v0;
	v40 =	vadd.f32 v48, v1  }
.Ltmp15:
0x4e2: {  	_ = 	snop;
	(pc) =	sbr.rel .LBB2_13-.Ltmp15, $1  }
0x4e3: {  	_ =	sdelay $0x3  }
.LBB2_20:
0x4e4: {  	_ =	sfence.sel $0x180000  }
0x4e5: {  	[bflag:$0x0] =	sbarrier.arrive $0xFFFF  }
0x4e6: {  	_ =	strace $0x90000047  }
0x4e7: {  	s0 =	stileid.u32;
	[bflag:$0x2] =	sbarrier.arrive $0xFFFF  }
0x4e8: {  	p0 =	sne.s32 s0, $0x0;
	s0 =	rddreg [dreg:$0x6]  }
0x4e9: {  	s0 =	sadd.s32 @!p0 $0x100000, s0  }
0x4ea: {  	[sflag:s0] =	ssyncadd.tile.s32 @!p0 $0x1;
	_ =	shalt  }
.Lfunc_end2:
_tile_overlayer_lowered:
.L_overlay_start_2:
0x4eb: {  	(tag) =	ssettag $0x2  }
0x4ec: {  	s0 =	rddreg [dreg:$0x0];
	s2 =	stileid.u32  }
0x4ed: {  	s1 =	rddreg [dreg:$0x1];
	p0 =	sne.s32 s2, $0x0  }
0x4ee: {  	s3 =	rddreg [dreg:$0x2];
	[bflag:$0x3] =	sbarrier.arrive $0xFFFF;
	s2 =	simm.s32 @!p0 $0x1C05  }
0x4ef: {  	[timem:s3], [sflag:s2] =	dma.local @!p0 [hbm:s0], s1  }
0x4f0: {  	s0 =	simm.s32 @!p0 $0x5  }
0x4f1: {  	_ =	swait.ge @!p0 [sflag:s0], s1  }
0x4f2: {  	s1 =	ssub.s32 @!p0 $0x0, s1;
	[sflag:s0] =	ssyncset.done @!p0 $0x0  }
0x4f3: {  	[sflag:s0] =	ssyncadd.s32 @!p0 s1  }
0x4f4: {  	[bflag:$0x3] =	sbarrier.arrive $0xFFFF  }
0x4f5: {  	_ =	shalt  }

</sc_bundles>
